<compile_context>
chip_gen: v7x
topology: tpu7x:2x2x1
jax: 0.10.2.dev20260603
libtpu: 0.0.44.dev20260713+nightly
codegen_flags: <defaults>
</compile_context>

<pallas_src>
import functools

import jax
import jax.numpy as jnp
from jax import lax
from jax.experimental import pallas as pl
from jax.experimental.pallas import tpu as pltpu
from jax.experimental.pallas import tpu_sc as plsc

N = 10000
E = 320000
D = 128
B = 64
L = 3

CHUNK = 128
NCHUNKS = E // CHUNK
NW = 32
NBUF = 3
NGROUP = 28
BASE_TRIPS = NCHUNKS // NW
EXTRA = NCHUNKS % NW
FCHUNK = 400
NFCHUNKS = N // FCHUNK
FTRIPS = -(-NFCHUNKS // 16)
NZFULL = N // CHUNK
ZTRIPS = -(-(NZFULL + 1) // 16)

BLK = 1000
GRID = N // BLK



_mesh = plsc.VectorSubcoreMesh(core_axis_name="c", subcore_axis_name="s")


@functools.partial(
    pl.kernel,
    mesh=_mesh,
    out_type=jax.ShapeDtypeStruct((2, N, D), jnp.float32),
    scratch_types=[
        [pltpu.VMEM((NBUF * CHUNK,), jnp.int32) for _ in range(2)],
        [pltpu.VMEM((NBUF * CHUNK,), jnp.int32) for _ in range(2)],
        [pltpu.VMEM((CHUNK, D), jnp.float32) for _ in range(NBUF)],
        pltpu.VMEM_SHARED((N, D), jnp.float32),
        [pltpu.SemaphoreType.DMA for _ in range(NBUF)],
        [pltpu.SemaphoreType.DMA for _ in range(NBUF)],
    ],
)
def _sc_aggregate(h_hbm, src_hbm, dst_hbm, out_hbm, sidx, didx, rows,
                  acc, gsem, ssem):
    c = lax.axis_index("c")
    s = lax.axis_index("s")
    wid = s * 2 + c

    zeros16 = jnp.zeros((16,), jnp.float32)

    def zrow(r, carry):
        for cb in range(D // 16):
            rows[0][r, pl.ds(cb * 16, 16)] = zeros16
        return carry

    lax.fori_loop(0, CHUNK, zrow, 0)

    def zcopy(k, carry):
        cid = s + k * 16

        @pl.when(cid < NZFULL)
        def _():
            pltpu.sync_copy(rows[0], acc.at[pl.ds(cid * CHUNK, CHUNK)])

        @pl.when(cid == NZFULL)
        def _():
            pltpu.sync_copy(rows[0].at[pl.ds(0, N - NZFULL * CHUNK)],
                            acc.at[pl.ds(NZFULL * CHUNK, N - NZFULL * CHUNK)])

        return carry

    lax.fori_loop(0, ZTRIPS, zcopy, 0)

    plsc.subcore_barrier()

    cid0 = BASE_TRIPS * wid + jnp.minimum(wid, EXTRA)
    ntrips = jnp.where(wid < EXTRA, BASE_TRIPS + 1, BASE_TRIPS)

    pltpu.sync_copy(src_hbm.at[pl.ds(cid0 * CHUNK, NBUF * CHUNK)], sidx[0])
    pltpu.sync_copy(dst_hbm.at[pl.ds(cid0 * CHUNK, NBUF * CHUNK)], didx[0])

    def group(g, p):
        for b in range(NBUF):
            @pl.when((g >= 1) & ((g - 1) * NBUF + b < ntrips))
            def _(b=b):
                dj = didx[1 - p].at[pl.ds(b * CHUNK, CHUNK)]
                pltpu.make_async_copy(rows[b], acc.at[dj], ssem[b]).wait()

            @pl.when(g * NBUF + b < ntrips)
            def _(b=b):
                idx_b = sidx[p].at[pl.ds(b * CHUNK, CHUNK)]
                pltpu.async_copy(h_hbm.at[idx_b], rows[b], gsem[b])

        @pl.when((g + 1) * NBUF < ntrips)
        def _():
            base_n = (cid0 + (g + 1) * NBUF) * CHUNK
            pltpu.sync_copy(src_hbm.at[pl.ds(base_n, NBUF * CHUNK)],
                            sidx[1 - p])
            pltpu.sync_copy(dst_hbm.at[pl.ds(base_n, NBUF * CHUNK)],
                            didx[1 - p])

        for b in range(NBUF):
            @pl.when(g * NBUF + b < ntrips)
            def _(b=b):
                idx_b = sidx[p].at[pl.ds(b * CHUNK, CHUNK)]
                dj = didx[p].at[pl.ds(b * CHUNK, CHUNK)]
                pltpu.make_async_copy(h_hbm.at[idx_b], rows[b],
                                      gsem[b]).wait()
                pltpu.async_copy(rows[b], acc.at[dj], ssem[b], add=True)

    def pair(k, carry):
        group(2 * k, 0)
        group(2 * k + 1, 1)
        return carry

    lax.fori_loop(0, NGROUP // 2, pair, 0)

    plsc.subcore_barrier()

    def wcopy(k, carry):
        cid = s + k * 16

        @pl.when(cid < NFCHUNKS)
        def _():
            r = cid * FCHUNK
            pltpu.sync_copy(acc.at[pl.ds(r, FCHUNK)],
                            out_hbm.at[c, pl.ds(r, FCHUNK)])

        return carry

    lax.fori_loop(0, FTRIPS, wcopy, 0)



def _mlp_stats_body(h_ref, a0_ref, a1_ref, sc_ref, w1_ref, b1_ref, w2_ref,
                    b2_ref, y_ref, st_ref):
    i = pl.program_id(0)
    u = h_ref[...] * sc_ref[...] + a0_ref[...] + a1_ref[...]
    t = lax.dot_general(u, w1_ref[...], (((1,), (0,)), ((), ())),
                        preferred_element_type=jnp.float32) + b1_ref[...]
    t = jnp.maximum(t, 0.0)
    y = lax.dot_general(t, w2_ref[...], (((1,), (0,)), ((), ())),
                        preferred_element_type=jnp.float32) + b2_ref[...]
    y_ref[...] = y
    ps = jnp.concatenate(
        [jnp.sum(y, 0, keepdims=True), jnp.sum(y * y, 0, keepdims=True)], 0)

    @pl.when(i == 0)
    def _():
        st_ref[...] = ps

    @pl.when(i != 0)
    def _():
        st_ref[...] = st_ref[...] + ps


def _bn_body(y_ref, st_ref, g_ref, be_ref, o_ref):
    mean = st_ref[0:1, :] * (1.0 / N)
    var = st_ref[1:2, :] * (1.0 / N) - mean * mean
    inv = lax.rsqrt(var + 1e-5)
    o_ref[...] = jnp.maximum(
        (y_ref[...] - mean) * inv * g_ref[...] + be_ref[...], 0.0)


def _bn_pool_body(y_ref, st_ref, g_ref, be_ref, b_ref, o_ref, sums, cnt):
    i = pl.program_id(0)
    mean = st_ref[0:1, :] * (1.0 / N)
    var = st_ref[1:2, :] * (1.0 / N) - mean * mean
    inv = lax.rsqrt(var + 1e-5)
    hn = jnp.maximum(
        (y_ref[...] - mean) * inv * g_ref[...] + be_ref[...], 0.0)
    bi = b_ref[...][0]
    oh = (bi == lax.broadcasted_iota(jnp.int32, (B, BLK), 0))
    oh = oh.astype(jnp.float32)
    psum = lax.dot_general(oh, hn, (((1,), (0,)), ((), ())),
                           preferred_element_type=jnp.float32)
    pcnt = jnp.broadcast_to(jnp.sum(oh, axis=1, keepdims=True), (B, D))

    @pl.when(i == 0)
    def _():
        sums[...] = psum
        cnt[...] = pcnt

    @pl.when(i != 0)
    def _():
        sums[...] = sums[...] + psum
        cnt[...] = cnt[...] + pcnt

    o_ref[...] = sums[...] / jnp.maximum(cnt[...], 1.0)


_row_spec = pl.BlockSpec((BLK, D), lambda i: (i, 0))
_const = lambda shape: pl.BlockSpec(shape, lambda i: (0,) * len(shape))

_mlp_stats = pl.pallas_call(
    _mlp_stats_body,
    grid=(GRID,),
    in_specs=[_row_spec, _row_spec, _row_spec, _const((1, D)),
              _const((D, D)), _const((1, D)), _const((D, D)), _const((1, D))],
    out_specs=[_row_spec, _const((2, D))],
    out_shape=[jax.ShapeDtypeStruct((N, D), jnp.float32),
               jax.ShapeDtypeStruct((2, D), jnp.float32)],
)

_bn = pl.pallas_call(
    _bn_body,
    grid=(GRID,),
    in_specs=[_row_spec, _const((2, D)), _const((1, D)), _const((1, D))],
    out_specs=_row_spec,
    out_shape=jax.ShapeDtypeStruct((N, D), jnp.float32),
)

_bn_pool = pl.pallas_call(
    _bn_pool_body,
    grid=(GRID,),
    in_specs=[_row_spec, _const((2, D)), _const((1, D)), _const((1, D)),
              pl.BlockSpec((1, 1, BLK), lambda i: (i, 0, 0))],
    out_specs=_const((B, D)),
    out_shape=jax.ShapeDtypeStruct((B, D), jnp.float32),
    scratch_shapes=[pltpu.VMEM((B, D), jnp.float32),
                    pltpu.VMEM((B, D), jnp.float32)],
)


def kernel(x, edge_index, batch, eps, W1, b1, W2, b2, gamma, beta):
    pad = jnp.zeros((NBUF * CHUNK,), jnp.int32)
    src = jnp.concatenate([edge_index[0], pad])
    dst = jnp.concatenate([edge_index[1], pad])
    batch3 = batch.reshape(GRID, 1, BLK)
    ones_row = jnp.ones((1, D), jnp.float32)

    h = x
    out = None
    for i in range(L):
        parts = _sc_aggregate(h, src, dst)
        scale_row = (1.0 + eps[i]) * ones_row
        y, st = _mlp_stats(h, parts[0], parts[1], scale_row, W1[i],
                           b1[i].reshape(1, D), W2[i], b2[i].reshape(1, D))
        g = gamma[i].reshape(1, D)
        be = beta[i].reshape(1, D)
        if i < L - 1:
            h = _bn(y, st, g, be)
        else:
            out = _bn_pool(y, st, g, be, batch3)
    return out

# --- scband reference (transcript-rebuilt; emitter-appended) ---
"""Pipeline reference for scband-ginencoder-88510686036865 (READ-ONLY COPY).

The authoritative reference and input builder live on the scoring server;
editing this copy changes nothing except your own understanding.
"""

import jax, jax.numpy as jnp
import numpy as np

N = 10000
E = 320000
D = 128
B = 64
L = 3

def setup_inputs(seed: int = 0):
    key = jax.random.key(seed)
    ks = jax.random.split(key, 12)
    x = jax.random.normal(ks[0], (N, D), dtype=jnp.float32)
    edge_index = jax.random.randint(ks[1], (2, E), 0, N, dtype=jnp.int32)
    batch = jnp.sort(jax.random.randint(ks[2], (N,), 0, B, dtype=jnp.int32))
    eps = jnp.zeros((L,), dtype=jnp.float32)
    W1 = jax.random.normal(ks[3], (L, D, D), dtype=jnp.float32) * (1.0 / np.sqrt(D))
    b1 = jnp.zeros((L, D), dtype=jnp.float32)
    W2 = jax.random.normal(ks[4], (L, D, D), dtype=jnp.float32) * (1.0 / np.sqrt(D))
    b2 = jnp.zeros((L, D), dtype=jnp.float32)
    gamma = jnp.ones((L, D), dtype=jnp.float32)
    beta = jnp.zeros((L, D), dtype=jnp.float32)
    return {"x": x, "edge_index": edge_index, "batch": batch, "eps": eps,
            "W1": W1, "b1": b1, "W2": W2, "b2": b2, "gamma": gamma, "beta": beta}

def reference(x, edge_index, batch, eps, W1, b1, W2, b2, gamma, beta):
    src = edge_index[0]
    dst = edge_index[1]
    h = x
    for i in range(L):
        # GINConv: h_i' = MLP((1+eps)*h_i + sum_{j in N(i)} h_j)
        agg = jax.ops.segment_sum(h[src], dst, num_segments=N)
        h = (1.0 + eps[i]) * h + agg
        h = h @ W1[i] + b1[i]
        h = jax.nn.relu(h)
        h = h @ W2[i] + b2[i]
        # BatchNorm1d (training-mode batch statistics, deterministic)
        mean = jnp.mean(h, axis=0)
        var = jnp.var(h, axis=0)
        h = (h - mean) / jnp.sqrt(var + 1e-5) * gamma[i] + beta[i]
        h = jax.nn.relu(h)
        # dropout is identity in eval mode
    # global_mean_pool over graph ids in `batch`
    sums = jax.ops.segment_sum(h, batch, num_segments=B)
    cnt = jax.ops.segment_sum(jnp.ones((N,), dtype=h.dtype), batch, num_segments=B)
    return sums / jnp.clip(cnt, 1.0)[:, None]

if __name__ == "__main__":
    import jax
    _d = setup_inputs()
    print(jax.jit(kernel)(*tuple(_d.values())))

</pallas_src>

<mosaic_0001>
#map = affine_map<(d0, d1) -> (0, 0)>
#map1 = affine_map<(d0, d1) -> (0)>
#map2 = affine_map<(d0, d1) -> (0, 0, 0)>
module attributes {stable_mosaic.version = 14 : i64} {
  func.func @_sc_aggregate(%arg0: i32, %arg1: i32, %arg2: memref<10000x128xf32, #tpu.memory_space<hbm>>, %arg3: memref<320384xi32, #tpu.memory_space<hbm>>, %arg4: memref<320384xi32, #tpu.memory_space<hbm>>, %arg5: memref<2x10000x128xf32, #tpu.memory_space<hbm>>, %arg6: memref<384xi32, #tpu.memory_space<vmem>>, %arg7: memref<384xi32, #tpu.memory_space<vmem>>, %arg8: memref<384xi32, #tpu.memory_space<vmem>>, %arg9: memref<384xi32, #tpu.memory_space<vmem>>, %arg10: memref<128x128xf32, #tpu.memory_space<vmem>>, %arg11: memref<128x128xf32, #tpu.memory_space<vmem>>, %arg12: memref<128x128xf32, #tpu.memory_space<vmem>>, %arg13: memref<10000x128xf32, #tpu.memory_space<vmem_shared>>, %arg14: memref<!tpu.dma_semaphore, #tpu.memory_space<semaphore_mem>>, %arg15: memref<!tpu.dma_semaphore, #tpu.memory_space<semaphore_mem>>, %arg16: memref<!tpu.dma_semaphore, #tpu.memory_space<semaphore_mem>>, %arg17: memref<!tpu.dma_semaphore, #tpu.memory_space<semaphore_mem>>, %arg18: memref<!tpu.dma_semaphore, #tpu.memory_space<semaphore_mem>>, %arg19: memref<!tpu.dma_semaphore, #tpu.memory_space<semaphore_mem>>) attributes {dimension_semantics = [#tpu.dimension_semantics<core_parallel>, #tpu.dimension_semantics<subcore_parallel>], iteration_bounds = array<i64: 2, 16>, scalar_prefetch = 0 : i64, scratch_operands = 14 : i64, tpu.core_type = #tpu.core_type<sc_vector_subcore>, window_params = [{transform_indices = #map}, {transform_indices = #map1}, {transform_indices = #map1}, {transform_indices = #map2}]} {
    %mul3A = arith.constant 2 : i32
    %mul3A_0 = arith.muli %arg1, %mul3A : i32
    %add3A = arith.addi %mul3A_0, %arg0 : i32
    %broadcast_in_dim3A = arith.constant 0.000000e+00 : f32
    %broadcast_in_dim3A_1 = vector.broadcast %broadcast_in_dim3A : f32 to vector<16xf32>
    %scan3A = arith.constant 0 : i32
    %scan3A_2 = arith.constant 0 : i32
    %scan3A_3 = arith.constant 128 : i32
    %scan3A_4 = arith.addi %scan3A_2, %scan3A_3 : i32
    %scan3A_5 = arith.constant 1 : i32
    scf.for %scan3A_36 = %scan3A_2 to %scan3A_4 step %scan3A_5  : i32 {
      %swap3A = arith.index_cast %scan3A_36 : i32 to index
      %swap3A_37 = arith.constant 0 : index
      %swap3A_38 = tpu.vector_load %arg10[%swap3A, %swap3A_37] {strides = array<i32>} : memref<128x128xf32, #tpu.memory_space<vmem>>, vector<1x16xf32>,
      %swap3A_39 = vector.shape_cast %swap3A_38 : vector<1x16xf32> to vector<16xf32>
      %swap3A_40 = vector.shape_cast %broadcast_in_dim3A_1 : vector<16xf32> to vector<1x16xf32>
      tpu.vector_store %arg10[%swap3A, %swap3A_37], %swap3A_40 {strides = array<i32>} : memref<128x128xf32, #tpu.memory_space<vmem>>, vector<1x16xf32>,
      %swap3A_41 = arith.index_cast %scan3A_36 : i32 to index
      %swap3A_42 = arith.constant 16 : index
      %swap3A_43 = tpu.vector_load %arg10[%swap3A_41, %swap3A_42] {strides = array<i32>} : memref<128x128xf32, #tpu.memory_space<vmem>>, vector<1x16xf32>,
      %swap3A_44 = vector.shape_cast %swap3A_43 : vector<1x16xf32> to vector<16xf32>
      %swap3A_45 = vector.shape_cast %broadcast_in_dim3A_1 : vector<16xf32> to vector<1x16xf32>
      tpu.vector_store %arg10[%swap3A_41, %swap3A_42], %swap3A_45 {strides = array<i32>} : memref<128x128xf32, #tpu.memory_space<vmem>>, vector<1x16xf32>,
      %swap3A_46 = arith.index_cast %scan3A_36 : i32 to index
      %swap3A_47 = arith.constant 32 : index
      %swap3A_48 = tpu.vector_load %arg10[%swap3A_46, %swap3A_47] {strides = array<i32>} : memref<128x128xf32, #tpu.memory_space<vmem>>, vector<1x16xf32>,
      %swap3A_49 = vector.shape_cast %swap3A_48 : vector<1x16xf32> to vector<16xf32>
      %swap3A_50 = vector.shape_cast %broadcast_in_dim3A_1 : vector<16xf32> to vector<1x16xf32>
      tpu.vector_store %arg10[%swap3A_46, %swap3A_47], %swap3A_50 {strides = array<i32>} : memref<128x128xf32, #tpu.memory_space<vmem>>, vector<1x16xf32>,
      %swap3A_51 = arith.index_cast %scan3A_36 : i32 to index
      %swap3A_52 = arith.constant 48 : index
      %swap3A_53 = tpu.vector_load %arg10[%swap3A_51, %swap3A_52] {strides = array<i32>} : memref<128x128xf32, #tpu.memory_space<vmem>>, vector<1x16xf32>,
      %swap3A_54 = vector.shape_cast %swap3A_53 : vector<1x16xf32> to vector<16xf32>
      %swap3A_55 = vector.shape_cast %broadcast_in_dim3A_1 : vector<16xf32> to vector<1x16xf32>
      tpu.vector_store %arg10[%swap3A_51, %swap3A_52], %swap3A_55 {strides = array<i32>} : memref<128x128xf32, #tpu.memory_space<vmem>>, vector<1x16xf32>,
      %swap3A_56 = arith.index_cast %scan3A_36 : i32 to index
      %swap3A_57 = arith.constant 64 : index
      %swap3A_58 = tpu.vector_load %arg10[%swap3A_56, %swap3A_57] {strides = array<i32>} : memref<128x128xf32, #tpu.memory_space<vmem>>, vector<1x16xf32>,
      %swap3A_59 = vector.shape_cast %swap3A_58 : vector<1x16xf32> to vector<16xf32>
      %swap3A_60 = vector.shape_cast %broadcast_in_dim3A_1 : vector<16xf32> to vector<1x16xf32>
      tpu.vector_store %arg10[%swap3A_56, %swap3A_57], %swap3A_60 {strides = array<i32>} : memref<128x128xf32, #tpu.memory_space<vmem>>, vector<1x16xf32>,
      %swap3A_61 = arith.index_cast %scan3A_36 : i32 to index
      %swap3A_62 = arith.constant 80 : index
      %swap3A_63 = tpu.vector_load %arg10[%swap3A_61, %swap3A_62] {strides = array<i32>} : memref<128x128xf32, #tpu.memory_space<vmem>>, vector<1x16xf32>,
      %swap3A_64 = vector.shape_cast %swap3A_63 : vector<1x16xf32> to vector<16xf32>
      %swap3A_65 = vector.shape_cast %broadcast_in_dim3A_1 : vector<16xf32> to vector<1x16xf32>
      tpu.vector_store %arg10[%swap3A_61, %swap3A_62], %swap3A_65 {strides = array<i32>} : memref<128x128xf32, #tpu.memory_space<vmem>>, vector<1x16xf32>,
      %swap3A_66 = arith.index_cast %scan3A_36 : i32 to index
      %swap3A_67 = arith.constant 96 : index
      %swap3A_68 = tpu.vector_load %arg10[%swap3A_66, %swap3A_67] {strides = array<i32>} : memref<128x128xf32, #tpu.memory_space<vmem>>, vector<1x16xf32>,
      %swap3A_69 = vector.shape_cast %swap3A_68 : vector<1x16xf32> to vector<16xf32>
      %swap3A_70 = vector.shape_cast %broadcast_in_dim3A_1 : vector<16xf32> to vector<1x16xf32>
      tpu.vector_store %arg10[%swap3A_66, %swap3A_67], %swap3A_70 {strides = array<i32>} : memref<128x128xf32, #tpu.memory_space<vmem>>, vector<1x16xf32>,
      %swap3A_71 = arith.index_cast %scan3A_36 : i32 to index
      %swap3A_72 = arith.constant 112 : index
      %swap3A_73 = tpu.vector_load %arg10[%swap3A_71, %swap3A_72] {strides = array<i32>} : memref<128x128xf32, #tpu.memory_space<vmem>>, vector<1x16xf32>,
      %swap3A_74 = vector.shape_cast %swap3A_73 : vector<1x16xf32> to vector<16xf32>
      %swap3A_75 = vector.shape_cast %broadcast_in_dim3A_1 : vector<16xf32> to vector<1x16xf32>
      tpu.vector_store %arg10[%swap3A_71, %swap3A_72], %swap3A_75 {strides = array<i32>} : memref<128x128xf32, #tpu.memory_space<vmem>>, vector<1x16xf32>,
    }
    %scan3A_6 = arith.constant 128 : i32
    %scan3A_7 = arith.constant 0 : i32
    %scan3A_8 = arith.constant 0 : i32
    %scan3A_9 = arith.constant 5 : i32
    %scan3A_10 = arith.addi %scan3A_8, %scan3A_9 : i32
    %scan3A_11 = arith.constant 1 : i32
    scf.for %scan3A_36 = %scan3A_8 to %scan3A_10 step %scan3A_11  : i32 {
      %mul3A_37 = arith.constant 16 : i32
      %mul3A_38 = arith.muli %scan3A_36, %mul3A_37 : i32
      %add3A_39 = arith.addi %arg1, %mul3A_38 : i32
      %lt3A_40 = arith.constant 78 : i32
      %lt3A_41 = arith.cmpi slt, %add3A_39, %lt3A_40 : i32
      %convert_element_type3A = arith.extui %lt3A_41 : i1 to i32
      %cond3A = arith.constant 0 : i32
      %cond3A_42 = arith.cmpi ne, %convert_element_type3A, %cond3A : i32
      scf.if %cond3A_42 {
        %mul3A_47 = arith.constant 128 : i32
        %mul3A_48 = arith.muli %add3A_39, %mul3A_47 : i32
        "tpu.region"() ({
          %run_scoped3A = tpu.sem_alloc : memref<!tpu.dma_semaphore, #tpu.memory_space<semaphore_mem>>
          %dma_start3A = arith.constant 0 : i32
          %dma_start3A_49 = tpu.memref_slice %arg13[%mul3A_48, %dma_start3A] : memref<10000x128xf32, #tpu.memory_space<vmem_shared>> -> memref<128x128xf32, #tpu.memory_space<vmem_shared>>
          %dma_start3A_50 = arith.constant 0 : i32
          %dma_start3A_51 = tpu.memref_slice %arg13[%mul3A_48, %dma_start3A_50] : memref<10000x128xf32, #tpu.memory_space<vmem_shared>> -> memref<128x128xf32, #tpu.memory_space<vmem_shared>>
          tpu.enqueue_dma source(%arg10 : memref<128x128xf32, #tpu.memory_space<vmem>>) target(%dma_start3A_51 : memref<128x128xf32, #tpu.memory_space<vmem_shared>>) target_semaphore(%run_scoped3A : memref<!tpu.dma_semaphore, #tpu.memory_space<semaphore_mem>>)
          %dma_wait3A = arith.constant 0 : i32
          %dma_wait3A_52 = tpu.memref_slice %arg13[%mul3A_48, %dma_wait3A] : memref<10000x128xf32, #tpu.memory_space<vmem_shared>> -> memref<128x128xf32, #tpu.memory_space<vmem_shared>>
          %dma_wait3A_53 = arith.constant 0 : i32
          %dma_wait3A_54 = tpu.memref_slice %arg13[%mul3A_48, %dma_wait3A_53] : memref<10000x128xf32, #tpu.memory_space<vmem_shared>> -> memref<128x128xf32, #tpu.memory_space<vmem_shared>>
          tpu.wait_dma2 semaphore(%run_scoped3A : memref<!tpu.dma_semaphore, #tpu.memory_space<semaphore_mem>>) src(%arg10 : memref<128x128xf32, #tpu.memory_space<vmem>>) dst(%dma_wait3A_54 : memref<128x128xf32, #tpu.memory_space<vmem_shared>>)
          tpu.yield
        }) : () -> ()
      } else {
      }
      %eq3A = arith.constant 78 : i32
      %eq3A_43 = arith.cmpi eq, %add3A_39, %eq3A : i32
      %convert_element_type3A_44 = arith.extui %eq3A_43 : i1 to i32
      %cond3A_45 = arith.constant 0 : i32
      %cond3A_46 = arith.cmpi ne, %convert_element_type3A_44, %cond3A_45 : i32
      scf.if %cond3A_46 {
        "tpu.region"() ({
          %run_scoped3A = tpu.sem_alloc : memref<!tpu.dma_semaphore, #tpu.memory_space<semaphore_mem>>
          %dma_start3A = arith.constant 0 : i32
          %dma_start3A_47 = arith.constant 0 : i32
          %dma_start3A_48 = tpu.memref_slice %arg10[%dma_start3A, %dma_start3A_47] : memref<128x128xf32, #tpu.memory_space<vmem>> -> memref<16x128xf32, #tpu.memory_space<vmem>>
          %dma_start3A_49 = arith.constant 9984 : i32
          %dma_start3A_50 = arith.constant 0 : i32
          %dma_start3A_51 = tpu.memref_slice %arg13[%dma_start3A_49, %dma_start3A_50] : memref<10000x128xf32, #tpu.memory_space<vmem_shared>> -> memref<16x128xf32, #tpu.memory_space<vmem_shared>>
          %dma_start3A_52 = arith.constant 9984 : i32
          %dma_start3A_53 = arith.constant 0 : i32
          %dma_start3A_54 = tpu.memref_slice %arg13[%dma_start3A_52, %dma_start3A_53] : memref<10000x128xf32, #tpu.memory_space<vmem_shared>> -> memref<16x128xf32, #tpu.memory_space<vmem_shared>>
          %dma_start3A_55 = arith.constant 0 : i32
          %dma_start3A_56 = arith.constant 0 : i32
          %dma_start3A_57 = tpu.memref_slice %arg10[%dma_start3A_55, %dma_start3A_56] : memref<128x128xf32, #tpu.memory_space<vmem>> -> memref<16x128xf32, #tpu.memory_space<vmem>>
          tpu.enqueue_dma source(%dma_start3A_57 : memref<16x128xf32, #tpu.memory_space<vmem>>) target(%dma_start3A_54 : memref<16x128xf32, #tpu.memory_space<vmem_shared>>) target_semaphore(%run_scoped3A : memref<!tpu.dma_semaphore, #tpu.memory_space<semaphore_mem>>)
          %dma_wait3A = arith.constant 0 : i32
          %dma_wait3A_58 = arith.constant 0 : i32
          %dma_wait3A_59 = tpu.memref_slice %arg10[%dma_wait3A, %dma_wait3A_58] : memref<128x128xf32, #tpu.memory_space<vmem>> -> memref<16x128xf32, #tpu.memory_space<vmem>>
          %dma_wait3A_60 = arith.constant 9984 : i32
          %dma_wait3A_61 = arith.constant 0 : i32
          %dma_wait3A_62 = tpu.memref_slice %arg13[%dma_wait3A_60, %dma_wait3A_61] : memref<10000x128xf32, #tpu.memory_space<vmem_shared>> -> memref<16x128xf32, #tpu.memory_space<vmem_shared>>
          %dma_wait3A_63 = arith.constant 9984 : i32
          %dma_wait3A_64 = arith.constant 0 : i32
          %dma_wait3A_65 = tpu.memref_slice %arg13[%dma_wait3A_63, %dma_wait3A_64] : memref<10000x128xf32, #tpu.memory_space<vmem_shared>> -> memref<16x128xf32, #tpu.memory_space<vmem_shared>>
          %dma_wait3A_66 = arith.constant 0 : i32
          %dma_wait3A_67 = arith.constant 0 : i32
          %dma_wait3A_68 = tpu.memref_slice %arg10[%dma_wait3A_66, %dma_wait3A_67] : memref<128x128xf32, #tpu.memory_space<vmem>> -> memref<16x128xf32, #tpu.memory_space<vmem>>
          tpu.wait_dma2 semaphore(%run_scoped3A : memref<!tpu.dma_semaphore, #tpu.memory_space<semaphore_mem>>) src(%dma_wait3A_68 : memref<16x128xf32, #tpu.memory_space<vmem>>) dst(%dma_wait3A_65 : memref<16x128xf32, #tpu.memory_space<vmem_shared>>)
          tpu.yield
        }) : () -> ()
      } else {
      }
    }
    %scan3A_12 = arith.constant 5 : i32
    %barrier3A = arith.constant 0 : index
    tpu.barrier barrier_id(%barrier3A)
    %mul3A_13 = arith.constant 78 : i32
    %mul3A_14 = arith.muli %mul3A_13, %add3A : i32
    %min3A = arith.constant 4 : i32
    %min3A_15 = arith.minsi %add3A, %min3A : i32
    %add3A_16 = arith.addi %mul3A_14, %min3A_15 : i32
    %lt3A = arith.constant 4 : i32
    %lt3A_17 = arith.cmpi slt, %add3A, %lt3A : i32
    %jit3A = arith.constant 79 : i32
    %jit3A_18 = arith.constant 78 : i32
    %select_n3A = arith.select %lt3A_17, %jit3A, %jit3A_18 : i32
    %mul3A_19 = arith.constant 128 : i32
    %mul3A_20 = arith.muli %add3A_16, %mul3A_19 : i32
    "tpu.region"() ({
      %run_scoped3A = tpu.sem_alloc : memref<!tpu.dma_semaphore, #tpu.memory_space<semaphore_mem>>
      %dma_start3A = tpu.memref_slice %arg3[%mul3A_20] : memref<320384xi32, #tpu.memory_space<hbm>> -> memref<384xi32, #tpu.memory_space<hbm>>
      %dma_start3A_36 = tpu.memref_slice %arg3[%mul3A_20] : memref<320384xi32, #tpu.memory_space<hbm>> -> memref<384xi32, #tpu.memory_space<hbm>>
      tpu.enqueue_dma source(%dma_start3A_36 : memref<384xi32, #tpu.memory_space<hbm>>) target(%arg6 : memref<384xi32, #tpu.memory_space<vmem>>) target_semaphore(%run_scoped3A : memref<!tpu.dma_semaphore, #tpu.memory_space<semaphore_mem>>)
      %dma_wait3A = tpu.memref_slice %arg3[%mul3A_20] : memref<320384xi32, #tpu.memory_space<hbm>> -> memref<384xi32, #tpu.memory_space<hbm>>
      %dma_wait3A_37 = tpu.memref_slice %arg3[%mul3A_20] : memref<320384xi32, #tpu.memory_space<hbm>> -> memref<384xi32, #tpu.memory_space<hbm>>
      tpu.wait_dma2 semaphore(%run_scoped3A : memref<!tpu.dma_semaphore, #tpu.memory_space<semaphore_mem>>) src(%dma_wait3A_37 : memref<384xi32, #tpu.memory_space<hbm>>) dst(%arg6 : memref<384xi32, #tpu.memory_space<vmem>>)
      tpu.yield
    }) : () -> ()
    %mul3A_21 = arith.constant 128 : i32
    %mul3A_22 = arith.muli %add3A_16, %mul3A_21 : i32
    "tpu.region"() ({
      %run_scoped3A = tpu.sem_alloc : memref<!tpu.dma_semaphore, #tpu.memory_space<semaphore_mem>>
      %dma_start3A = tpu.memref_slice %arg4[%mul3A_22] : memref<320384xi32, #tpu.memory_space<hbm>> -> memref<384xi32, #tpu.memory_space<hbm>>
      %dma_start3A_36 = tpu.memref_slice %arg4[%mul3A_22] : memref<320384xi32, #tpu.memory_space<hbm>> -> memref<384xi32, #tpu.memory_space<hbm>>
      tpu.enqueue_dma source(%dma_start3A_36 : memref<384xi32, #tpu.memory_space<hbm>>) target(%arg8 : memref<384xi32, #tpu.memory_space<vmem>>) target_semaphore(%run_scoped3A : memref<!tpu.dma_semaphore, #tpu.memory_space<semaphore_mem>>)
      %dma_wait3A = tpu.memref_slice %arg4[%mul3A_22] : memref<320384xi32, #tpu.memory_space<hbm>> -> memref<384xi32, #tpu.memory_space<hbm>>
      %dma_wait3A_37 = tpu.memref_slice %arg4[%mul3A_22] : memref<320384xi32, #tpu.memory_space<hbm>> -> memref<384xi32, #tpu.memory_space<hbm>>
      tpu.wait_dma2 semaphore(%run_scoped3A : memref<!tpu.dma_semaphore, #tpu.memory_space<semaphore_mem>>) src(%dma_wait3A_37 : memref<384xi32, #tpu.memory_space<hbm>>) dst(%arg8 : memref<384xi32, #tpu.memory_space<vmem>>)
      tpu.yield
    }) : () -> ()
    %scan3A_23 = arith.constant 0 : i32
    %scan3A_24 = arith.constant 0 : i32
    %scan3A_25 = arith.constant 14 : i32
    %scan3A_26 = arith.addi %scan3A_24, %scan3A_25 : i32
    %scan3A_27 = arith.constant 1 : i32
    scf.for %scan3A_36 = %scan3A_24 to %scan3A_26 step %scan3A_27  : i32 {
      %mul3A_37 = arith.constant 2 : i32
      %mul3A_38 = arith.muli %mul3A_37, %scan3A_36 : i32
      %ge3A = arith.constant 1 : i32
      %ge3A_39 = arith.cmpi sge, %mul3A_38, %ge3A : i32
      %sub3A = arith.constant 1 : i32
      %sub3A_40 = arith.subi %mul3A_38, %sub3A : i32
      %mul3A_41 = arith.constant 3 : i32
      %mul3A_42 = arith.muli %sub3A_40, %mul3A_41 : i32
      %add3A_43 = arith.constant 0 : i32
      %add3A_44 = arith.addi %mul3A_42, %add3A_43 : i32
      %lt3A_45 = arith.cmpi slt, %add3A_44, %select_n3A : i32
      %and3A = arith.andi %ge3A_39, %lt3A_45 : i1
      %convert_element_type3A = arith.extui %and3A : i1 to i32
      %cond3A = arith.constant 0 : i32
      %cond3A_46 = arith.cmpi ne, %convert_element_type3A, %cond3A : i32
      scf.if %cond3A_46 {
        %dma_wait3A = arith.constant 0 : i32
        %dma_wait3A_228 = tpu.memref_slice %arg9[%dma_wait3A] : memref<384xi32, #tpu.memory_space<vmem>> -> memref<128xi32, #tpu.memory_space<vmem>>
        %dma_wait3A_229 = arith.constant 0 : i32
        %dma_wait3A_230 = arith.constant 0 : i32
        %dma_wait3A_231 = tpu.memref_slice %arg13[%dma_wait3A_229, %dma_wait3A_230] : memref<10000x128xf32, #tpu.memory_space<vmem_shared>> -> memref<10000x128xf32, #tpu.memory_space<vmem_shared>>
        tpu.wait_indirect_dma semaphore(%arg17 : memref<!tpu.dma_semaphore, #tpu.memory_space<semaphore_mem>>) src(%arg10 : memref<128x128xf32, #tpu.memory_space<vmem>>) dst(%dma_wait3A_231 : memref<10000x128xf32, #tpu.memory_space<vmem_shared>>)
      } else {
      }
      %mul3A_47 = arith.constant 3 : i32
      %mul3A_48 = arith.muli %mul3A_38, %mul3A_47 : i32
      %add3A_49 = arith.constant 0 : i32
      %add3A_50 = arith.addi %mul3A_48, %add3A_49 : i32
      %lt3A_51 = arith.cmpi slt, %add3A_50, %select_n3A : i32
      %convert_element_type3A_52 = arith.extui %lt3A_51 : i1 to i32
      %cond3A_53 = arith.constant 0 : i32
      %cond3A_54 = arith.cmpi ne, %convert_element_type3A_52, %cond3A_53 : i32
      scf.if %cond3A_54 {
        %dma_start3A = arith.constant 0 : i32
        %dma_start3A_228 = tpu.memref_slice %arg6[%dma_start3A] : memref<384xi32, #tpu.memory_space<vmem>> -> memref<128xi32, #tpu.memory_space<vmem>>
        %dma_start3A_229 = arith.constant 0 : i32
        %dma_start3A_230 = arith.constant 0 : i32
        %dma_start3A_231 = tpu.memref_slice %arg2[%dma_start3A_229, %dma_start3A_230] : memref<10000x128xf32, #tpu.memory_space<hbm>> -> memref<10000x128xf32, #tpu.memory_space<hbm>>
        tpu.enqueue_indirect_dma source(%dma_start3A_231 : memref<10000x128xf32, #tpu.memory_space<hbm>>) target(%arg10 : memref<128x128xf32, #tpu.memory_space<vmem>>) offsets(%dma_start3A_228 : memref<128xi32, #tpu.memory_space<vmem>>) semaphore(%arg14 : memref<!tpu.dma_semaphore, #tpu.memory_space<semaphore_mem>>)
      } else {
      }
      %ge3A_55 = arith.constant 1 : i32
      %ge3A_56 = arith.cmpi sge, %mul3A_38, %ge3A_55 : i32
      %sub3A_57 = arith.constant 1 : i32
      %sub3A_58 = arith.subi %mul3A_38, %sub3A_57 : i32
      %mul3A_59 = arith.constant 3 : i32
      %mul3A_60 = arith.muli %sub3A_58, %mul3A_59 : i32
      %add3A_61 = arith.constant 1 : i32
      %add3A_62 = arith.addi %mul3A_60, %add3A_61 : i32
      %lt3A_63 = arith.cmpi slt, %add3A_62, %select_n3A : i32
      %and3A_64 = arith.andi %ge3A_56, %lt3A_63 : i1
      %convert_element_type3A_65 = arith.extui %and3A_64 : i1 to i32
      %cond3A_66 = arith.constant 0 : i32
      %cond3A_67 = arith.cmpi ne, %convert_element_type3A_65, %cond3A_66 : i32
      scf.if %cond3A_67 {
        %dma_wait3A = arith.constant 128 : i32
        %dma_wait3A_228 = tpu.memref_slice %arg9[%dma_wait3A] : memref<384xi32, #tpu.memory_space<vmem>> -> memref<128xi32, #tpu.memory_space<vmem>>
        %dma_wait3A_229 = arith.constant 0 : i32
        %dma_wait3A_230 = arith.constant 0 : i32
        %dma_wait3A_231 = tpu.memref_slice %arg13[%dma_wait3A_229, %dma_wait3A_230] : memref<10000x128xf32, #tpu.memory_space<vmem_shared>> -> memref<10000x128xf32, #tpu.memory_space<vmem_shared>>
        tpu.wait_indirect_dma semaphore(%arg18 : memref<!tpu.dma_semaphore, #tpu.memory_space<semaphore_mem>>) src(%arg11 : memref<128x128xf32, #tpu.memory_space<vmem>>) dst(%dma_wait3A_231 : memref<10000x128xf32, #tpu.memory_space<vmem_shared>>)
      } else {
      }
      %mul3A_68 = arith.constant 3 : i32
      %mul3A_69 = arith.muli %mul3A_38, %mul3A_68 : i32
      %add3A_70 = arith.constant 1 : i32
      %add3A_71 = arith.addi %mul3A_69, %add3A_70 : i32
      %lt3A_72 = arith.cmpi slt, %add3A_71, %select_n3A : i32
      %convert_element_type3A_73 = arith.extui %lt3A_72 : i1 to i32
      %cond3A_74 = arith.constant 0 : i32
      %cond3A_75 = arith.cmpi ne, %convert_element_type3A_73, %cond3A_74 : i32
      scf.if %cond3A_75 {
        %dma_start3A = arith.constant 128 : i32
        %dma_start3A_228 = tpu.memref_slice %arg6[%dma_start3A] : memref<384xi32, #tpu.memory_space<vmem>> -> memref<128xi32, #tpu.memory_space<vmem>>
        %dma_start3A_229 = arith.constant 0 : i32
        %dma_start3A_230 = arith.constant 0 : i32
        %dma_start3A_231 = tpu.memref_slice %arg2[%dma_start3A_229, %dma_start3A_230] : memref<10000x128xf32, #tpu.memory_space<hbm>> -> memref<10000x128xf32, #tpu.memory_space<hbm>>
        tpu.enqueue_indirect_dma source(%dma_start3A_231 : memref<10000x128xf32, #tpu.memory_space<hbm>>) target(%arg11 : memref<128x128xf32, #tpu.memory_space<vmem>>) offsets(%dma_start3A_228 : memref<128xi32, #tpu.memory_space<vmem>>) semaphore(%arg15 : memref<!tpu.dma_semaphore, #tpu.memory_space<semaphore_mem>>)
      } else {
      }
      %ge3A_76 = arith.constant 1 : i32
      %ge3A_77 = arith.cmpi sge, %mul3A_38, %ge3A_76 : i32
      %sub3A_78 = arith.constant 1 : i32
      %sub3A_79 = arith.subi %mul3A_38, %sub3A_78 : i32
      %mul3A_80 = arith.constant 3 : i32
      %mul3A_81 = arith.muli %sub3A_79, %mul3A_80 : i32
      %add3A_82 = arith.constant 2 : i32
      %add3A_83 = arith.addi %mul3A_81, %add3A_82 : i32
      %lt3A_84 = arith.cmpi slt, %add3A_83, %select_n3A : i32
      %and3A_85 = arith.andi %ge3A_77, %lt3A_84 : i1
      %convert_element_type3A_86 = arith.extui %and3A_85 : i1 to i32
      %cond3A_87 = arith.constant 0 : i32
      %cond3A_88 = arith.cmpi ne, %convert_element_type3A_86, %cond3A_87 : i32
      scf.if %cond3A_88 {
        %dma_wait3A = arith.constant 256 : i32
        %dma_wait3A_228 = tpu.memref_slice %arg9[%dma_wait3A] : memref<384xi32, #tpu.memory_space<vmem>> -> memref<128xi32, #tpu.memory_space<vmem>>
        %dma_wait3A_229 = arith.constant 0 : i32
        %dma_wait3A_230 = arith.constant 0 : i32
        %dma_wait3A_231 = tpu.memref_slice %arg13[%dma_wait3A_229, %dma_wait3A_230] : memref<10000x128xf32, #tpu.memory_space<vmem_shared>> -> memref<10000x128xf32, #tpu.memory_space<vmem_shared>>
        tpu.wait_indirect_dma semaphore(%arg19 : memref<!tpu.dma_semaphore, #tpu.memory_space<semaphore_mem>>) src(%arg12 : memref<128x128xf32, #tpu.memory_space<vmem>>) dst(%dma_wait3A_231 : memref<10000x128xf32, #tpu.memory_space<vmem_shared>>)
      } else {
      }
      %mul3A_89 = arith.constant 3 : i32
      %mul3A_90 = arith.muli %mul3A_38, %mul3A_89 : i32
      %add3A_91 = arith.constant 2 : i32
      %add3A_92 = arith.addi %mul3A_90, %add3A_91 : i32
      %lt3A_93 = arith.cmpi slt, %add3A_92, %select_n3A : i32
      %convert_element_type3A_94 = arith.extui %lt3A_93 : i1 to i32
      %cond3A_95 = arith.constant 0 : i32
      %cond3A_96 = arith.cmpi ne, %convert_element_type3A_94, %cond3A_95 : i32
      scf.if %cond3A_96 {
        %dma_start3A = arith.constant 256 : i32
        %dma_start3A_228 = tpu.memref_slice %arg6[%dma_start3A] : memref<384xi32, #tpu.memory_space<vmem>> -> memref<128xi32, #tpu.memory_space<vmem>>
        %dma_start3A_229 = arith.constant 0 : i32
        %dma_start3A_230 = arith.constant 0 : i32
        %dma_start3A_231 = tpu.memref_slice %arg2[%dma_start3A_229, %dma_start3A_230] : memref<10000x128xf32, #tpu.memory_space<hbm>> -> memref<10000x128xf32, #tpu.memory_space<hbm>>
        tpu.enqueue_indirect_dma source(%dma_start3A_231 : memref<10000x128xf32, #tpu.memory_space<hbm>>) target(%arg12 : memref<128x128xf32, #tpu.memory_space<vmem>>) offsets(%dma_start3A_228 : memref<128xi32, #tpu.memory_space<vmem>>) semaphore(%arg16 : memref<!tpu.dma_semaphore, #tpu.memory_space<semaphore_mem>>)
      } else {
      }
      %add3A_97 = arith.constant 1 : i32
      %add3A_98 = arith.addi %mul3A_38, %add3A_97 : i32
      %mul3A_99 = arith.constant 3 : i32
      %mul3A_100 = arith.muli %add3A_98, %mul3A_99 : i32
      %lt3A_101 = arith.cmpi slt, %mul3A_100, %select_n3A : i32
      %convert_element_type3A_102 = arith.extui %lt3A_101 : i1 to i32
      %cond3A_103 = arith.constant 0 : i32
      %cond3A_104 = arith.cmpi ne, %convert_element_type3A_102, %cond3A_103 : i32
      scf.if %cond3A_104 {
        %add3A_228 = arith.constant 1 : i32
        %add3A_229 = arith.addi %mul3A_38, %add3A_228 : i32
        %mul3A_230 = arith.constant 3 : i32
        %mul3A_231 = arith.muli %add3A_229, %mul3A_230 : i32
        %add3A_232 = arith.addi %add3A_16, %mul3A_231 : i32
        %mul3A_233 = arith.constant 128 : i32
        %mul3A_234 = arith.muli %add3A_232, %mul3A_233 : i32
        "tpu.region"() ({
          %run_scoped3A = tpu.sem_alloc : memref<!tpu.dma_semaphore, #tpu.memory_space<semaphore_mem>>
          %dma_start3A = tpu.memref_slice %arg3[%mul3A_234] : memref<320384xi32, #tpu.memory_space<hbm>> -> memref<384xi32, #tpu.memory_space<hbm>>
          %dma_start3A_235 = tpu.memref_slice %arg3[%mul3A_234] : memref<320384xi32, #tpu.memory_space<hbm>> -> memref<384xi32, #tpu.memory_space<hbm>>
          tpu.enqueue_dma source(%dma_start3A_235 : memref<384xi32, #tpu.memory_space<hbm>>) target(%arg7 : memref<384xi32, #tpu.memory_space<vmem>>) target_semaphore(%run_scoped3A : memref<!tpu.dma_semaphore, #tpu.memory_space<semaphore_mem>>)
          %dma_wait3A = tpu.memref_slice %arg3[%mul3A_234] : memref<320384xi32, #tpu.memory_space<hbm>> -> memref<384xi32, #tpu.memory_space<hbm>>
          %dma_wait3A_236 = tpu.memref_slice %arg3[%mul3A_234] : memref<320384xi32, #tpu.memory_space<hbm>> -> memref<384xi32, #tpu.memory_space<hbm>>
          tpu.wait_dma2 semaphore(%run_scoped3A : memref<!tpu.dma_semaphore, #tpu.memory_space<semaphore_mem>>) src(%dma_wait3A_236 : memref<384xi32, #tpu.memory_space<hbm>>) dst(%arg7 : memref<384xi32, #tpu.memory_space<vmem>>)
          tpu.yield
        }) : () -> ()
        "tpu.region"() ({
          %run_scoped3A = tpu.sem_alloc : memref<!tpu.dma_semaphore, #tpu.memory_space<semaphore_mem>>
          %dma_start3A = tpu.memref_slice %arg4[%mul3A_234] : memref<320384xi32, #tpu.memory_space<hbm>> -> memref<384xi32, #tpu.memory_space<hbm>>
          %dma_start3A_235 = tpu.memref_slice %arg4[%mul3A_234] : memref<320384xi32, #tpu.memory_space<hbm>> -> memref<384xi32, #tpu.memory_space<hbm>>
          tpu.enqueue_dma source(%dma_start3A_235 : memref<384xi32, #tpu.memory_space<hbm>>) target(%arg9 : memref<384xi32, #tpu.memory_space<vmem>>) target_semaphore(%run_scoped3A : memref<!tpu.dma_semaphore, #tpu.memory_space<semaphore_mem>>)
          %dma_wait3A = tpu.memref_slice %arg4[%mul3A_234] : memref<320384xi32, #tpu.memory_space<hbm>> -> memref<384xi32, #tpu.memory_space<hbm>>
          %dma_wait3A_236 = tpu.memref_slice %arg4[%mul3A_234] : memref<320384xi32, #tpu.memory_space<hbm>> -> memref<384xi32, #tpu.memory_space<hbm>>
          tpu.wait_dma2 semaphore(%run_scoped3A : memref<!tpu.dma_semaphore, #tpu.memory_space<semaphore_mem>>) src(%dma_wait3A_236 : memref<384xi32, #tpu.memory_space<hbm>>) dst(%arg9 : memref<384xi32, #tpu.memory_space<vmem>>)
          tpu.yield
        }) : () -> ()
      } else {
      }
      %mul3A_105 = arith.constant 3 : i32
      %mul3A_106 = arith.muli %mul3A_38, %mul3A_105 : i32
      %add3A_107 = arith.constant 0 : i32
      %add3A_108 = arith.addi %mul3A_106, %add3A_107 : i32
      %lt3A_109 = arith.cmpi slt, %add3A_108, %select_n3A : i32
      %convert_element_type3A_110 = arith.extui %lt3A_109 : i1 to i32
      %cond3A_111 = arith.constant 0 : i32
      %cond3A_112 = arith.cmpi ne, %convert_element_type3A_110, %cond3A_111 : i32
      scf.if %cond3A_112 {
        %dma_wait3A = arith.constant 0 : i32
        %dma_wait3A_228 = tpu.memref_slice %arg6[%dma_wait3A] : memref<384xi32, #tpu.memory_space<vmem>> -> memref<128xi32, #tpu.memory_space<vmem>>
        %dma_wait3A_229 = arith.constant 0 : i32
        %dma_wait3A_230 = arith.constant 0 : i32
        %dma_wait3A_231 = tpu.memref_slice %arg2[%dma_wait3A_229, %dma_wait3A_230] : memref<10000x128xf32, #tpu.memory_space<hbm>> -> memref<10000x128xf32, #tpu.memory_space<hbm>>
        tpu.wait_indirect_dma semaphore(%arg14 : memref<!tpu.dma_semaphore, #tpu.memory_space<semaphore_mem>>) src(%dma_wait3A_231 : memref<10000x128xf32, #tpu.memory_space<hbm>>) dst(%arg10 : memref<128x128xf32, #tpu.memory_space<vmem>>)
        %dma_start3A = arith.constant 0 : i32
        %dma_start3A_232 = tpu.memref_slice %arg8[%dma_start3A] : memref<384xi32, #tpu.memory_space<vmem>> -> memref<128xi32, #tpu.memory_space<vmem>>
        %dma_start3A_233 = arith.constant 0 : i32
        %dma_start3A_234 = arith.constant 0 : i32
        %dma_start3A_235 = tpu.memref_slice %arg13[%dma_start3A_233, %dma_start3A_234] : memref<10000x128xf32, #tpu.memory_space<vmem_shared>> -> memref<10000x128xf32, #tpu.memory_space<vmem_shared>>
        tpu.enqueue_indirect_dma source(%arg10 : memref<128x128xf32, #tpu.memory_space<vmem>>) target(%dma_start3A_235 : memref<10000x128xf32, #tpu.memory_space<vmem_shared>>) offsets(%dma_start3A_232 : memref<128xi32, #tpu.memory_space<vmem>>) semaphore(%arg17 : memref<!tpu.dma_semaphore, #tpu.memory_space<semaphore_mem>>) {add = true}
      } else {
      }
      %mul3A_113 = arith.constant 3 : i32
      %mul3A_114 = arith.muli %mul3A_38, %mul3A_113 : i32
      %add3A_115 = arith.constant 1 : i32
      %add3A_116 = arith.addi %mul3A_114, %add3A_115 : i32
      %lt3A_117 = arith.cmpi slt, %add3A_116, %select_n3A : i32
      %convert_element_type3A_118 = arith.extui %lt3A_117 : i1 to i32
      %cond3A_119 = arith.constant 0 : i32
      %cond3A_120 = arith.cmpi ne, %convert_element_type3A_118, %cond3A_119 : i32
      scf.if %cond3A_120 {
        %dma_wait3A = arith.constant 128 : i32
        %dma_wait3A_228 = tpu.memref_slice %arg6[%dma_wait3A] : memref<384xi32, #tpu.memory_space<vmem>> -> memref<128xi32, #tpu.memory_space<vmem>>
        %dma_wait3A_229 = arith.constant 0 : i32
        %dma_wait3A_230 = arith.constant 0 : i32
        %dma_wait3A_231 = tpu.memref_slice %arg2[%dma_wait3A_229, %dma_wait3A_230] : memref<10000x128xf32, #tpu.memory_space<hbm>> -> memref<10000x128xf32, #tpu.memory_space<hbm>>
        tpu.wait_indirect_dma semaphore(%arg15 : memref<!tpu.dma_semaphore, #tpu.memory_space<semaphore_mem>>) src(%dma_wait3A_231 : memref<10000x128xf32, #tpu.memory_space<hbm>>) dst(%arg11 : memref<128x128xf32, #tpu.memory_space<vmem>>)
        %dma_start3A = arith.constant 128 : i32
        %dma_start3A_232 = tpu.memref_slice %arg8[%dma_start3A] : memref<384xi32, #tpu.memory_space<vmem>> -> memref<128xi32, #tpu.memory_space<vmem>>
        %dma_start3A_233 = arith.constant 0 : i32
        %dma_start3A_234 = arith.constant 0 : i32
        %dma_start3A_235 = tpu.memref_slice %arg13[%dma_start3A_233, %dma_start3A_234] : memref<10000x128xf32, #tpu.memory_space<vmem_shared>> -> memref<10000x128xf32, #tpu.memory_space<vmem_shared>>
        tpu.enqueue_indirect_dma source(%arg11 : memref<128x128xf32, #tpu.memory_space<vmem>>) target(%dma_start3A_235 : memref<10000x128xf32, #tpu.memory_space<vmem_shared>>) offsets(%dma_start3A_232 : memref<128xi32, #tpu.memory_space<vmem>>) semaphore(%arg18 : memref<!tpu.dma_semaphore, #tpu.memory_space<semaphore_mem>>) {add = true}
      } else {
      }
      %mul3A_121 = arith.constant 3 : i32
      %mul3A_122 = arith.muli %mul3A_38, %mul3A_121 : i32
      %add3A_123 = arith.constant 2 : i32
      %add3A_124 = arith.addi %mul3A_122, %add3A_123 : i32
      %lt3A_125 = arith.cmpi slt, %add3A_124, %select_n3A : i32
      %convert_element_type3A_126 = arith.extui %lt3A_125 : i1 to i32
      %cond3A_127 = arith.constant 0 : i32
      %cond3A_128 = arith.cmpi ne, %convert_element_type3A_126, %cond3A_127 : i32
      scf.if %cond3A_128 {
        %dma_wait3A = arith.constant 256 : i32
        %dma_wait3A_228 = tpu.memref_slice %arg6[%dma_wait3A] : memref<384xi32, #tpu.memory_space<vmem>> -> memref<128xi32, #tpu.memory_space<vmem>>
        %dma_wait3A_229 = arith.constant 0 : i32
        %dma_wait3A_230 = arith.constant 0 : i32
        %dma_wait3A_231 = tpu.memref_slice %arg2[%dma_wait3A_229, %dma_wait3A_230] : memref<10000x128xf32, #tpu.memory_space<hbm>> -> memref<10000x128xf32, #tpu.memory_space<hbm>>
        tpu.wait_indirect_dma semaphore(%arg16 : memref<!tpu.dma_semaphore, #tpu.memory_space<semaphore_mem>>) src(%dma_wait3A_231 : memref<10000x128xf32, #tpu.memory_space<hbm>>) dst(%arg12 : memref<128x128xf32, #tpu.memory_space<vmem>>)
        %dma_start3A = arith.constant 256 : i32
        %dma_start3A_232 = tpu.memref_slice %arg8[%dma_start3A] : memref<384xi32, #tpu.memory_space<vmem>> -> memref<128xi32, #tpu.memory_space<vmem>>
        %dma_start3A_233 = arith.constant 0 : i32
        %dma_start3A_234 = arith.constant 0 : i32
        %dma_start3A_235 = tpu.memref_slice %arg13[%dma_start3A_233, %dma_start3A_234] : memref<10000x128xf32, #tpu.memory_space<vmem_shared>> -> memref<10000x128xf32, #tpu.memory_space<vmem_shared>>
        tpu.enqueue_indirect_dma source(%arg12 : memref<128x128xf32, #tpu.memory_space<vmem>>) target(%dma_start3A_235 : memref<10000x128xf32, #tpu.memory_space<vmem_shared>>) offsets(%dma_start3A_232 : memref<128xi32, #tpu.memory_space<vmem>>) semaphore(%arg19 : memref<!tpu.dma_semaphore, #tpu.memory_space<semaphore_mem>>) {add = true}
      } else {
      }
      %mul3A_129 = arith.constant 2 : i32
      %mul3A_130 = arith.muli %mul3A_129, %scan3A_36 : i32
      %add3A_131 = arith.constant 1 : i32
      %add3A_132 = arith.addi %mul3A_130, %add3A_131 : i32
      %ge3A_133 = arith.constant 1 : i32
      %ge3A_134 = arith.cmpi sge, %add3A_132, %ge3A_133 : i32
      %sub3A_135 = arith.constant 1 : i32
      %sub3A_136 = arith.subi %add3A_132, %sub3A_135 : i32
      %mul3A_137 = arith.constant 3 : i32
      %mul3A_138 = arith.muli %sub3A_136, %mul3A_137 : i32
      %add3A_139 = arith.constant 0 : i32
      %add3A_140 = arith.addi %mul3A_138, %add3A_139 : i32
      %lt3A_141 = arith.cmpi slt, %add3A_140, %select_n3A : i32
      %and3A_142 = arith.andi %ge3A_134, %lt3A_141 : i1
      %convert_element_type3A_143 = arith.extui %and3A_142 : i1 to i32
      %cond3A_144 = arith.constant 0 : i32
      %cond3A_145 = arith.cmpi ne, %convert_element_type3A_143, %cond3A_144 : i32
      scf.if %cond3A_145 {
        %dma_wait3A = arith.constant 0 : i32
        %dma_wait3A_228 = tpu.memref_slice %arg8[%dma_wait3A] : memref<384xi32, #tpu.memory_space<vmem>> -> memref<128xi32, #tpu.memory_space<vmem>>
        %dma_wait3A_229 = arith.constant 0 : i32
        %dma_wait3A_230 = arith.constant 0 : i32
        %dma_wait3A_231 = tpu.memref_slice %arg13[%dma_wait3A_229, %dma_wait3A_230] : memref<10000x128xf32, #tpu.memory_space<vmem_shared>> -> memref<10000x128xf32, #tpu.memory_space<vmem_shared>>
        tpu.wait_indirect_dma semaphore(%arg17 : memref<!tpu.dma_semaphore, #tpu.memory_space<semaphore_mem>>) src(%arg10 : memref<128x128xf32, #tpu.memory_space<vmem>>) dst(%dma_wait3A_231 : memref<10000x128xf32, #tpu.memory_space<vmem_shared>>)
      } else {
      }
      %mul3A_146 = arith.constant 3 : i32
      %mul3A_147 = arith.muli %add3A_132, %mul3A_146 : i32
      %add3A_148 = arith.constant 0 : i32
      %add3A_149 = arith.addi %mul3A_147, %add3A_148 : i32
      %lt3A_150 = arith.cmpi slt, %add3A_149, %select_n3A : i32
      %convert_element_type3A_151 = arith.extui %lt3A_150 : i1 to i32
      %cond3A_152 = arith.constant 0 : i32
      %cond3A_153 = arith.cmpi ne, %convert_element_type3A_151, %cond3A_152 : i32
      scf.if %cond3A_153 {
        %dma_start3A = arith.constant 0 : i32
        %dma_start3A_228 = tpu.memref_slice %arg7[%dma_start3A] : memref<384xi32, #tpu.memory_space<vmem>> -> memref<128xi32, #tpu.memory_space<vmem>>
        %dma_start3A_229 = arith.constant 0 : i32
        %dma_start3A_230 = arith.constant 0 : i32
        %dma_start3A_231 = tpu.memref_slice %arg2[%dma_start3A_229, %dma_start3A_230] : memref<10000x128xf32, #tpu.memory_space<hbm>> -> memref<10000x128xf32, #tpu.memory_space<hbm>>
        tpu.enqueue_indirect_dma source(%dma_start3A_231 : memref<10000x128xf32, #tpu.memory_space<hbm>>) target(%arg10 : memref<128x128xf32, #tpu.memory_space<vmem>>) offsets(%dma_start3A_228 : memref<128xi32, #tpu.memory_space<vmem>>) semaphore(%arg14 : memref<!tpu.dma_semaphore, #tpu.memory_space<semaphore_mem>>)
      } else {
      }
      %ge3A_154 = arith.constant 1 : i32
      %ge3A_155 = arith.cmpi sge, %add3A_132, %ge3A_154 : i32
      %sub3A_156 = arith.constant 1 : i32
      %sub3A_157 = arith.subi %add3A_132, %sub3A_156 : i32
      %mul3A_158 = arith.constant 3 : i32
      %mul3A_159 = arith.muli %sub3A_157, %mul3A_158 : i32
      %add3A_160 = arith.constant 1 : i32
      %add3A_161 = arith.addi %mul3A_159, %add3A_160 : i32
      %lt3A_162 = arith.cmpi slt, %add3A_161, %select_n3A : i32
      %and3A_163 = arith.andi %ge3A_155, %lt3A_162 : i1
      %convert_element_type3A_164 = arith.extui %and3A_163 : i1 to i32
      %cond3A_165 = arith.constant 0 : i32
      %cond3A_166 = arith.cmpi ne, %convert_element_type3A_164, %cond3A_165 : i32
      scf.if %cond3A_166 {
        %dma_wait3A = arith.constant 128 : i32
        %dma_wait3A_228 = tpu.memref_slice %arg8[%dma_wait3A] : memref<384xi32, #tpu.memory_space<vmem>> -> memref<128xi32, #tpu.memory_space<vmem>>
        %dma_wait3A_229 = arith.constant 0 : i32
        %dma_wait3A_230 = arith.constant 0 : i32
        %dma_wait3A_231 = tpu.memref_slice %arg13[%dma_wait3A_229, %dma_wait3A_230] : memref<10000x128xf32, #tpu.memory_space<vmem_shared>> -> memref<10000x128xf32, #tpu.memory_space<vmem_shared>>
        tpu.wait_indirect_dma semaphore(%arg18 : memref<!tpu.dma_semaphore, #tpu.memory_space<semaphore_mem>>) src(%arg11 : memref<128x128xf32, #tpu.memory_space<vmem>>) dst(%dma_wait3A_231 : memref<10000x128xf32, #tpu.memory_space<vmem_shared>>)
      } else {
      }
      %mul3A_167 = arith.constant 3 : i32
      %mul3A_168 = arith.muli %add3A_132, %mul3A_167 : i32
      %add3A_169 = arith.constant 1 : i32
      %add3A_170 = arith.addi %mul3A_168, %add3A_169 : i32
      %lt3A_171 = arith.cmpi slt, %add3A_170, %select_n3A : i32
      %convert_element_type3A_172 = arith.extui %lt3A_171 : i1 to i32
      %cond3A_173 = arith.constant 0 : i32
      %cond3A_174 = arith.cmpi ne, %convert_element_type3A_172, %cond3A_173 : i32
      scf.if %cond3A_174 {
        %dma_start3A = arith.constant 128 : i32
        %dma_start3A_228 = tpu.memref_slice %arg7[%dma_start3A] : memref<384xi32, #tpu.memory_space<vmem>> -> memref<128xi32, #tpu.memory_space<vmem>>
        %dma_start3A_229 = arith.constant 0 : i32
        %dma_start3A_230 = arith.constant 0 : i32
        %dma_start3A_231 = tpu.memref_slice %arg2[%dma_start3A_229, %dma_start3A_230] : memref<10000x128xf32, #tpu.memory_space<hbm>> -> memref<10000x128xf32, #tpu.memory_space<hbm>>
        tpu.enqueue_indirect_dma source(%dma_start3A_231 : memref<10000x128xf32, #tpu.memory_space<hbm>>) target(%arg11 : memref<128x128xf32, #tpu.memory_space<vmem>>) offsets(%dma_start3A_228 : memref<128xi32, #tpu.memory_space<vmem>>) semaphore(%arg15 : memref<!tpu.dma_semaphore, #tpu.memory_space<semaphore_mem>>)
      } else {
      }
      %ge3A_175 = arith.constant 1 : i32
      %ge3A_176 = arith.cmpi sge, %add3A_132, %ge3A_175 : i32
      %sub3A_177 = arith.constant 1 : i32
      %sub3A_178 = arith.subi %add3A_132, %sub3A_177 : i32
      %mul3A_179 = arith.constant 3 : i32
      %mul3A_180 = arith.muli %sub3A_178, %mul3A_179 : i32
      %add3A_181 = arith.constant 2 : i32
      %add3A_182 = arith.addi %mul3A_180, %add3A_181 : i32
      %lt3A_183 = arith.cmpi slt, %add3A_182, %select_n3A : i32
      %and3A_184 = arith.andi %ge3A_176, %lt3A_183 : i1
      %convert_element_type3A_185 = arith.extui %and3A_184 : i1 to i32
      %cond3A_186 = arith.constant 0 : i32
      %cond3A_187 = arith.cmpi ne, %convert_element_type3A_185, %cond3A_186 : i32
      scf.if %cond3A_187 {
        %dma_wait3A = arith.constant 256 : i32
        %dma_wait3A_228 = tpu.memref_slice %arg8[%dma_wait3A] : memref<384xi32, #tpu.memory_space<vmem>> -> memref<128xi32, #tpu.memory_space<vmem>>
        %dma_wait3A_229 = arith.constant 0 : i32
        %dma_wait3A_230 = arith.constant 0 : i32
        %dma_wait3A_231 = tpu.memref_slice %arg13[%dma_wait3A_229, %dma_wait3A_230] : memref<10000x128xf32, #tpu.memory_space<vmem_shared>> -> memref<10000x128xf32, #tpu.memory_space<vmem_shared>>
        tpu.wait_indirect_dma semaphore(%arg19 : memref<!tpu.dma_semaphore, #tpu.memory_space<semaphore_mem>>) src(%arg12 : memref<128x128xf32, #tpu.memory_space<vmem>>) dst(%dma_wait3A_231 : memref<10000x128xf32, #tpu.memory_space<vmem_shared>>)
      } else {
      }
      %mul3A_188 = arith.constant 3 : i32
      %mul3A_189 = arith.muli %add3A_132, %mul3A_188 : i32
      %add3A_190 = arith.constant 2 : i32
      %add3A_191 = arith.addi %mul3A_189, %add3A_190 : i32
      %lt3A_192 = arith.cmpi slt, %add3A_191, %select_n3A : i32
      %convert_element_type3A_193 = arith.extui %lt3A_192 : i1 to i32
      %cond3A_194 = arith.constant 0 : i32
      %cond3A_195 = arith.cmpi ne, %convert_element_type3A_193, %cond3A_194 : i32
      scf.if %cond3A_195 {
        %dma_start3A = arith.constant 256 : i32
        %dma_start3A_228 = tpu.memref_slice %arg7[%dma_start3A] : memref<384xi32, #tpu.memory_space<vmem>> -> memref<128xi32, #tpu.memory_space<vmem>>
        %dma_start3A_229 = arith.constant 0 : i32
        %dma_start3A_230 = arith.constant 0 : i32
        %dma_start3A_231 = tpu.memref_slice %arg2[%dma_start3A_229, %dma_start3A_230] : memref<10000x128xf32, #tpu.memory_space<hbm>> -> memref<10000x128xf32, #tpu.memory_space<hbm>>
        tpu.enqueue_indirect_dma source(%dma_start3A_231 : memref<10000x128xf32, #tpu.memory_space<hbm>>) target(%arg12 : memref<128x128xf32, #tpu.memory_space<vmem>>) offsets(%dma_start3A_228 : memref<128xi32, #tpu.memory_space<vmem>>) semaphore(%arg16 : memref<!tpu.dma_semaphore, #tpu.memory_space<semaphore_mem>>)
      } else {
      }
      %add3A_196 = arith.constant 1 : i32
      %add3A_197 = arith.addi %add3A_132, %add3A_196 : i32
      %mul3A_198 = arith.constant 3 : i32
      %mul3A_199 = arith.muli %add3A_197, %mul3A_198 : i32
      %lt3A_200 = arith.cmpi slt, %mul3A_199, %select_n3A : i32
      %convert_element_type3A_201 = arith.extui %lt3A_200 : i1 to i32
      %cond3A_202 = arith.constant 0 : i32
      %cond3A_203 = arith.cmpi ne, %convert_element_type3A_201, %cond3A_202 : i32
      scf.if %cond3A_203 {
        %add3A_228 = arith.constant 1 : i32
        %add3A_229 = arith.addi %add3A_132, %add3A_228 : i32
        %mul3A_230 = arith.constant 3 : i32
        %mul3A_231 = arith.muli %add3A_229, %mul3A_230 : i32
        %add3A_232 = arith.addi %add3A_16, %mul3A_231 : i32
        %mul3A_233 = arith.constant 128 : i32
        %mul3A_234 = arith.muli %add3A_232, %mul3A_233 : i32
        "tpu.region"() ({
          %run_scoped3A = tpu.sem_alloc : memref<!tpu.dma_semaphore, #tpu.memory_space<semaphore_mem>>
          %dma_start3A = tpu.memref_slice %arg3[%mul3A_234] : memref<320384xi32, #tpu.memory_space<hbm>> -> memref<384xi32, #tpu.memory_space<hbm>>
          %dma_start3A_235 = tpu.memref_slice %arg3[%mul3A_234] : memref<320384xi32, #tpu.memory_space<hbm>> -> memref<384xi32, #tpu.memory_space<hbm>>
          tpu.enqueue_dma source(%dma_start3A_235 : memref<384xi32, #tpu.memory_space<hbm>>) target(%arg6 : memref<384xi32, #tpu.memory_space<vmem>>) target_semaphore(%run_scoped3A : memref<!tpu.dma_semaphore, #tpu.memory_space<semaphore_mem>>)
          %dma_wait3A = tpu.memref_slice %arg3[%mul3A_234] : memref<320384xi32, #tpu.memory_space<hbm>> -> memref<384xi32, #tpu.memory_space<hbm>>
          %dma_wait3A_236 = tpu.memref_slice %arg3[%mul3A_234] : memref<320384xi32, #tpu.memory_space<hbm>> -> memref<384xi32, #tpu.memory_space<hbm>>
          tpu.wait_dma2 semaphore(%run_scoped3A : memref<!tpu.dma_semaphore, #tpu.memory_space<semaphore_mem>>) src(%dma_wait3A_236 : memref<384xi32, #tpu.memory_space<hbm>>) dst(%arg6 : memref<384xi32, #tpu.memory_space<vmem>>)
          tpu.yield
        }) : () -> ()
        "tpu.region"() ({
          %run_scoped3A = tpu.sem_alloc : memref<!tpu.dma_semaphore, #tpu.memory_space<semaphore_mem>>
          %dma_start3A = tpu.memref_slice %arg4[%mul3A_234] : memref<320384xi32, #tpu.memory_space<hbm>> -> memref<384xi32, #tpu.memory_space<hbm>>
          %dma_start3A_235 = tpu.memref_slice %arg4[%mul3A_234] : memref<320384xi32, #tpu.memory_space<hbm>> -> memref<384xi32, #tpu.memory_space<hbm>>
          tpu.enqueue_dma source(%dma_start3A_235 : memref<384xi32, #tpu.memory_space<hbm>>) target(%arg8 : memref<384xi32, #tpu.memory_space<vmem>>) target_semaphore(%run_scoped3A : memref<!tpu.dma_semaphore, #tpu.memory_space<semaphore_mem>>)
          %dma_wait3A = tpu.memref_slice %arg4[%mul3A_234] : memref<320384xi32, #tpu.memory_space<hbm>> -> memref<384xi32, #tpu.memory_space<hbm>>
          %dma_wait3A_236 = tpu.memref_slice %arg4[%mul3A_234] : memref<320384xi32, #tpu.memory_space<hbm>> -> memref<384xi32, #tpu.memory_space<hbm>>
          tpu.wait_dma2 semaphore(%run_scoped3A : memref<!tpu.dma_semaphore, #tpu.memory_space<semaphore_mem>>) src(%dma_wait3A_236 : memref<384xi32, #tpu.memory_space<hbm>>) dst(%arg8 : memref<384xi32, #tpu.memory_space<vmem>>)
          tpu.yield
        }) : () -> ()
      } else {
      }
      %mul3A_204 = arith.constant 3 : i32
      %mul3A_205 = arith.muli %add3A_132, %mul3A_204 : i32
      %add3A_206 = arith.constant 0 : i32
      %add3A_207 = arith.addi %mul3A_205, %add3A_206 : i32
      %lt3A_208 = arith.cmpi slt, %add3A_207, %select_n3A : i32
      %convert_element_type3A_209 = arith.extui %lt3A_208 : i1 to i32
      %cond3A_210 = arith.constant 0 : i32
      %cond3A_211 = arith.cmpi ne, %convert_element_type3A_209, %cond3A_210 : i32
      scf.if %cond3A_211 {
        %dma_wait3A = arith.constant 0 : i32
        %dma_wait3A_228 = tpu.memref_slice %arg7[%dma_wait3A] : memref<384xi32, #tpu.memory_space<vmem>> -> memref<128xi32, #tpu.memory_space<vmem>>
        %dma_wait3A_229 = arith.constant 0 : i32
        %dma_wait3A_230 = arith.constant 0 : i32
        %dma_wait3A_231 = tpu.memref_slice %arg2[%dma_wait3A_229, %dma_wait3A_230] : memref<10000x128xf32, #tpu.memory_space<hbm>> -> memref<10000x128xf32, #tpu.memory_space<hbm>>
        tpu.wait_indirect_dma semaphore(%arg14 : memref<!tpu.dma_semaphore, #tpu.memory_space<semaphore_mem>>) src(%dma_wait3A_231 : memref<10000x128xf32, #tpu.memory_space<hbm>>) dst(%arg10 : memref<128x128xf32, #tpu.memory_space<vmem>>)
        %dma_start3A = arith.constant 0 : i32
        %dma_start3A_232 = tpu.memref_slice %arg9[%dma_start3A] : memref<384xi32, #tpu.memory_space<vmem>> -> memref<128xi32, #tpu.memory_space<vmem>>
        %dma_start3A_233 = arith.constant 0 : i32
        %dma_start3A_234 = arith.constant 0 : i32
        %dma_start3A_235 = tpu.memref_slice %arg13[%dma_start3A_233, %dma_start3A_234] : memref<10000x128xf32, #tpu.memory_space<vmem_shared>> -> memref<10000x128xf32, #tpu.memory_space<vmem_shared>>
        tpu.enqueue_indirect_dma source(%arg10 : memref<128x128xf32, #tpu.memory_space<vmem>>) target(%dma_start3A_235 : memref<10000x128xf32, #tpu.memory_space<vmem_shared>>) offsets(%dma_start3A_232 : memref<128xi32, #tpu.memory_space<vmem>>) semaphore(%arg17 : memref<!tpu.dma_semaphore, #tpu.memory_space<semaphore_mem>>) {add = true}
      } else {
      }
      %mul3A_212 = arith.constant 3 : i32
      %mul3A_213 = arith.muli %add3A_132, %mul3A_212 : i32
      %add3A_214 = arith.constant 1 : i32
      %add3A_215 = arith.addi %mul3A_213, %add3A_214 : i32
      %lt3A_216 = arith.cmpi slt, %add3A_215, %select_n3A : i32
      %convert_element_type3A_217 = arith.extui %lt3A_216 : i1 to i32
      %cond3A_218 = arith.constant 0 : i32
      %cond3A_219 = arith.cmpi ne, %convert_element_type3A_217, %cond3A_218 : i32
      scf.if %cond3A_219 {
        %dma_wait3A = arith.constant 128 : i32
        %dma_wait3A_228 = tpu.memref_slice %arg7[%dma_wait3A] : memref<384xi32, #tpu.memory_space<vmem>> -> memref<128xi32, #tpu.memory_space<vmem>>
        %dma_wait3A_229 = arith.constant 0 : i32
        %dma_wait3A_230 = arith.constant 0 : i32
        %dma_wait3A_231 = tpu.memref_slice %arg2[%dma_wait3A_229, %dma_wait3A_230] : memref<10000x128xf32, #tpu.memory_space<hbm>> -> memref<10000x128xf32, #tpu.memory_space<hbm>>
        tpu.wait_indirect_dma semaphore(%arg15 : memref<!tpu.dma_semaphore, #tpu.memory_space<semaphore_mem>>) src(%dma_wait3A_231 : memref<10000x128xf32, #tpu.memory_space<hbm>>) dst(%arg11 : memref<128x128xf32, #tpu.memory_space<vmem>>)
        %dma_start3A = arith.constant 128 : i32
        %dma_start3A_232 = tpu.memref_slice %arg9[%dma_start3A] : memref<384xi32, #tpu.memory_space<vmem>> -> memref<128xi32, #tpu.memory_space<vmem>>
        %dma_start3A_233 = arith.constant 0 : i32
        %dma_start3A_234 = arith.constant 0 : i32
        %dma_start3A_235 = tpu.memref_slice %arg13[%dma_start3A_233, %dma_start3A_234] : memref<10000x128xf32, #tpu.memory_space<vmem_shared>> -> memref<10000x128xf32, #tpu.memory_space<vmem_shared>>
        tpu.enqueue_indirect_dma source(%arg11 : memref<128x128xf32, #tpu.memory_space<vmem>>) target(%dma_start3A_235 : memref<10000x128xf32, #tpu.memory_space<vmem_shared>>) offsets(%dma_start3A_232 : memref<128xi32, #tpu.memory_space<vmem>>) semaphore(%arg18 : memref<!tpu.dma_semaphore, #tpu.memory_space<semaphore_mem>>) {add = true}
      } else {
      }
      %mul3A_220 = arith.constant 3 : i32
      %mul3A_221 = arith.muli %add3A_132, %mul3A_220 : i32
      %add3A_222 = arith.constant 2 : i32
      %add3A_223 = arith.addi %mul3A_221, %add3A_222 : i32
      %lt3A_224 = arith.cmpi slt, %add3A_223, %select_n3A : i32
      %convert_element_type3A_225 = arith.extui %lt3A_224 : i1 to i32
      %cond3A_226 = arith.constant 0 : i32
      %cond3A_227 = arith.cmpi ne, %convert_element_type3A_225, %cond3A_226 : i32
      scf.if %cond3A_227 {
        %dma_wait3A = arith.constant 256 : i32
        %dma_wait3A_228 = tpu.memref_slice %arg7[%dma_wait3A] : memref<384xi32, #tpu.memory_space<vmem>> -> memref<128xi32, #tpu.memory_space<vmem>>
        %dma_wait3A_229 = arith.constant 0 : i32
        %dma_wait3A_230 = arith.constant 0 : i32
        %dma_wait3A_231 = tpu.memref_slice %arg2[%dma_wait3A_229, %dma_wait3A_230] : memref<10000x128xf32, #tpu.memory_space<hbm>> -> memref<10000x128xf32, #tpu.memory_space<hbm>>
        tpu.wait_indirect_dma semaphore(%arg16 : memref<!tpu.dma_semaphore, #tpu.memory_space<semaphore_mem>>) src(%dma_wait3A_231 : memref<10000x128xf32, #tpu.memory_space<hbm>>) dst(%arg12 : memref<128x128xf32, #tpu.memory_space<vmem>>)
        %dma_start3A = arith.constant 256 : i32
        %dma_start3A_232 = tpu.memref_slice %arg9[%dma_start3A] : memref<384xi32, #tpu.memory_space<vmem>> -> memref<128xi32, #tpu.memory_space<vmem>>
        %dma_start3A_233 = arith.constant 0 : i32
        %dma_start3A_234 = arith.constant 0 : i32
        %dma_start3A_235 = tpu.memref_slice %arg13[%dma_start3A_233, %dma_start3A_234] : memref<10000x128xf32, #tpu.memory_space<vmem_shared>> -> memref<10000x128xf32, #tpu.memory_space<vmem_shared>>
        tpu.enqueue_indirect_dma source(%arg12 : memref<128x128xf32, #tpu.memory_space<vmem>>) target(%dma_start3A_235 : memref<10000x128xf32, #tpu.memory_space<vmem_shared>>) offsets(%dma_start3A_232 : memref<128xi32, #tpu.memory_space<vmem>>) semaphore(%arg19 : memref<!tpu.dma_semaphore, #tpu.memory_space<semaphore_mem>>) {add = true}
      } else {
      }
    }
    %scan3A_28 = arith.constant 14 : i32
    %barrier3A_29 = arith.constant 0 : index
    tpu.barrier barrier_id(%barrier3A_29)
    %scan3A_30 = arith.constant 0 : i32
    %scan3A_31 = arith.constant 0 : i32
    %scan3A_32 = arith.constant 2 : i32
    %scan3A_33 = arith.addi %scan3A_31, %scan3A_32 : i32
    %scan3A_34 = arith.constant 1 : i32
    scf.for %scan3A_36 = %scan3A_31 to %scan3A_33 step %scan3A_34  : i32 {
      %mul3A_37 = arith.constant 16 : i32
      %mul3A_38 = arith.muli %scan3A_36, %mul3A_37 : i32
      %add3A_39 = arith.addi %arg1, %mul3A_38 : i32
      %lt3A_40 = arith.constant 25 : i32
      %lt3A_41 = arith.cmpi slt, %add3A_39, %lt3A_40 : i32
      %convert_element_type3A = arith.extui %lt3A_41 : i1 to i32
      %cond3A = arith.constant 0 : i32
      %cond3A_42 = arith.cmpi ne, %convert_element_type3A, %cond3A : i32
      scf.if %cond3A_42 {
        %mul3A_43 = arith.constant 400 : i32
        %mul3A_44 = arith.muli %add3A_39, %mul3A_43 : i32
        "tpu.region"() ({
          %run_scoped3A = tpu.sem_alloc : memref<!tpu.dma_semaphore, #tpu.memory_space<semaphore_mem>>
          %dma_start3A = arith.constant 0 : i32
          %dma_start3A_45 = tpu.memref_slice %arg5[%arg0, %mul3A_44, %dma_start3A] : memref<2x10000x128xf32, #tpu.memory_space<hbm>> -> memref<1x400x128xf32, #tpu.memory_space<hbm>>
          %dma_start3A_46 = tpu.memref_squeeze %dma_start3A_45 : memref<1x400x128xf32, #tpu.memory_space<hbm>> -> memref<400x128xf32, #tpu.memory_space<hbm>>
          %dma_start3A_47 = arith.constant 0 : i32
          %dma_start3A_48 = tpu.memref_slice %arg13[%mul3A_44, %dma_start3A_47] : memref<10000x128xf32, #tpu.memory_space<vmem_shared>> -> memref<400x128xf32, #tpu.memory_space<vmem_shared>>
          tpu.enqueue_dma source(%dma_start3A_48 : memref<400x128xf32, #tpu.memory_space<vmem_shared>>) target(%dma_start3A_46 : memref<400x128xf32, #tpu.memory_space<hbm>>) target_semaphore(%run_scoped3A : memref<!tpu.dma_semaphore, #tpu.memory_space<semaphore_mem>>)
          %dma_wait3A = arith.constant 0 : i32
          %dma_wait3A_49 = tpu.memref_slice %arg5[%arg0, %mul3A_44, %dma_wait3A] : memref<2x10000x128xf32, #tpu.memory_space<hbm>> -> memref<1x400x128xf32, #tpu.memory_space<hbm>>
          %dma_wait3A_50 = tpu.memref_squeeze %dma_wait3A_49 : memref<1x400x128xf32, #tpu.memory_space<hbm>> -> memref<400x128xf32, #tpu.memory_space<hbm>>
          %dma_wait3A_51 = arith.constant 0 : i32
          %dma_wait3A_52 = tpu.memref_slice %arg13[%mul3A_44, %dma_wait3A_51] : memref<10000x128xf32, #tpu.memory_space<vmem_shared>> -> memref<400x128xf32, #tpu.memory_space<vmem_shared>>
          tpu.wait_dma2 semaphore(%run_scoped3A : memref<!tpu.dma_semaphore, #tpu.memory_space<semaphore_mem>>) src(%dma_wait3A_52 : memref<400x128xf32, #tpu.memory_space<vmem_shared>>) dst(%dma_wait3A_50 : memref<400x128xf32, #tpu.memory_space<hbm>>)
          tpu.yield
        }) : () -> ()
      } else {
      }
    }
    %scan3A_35 = arith.constant 2 : i32
    return
  }
}

#map = affine_map<(d0, d1) -> (0, 0)>
#map1 = affine_map<(d0, d1) -> (0)>
#map2 = affine_map<(d0, d1) -> (0, 0, 0)>
module attributes {stable_mosaic.version = 14 : i64} {
  func.func @_sc_aggregate(%arg0: i32, %arg1: i32, %arg2: memref<10000x128xf32, #tpu.memory_space<hbm>>, %arg3: memref<320384xi32, #tpu.memory_space<hbm>>, %arg4: memref<320384xi32, #tpu.memory_space<hbm>>, %arg5: memref<2x10000x128xf32, #tpu.memory_space<hbm>>, %arg6: memref<384xi32, #tpu.memory_space<vmem>>, %arg7: memref<384xi32, #tpu.memory_space<vmem>>, %arg8: memref<384xi32, #tpu.memory_space<vmem>>, %arg9: memref<384xi32, #tpu.memory_space<vmem>>, %arg10: memref<128x128xf32, #tpu.memory_space<vmem>>, %arg11: memref<128x128xf32, #tpu.memory_space<vmem>>, %arg12: memref<128x128xf32, #tpu.memory_space<vmem>>, %arg13: memref<10000x128xf32, #tpu.memory_space<vmem_shared>>, %arg14: memref<!tpu.dma_semaphore, #tpu.memory_space<semaphore_mem>>, %arg15: memref<!tpu.dma_semaphore, #tpu.memory_space<semaphore_mem>>, %arg16: memref<!tpu.dma_semaphore, #tpu.memory_space<semaphore_mem>>, %arg17: memref<!tpu.dma_semaphore, #tpu.memory_space<semaphore_mem>>, %arg18: memref<!tpu.dma_semaphore, #tpu.memory_space<semaphore_mem>>, %arg19: memref<!tpu.dma_semaphore, #tpu.memory_space<semaphore_mem>>) attributes {dimension_semantics = [#tpu.dimension_semantics<core_parallel>, #tpu.dimension_semantics<subcore_parallel>], iteration_bounds = array<i64: 2, 16>, scalar_prefetch = 0 : i64, scratch_operands = 14 : i64, tpu.core_type = #tpu.core_type<sc_vector_subcore>, window_params = [{transform_indices = #map}, {transform_indices = #map1}, {transform_indices = #map1}, {transform_indices = #map2}]} {
    %mul3A = arith.constant 2 : i32
    %mul3A_0 = arith.muli %arg1, %mul3A : i32
    %add3A = arith.addi %mul3A_0, %arg0 : i32
    %broadcast_in_dim3A = arith.constant 0.000000e+00 : f32
    %broadcast_in_dim3A_1 = vector.broadcast %broadcast_in_dim3A : f32 to vector<16xf32>
    %scan3A = arith.constant 0 : i32
    %scan3A_2 = arith.constant 0 : i32
    %scan3A_3 = arith.constant 128 : i32
    %scan3A_4 = arith.addi %scan3A_2, %scan3A_3 : i32
    %scan3A_5 = arith.constant 1 : i32
    scf.for %scan3A_36 = %scan3A_2 to %scan3A_4 step %scan3A_5  : i32 {
      %swap3A = arith.index_cast %scan3A_36 : i32 to index
      %swap3A_37 = arith.constant 0 : index
      %swap3A_38 = tpu.vector_load %arg10[%swap3A, %swap3A_37] {strides = array<i32>} : memref<128x128xf32, #tpu.memory_space<vmem>>, vector<1x16xf32>,
      %swap3A_39 = vector.shape_cast %swap3A_38 : vector<1x16xf32> to vector<16xf32>
      %swap3A_40 = vector.shape_cast %broadcast_in_dim3A_1 : vector<16xf32> to vector<1x16xf32>
      tpu.vector_store %arg10[%swap3A, %swap3A_37], %swap3A_40 {strides = array<i32>} : memref<128x128xf32, #tpu.memory_space<vmem>>, vector<1x16xf32>,
      %swap3A_41 = arith.index_cast %scan3A_36 : i32 to index
      %swap3A_42 = arith.constant 16 : index
      %swap3A_43 = tpu.vector_load %arg10[%swap3A_41, %swap3A_42] {strides = array<i32>} : memref<128x128xf32, #tpu.memory_space<vmem>>, vector<1x16xf32>,
      %swap3A_44 = vector.shape_cast %swap3A_43 : vector<1x16xf32> to vector<16xf32>
      %swap3A_45 = vector.shape_cast %broadcast_in_dim3A_1 : vector<16xf32> to vector<1x16xf32>
      tpu.vector_store %arg10[%swap3A_41, %swap3A_42], %swap3A_45 {strides = array<i32>} : memref<128x128xf32, #tpu.memory_space<vmem>>, vector<1x16xf32>,
      %swap3A_46 = arith.index_cast %scan3A_36 : i32 to index
      %swap3A_47 = arith.constant 32 : index
      %swap3A_48 = tpu.vector_load %arg10[%swap3A_46, %swap3A_47] {strides = array<i32>} : memref<128x128xf32, #tpu.memory_space<vmem>>, vector<1x16xf32>,
      %swap3A_49 = vector.shape_cast %swap3A_48 : vector<1x16xf32> to vector<16xf32>
      %swap3A_50 = vector.shape_cast %broadcast_in_dim3A_1 : vector<16xf32> to vector<1x16xf32>
      tpu.vector_store %arg10[%swap3A_46, %swap3A_47], %swap3A_50 {strides = array<i32>} : memref<128x128xf32, #tpu.memory_space<vmem>>, vector<1x16xf32>,
      %swap3A_51 = arith.index_cast %scan3A_36 : i32 to index
      %swap3A_52 = arith.constant 48 : index
      %swap3A_53 = tpu.vector_load %arg10[%swap3A_51, %swap3A_52] {strides = array<i32>} : memref<128x128xf32, #tpu.memory_space<vmem>>, vector<1x16xf32>,
      %swap3A_54 = vector.shape_cast %swap3A_53 : vector<1x16xf32> to vector<16xf32>
      %swap3A_55 = vector.shape_cast %broadcast_in_dim3A_1 : vector<16xf32> to vector<1x16xf32>
      tpu.vector_store %arg10[%swap3A_51, %swap3A_52], %swap3A_55 {strides = array<i32>} : memref<128x128xf32, #tpu.memory_space<vmem>>, vector<1x16xf32>,
      %swap3A_56 = arith.index_cast %scan3A_36 : i32 to index
      %swap3A_57 = arith.constant 64 : index
      %swap3A_58 = tpu.vector_load %arg10[%swap3A_56, %swap3A_57] {strides = array<i32>} : memref<128x128xf32, #tpu.memory_space<vmem>>, vector<1x16xf32>,
      %swap3A_59 = vector.shape_cast %swap3A_58 : vector<1x16xf32> to vector<16xf32>
      %swap3A_60 = vector.shape_cast %broadcast_in_dim3A_1 : vector<16xf32> to vector<1x16xf32>
      tpu.vector_store %arg10[%swap3A_56, %swap3A_57], %swap3A_60 {strides = array<i32>} : memref<128x128xf32, #tpu.memory_space<vmem>>, vector<1x16xf32>,
      %swap3A_61 = arith.index_cast %scan3A_36 : i32 to index
      %swap3A_62 = arith.constant 80 : index
      %swap3A_63 = tpu.vector_load %arg10[%swap3A_61, %swap3A_62] {strides = array<i32>} : memref<128x128xf32, #tpu.memory_space<vmem>>, vector<1x16xf32>,
      %swap3A_64 = vector.shape_cast %swap3A_63 : vector<1x16xf32> to vector<16xf32>
      %swap3A_65 = vector.shape_cast %broadcast_in_dim3A_1 : vector<16xf32> to vector<1x16xf32>
      tpu.vector_store %arg10[%swap3A_61, %swap3A_62], %swap3A_65 {strides = array<i32>} : memref<128x128xf32, #tpu.memory_space<vmem>>, vector<1x16xf32>,
      %swap3A_66 = arith.index_cast %scan3A_36 : i32 to index
      %swap3A_67 = arith.constant 96 : index
      %swap3A_68 = tpu.vector_load %arg10[%swap3A_66, %swap3A_67] {strides = array<i32>} : memref<128x128xf32, #tpu.memory_space<vmem>>, vector<1x16xf32>,
      %swap3A_69 = vector.shape_cast %swap3A_68 : vector<1x16xf32> to vector<16xf32>
      %swap3A_70 = vector.shape_cast %broadcast_in_dim3A_1 : vector<16xf32> to vector<1x16xf32>
      tpu.vector_store %arg10[%swap3A_66, %swap3A_67], %swap3A_70 {strides = array<i32>} : memref<128x128xf32, #tpu.memory_space<vmem>>, vector<1x16xf32>,
      %swap3A_71 = arith.index_cast %scan3A_36 : i32 to index
      %swap3A_72 = arith.constant 112 : index
      %swap3A_73 = tpu.vector_load %arg10[%swap3A_71, %swap3A_72] {strides = array<i32>} : memref<128x128xf32, #tpu.memory_space<vmem>>, vector<1x16xf32>,
      %swap3A_74 = vector.shape_cast %swap3A_73 : vector<1x16xf32> to vector<16xf32>
      %swap3A_75 = vector.shape_cast %broadcast_in_dim3A_1 : vector<16xf32> to vector<1x16xf32>
      tpu.vector_store %arg10[%swap3A_71, %swap3A_72], %swap3A_75 {strides = array<i32>} : memref<128x128xf32, #tpu.memory_space<vmem>>, vector<1x16xf32>,
    }
    %scan3A_6 = arith.constant 128 : i32
    %scan3A_7 = arith.constant 0 : i32
    %scan3A_8 = arith.constant 0 : i32
    %scan3A_9 = arith.constant 5 : i32
    %scan3A_10 = arith.addi %scan3A_8, %scan3A_9 : i32
    %scan3A_11 = arith.constant 1 : i32
    scf.for %scan3A_36 = %scan3A_8 to %scan3A_10 step %scan3A_11  : i32 {
      %mul3A_37 = arith.constant 16 : i32
      %mul3A_38 = arith.muli %scan3A_36, %mul3A_37 : i32
      %add3A_39 = arith.addi %arg1, %mul3A_38 : i32
      %lt3A_40 = arith.constant 78 : i32
      %lt3A_41 = arith.cmpi slt, %add3A_39, %lt3A_40 : i32
      %convert_element_type3A = arith.extui %lt3A_41 : i1 to i32
      %cond3A = arith.constant 0 : i32
      %cond3A_42 = arith.cmpi ne, %convert_element_type3A, %cond3A : i32
      scf.if %cond3A_42 {
        %mul3A_47 = arith.constant 128 : i32
        %mul3A_48 = arith.muli %add3A_39, %mul3A_47 : i32
        "tpu.region"() ({
          %run_scoped3A = tpu.sem_alloc : memref<!tpu.dma_semaphore, #tpu.memory_space<semaphore_mem>>
          %dma_start3A = arith.constant 0 : i32
          %dma_start3A_49 = tpu.memref_slice %arg13[%mul3A_48, %dma_start3A] : memref<10000x128xf32, #tpu.memory_space<vmem_shared>> -> memref<128x128xf32, #tpu.memory_space<vmem_shared>>
          %dma_start3A_50 = arith.constant 0 : i32
          %dma_start3A_51 = tpu.memref_slice %arg13[%mul3A_48, %dma_start3A_50] : memref<10000x128xf32, #tpu.memory_space<vmem_shared>> -> memref<128x128xf32, #tpu.memory_space<vmem_shared>>
          tpu.enqueue_dma source(%arg10 : memref<128x128xf32, #tpu.memory_space<vmem>>) target(%dma_start3A_51 : memref<128x128xf32, #tpu.memory_space<vmem_shared>>) target_semaphore(%run_scoped3A : memref<!tpu.dma_semaphore, #tpu.memory_space<semaphore_mem>>)
          %dma_wait3A = arith.constant 0 : i32
          %dma_wait3A_52 = tpu.memref_slice %arg13[%mul3A_48, %dma_wait3A] : memref<10000x128xf32, #tpu.memory_space<vmem_shared>> -> memref<128x128xf32, #tpu.memory_space<vmem_shared>>
          %dma_wait3A_53 = arith.constant 0 : i32
          %dma_wait3A_54 = tpu.memref_slice %arg13[%mul3A_48, %dma_wait3A_53] : memref<10000x128xf32, #tpu.memory_space<vmem_shared>> -> memref<128x128xf32, #tpu.memory_space<vmem_shared>>
          tpu.wait_dma2 semaphore(%run_scoped3A : memref<!tpu.dma_semaphore, #tpu.memory_space<semaphore_mem>>) src(%arg10 : memref<128x128xf32, #tpu.memory_space<vmem>>) dst(%dma_wait3A_54 : memref<128x128xf32, #tpu.memory_space<vmem_shared>>)
          tpu.yield
        }) : () -> ()
      } else {
      }
      %eq3A = arith.constant 78 : i32
      %eq3A_43 = arith.cmpi eq, %add3A_39, %eq3A : i32
      %convert_element_type3A_44 = arith.extui %eq3A_43 : i1 to i32
      %cond3A_45 = arith.constant 0 : i32
      %cond3A_46 = arith.cmpi ne, %convert_element_type3A_44, %cond3A_45 : i32
      scf.if %cond3A_46 {
        "tpu.region"() ({
          %run_scoped3A = tpu.sem_alloc : memref<!tpu.dma_semaphore, #tpu.memory_space<semaphore_mem>>
          %dma_start3A = arith.constant 0 : i32
          %dma_start3A_47 = arith.constant 0 : i32
          %dma_start3A_48 = tpu.memref_slice %arg10[%dma_start3A, %dma_start3A_47] : memref<128x128xf32, #tpu.memory_space<vmem>> -> memref<16x128xf32, #tpu.memory_space<vmem>>
          %dma_start3A_49 = arith.constant 9984 : i32
          %dma_start3A_50 = arith.constant 0 : i32
          %dma_start3A_51 = tpu.memref_slice %arg13[%dma_start3A_49, %dma_start3A_50] : memref<10000x128xf32, #tpu.memory_space<vmem_shared>> -> memref<16x128xf32, #tpu.memory_space<vmem_shared>>
          %dma_start3A_52 = arith.constant 9984 : i32
          %dma_start3A_53 = arith.constant 0 : i32
          %dma_start3A_54 = tpu.memref_slice %arg13[%dma_start3A_52, %dma_start3A_53] : memref<10000x128xf32, #tpu.memory_space<vmem_shared>> -> memref<16x128xf32, #tpu.memory_space<vmem_shared>>
          %dma_start3A_55 = arith.constant 0 : i32
          %dma_start3A_56 = arith.constant 0 : i32
          %dma_start3A_57 = tpu.memref_slice %arg10[%dma_start3A_55, %dma_start3A_56] : memref<128x128xf32, #tpu.memory_space<vmem>> -> memref<16x128xf32, #tpu.memory_space<vmem>>
          tpu.enqueue_dma source(%dma_start3A_57 : memref<16x128xf32, #tpu.memory_space<vmem>>) target(%dma_start3A_54 : memref<16x128xf32, #tpu.memory_space<vmem_shared>>) target_semaphore(%run_scoped3A : memref<!tpu.dma_semaphore, #tpu.memory_space<semaphore_mem>>)
          %dma_wait3A = arith.constant 0 : i32
          %dma_wait3A_58 = arith.constant 0 : i32
          %dma_wait3A_59 = tpu.memref_slice %arg10[%dma_wait3A, %dma_wait3A_58] : memref<128x128xf32, #tpu.memory_space<vmem>> -> memref<16x128xf32, #tpu.memory_space<vmem>>
          %dma_wait3A_60 = arith.constant 9984 : i32
          %dma_wait3A_61 = arith.constant 0 : i32
          %dma_wait3A_62 = tpu.memref_slice %arg13[%dma_wait3A_60, %dma_wait3A_61] : memref<10000x128xf32, #tpu.memory_space<vmem_shared>> -> memref<16x128xf32, #tpu.memory_space<vmem_shared>>
          %dma_wait3A_63 = arith.constant 9984 : i32
          %dma_wait3A_64 = arith.constant 0 : i32
          %dma_wait3A_65 = tpu.memref_slice %arg13[%dma_wait3A_63, %dma_wait3A_64] : memref<10000x128xf32, #tpu.memory_space<vmem_shared>> -> memref<16x128xf32, #tpu.memory_space<vmem_shared>>
          %dma_wait3A_66 = arith.constant 0 : i32
          %dma_wait3A_67 = arith.constant 0 : i32
          %dma_wait3A_68 = tpu.memref_slice %arg10[%dma_wait3A_66, %dma_wait3A_67] : memref<128x128xf32, #tpu.memory_space<vmem>> -> memref<16x128xf32, #tpu.memory_space<vmem>>
          tpu.wait_dma2 semaphore(%run_scoped3A : memref<!tpu.dma_semaphore, #tpu.memory_space<semaphore_mem>>) src(%dma_wait3A_68 : memref<16x128xf32, #tpu.memory_space<vmem>>) dst(%dma_wait3A_65 : memref<16x128xf32, #tpu.memory_space<vmem_shared>>)
          tpu.yield
        }) : () -> ()
      } else {
      }
    }
    %scan3A_12 = arith.constant 5 : i32
    %barrier3A = arith.constant 0 : index
    tpu.barrier barrier_id(%barrier3A)
    %mul3A_13 = arith.constant 78 : i32
    %mul3A_14 = arith.muli %mul3A_13, %add3A : i32
    %min3A = arith.constant 4 : i32
    %min3A_15 = arith.minsi %add3A, %min3A : i32
    %add3A_16 = arith.addi %mul3A_14, %min3A_15 : i32
    %lt3A = arith.constant 4 : i32
    %lt3A_17 = arith.cmpi slt, %add3A, %lt3A : i32
    %jit3A = arith.constant 79 : i32
    %jit3A_18 = arith.constant 78 : i32
    %select_n3A = arith.select %lt3A_17, %jit3A, %jit3A_18 : i32
    %mul3A_19 = arith.constant 128 : i32
    %mul3A_20 = arith.muli %add3A_16, %mul3A_19 : i32
    "tpu.region"() ({
      %run_scoped3A = tpu.sem_alloc : memref<!tpu.dma_semaphore, #tpu.memory_space<semaphore_mem>>
      %dma_start3A = tpu.memref_slice %arg3[%mul3A_20] : memref<320384xi32, #tpu.memory_space<hbm>> -> memref<384xi32, #tpu.memory_space<hbm>>
      %dma_start3A_36 = tpu.memref_slice %arg3[%mul3A_20] : memref<320384xi32, #tpu.memory_space<hbm>> -> memref<384xi32, #tpu.memory_space<hbm>>
      tpu.enqueue_dma source(%dma_start3A_36 : memref<384xi32, #tpu.memory_space<hbm>>) target(%arg6 : memref<384xi32, #tpu.memory_space<vmem>>) target_semaphore(%run_scoped3A : memref<!tpu.dma_semaphore, #tpu.memory_space<semaphore_mem>>)
      %dma_wait3A = tpu.memref_slice %arg3[%mul3A_20] : memref<320384xi32, #tpu.memory_space<hbm>> -> memref<384xi32, #tpu.memory_space<hbm>>
      %dma_wait3A_37 = tpu.memref_slice %arg3[%mul3A_20] : memref<320384xi32, #tpu.memory_space<hbm>> -> memref<384xi32, #tpu.memory_space<hbm>>
      tpu.wait_dma2 semaphore(%run_scoped3A : memref<!tpu.dma_semaphore, #tpu.memory_space<semaphore_mem>>) src(%dma_wait3A_37 : memref<384xi32, #tpu.memory_space<hbm>>) dst(%arg6 : memref<384xi32, #tpu.memory_space<vmem>>)
      tpu.yield
    }) : () -> ()
    %mul3A_21 = arith.constant 128 : i32
    %mul3A_22 = arith.muli %add3A_16, %mul3A_21 : i32
    "tpu.region"() ({
      %run_scoped3A = tpu.sem_alloc : memref<!tpu.dma_semaphore, #tpu.memory_space<semaphore_mem>>
      %dma_start3A = tpu.memref_slice %arg4[%mul3A_22] : memref<320384xi32, #tpu.memory_space<hbm>> -> memref<384xi32, #tpu.memory_space<hbm>>
      %dma_start3A_36 = tpu.memref_slice %arg4[%mul3A_22] : memref<320384xi32, #tpu.memory_space<hbm>> -> memref<384xi32, #tpu.memory_space<hbm>>
      tpu.enqueue_dma source(%dma_start3A_36 : memref<384xi32, #tpu.memory_space<hbm>>) target(%arg8 : memref<384xi32, #tpu.memory_space<vmem>>) target_semaphore(%run_scoped3A : memref<!tpu.dma_semaphore, #tpu.memory_space<semaphore_mem>>)
      %dma_wait3A = tpu.memref_slice %arg4[%mul3A_22] : memref<320384xi32, #tpu.memory_space<hbm>> -> memref<384xi32, #tpu.memory_space<hbm>>
      %dma_wait3A_37 = tpu.memref_slice %arg4[%mul3A_22] : memref<320384xi32, #tpu.memory_space<hbm>> -> memref<384xi32, #tpu.memory_space<hbm>>
      tpu.wait_dma2 semaphore(%run_scoped3A : memref<!tpu.dma_semaphore, #tpu.memory_space<semaphore_mem>>) src(%dma_wait3A_37 : memref<384xi32, #tpu.memory_space<hbm>>) dst(%arg8 : memref<384xi32, #tpu.memory_space<vmem>>)
      tpu.yield
    }) : () -> ()
    %scan3A_23 = arith.constant 0 : i32
    %scan3A_24 = arith.constant 0 : i32
    %scan3A_25 = arith.constant 14 : i32
    %scan3A_26 = arith.addi %scan3A_24, %scan3A_25 : i32
    %scan3A_27 = arith.constant 1 : i32
    scf.for %scan3A_36 = %scan3A_24 to %scan3A_26 step %scan3A_27  : i32 {
      %mul3A_37 = arith.constant 2 : i32
      %mul3A_38 = arith.muli %mul3A_37, %scan3A_36 : i32
      %ge3A = arith.constant 1 : i32
      %ge3A_39 = arith.cmpi sge, %mul3A_38, %ge3A : i32
      %sub3A = arith.constant 1 : i32
      %sub3A_40 = arith.subi %mul3A_38, %sub3A : i32
      %mul3A_41 = arith.constant 3 : i32
      %mul3A_42 = arith.muli %sub3A_40, %mul3A_41 : i32
      %add3A_43 = arith.constant 0 : i32
      %add3A_44 = arith.addi %mul3A_42, %add3A_43 : i32
      %lt3A_45 = arith.cmpi slt, %add3A_44, %select_n3A : i32
      %and3A = arith.andi %ge3A_39, %lt3A_45 : i1
      %convert_element_type3A = arith.extui %and3A : i1 to i32
      %cond3A = arith.constant 0 : i32
      %cond3A_46 = arith.cmpi ne, %convert_element_type3A, %cond3A : i32
      scf.if %cond3A_46 {
        %dma_wait3A = arith.constant 0 : i32
        %dma_wait3A_228 = tpu.memref_slice %arg9[%dma_wait3A] : memref<384xi32, #tpu.memory_space<vmem>> -> memref<128xi32, #tpu.memory_space<vmem>>
        %dma_wait3A_229 = arith.constant 0 : i32
        %dma_wait3A_230 = arith.constant 0 : i32
        %dma_wait3A_231 = tpu.memref_slice %arg13[%dma_wait3A_229, %dma_wait3A_230] : memref<10000x128xf32, #tpu.memory_space<vmem_shared>> -> memref<10000x128xf32, #tpu.memory_space<vmem_shared>>
        tpu.wait_indirect_dma semaphore(%arg17 : memref<!tpu.dma_semaphore, #tpu.memory_space<semaphore_mem>>) src(%arg10 : memref<128x128xf32, #tpu.memory_space<vmem>>) dst(%dma_wait3A_231 : memref<10000x128xf32, #tpu.memory_space<vmem_shared>>)
      } else {
      }
      %mul3A_47 = arith.constant 3 : i32
      %mul3A_48 = arith.muli %mul3A_38, %mul3A_47 : i32
      %add3A_49 = arith.constant 0 : i32
      %add3A_50 = arith.addi %mul3A_48, %add3A_49 : i32
      %lt3A_51 = arith.cmpi slt, %add3A_50, %select_n3A : i32
      %convert_element_type3A_52 = arith.extui %lt3A_51 : i1 to i32
      %cond3A_53 = arith.constant 0 : i32
      %cond3A_54 = arith.cmpi ne, %convert_element_type3A_52, %cond3A_53 : i32
      scf.if %cond3A_54 {
        %dma_start3A = arith.constant 0 : i32
        %dma_start3A_228 = tpu.memref_slice %arg6[%dma_start3A] : memref<384xi32, #tpu.memory_space<vmem>> -> memref<128xi32, #tpu.memory_space<vmem>>
        %dma_start3A_229 = arith.constant 0 : i32
        %dma_start3A_230 = arith.constant 0 : i32
        %dma_start3A_231 = tpu.memref_slice %arg2[%dma_start3A_229, %dma_start3A_230] : memref<10000x128xf32, #tpu.memory_space<hbm>> -> memref<10000x128xf32, #tpu.memory_space<hbm>>
        tpu.enqueue_indirect_dma source(%dma_start3A_231 : memref<10000x128xf32, #tpu.memory_space<hbm>>) target(%arg10 : memref<128x128xf32, #tpu.memory_space<vmem>>) offsets(%dma_start3A_228 : memref<128xi32, #tpu.memory_space<vmem>>) semaphore(%arg14 : memref<!tpu.dma_semaphore, #tpu.memory_space<semaphore_mem>>)
      } else {
      }
      %ge3A_55 = arith.constant 1 : i32
      %ge3A_56 = arith.cmpi sge, %mul3A_38, %ge3A_55 : i32
      %sub3A_57 = arith.constant 1 : i32
      %sub3A_58 = arith.subi %mul3A_38, %sub3A_57 : i32
      %mul3A_59 = arith.constant 3 : i32
      %mul3A_60 = arith.muli %sub3A_58, %mul3A_59 : i32
      %add3A_61 = arith.constant 1 : i32
      %add3A_62 = arith.addi %mul3A_60, %add3A_61 : i32
      %lt3A_63 = arith.cmpi slt, %add3A_62, %select_n3A : i32
      %and3A_64 = arith.andi %ge3A_56, %lt3A_63 : i1
      %convert_element_type3A_65 = arith.extui %and3A_64 : i1 to i32
      %cond3A_66 = arith.constant 0 : i32
      %cond3A_67 = arith.cmpi ne, %convert_element_type3A_65, %cond3A_66 : i32
      scf.if %cond3A_67 {
        %dma_wait3A = arith.constant 128 : i32
        %dma_wait3A_228 = tpu.memref_slice %arg9[%dma_wait3A] : memref<384xi32, #tpu.memory_space<vmem>> -> memref<128xi32, #tpu.memory_space<vmem>>
        %dma_wait3A_229 = arith.constant 0 : i32
        %dma_wait3A_230 = arith.constant 0 : i32
        %dma_wait3A_231 = tpu.memref_slice %arg13[%dma_wait3A_229, %dma_wait3A_230] : memref<10000x128xf32, #tpu.memory_space<vmem_shared>> -> memref<10000x128xf32, #tpu.memory_space<vmem_shared>>
        tpu.wait_indirect_dma semaphore(%arg18 : memref<!tpu.dma_semaphore, #tpu.memory_space<semaphore_mem>>) src(%arg11 : memref<128x128xf32, #tpu.memory_space<vmem>>) dst(%dma_wait3A_231 : memref<10000x128xf32, #tpu.memory_space<vmem_shared>>)
      } else {
      }
      %mul3A_68 = arith.constant 3 : i32
      %mul3A_69 = arith.muli %mul3A_38, %mul3A_68 : i32
      %add3A_70 = arith.constant 1 : i32
      %add3A_71 = arith.addi %mul3A_69, %add3A_70 : i32
      %lt3A_72 = arith.cmpi slt, %add3A_71, %select_n3A : i32
      %convert_element_type3A_73 = arith.extui %lt3A_72 : i1 to i32
      %cond3A_74 = arith.constant 0 : i32
      %cond3A_75 = arith.cmpi ne, %convert_element_type3A_73, %cond3A_74 : i32
      scf.if %cond3A_75 {
        %dma_start3A = arith.constant 128 : i32
        %dma_start3A_228 = tpu.memref_slice %arg6[%dma_start3A] : memref<384xi32, #tpu.memory_space<vmem>> -> memref<128xi32, #tpu.memory_space<vmem>>
        %dma_start3A_229 = arith.constant 0 : i32
        %dma_start3A_230 = arith.constant 0 : i32
        %dma_start3A_231 = tpu.memref_slice %arg2[%dma_start3A_229, %dma_start3A_230] : memref<10000x128xf32, #tpu.memory_space<hbm>> -> memref<10000x128xf32, #tpu.memory_space<hbm>>
        tpu.enqueue_indirect_dma source(%dma_start3A_231 : memref<10000x128xf32, #tpu.memory_space<hbm>>) target(%arg11 : memref<128x128xf32, #tpu.memory_space<vmem>>) offsets(%dma_start3A_228 : memref<128xi32, #tpu.memory_space<vmem>>) semaphore(%arg15 : memref<!tpu.dma_semaphore, #tpu.memory_space<semaphore_mem>>)
      } else {
      }
      %ge3A_76 = arith.constant 1 : i32
      %ge3A_77 = arith.cmpi sge, %mul3A_38, %ge3A_76 : i32
      %sub3A_78 = arith.constant 1 : i32
      %sub3A_79 = arith.subi %mul3A_38, %sub3A_78 : i32
      %mul3A_80 = arith.constant 3 : i32
      %mul3A_81 = arith.muli %sub3A_79, %mul3A_80 : i32
      %add3A_82 = arith.constant 2 : i32
      %add3A_83 = arith.addi %mul3A_81, %add3A_82 : i32
      %lt3A_84 = arith.cmpi slt, %add3A_83, %select_n3A : i32
      %and3A_85 = arith.andi %ge3A_77, %lt3A_84 : i1
      %convert_element_type3A_86 = arith.extui %and3A_85 : i1 to i32
      %cond3A_87 = arith.constant 0 : i32
      %cond3A_88 = arith.cmpi ne, %convert_element_type3A_86, %cond3A_87 : i32
      scf.if %cond3A_88 {
        %dma_wait3A = arith.constant 256 : i32
        %dma_wait3A_228 = tpu.memref_slice %arg9[%dma_wait3A] : memref<384xi32, #tpu.memory_space<vmem>> -> memref<128xi32, #tpu.memory_space<vmem>>
        %dma_wait3A_229 = arith.constant 0 : i32
        %dma_wait3A_230 = arith.constant 0 : i32
        %dma_wait3A_231 = tpu.memref_slice %arg13[%dma_wait3A_229, %dma_wait3A_230] : memref<10000x128xf32, #tpu.memory_space<vmem_shared>> -> memref<10000x128xf32, #tpu.memory_space<vmem_shared>>
        tpu.wait_indirect_dma semaphore(%arg19 : memref<!tpu.dma_semaphore, #tpu.memory_space<semaphore_mem>>) src(%arg12 : memref<128x128xf32, #tpu.memory_space<vmem>>) dst(%dma_wait3A_231 : memref<10000x128xf32, #tpu.memory_space<vmem_shared>>)
      } else {
      }
      %mul3A_89 = arith.constant 3 : i32
      %mul3A_90 = arith.muli %mul3A_38, %mul3A_89 : i32
      %add3A_91 = arith.constant 2 : i32
      %add3A_92 = arith.addi %mul3A_90, %add3A_91 : i32
      %lt3A_93 = arith.cmpi slt, %add3A_92, %select_n3A : i32
      %convert_element_type3A_94 = arith.extui %lt3A_93 : i1 to i32
      %cond3A_95 = arith.constant 0 : i32
      %cond3A_96 = arith.cmpi ne, %convert_element_type3A_94, %cond3A_95 : i32
      scf.if %cond3A_96 {
        %dma_start3A = arith.constant 256 : i32
        %dma_start3A_228 = tpu.memref_slice %arg6[%dma_start3A] : memref<384xi32, #tpu.memory_space<vmem>> -> memref<128xi32, #tpu.memory_space<vmem>>
        %dma_start3A_229 = arith.constant 0 : i32
        %dma_start3A_230 = arith.constant 0 : i32
        %dma_start3A_231 = tpu.memref_slice %arg2[%dma_start3A_229, %dma_start3A_230] : memref<10000x128xf32, #tpu.memory_space<hbm>> -> memref<10000x128xf32, #tpu.memory_space<hbm>>
        tpu.enqueue_indirect_dma source(%dma_start3A_231 : memref<10000x128xf32, #tpu.memory_space<hbm>>) target(%arg12 : memref<128x128xf32, #tpu.memory_space<vmem>>) offsets(%dma_start3A_228 : memref<128xi32, #tpu.memory_space<vmem>>) semaphore(%arg16 : memref<!tpu.dma_semaphore, #tpu.memory_space<semaphore_mem>>)
      } else {
      }
      %add3A_97 = arith.constant 1 : i32
      %add3A_98 = arith.addi %mul3A_38, %add3A_97 : i32
      %mul3A_99 = arith.constant 3 : i32
      %mul3A_100 = arith.muli %add3A_98, %mul3A_99 : i32
      %lt3A_101 = arith.cmpi slt, %mul3A_100, %select_n3A : i32
      %convert_element_type3A_102 = arith.extui %lt3A_101 : i1 to i32
      %cond3A_103 = arith.constant 0 : i32
      %cond3A_104 = arith.cmpi ne, %convert_element_type3A_102, %cond3A_103 : i32
      scf.if %cond3A_104 {
        %add3A_228 = arith.constant 1 : i32
        %add3A_229 = arith.addi %mul3A_38, %add3A_228 : i32
        %mul3A_230 = arith.constant 3 : i32
        %mul3A_231 = arith.muli %add3A_229, %mul3A_230 : i32
        %add3A_232 = arith.addi %add3A_16, %mul3A_231 : i32
        %mul3A_233 = arith.constant 128 : i32
        %mul3A_234 = arith.muli %add3A_232, %mul3A_233 : i32
        "tpu.region"() ({
          %run_scoped3A = tpu.sem_alloc : memref<!tpu.dma_semaphore, #tpu.memory_space<semaphore_mem>>
          %dma_start3A = tpu.memref_slice %arg3[%mul3A_234] : memref<320384xi32, #tpu.memory_space<hbm>> -> memref<384xi32, #tpu.memory_space<hbm>>
          %dma_start3A_235 = tpu.memref_slice %arg3[%mul3A_234] : memref<320384xi32, #tpu.memory_space<hbm>> -> memref<384xi32, #tpu.memory_space<hbm>>
          tpu.enqueue_dma source(%dma_start3A_235 : memref<384xi32, #tpu.memory_space<hbm>>) target(%arg7 : memref<384xi32, #tpu.memory_space<vmem>>) target_semaphore(%run_scoped3A : memref<!tpu.dma_semaphore, #tpu.memory_space<semaphore_mem>>)
          %dma_wait3A = tpu.memref_slice %arg3[%mul3A_234] : memref<320384xi32, #tpu.memory_space<hbm>> -> memref<384xi32, #tpu.memory_space<hbm>>
          %dma_wait3A_236 = tpu.memref_slice %arg3[%mul3A_234] : memref<320384xi32, #tpu.memory_space<hbm>> -> memref<384xi32, #tpu.memory_space<hbm>>
          tpu.wait_dma2 semaphore(%run_scoped3A : memref<!tpu.dma_semaphore, #tpu.memory_space<semaphore_mem>>) src(%dma_wait3A_236 : memref<384xi32, #tpu.memory_space<hbm>>) dst(%arg7 : memref<384xi32, #tpu.memory_space<vmem>>)
          tpu.yield
        }) : () -> ()
        "tpu.region"() ({
          %run_scoped3A = tpu.sem_alloc : memref<!tpu.dma_semaphore, #tpu.memory_space<semaphore_mem>>
          %dma_start3A = tpu.memref_slice %arg4[%mul3A_234] : memref<320384xi32, #tpu.memory_space<hbm>> -> memref<384xi32, #tpu.memory_space<hbm>>
          %dma_start3A_235 = tpu.memref_slice %arg4[%mul3A_234] : memref<320384xi32, #tpu.memory_space<hbm>> -> memref<384xi32, #tpu.memory_space<hbm>>
          tpu.enqueue_dma source(%dma_start3A_235 : memref<384xi32, #tpu.memory_space<hbm>>) target(%arg9 : memref<384xi32, #tpu.memory_space<vmem>>) target_semaphore(%run_scoped3A : memref<!tpu.dma_semaphore, #tpu.memory_space<semaphore_mem>>)
          %dma_wait3A = tpu.memref_slice %arg4[%mul3A_234] : memref<320384xi32, #tpu.memory_space<hbm>> -> memref<384xi32, #tpu.memory_space<hbm>>
          %dma_wait3A_236 = tpu.memref_slice %arg4[%mul3A_234] : memref<320384xi32, #tpu.memory_space<hbm>> -> memref<384xi32, #tpu.memory_space<hbm>>
          tpu.wait_dma2 semaphore(%run_scoped3A : memref<!tpu.dma_semaphore, #tpu.memory_space<semaphore_mem>>) src(%dma_wait3A_236 : memref<384xi32, #tpu.memory_space<hbm>>) dst(%arg9 : memref<384xi32, #tpu.memory_space<vmem>>)
          tpu.yield
        }) : () -> ()
      } else {
      }
      %mul3A_105 = arith.constant 3 : i32
      %mul3A_106 = arith.muli %mul3A_38, %mul3A_105 : i32
      %add3A_107 = arith.constant 0 : i32
      %add3A_108 = arith.addi %mul3A_106, %add3A_107 : i32
      %lt3A_109 = arith.cmpi slt, %add3A_108, %select_n3A : i32
      %convert_element_type3A_110 = arith.extui %lt3A_109 : i1 to i32
      %cond3A_111 = arith.constant 0 : i32
      %cond3A_112 = arith.cmpi ne, %convert_element_type3A_110, %cond3A_111 : i32
      scf.if %cond3A_112 {
        %dma_wait3A = arith.constant 0 : i32
        %dma_wait3A_228 = tpu.memref_slice %arg6[%dma_wait3A] : memref<384xi32, #tpu.memory_space<vmem>> -> memref<128xi32, #tpu.memory_space<vmem>>
        %dma_wait3A_229 = arith.constant 0 : i32
        %dma_wait3A_230 = arith.constant 0 : i32
        %dma_wait3A_231 = tpu.memref_slice %arg2[%dma_wait3A_229, %dma_wait3A_230] : memref<10000x128xf32, #tpu.memory_space<hbm>> -> memref<10000x128xf32, #tpu.memory_space<hbm>>
        tpu.wait_indirect_dma semaphore(%arg14 : memref<!tpu.dma_semaphore, #tpu.memory_space<semaphore_mem>>) src(%dma_wait3A_231 : memref<10000x128xf32, #tpu.memory_space<hbm>>) dst(%arg10 : memref<128x128xf32, #tpu.memory_space<vmem>>)
        %dma_start3A = arith.constant 0 : i32
        %dma_start3A_232 = tpu.memref_slice %arg8[%dma_start3A] : memref<384xi32, #tpu.memory_space<vmem>> -> memref<128xi32, #tpu.memory_space<vmem>>
        %dma_start3A_233 = arith.constant 0 : i32
        %dma_start3A_234 = arith.constant 0 : i32
        %dma_start3A_235 = tpu.memref_slice %arg13[%dma_start3A_233, %dma_start3A_234] : memref<10000x128xf32, #tpu.memory_space<vmem_shared>> -> memref<10000x128xf32, #tpu.memory_space<vmem_shared>>
        tpu.enqueue_indirect_dma source(%arg10 : memref<128x128xf32, #tpu.memory_space<vmem>>) target(%dma_start3A_235 : memref<10000x128xf32, #tpu.memory_space<vmem_shared>>) offsets(%dma_start3A_232 : memref<128xi32, #tpu.memory_space<vmem>>) semaphore(%arg17 : memref<!tpu.dma_semaphore, #tpu.memory_space<semaphore_mem>>) {add = true}
      } else {
      }
      %mul3A_113 = arith.constant 3 : i32
      %mul3A_114 = arith.muli %mul3A_38, %mul3A_113 : i32
      %add3A_115 = arith.constant 1 : i32
      %add3A_116 = arith.addi %mul3A_114, %add3A_115 : i32
      %lt3A_117 = arith.cmpi slt, %add3A_116, %select_n3A : i32
      %convert_element_type3A_118 = arith.extui %lt3A_117 : i1 to i32
      %cond3A_119 = arith.constant 0 : i32
      %cond3A_120 = arith.cmpi ne, %convert_element_type3A_118, %cond3A_119 : i32
      scf.if %cond3A_120 {
        %dma_wait3A = arith.constant 128 : i32
        %dma_wait3A_228 = tpu.memref_slice %arg6[%dma_wait3A] : memref<384xi32, #tpu.memory_space<vmem>> -> memref<128xi32, #tpu.memory_space<vmem>>
        %dma_wait3A_229 = arith.constant 0 : i32
        %dma_wait3A_230 = arith.constant 0 : i32
        %dma_wait3A_231 = tpu.memref_slice %arg2[%dma_wait3A_229, %dma_wait3A_230] : memref<10000x128xf32, #tpu.memory_space<hbm>> -> memref<10000x128xf32, #tpu.memory_space<hbm>>
        tpu.wait_indirect_dma semaphore(%arg15 : memref<!tpu.dma_semaphore, #tpu.memory_space<semaphore_mem>>) src(%dma_wait3A_231 : memref<10000x128xf32, #tpu.memory_space<hbm>>) dst(%arg11 : memref<128x128xf32, #tpu.memory_space<vmem>>)
        %dma_start3A = arith.constant 128 : i32
        %dma_start3A_232 = tpu.memref_slice %arg8[%dma_start3A] : memref<384xi32, #tpu.memory_space<vmem>> -> memref<128xi32, #tpu.memory_space<vmem>>
        %dma_start3A_233 = arith.constant 0 : i32
        %dma_start3A_234 = arith.constant 0 : i32
        %dma_start3A_235 = tpu.memref_slice %arg13[%dma_start3A_233, %dma_start3A_234] : memref<10000x128xf32, #tpu.memory_space<vmem_shared>> -> memref<10000x128xf32, #tpu.memory_space<vmem_shared>>
        tpu.enqueue_indirect_dma source(%arg11 : memref<128x128xf32, #tpu.memory_space<vmem>>) target(%dma_start3A_235 : memref<10000x128xf32, #tpu.memory_space<vmem_shared>>) offsets(%dma_start3A_232 : memref<128xi32, #tpu.memory_space<vmem>>) semaphore(%arg18 : memref<!tpu.dma_semaphore, #tpu.memory_space<semaphore_mem>>) {add = true}
      } else {
      }
      %mul3A_121 = arith.constant 3 : i32
      %mul3A_122 = arith.muli %mul3A_38, %mul3A_121 : i32
      %add3A_123 = arith.constant 2 : i32
      %add3A_124 = arith.addi %mul3A_122, %add3A_123 : i32
      %lt3A_125 = arith.cmpi slt, %add3A_124, %select_n3A : i32
      %convert_element_type3A_126 = arith.extui %lt3A_125 : i1 to i32
      %cond3A_127 = arith.constant 0 : i32
      %cond3A_128 = arith.cmpi ne, %convert_element_type3A_126, %cond3A_127 : i32
      scf.if %cond3A_128 {
        %dma_wait3A = arith.constant 256 : i32
        %dma_wait3A_228 = tpu.memref_slice %arg6[%dma_wait3A] : memref<384xi32, #tpu.memory_space<vmem>> -> memref<128xi32, #tpu.memory_space<vmem>>
        %dma_wait3A_229 = arith.constant 0 : i32
        %dma_wait3A_230 = arith.constant 0 : i32
        %dma_wait3A_231 = tpu.memref_slice %arg2[%dma_wait3A_229, %dma_wait3A_230] : memref<10000x128xf32, #tpu.memory_space<hbm>> -> memref<10000x128xf32, #tpu.memory_space<hbm>>
        tpu.wait_indirect_dma semaphore(%arg16 : memref<!tpu.dma_semaphore, #tpu.memory_space<semaphore_mem>>) src(%dma_wait3A_231 : memref<10000x128xf32, #tpu.memory_space<hbm>>) dst(%arg12 : memref<128x128xf32, #tpu.memory_space<vmem>>)
        %dma_start3A = arith.constant 256 : i32
        %dma_start3A_232 = tpu.memref_slice %arg8[%dma_start3A] : memref<384xi32, #tpu.memory_space<vmem>> -> memref<128xi32, #tpu.memory_space<vmem>>
        %dma_start3A_233 = arith.constant 0 : i32
        %dma_start3A_234 = arith.constant 0 : i32
        %dma_start3A_235 = tpu.memref_slice %arg13[%dma_start3A_233, %dma_start3A_234] : memref<10000x128xf32, #tpu.memory_space<vmem_shared>> -> memref<10000x128xf32, #tpu.memory_space<vmem_shared>>
        tpu.enqueue_indirect_dma source(%arg12 : memref<128x128xf32, #tpu.memory_space<vmem>>) target(%dma_start3A_235 : memref<10000x128xf32, #tpu.memory_space<vmem_shared>>) offsets(%dma_start3A_232 : memref<128xi32, #tpu.memory_space<vmem>>) semaphore(%arg19 : memref<!tpu.dma_semaphore, #tpu.memory_space<semaphore_mem>>) {add = true}
      } else {
      }
      %mul3A_129 = arith.constant 2 : i32
      %mul3A_130 = arith.muli %mul3A_129, %scan3A_36 : i32
      %add3A_131 = arith.constant 1 : i32
      %add3A_132 = arith.addi %mul3A_130, %add3A_131 : i32
      %ge3A_133 = arith.constant 1 : i32
      %ge3A_134 = arith.cmpi sge, %add3A_132, %ge3A_133 : i32
      %sub3A_135 = arith.constant 1 : i32
      %sub3A_136 = arith.subi %add3A_132, %sub3A_135 : i32
      %mul3A_137 = arith.constant 3 : i32
      %mul3A_138 = arith.muli %sub3A_136, %mul3A_137 : i32
      %add3A_139 = arith.constant 0 : i32
      %add3A_140 = arith.addi %mul3A_138, %add3A_139 : i32
      %lt3A_141 = arith.cmpi slt, %add3A_140, %select_n3A : i32
      %and3A_142 = arith.andi %ge3A_134, %lt3A_141 : i1
      %convert_element_type3A_143 = arith.extui %and3A_142 : i1 to i32
      %cond3A_144 = arith.constant 0 : i32
      %cond3A_145 = arith.cmpi ne, %convert_element_type3A_143, %cond3A_144 : i32
      scf.if %cond3A_145 {
        %dma_wait3A = arith.constant 0 : i32
        %dma_wait3A_228 = tpu.memref_slice %arg8[%dma_wait3A] : memref<384xi32, #tpu.memory_space<vmem>> -> memref<128xi32, #tpu.memory_space<vmem>>
        %dma_wait3A_229 = arith.constant 0 : i32
        %dma_wait3A_230 = arith.constant 0 : i32
        %dma_wait3A_231 = tpu.memref_slice %arg13[%dma_wait3A_229, %dma_wait3A_230] : memref<10000x128xf32, #tpu.memory_space<vmem_shared>> -> memref<10000x128xf32, #tpu.memory_space<vmem_shared>>
        tpu.wait_indirect_dma semaphore(%arg17 : memref<!tpu.dma_semaphore, #tpu.memory_space<semaphore_mem>>) src(%arg10 : memref<128x128xf32, #tpu.memory_space<vmem>>) dst(%dma_wait3A_231 : memref<10000x128xf32, #tpu.memory_space<vmem_shared>>)
      } else {
      }
      %mul3A_146 = arith.constant 3 : i32
      %mul3A_147 = arith.muli %add3A_132, %mul3A_146 : i32
      %add3A_148 = arith.constant 0 : i32
      %add3A_149 = arith.addi %mul3A_147, %add3A_148 : i32
      %lt3A_150 = arith.cmpi slt, %add3A_149, %select_n3A : i32
      %convert_element_type3A_151 = arith.extui %lt3A_150 : i1 to i32
      %cond3A_152 = arith.constant 0 : i32
      %cond3A_153 = arith.cmpi ne, %convert_element_type3A_151, %cond3A_152 : i32
      scf.if %cond3A_153 {
        %dma_start3A = arith.constant 0 : i32
        %dma_start3A_228 = tpu.memref_slice %arg7[%dma_start3A] : memref<384xi32, #tpu.memory_space<vmem>> -> memref<128xi32, #tpu.memory_space<vmem>>
        %dma_start3A_229 = arith.constant 0 : i32
        %dma_start3A_230 = arith.constant 0 : i32
        %dma_start3A_231 = tpu.memref_slice %arg2[%dma_start3A_229, %dma_start3A_230] : memref<10000x128xf32, #tpu.memory_space<hbm>> -> memref<10000x128xf32, #tpu.memory_space<hbm>>
        tpu.enqueue_indirect_dma source(%dma_start3A_231 : memref<10000x128xf32, #tpu.memory_space<hbm>>) target(%arg10 : memref<128x128xf32, #tpu.memory_space<vmem>>) offsets(%dma_start3A_228 : memref<128xi32, #tpu.memory_space<vmem>>) semaphore(%arg14 : memref<!tpu.dma_semaphore, #tpu.memory_space<semaphore_mem>>)
      } else {
      }
      %ge3A_154 = arith.constant 1 : i32
      %ge3A_155 = arith.cmpi sge, %add3A_132, %ge3A_154 : i32
      %sub3A_156 = arith.constant 1 : i32
      %sub3A_157 = arith.subi %add3A_132, %sub3A_156 : i32
      %mul3A_158 = arith.constant 3 : i32
      %mul3A_159 = arith.muli %sub3A_157, %mul3A_158 : i32
      %add3A_160 = arith.constant 1 : i32
      %add3A_161 = arith.addi %mul3A_159, %add3A_160 : i32
      %lt3A_162 = arith.cmpi slt, %add3A_161, %select_n3A : i32
      %and3A_163 = arith.andi %ge3A_155, %lt3A_162 : i1
      %convert_element_type3A_164 = arith.extui %and3A_163 : i1 to i32
      %cond3A_165 = arith.constant 0 : i32
      %cond3A_166 = arith.cmpi ne, %convert_element_type3A_164, %cond3A_165 : i32
      scf.if %cond3A_166 {
        %dma_wait3A = arith.constant 128 : i32
        %dma_wait3A_228 = tpu.memref_slice %arg8[%dma_wait3A] : memref<384xi32, #tpu.memory_space<vmem>> -> memref<128xi32, #tpu.memory_space<vmem>>
        %dma_wait3A_229 = arith.constant 0 : i32
        %dma_wait3A_230 = arith.constant 0 : i32
        %dma_wait3A_231 = tpu.memref_slice %arg13[%dma_wait3A_229, %dma_wait3A_230] : memref<10000x128xf32, #tpu.memory_space<vmem_shared>> -> memref<10000x128xf32, #tpu.memory_space<vmem_shared>>
        tpu.wait_indirect_dma semaphore(%arg18 : memref<!tpu.dma_semaphore, #tpu.memory_space<semaphore_mem>>) src(%arg11 : memref<128x128xf32, #tpu.memory_space<vmem>>) dst(%dma_wait3A_231 : memref<10000x128xf32, #tpu.memory_space<vmem_shared>>)
      } else {
      }
      %mul3A_167 = arith.constant 3 : i32
      %mul3A_168 = arith.muli %add3A_132, %mul3A_167 : i32
      %add3A_169 = arith.constant 1 : i32
      %add3A_170 = arith.addi %mul3A_168, %add3A_169 : i32
      %lt3A_171 = arith.cmpi slt, %add3A_170, %select_n3A : i32
      %convert_element_type3A_172 = arith.extui %lt3A_171 : i1 to i32
      %cond3A_173 = arith.constant 0 : i32
      %cond3A_174 = arith.cmpi ne, %convert_element_type3A_172, %cond3A_173 : i32
      scf.if %cond3A_174 {
        %dma_start3A = arith.constant 128 : i32
        %dma_start3A_228 = tpu.memref_slice %arg7[%dma_start3A] : memref<384xi32, #tpu.memory_space<vmem>> -> memref<128xi32, #tpu.memory_space<vmem>>
        %dma_start3A_229 = arith.constant 0 : i32
        %dma_start3A_230 = arith.constant 0 : i32
        %dma_start3A_231 = tpu.memref_slice %arg2[%dma_start3A_229, %dma_start3A_230] : memref<10000x128xf32, #tpu.memory_space<hbm>> -> memref<10000x128xf32, #tpu.memory_space<hbm>>
        tpu.enqueue_indirect_dma source(%dma_start3A_231 : memref<10000x128xf32, #tpu.memory_space<hbm>>) target(%arg11 : memref<128x128xf32, #tpu.memory_space<vmem>>) offsets(%dma_start3A_228 : memref<128xi32, #tpu.memory_space<vmem>>) semaphore(%arg15 : memref<!tpu.dma_semaphore, #tpu.memory_space<semaphore_mem>>)
      } else {
      }
      %ge3A_175 = arith.constant 1 : i32
      %ge3A_176 = arith.cmpi sge, %add3A_132, %ge3A_175 : i32
      %sub3A_177 = arith.constant 1 : i32
      %sub3A_178 = arith.subi %add3A_132, %sub3A_177 : i32
      %mul3A_179 = arith.constant 3 : i32
      %mul3A_180 = arith.muli %sub3A_178, %mul3A_179 : i32
      %add3A_181 = arith.constant 2 : i32
      %add3A_182 = arith.addi %mul3A_180, %add3A_181 : i32
      %lt3A_183 = arith.cmpi slt, %add3A_182, %select_n3A : i32
      %and3A_184 = arith.andi %ge3A_176, %lt3A_183 : i1
      %convert_element_type3A_185 = arith.extui %and3A_184 : i1 to i32
      %cond3A_186 = arith.constant 0 : i32
      %cond3A_187 = arith.cmpi ne, %convert_element_type3A_185, %cond3A_186 : i32
      scf.if %cond3A_187 {
        %dma_wait3A = arith.constant 256 : i32
        %dma_wait3A_228 = tpu.memref_slice %arg8[%dma_wait3A] : memref<384xi32, #tpu.memory_space<vmem>> -> memref<128xi32, #tpu.memory_space<vmem>>
        %dma_wait3A_229 = arith.constant 0 : i32
        %dma_wait3A_230 = arith.constant 0 : i32
        %dma_wait3A_231 = tpu.memref_slice %arg13[%dma_wait3A_229, %dma_wait3A_230] : memref<10000x128xf32, #tpu.memory_space<vmem_shared>> -> memref<10000x128xf32, #tpu.memory_space<vmem_shared>>
        tpu.wait_indirect_dma semaphore(%arg19 : memref<!tpu.dma_semaphore, #tpu.memory_space<semaphore_mem>>) src(%arg12 : memref<128x128xf32, #tpu.memory_space<vmem>>) dst(%dma_wait3A_231 : memref<10000x128xf32, #tpu.memory_space<vmem_shared>>)
      } else {
      }
      %mul3A_188 = arith.constant 3 : i32
      %mul3A_189 = arith.muli %add3A_132, %mul3A_188 : i32
      %add3A_190 = arith.constant 2 : i32
      %add3A_191 = arith.addi %mul3A_189, %add3A_190 : i32
      %lt3A_192 = arith.cmpi slt, %add3A_191, %select_n3A : i32
      %convert_element_type3A_193 = arith.extui %lt3A_192 : i1 to i32
      %cond3A_194 = arith.constant 0 : i32
      %cond3A_195 = arith.cmpi ne, %convert_element_type3A_193, %cond3A_194 : i32
      scf.if %cond3A_195 {
        %dma_start3A = arith.constant 256 : i32
        %dma_start3A_228 = tpu.memref_slice %arg7[%dma_start3A] : memref<384xi32, #tpu.memory_space<vmem>> -> memref<128xi32, #tpu.memory_space<vmem>>
        %dma_start3A_229 = arith.constant 0 : i32
        %dma_start3A_230 = arith.constant 0 : i32
        %dma_start3A_231 = tpu.memref_slice %arg2[%dma_start3A_229, %dma_start3A_230] : memref<10000x128xf32, #tpu.memory_space<hbm>> -> memref<10000x128xf32, #tpu.memory_space<hbm>>
        tpu.enqueue_indirect_dma source(%dma_start3A_231 : memref<10000x128xf32, #tpu.memory_space<hbm>>) target(%arg12 : memref<128x128xf32, #tpu.memory_space<vmem>>) offsets(%dma_start3A_228 : memref<128xi32, #tpu.memory_space<vmem>>) semaphore(%arg16 : memref<!tpu.dma_semaphore, #tpu.memory_space<semaphore_mem>>)
      } else {
      }
      %add3A_196 = arith.constant 1 : i32
      %add3A_197 = arith.addi %add3A_132, %add3A_196 : i32
      %mul3A_198 = arith.constant 3 : i32
      %mul3A_199 = arith.muli %add3A_197, %mul3A_198 : i32
      %lt3A_200 = arith.cmpi slt, %mul3A_199, %select_n3A : i32
      %convert_element_type3A_201 = arith.extui %lt3A_200 : i1 to i32
      %cond3A_202 = arith.constant 0 : i32
      %cond3A_203 = arith.cmpi ne, %convert_element_type3A_201, %cond3A_202 : i32
      scf.if %cond3A_203 {
        %add3A_228 = arith.constant 1 : i32
        %add3A_229 = arith.addi %add3A_132, %add3A_228 : i32
        %mul3A_230 = arith.constant 3 : i32
        %mul3A_231 = arith.muli %add3A_229, %mul3A_230 : i32
        %add3A_232 = arith.addi %add3A_16, %mul3A_231 : i32
        %mul3A_233 = arith.constant 128 : i32
        %mul3A_234 = arith.muli %add3A_232, %mul3A_233 : i32
        "tpu.region"() ({
          %run_scoped3A = tpu.sem_alloc : memref<!tpu.dma_semaphore, #tpu.memory_space<semaphore_mem>>
          %dma_start3A = tpu.memref_slice %arg3[%mul3A_234] : memref<320384xi32, #tpu.memory_space<hbm>> -> memref<384xi32, #tpu.memory_space<hbm>>
          %dma_start3A_235 = tpu.memref_slice %arg3[%mul3A_234] : memref<320384xi32, #tpu.memory_space<hbm>> -> memref<384xi32, #tpu.memory_space<hbm>>
          tpu.enqueue_dma source(%dma_start3A_235 : memref<384xi32, #tpu.memory_space<hbm>>) target(%arg6 : memref<384xi32, #tpu.memory_space<vmem>>) target_semaphore(%run_scoped3A : memref<!tpu.dma_semaphore, #tpu.memory_space<semaphore_mem>>)
          %dma_wait3A = tpu.memref_slice %arg3[%mul3A_234] : memref<320384xi32, #tpu.memory_space<hbm>> -> memref<384xi32, #tpu.memory_space<hbm>>
          %dma_wait3A_236 = tpu.memref_slice %arg3[%mul3A_234] : memref<320384xi32, #tpu.memory_space<hbm>> -> memref<384xi32, #tpu.memory_space<hbm>>
          tpu.wait_dma2 semaphore(%run_scoped3A : memref<!tpu.dma_semaphore, #tpu.memory_space<semaphore_mem>>) src(%dma_wait3A_236 : memref<384xi32, #tpu.memory_space<hbm>>) dst(%arg6 : memref<384xi32, #tpu.memory_space<vmem>>)
          tpu.yield
        }) : () -> ()
        "tpu.region"() ({
          %run_scoped3A = tpu.sem_alloc : memref<!tpu.dma_semaphore, #tpu.memory_space<semaphore_mem>>
          %dma_start3A = tpu.memref_slice %arg4[%mul3A_234] : memref<320384xi32, #tpu.memory_space<hbm>> -> memref<384xi32, #tpu.memory_space<hbm>>
          %dma_start3A_235 = tpu.memref_slice %arg4[%mul3A_234] : memref<320384xi32, #tpu.memory_space<hbm>> -> memref<384xi32, #tpu.memory_space<hbm>>
          tpu.enqueue_dma source(%dma_start3A_235 : memref<384xi32, #tpu.memory_space<hbm>>) target(%arg8 : memref<384xi32, #tpu.memory_space<vmem>>) target_semaphore(%run_scoped3A : memref<!tpu.dma_semaphore, #tpu.memory_space<semaphore_mem>>)
          %dma_wait3A = tpu.memref_slice %arg4[%mul3A_234] : memref<320384xi32, #tpu.memory_space<hbm>> -> memref<384xi32, #tpu.memory_space<hbm>>
          %dma_wait3A_236 = tpu.memref_slice %arg4[%mul3A_234] : memref<320384xi32, #tpu.memory_space<hbm>> -> memref<384xi32, #tpu.memory_space<hbm>>
          tpu.wait_dma2 semaphore(%run_scoped3A : memref<!tpu.dma_semaphore, #tpu.memory_space<semaphore_mem>>) src(%dma_wait3A_236 : memref<384xi32, #tpu.memory_space<hbm>>) dst(%arg8 : memref<384xi32, #tpu.memory_space<vmem>>)
          tpu.yield
        }) : () -> ()
      } else {
      }
      %mul3A_204 = arith.constant 3 : i32
      %mul3A_205 = arith.muli %add3A_132, %mul3A_204 : i32
      %add3A_206 = arith.constant 0 : i32
      %add3A_207 = arith.addi %mul3A_205, %add3A_206 : i32
      %lt3A_208 = arith.cmpi slt, %add3A_207, %select_n3A : i32
      %convert_element_type3A_209 = arith.extui %lt3A_208 : i1 to i32
      %cond3A_210 = arith.constant 0 : i32
      %cond3A_211 = arith.cmpi ne, %convert_element_type3A_209, %cond3A_210 : i32
      scf.if %cond3A_211 {
        %dma_wait3A = arith.constant 0 : i32
        %dma_wait3A_228 = tpu.memref_slice %arg7[%dma_wait3A] : memref<384xi32, #tpu.memory_space<vmem>> -> memref<128xi32, #tpu.memory_space<vmem>>
        %dma_wait3A_229 = arith.constant 0 : i32
        %dma_wait3A_230 = arith.constant 0 : i32
        %dma_wait3A_231 = tpu.memref_slice %arg2[%dma_wait3A_229, %dma_wait3A_230] : memref<10000x128xf32, #tpu.memory_space<hbm>> -> memref<10000x128xf32, #tpu.memory_space<hbm>>
        tpu.wait_indirect_dma semaphore(%arg14 : memref<!tpu.dma_semaphore, #tpu.memory_space<semaphore_mem>>) src(%dma_wait3A_231 : memref<10000x128xf32, #tpu.memory_space<hbm>>) dst(%arg10 : memref<128x128xf32, #tpu.memory_space<vmem>>)
        %dma_start3A = arith.constant 0 : i32
        %dma_start3A_232 = tpu.memref_slice %arg9[%dma_start3A] : memref<384xi32, #tpu.memory_space<vmem>> -> memref<128xi32, #tpu.memory_space<vmem>>
        %dma_start3A_233 = arith.constant 0 : i32
        %dma_start3A_234 = arith.constant 0 : i32
        %dma_start3A_235 = tpu.memref_slice %arg13[%dma_start3A_233, %dma_start3A_234] : memref<10000x128xf32, #tpu.memory_space<vmem_shared>> -> memref<10000x128xf32, #tpu.memory_space<vmem_shared>>
        tpu.enqueue_indirect_dma source(%arg10 : memref<128x128xf32, #tpu.memory_space<vmem>>) target(%dma_start3A_235 : memref<10000x128xf32, #tpu.memory_space<vmem_shared>>) offsets(%dma_start3A_232 : memref<128xi32, #tpu.memory_space<vmem>>) semaphore(%arg17 : memref<!tpu.dma_semaphore, #tpu.memory_space<semaphore_mem>>) {add = true}
      } else {
      }
      %mul3A_212 = arith.constant 3 : i32
      %mul3A_213 = arith.muli %add3A_132, %mul3A_212 : i32
      %add3A_214 = arith.constant 1 : i32
      %add3A_215 = arith.addi %mul3A_213, %add3A_214 : i32
      %lt3A_216 = arith.cmpi slt, %add3A_215, %select_n3A : i32
      %convert_element_type3A_217 = arith.extui %lt3A_216 : i1 to i32
      %cond3A_218 = arith.constant 0 : i32
      %cond3A_219 = arith.cmpi ne, %convert_element_type3A_217, %cond3A_218 : i32
      scf.if %cond3A_219 {
        %dma_wait3A = arith.constant 128 : i32
        %dma_wait3A_228 = tpu.memref_slice %arg7[%dma_wait3A] : memref<384xi32, #tpu.memory_space<vmem>> -> memref<128xi32, #tpu.memory_space<vmem>>
        %dma_wait3A_229 = arith.constant 0 : i32
        %dma_wait3A_230 = arith.constant 0 : i32
        %dma_wait3A_231 = tpu.memref_slice %arg2[%dma_wait3A_229, %dma_wait3A_230] : memref<10000x128xf32, #tpu.memory_space<hbm>> -> memref<10000x128xf32, #tpu.memory_space<hbm>>
        tpu.wait_indirect_dma semaphore(%arg15 : memref<!tpu.dma_semaphore, #tpu.memory_space<semaphore_mem>>) src(%dma_wait3A_231 : memref<10000x128xf32, #tpu.memory_space<hbm>>) dst(%arg11 : memref<128x128xf32, #tpu.memory_space<vmem>>)
        %dma_start3A = arith.constant 128 : i32
        %dma_start3A_232 = tpu.memref_slice %arg9[%dma_start3A] : memref<384xi32, #tpu.memory_space<vmem>> -> memref<128xi32, #tpu.memory_space<vmem>>
        %dma_start3A_233 = arith.constant 0 : i32
        %dma_start3A_234 = arith.constant 0 : i32
        %dma_start3A_235 = tpu.memref_slice %arg13[%dma_start3A_233, %dma_start3A_234] : memref<10000x128xf32, #tpu.memory_space<vmem_shared>> -> memref<10000x128xf32, #tpu.memory_space<vmem_shared>>
        tpu.enqueue_indirect_dma source(%arg11 : memref<128x128xf32, #tpu.memory_space<vmem>>) target(%dma_start3A_235 : memref<10000x128xf32, #tpu.memory_space<vmem_shared>>) offsets(%dma_start3A_232 : memref<128xi32, #tpu.memory_space<vmem>>) semaphore(%arg18 : memref<!tpu.dma_semaphore, #tpu.memory_space<semaphore_mem>>) {add = true}
      } else {
      }
      %mul3A_220 = arith.constant 3 : i32
      %mul3A_221 = arith.muli %add3A_132, %mul3A_220 : i32
      %add3A_222 = arith.constant 2 : i32
      %add3A_223 = arith.addi %mul3A_221, %add3A_222 : i32
      %lt3A_224 = arith.cmpi slt, %add3A_223, %select_n3A : i32
      %convert_element_type3A_225 = arith.extui %lt3A_224 : i1 to i32
      %cond3A_226 = arith.constant 0 : i32
      %cond3A_227 = arith.cmpi ne, %convert_element_type3A_225, %cond3A_226 : i32
      scf.if %cond3A_227 {
        %dma_wait3A = arith.constant 256 : i32
        %dma_wait3A_228 = tpu.memref_slice %arg7[%dma_wait3A] : memref<384xi32, #tpu.memory_space<vmem>> -> memref<128xi32, #tpu.memory_space<vmem>>
        %dma_wait3A_229 = arith.constant 0 : i32
        %dma_wait3A_230 = arith.constant 0 : i32
        %dma_wait3A_231 = tpu.memref_slice %arg2[%dma_wait3A_229, %dma_wait3A_230] : memref<10000x128xf32, #tpu.memory_space<hbm>> -> memref<10000x128xf32, #tpu.memory_space<hbm>>
        tpu.wait_indirect_dma semaphore(%arg16 : memref<!tpu.dma_semaphore, #tpu.memory_space<semaphore_mem>>) src(%dma_wait3A_231 : memref<10000x128xf32, #tpu.memory_space<hbm>>) dst(%arg12 : memref<128x128xf32, #tpu.memory_space<vmem>>)
        %dma_start3A = arith.constant 256 : i32
        %dma_start3A_232 = tpu.memref_slice %arg9[%dma_start3A] : memref<384xi32, #tpu.memory_space<vmem>> -> memref<128xi32, #tpu.memory_space<vmem>>
        %dma_start3A_233 = arith.constant 0 : i32
        %dma_start3A_234 = arith.constant 0 : i32
        %dma_start3A_235 = tpu.memref_slice %arg13[%dma_start3A_233, %dma_start3A_234] : memref<10000x128xf32, #tpu.memory_space<vmem_shared>> -> memref<10000x128xf32, #tpu.memory_space<vmem_shared>>
        tpu.enqueue_indirect_dma source(%arg12 : memref<128x128xf32, #tpu.memory_space<vmem>>) target(%dma_start3A_235 : memref<10000x128xf32, #tpu.memory_space<vmem_shared>>) offsets(%dma_start3A_232 : memref<128xi32, #tpu.memory_space<vmem>>) semaphore(%arg19 : memref<!tpu.dma_semaphore, #tpu.memory_space<semaphore_mem>>) {add = true}
      } else {
      }
    }
    %scan3A_28 = arith.constant 14 : i32
    %barrier3A_29 = arith.constant 0 : index
    tpu.barrier barrier_id(%barrier3A_29)
    %scan3A_30 = arith.constant 0 : i32
    %scan3A_31 = arith.constant 0 : i32
    %scan3A_32 = arith.constant 2 : i32
    %scan3A_33 = arith.addi %scan3A_31, %scan3A_32 : i32
    %scan3A_34 = arith.constant 1 : i32
    scf.for %scan3A_36 = %scan3A_31 to %scan3A_33 step %scan3A_34  : i32 {
      %mul3A_37 = arith.constant 16 : i32
      %mul3A_38 = arith.muli %scan3A_36, %mul3A_37 : i32
      %add3A_39 = arith.addi %arg1, %mul3A_38 : i32
      %lt3A_40 = arith.constant 25 : i32
      %lt3A_41 = arith.cmpi slt, %add3A_39, %lt3A_40 : i32
      %convert_element_type3A = arith.extui %lt3A_41 : i1 to i32
      %cond3A = arith.constant 0 : i32
      %cond3A_42 = arith.cmpi ne, %convert_element_type3A, %cond3A : i32
      scf.if %cond3A_42 {
        %mul3A_43 = arith.constant 400 : i32
        %mul3A_44 = arith.muli %add3A_39, %mul3A_43 : i32
        "tpu.region"() ({
          %run_scoped3A = tpu.sem_alloc : memref<!tpu.dma_semaphore, #tpu.memory_space<semaphore_mem>>
          %dma_start3A = arith.constant 0 : i32
          %dma_start3A_45 = tpu.memref_slice %arg5[%arg0, %mul3A_44, %dma_start3A] : memref<2x10000x128xf32, #tpu.memory_space<hbm>> -> memref<1x400x128xf32, #tpu.memory_space<hbm>>
          %dma_start3A_46 = tpu.memref_squeeze %dma_start3A_45 : memref<1x400x128xf32, #tpu.memory_space<hbm>> -> memref<400x128xf32, #tpu.memory_space<hbm>>
          %dma_start3A_47 = arith.constant 0 : i32
          %dma_start3A_48 = tpu.memref_slice %arg13[%mul3A_44, %dma_start3A_47] : memref<10000x128xf32, #tpu.memory_space<vmem_shared>> -> memref<400x128xf32, #tpu.memory_space<vmem_shared>>
          tpu.enqueue_dma source(%dma_start3A_48 : memref<400x128xf32, #tpu.memory_space<vmem_shared>>) target(%dma_start3A_46 : memref<400x128xf32, #tpu.memory_space<hbm>>) target_semaphore(%run_scoped3A : memref<!tpu.dma_semaphore, #tpu.memory_space<semaphore_mem>>)
          %dma_wait3A = arith.constant 0 : i32
          %dma_wait3A_49 = tpu.memref_slice %arg5[%arg0, %mul3A_44, %dma_wait3A] : memref<2x10000x128xf32, #tpu.memory_space<hbm>> -> memref<1x400x128xf32, #tpu.memory_space<hbm>>
          %dma_wait3A_50 = tpu.memref_squeeze %dma_wait3A_49 : memref<1x400x128xf32, #tpu.memory_space<hbm>> -> memref<400x128xf32, #tpu.memory_space<hbm>>
          %dma_wait3A_51 = arith.constant 0 : i32
          %dma_wait3A_52 = tpu.memref_slice %arg13[%mul3A_44, %dma_wait3A_51] : memref<10000x128xf32, #tpu.memory_space<vmem_shared>> -> memref<400x128xf32, #tpu.memory_space<vmem_shared>>
          tpu.wait_dma2 semaphore(%run_scoped3A : memref<!tpu.dma_semaphore, #tpu.memory_space<semaphore_mem>>) src(%dma_wait3A_52 : memref<400x128xf32, #tpu.memory_space<vmem_shared>>) dst(%dma_wait3A_50 : memref<400x128xf32, #tpu.memory_space<hbm>>)
          tpu.yield
        }) : () -> ()
      } else {
      }
    }
    %scan3A_35 = arith.constant 2 : i32
    return
  }
}

#map = affine_map<(d0, d1) -> (0, 0)>
#map1 = affine_map<(d0, d1) -> (0)>
#map2 = affine_map<(d0, d1) -> (0, 0, 0)>
module attributes {stable_mosaic.version = 14 : i64} {
  func.func @_sc_aggregate(%arg0: i32, %arg1: i32, %arg2: memref<10000x128xf32, #tpu.memory_space<hbm>>, %arg3: memref<320384xi32, #tpu.memory_space<hbm>>, %arg4: memref<320384xi32, #tpu.memory_space<hbm>>, %arg5: memref<2x10000x128xf32, #tpu.memory_space<hbm>>, %arg6: memref<384xi32, #tpu.memory_space<vmem>>, %arg7: memref<384xi32, #tpu.memory_space<vmem>>, %arg8: memref<384xi32, #tpu.memory_space<vmem>>, %arg9: memref<384xi32, #tpu.memory_space<vmem>>, %arg10: memref<128x128xf32, #tpu.memory_space<vmem>>, %arg11: memref<128x128xf32, #tpu.memory_space<vmem>>, %arg12: memref<128x128xf32, #tpu.memory_space<vmem>>, %arg13: memref<10000x128xf32, #tpu.memory_space<vmem_shared>>, %arg14: memref<!tpu.dma_semaphore, #tpu.memory_space<semaphore_mem>>, %arg15: memref<!tpu.dma_semaphore, #tpu.memory_space<semaphore_mem>>, %arg16: memref<!tpu.dma_semaphore, #tpu.memory_space<semaphore_mem>>, %arg17: memref<!tpu.dma_semaphore, #tpu.memory_space<semaphore_mem>>, %arg18: memref<!tpu.dma_semaphore, #tpu.memory_space<semaphore_mem>>, %arg19: memref<!tpu.dma_semaphore, #tpu.memory_space<semaphore_mem>>) attributes {dimension_semantics = [#tpu.dimension_semantics<core_parallel>, #tpu.dimension_semantics<subcore_parallel>], iteration_bounds = array<i64: 2, 16>, scalar_prefetch = 0 : i64, scratch_operands = 14 : i64, tpu.core_type = #tpu.core_type<sc_vector_subcore>, window_params = [{transform_indices = #map}, {transform_indices = #map1}, {transform_indices = #map1}, {transform_indices = #map2}]} {
    %mul3A = arith.constant 2 : i32
    %mul3A_0 = arith.muli %arg1, %mul3A : i32
    %add3A = arith.addi %mul3A_0, %arg0 : i32
    %broadcast_in_dim3A = arith.constant 0.000000e+00 : f32
    %broadcast_in_dim3A_1 = vector.broadcast %broadcast_in_dim3A : f32 to vector<16xf32>
    %scan3A = arith.constant 0 : i32
    %scan3A_2 = arith.constant 0 : i32
    %scan3A_3 = arith.constant 128 : i32
    %scan3A_4 = arith.addi %scan3A_2, %scan3A_3 : i32
    %scan3A_5 = arith.constant 1 : i32
    scf.for %scan3A_36 = %scan3A_2 to %scan3A_4 step %scan3A_5  : i32 {
      %swap3A = arith.index_cast %scan3A_36 : i32 to index
      %swap3A_37 = arith.constant 0 : index
      %swap3A_38 = tpu.vector_load %arg10[%swap3A, %swap3A_37] {strides = array<i32>} : memref<128x128xf32, #tpu.memory_space<vmem>>, vector<1x16xf32>,
      %swap3A_39 = vector.shape_cast %swap3A_38 : vector<1x16xf32> to vector<16xf32>
      %swap3A_40 = vector.shape_cast %broadcast_in_dim3A_1 : vector<16xf32> to vector<1x16xf32>
      tpu.vector_store %arg10[%swap3A, %swap3A_37], %swap3A_40 {strides = array<i32>} : memref<128x128xf32, #tpu.memory_space<vmem>>, vector<1x16xf32>,
      %swap3A_41 = arith.index_cast %scan3A_36 : i32 to index
      %swap3A_42 = arith.constant 16 : index
      %swap3A_43 = tpu.vector_load %arg10[%swap3A_41, %swap3A_42] {strides = array<i32>} : memref<128x128xf32, #tpu.memory_space<vmem>>, vector<1x16xf32>,
      %swap3A_44 = vector.shape_cast %swap3A_43 : vector<1x16xf32> to vector<16xf32>
      %swap3A_45 = vector.shape_cast %broadcast_in_dim3A_1 : vector<16xf32> to vector<1x16xf32>
      tpu.vector_store %arg10[%swap3A_41, %swap3A_42], %swap3A_45 {strides = array<i32>} : memref<128x128xf32, #tpu.memory_space<vmem>>, vector<1x16xf32>,
      %swap3A_46 = arith.index_cast %scan3A_36 : i32 to index
      %swap3A_47 = arith.constant 32 : index
      %swap3A_48 = tpu.vector_load %arg10[%swap3A_46, %swap3A_47] {strides = array<i32>} : memref<128x128xf32, #tpu.memory_space<vmem>>, vector<1x16xf32>,
      %swap3A_49 = vector.shape_cast %swap3A_48 : vector<1x16xf32> to vector<16xf32>
      %swap3A_50 = vector.shape_cast %broadcast_in_dim3A_1 : vector<16xf32> to vector<1x16xf32>
      tpu.vector_store %arg10[%swap3A_46, %swap3A_47], %swap3A_50 {strides = array<i32>} : memref<128x128xf32, #tpu.memory_space<vmem>>, vector<1x16xf32>,
      %swap3A_51 = arith.index_cast %scan3A_36 : i32 to index
      %swap3A_52 = arith.constant 48 : index
      %swap3A_53 = tpu.vector_load %arg10[%swap3A_51, %swap3A_52] {strides = array<i32>} : memref<128x128xf32, #tpu.memory_space<vmem>>, vector<1x16xf32>,
      %swap3A_54 = vector.shape_cast %swap3A_53 : vector<1x16xf32> to vector<16xf32>
      %swap3A_55 = vector.shape_cast %broadcast_in_dim3A_1 : vector<16xf32> to vector<1x16xf32>
      tpu.vector_store %arg10[%swap3A_51, %swap3A_52], %swap3A_55 {strides = array<i32>} : memref<128x128xf32, #tpu.memory_space<vmem>>, vector<1x16xf32>,
      %swap3A_56 = arith.index_cast %scan3A_36 : i32 to index
      %swap3A_57 = arith.constant 64 : index
      %swap3A_58 = tpu.vector_load %arg10[%swap3A_56, %swap3A_57] {strides = array<i32>} : memref<128x128xf32, #tpu.memory_space<vmem>>, vector<1x16xf32>,
      %swap3A_59 = vector.shape_cast %swap3A_58 : vector<1x16xf32> to vector<16xf32>
      %swap3A_60 = vector.shape_cast %broadcast_in_dim3A_1 : vector<16xf32> to vector<1x16xf32>
      tpu.vector_store %arg10[%swap3A_56, %swap3A_57], %swap3A_60 {strides = array<i32>} : memref<128x128xf32, #tpu.memory_space<vmem>>, vector<1x16xf32>,
      %swap3A_61 = arith.index_cast %scan3A_36 : i32 to index
      %swap3A_62 = arith.constant 80 : index
      %swap3A_63 = tpu.vector_load %arg10[%swap3A_61, %swap3A_62] {strides = array<i32>} : memref<128x128xf32, #tpu.memory_space<vmem>>, vector<1x16xf32>,
      %swap3A_64 = vector.shape_cast %swap3A_63 : vector<1x16xf32> to vector<16xf32>
      %swap3A_65 = vector.shape_cast %broadcast_in_dim3A_1 : vector<16xf32> to vector<1x16xf32>
      tpu.vector_store %arg10[%swap3A_61, %swap3A_62], %swap3A_65 {strides = array<i32>} : memref<128x128xf32, #tpu.memory_space<vmem>>, vector<1x16xf32>,
      %swap3A_66 = arith.index_cast %scan3A_36 : i32 to index
      %swap3A_67 = arith.constant 96 : index
      %swap3A_68 = tpu.vector_load %arg10[%swap3A_66, %swap3A_67] {strides = array<i32>} : memref<128x128xf32, #tpu.memory_space<vmem>>, vector<1x16xf32>,
      %swap3A_69 = vector.shape_cast %swap3A_68 : vector<1x16xf32> to vector<16xf32>
      %swap3A_70 = vector.shape_cast %broadcast_in_dim3A_1 : vector<16xf32> to vector<1x16xf32>
      tpu.vector_store %arg10[%swap3A_66, %swap3A_67], %swap3A_70 {strides = array<i32>} : memref<128x128xf32, #tpu.memory_space<vmem>>, vector<1x16xf32>,
      %swap3A_71 = arith.index_cast %scan3A_36 : i32 to index
      %swap3A_72 = arith.constant 112 : index
      %swap3A_73 = tpu.vector_load %arg10[%swap3A_71, %swap3A_72] {strides = array<i32>} : memref<128x128xf32, #tpu.memory_space<vmem>>, vector<1x16xf32>,
      %swap3A_74 = vector.shape_cast %swap3A_73 : vector<1x16xf32> to vector<16xf32>
      %swap3A_75 = vector.shape_cast %broadcast_in_dim3A_1 : vector<16xf32> to vector<1x16xf32>
      tpu.vector_store %arg10[%swap3A_71, %swap3A_72], %swap3A_75 {strides = array<i32>} : memref<128x128xf32, #tpu.memory_space<vmem>>, vector<1x16xf32>,
    }
    %scan3A_6 = arith.constant 128 : i32
    %scan3A_7 = arith.constant 0 : i32
    %scan3A_8 = arith.constant 0 : i32
    %scan3A_9 = arith.constant 5 : i32
    %scan3A_10 = arith.addi %scan3A_8, %scan3A_9 : i32
    %scan3A_11 = arith.constant 1 : i32
    scf.for %scan3A_36 = %scan3A_8 to %scan3A_10 step %scan3A_11  : i32 {
      %mul3A_37 = arith.constant 16 : i32
      %mul3A_38 = arith.muli %scan3A_36, %mul3A_37 : i32
      %add3A_39 = arith.addi %arg1, %mul3A_38 : i32
      %lt3A_40 = arith.constant 78 : i32
      %lt3A_41 = arith.cmpi slt, %add3A_39, %lt3A_40 : i32
      %convert_element_type3A = arith.extui %lt3A_41 : i1 to i32
      %cond3A = arith.constant 0 : i32
      %cond3A_42 = arith.cmpi ne, %convert_element_type3A, %cond3A : i32
      scf.if %cond3A_42 {
        %mul3A_47 = arith.constant 128 : i32
        %mul3A_48 = arith.muli %add3A_39, %mul3A_47 : i32
        "tpu.region"() ({
          %run_scoped3A = tpu.sem_alloc : memref<!tpu.dma_semaphore, #tpu.memory_space<semaphore_mem>>
          %dma_start3A = arith.constant 0 : i32
          %dma_start3A_49 = tpu.memref_slice %arg13[%mul3A_48, %dma_start3A] : memref<10000x128xf32, #tpu.memory_space<vmem_shared>> -> memref<128x128xf32, #tpu.memory_space<vmem_shared>>
          %dma_start3A_50 = arith.constant 0 : i32
          %dma_start3A_51 = tpu.memref_slice %arg13[%mul3A_48, %dma_start3A_50] : memref<10000x128xf32, #tpu.memory_space<vmem_shared>> -> memref<128x128xf32, #tpu.memory_space<vmem_shared>>
          tpu.enqueue_dma source(%arg10 : memref<128x128xf32, #tpu.memory_space<vmem>>) target(%dma_start3A_51 : memref<128x128xf32, #tpu.memory_space<vmem_shared>>) target_semaphore(%run_scoped3A : memref<!tpu.dma_semaphore, #tpu.memory_space<semaphore_mem>>)
          %dma_wait3A = arith.constant 0 : i32
          %dma_wait3A_52 = tpu.memref_slice %arg13[%mul3A_48, %dma_wait3A] : memref<10000x128xf32, #tpu.memory_space<vmem_shared>> -> memref<128x128xf32, #tpu.memory_space<vmem_shared>>
          %dma_wait3A_53 = arith.constant 0 : i32
          %dma_wait3A_54 = tpu.memref_slice %arg13[%mul3A_48, %dma_wait3A_53] : memref<10000x128xf32, #tpu.memory_space<vmem_shared>> -> memref<128x128xf32, #tpu.memory_space<vmem_shared>>
          tpu.wait_dma2 semaphore(%run_scoped3A : memref<!tpu.dma_semaphore, #tpu.memory_space<semaphore_mem>>) src(%arg10 : memref<128x128xf32, #tpu.memory_space<vmem>>) dst(%dma_wait3A_54 : memref<128x128xf32, #tpu.memory_space<vmem_shared>>)
          tpu.yield
        }) : () -> ()
      } else {
      }
      %eq3A = arith.constant 78 : i32
      %eq3A_43 = arith.cmpi eq, %add3A_39, %eq3A : i32
      %convert_element_type3A_44 = arith.extui %eq3A_43 : i1 to i32
      %cond3A_45 = arith.constant 0 : i32
      %cond3A_46 = arith.cmpi ne, %convert_element_type3A_44, %cond3A_45 : i32
      scf.if %cond3A_46 {
        "tpu.region"() ({
          %run_scoped3A = tpu.sem_alloc : memref<!tpu.dma_semaphore, #tpu.memory_space<semaphore_mem>>
          %dma_start3A = arith.constant 0 : i32
          %dma_start3A_47 = arith.constant 0 : i32
          %dma_start3A_48 = tpu.memref_slice %arg10[%dma_start3A, %dma_start3A_47] : memref<128x128xf32, #tpu.memory_space<vmem>> -> memref<16x128xf32, #tpu.memory_space<vmem>>
          %dma_start3A_49 = arith.constant 9984 : i32
          %dma_start3A_50 = arith.constant 0 : i32
          %dma_start3A_51 = tpu.memref_slice %arg13[%dma_start3A_49, %dma_start3A_50] : memref<10000x128xf32, #tpu.memory_space<vmem_shared>> -> memref<16x128xf32, #tpu.memory_space<vmem_shared>>
          %dma_start3A_52 = arith.constant 9984 : i32
          %dma_start3A_53 = arith.constant 0 : i32
          %dma_start3A_54 = tpu.memref_slice %arg13[%dma_start3A_52, %dma_start3A_53] : memref<10000x128xf32, #tpu.memory_space<vmem_shared>> -> memref<16x128xf32, #tpu.memory_space<vmem_shared>>
          %dma_start3A_55 = arith.constant 0 : i32
          %dma_start3A_56 = arith.constant 0 : i32
          %dma_start3A_57 = tpu.memref_slice %arg10[%dma_start3A_55, %dma_start3A_56] : memref<128x128xf32, #tpu.memory_space<vmem>> -> memref<16x128xf32, #tpu.memory_space<vmem>>
          tpu.enqueue_dma source(%dma_start3A_57 : memref<16x128xf32, #tpu.memory_space<vmem>>) target(%dma_start3A_54 : memref<16x128xf32, #tpu.memory_space<vmem_shared>>) target_semaphore(%run_scoped3A : memref<!tpu.dma_semaphore, #tpu.memory_space<semaphore_mem>>)
          %dma_wait3A = arith.constant 0 : i32
          %dma_wait3A_58 = arith.constant 0 : i32
          %dma_wait3A_59 = tpu.memref_slice %arg10[%dma_wait3A, %dma_wait3A_58] : memref<128x128xf32, #tpu.memory_space<vmem>> -> memref<16x128xf32, #tpu.memory_space<vmem>>
          %dma_wait3A_60 = arith.constant 9984 : i32
          %dma_wait3A_61 = arith.constant 0 : i32
          %dma_wait3A_62 = tpu.memref_slice %arg13[%dma_wait3A_60, %dma_wait3A_61] : memref<10000x128xf32, #tpu.memory_space<vmem_shared>> -> memref<16x128xf32, #tpu.memory_space<vmem_shared>>
          %dma_wait3A_63 = arith.constant 9984 : i32
          %dma_wait3A_64 = arith.constant 0 : i32
          %dma_wait3A_65 = tpu.memref_slice %arg13[%dma_wait3A_63, %dma_wait3A_64] : memref<10000x128xf32, #tpu.memory_space<vmem_shared>> -> memref<16x128xf32, #tpu.memory_space<vmem_shared>>
          %dma_wait3A_66 = arith.constant 0 : i32
          %dma_wait3A_67 = arith.constant 0 : i32
          %dma_wait3A_68 = tpu.memref_slice %arg10[%dma_wait3A_66, %dma_wait3A_67] : memref<128x128xf32, #tpu.memory_space<vmem>> -> memref<16x128xf32, #tpu.memory_space<vmem>>
          tpu.wait_dma2 semaphore(%run_scoped3A : memref<!tpu.dma_semaphore, #tpu.memory_space<semaphore_mem>>) src(%dma_wait3A_68 : memref<16x128xf32, #tpu.memory_space<vmem>>) dst(%dma_wait3A_65 : memref<16x128xf32, #tpu.memory_space<vmem_shared>>)
          tpu.yield
        }) : () -> ()
      } else {
      }
    }
    %scan3A_12 = arith.constant 5 : i32
    %barrier3A = arith.constant 0 : index
    tpu.barrier barrier_id(%barrier3A)
    %mul3A_13 = arith.constant 78 : i32
    %mul3A_14 = arith.muli %mul3A_13, %add3A : i32
    %min3A = arith.constant 4 : i32
    %min3A_15 = arith.minsi %add3A, %min3A : i32
    %add3A_16 = arith.addi %mul3A_14, %min3A_15 : i32
    %lt3A = arith.constant 4 : i32
    %lt3A_17 = arith.cmpi slt, %add3A, %lt3A : i32
    %jit3A = arith.constant 79 : i32
    %jit3A_18 = arith.constant 78 : i32
    %select_n3A = arith.select %lt3A_17, %jit3A, %jit3A_18 : i32
    %mul3A_19 = arith.constant 128 : i32
    %mul3A_20 = arith.muli %add3A_16, %mul3A_19 : i32
    "tpu.region"() ({
      %run_scoped3A = tpu.sem_alloc : memref<!tpu.dma_semaphore, #tpu.memory_space<semaphore_mem>>
      %dma_start3A = tpu.memref_slice %arg3[%mul3A_20] : memref<320384xi32, #tpu.memory_space<hbm>> -> memref<384xi32, #tpu.memory_space<hbm>>
      %dma_start3A_36 = tpu.memref_slice %arg3[%mul3A_20] : memref<320384xi32, #tpu.memory_space<hbm>> -> memref<384xi32, #tpu.memory_space<hbm>>
      tpu.enqueue_dma source(%dma_start3A_36 : memref<384xi32, #tpu.memory_space<hbm>>) target(%arg6 : memref<384xi32, #tpu.memory_space<vmem>>) target_semaphore(%run_scoped3A : memref<!tpu.dma_semaphore, #tpu.memory_space<semaphore_mem>>)
      %dma_wait3A = tpu.memref_slice %arg3[%mul3A_20] : memref<320384xi32, #tpu.memory_space<hbm>> -> memref<384xi32, #tpu.memory_space<hbm>>
      %dma_wait3A_37 = tpu.memref_slice %arg3[%mul3A_20] : memref<320384xi32, #tpu.memory_space<hbm>> -> memref<384xi32, #tpu.memory_space<hbm>>
      tpu.wait_dma2 semaphore(%run_scoped3A : memref<!tpu.dma_semaphore, #tpu.memory_space<semaphore_mem>>) src(%dma_wait3A_37 : memref<384xi32, #tpu.memory_space<hbm>>) dst(%arg6 : memref<384xi32, #tpu.memory_space<vmem>>)
      tpu.yield
    }) : () -> ()
    %mul3A_21 = arith.constant 128 : i32
    %mul3A_22 = arith.muli %add3A_16, %mul3A_21 : i32
    "tpu.region"() ({
      %run_scoped3A = tpu.sem_alloc : memref<!tpu.dma_semaphore, #tpu.memory_space<semaphore_mem>>
      %dma_start3A = tpu.memref_slice %arg4[%mul3A_22] : memref<320384xi32, #tpu.memory_space<hbm>> -> memref<384xi32, #tpu.memory_space<hbm>>
      %dma_start3A_36 = tpu.memref_slice %arg4[%mul3A_22] : memref<320384xi32, #tpu.memory_space<hbm>> -> memref<384xi32, #tpu.memory_space<hbm>>
      tpu.enqueue_dma source(%dma_start3A_36 : memref<384xi32, #tpu.memory_space<hbm>>) target(%arg8 : memref<384xi32, #tpu.memory_space<vmem>>) target_semaphore(%run_scoped3A : memref<!tpu.dma_semaphore, #tpu.memory_space<semaphore_mem>>)
      %dma_wait3A = tpu.memref_slice %arg4[%mul3A_22] : memref<320384xi32, #tpu.memory_space<hbm>> -> memref<384xi32, #tpu.memory_space<hbm>>
      %dma_wait3A_37 = tpu.memref_slice %arg4[%mul3A_22] : memref<320384xi32, #tpu.memory_space<hbm>> -> memref<384xi32, #tpu.memory_space<hbm>>
      tpu.wait_dma2 semaphore(%run_scoped3A : memref<!tpu.dma_semaphore, #tpu.memory_space<semaphore_mem>>) src(%dma_wait3A_37 : memref<384xi32, #tpu.memory_space<hbm>>) dst(%arg8 : memref<384xi32, #tpu.memory_space<vmem>>)
      tpu.yield
    }) : () -> ()
    %scan3A_23 = arith.constant 0 : i32
    %scan3A_24 = arith.constant 0 : i32
    %scan3A_25 = arith.constant 14 : i32
    %scan3A_26 = arith.addi %scan3A_24, %scan3A_25 : i32
    %scan3A_27 = arith.constant 1 : i32
    scf.for %scan3A_36 = %scan3A_24 to %scan3A_26 step %scan3A_27  : i32 {
      %mul3A_37 = arith.constant 2 : i32
      %mul3A_38 = arith.muli %mul3A_37, %scan3A_36 : i32
      %ge3A = arith.constant 1 : i32
      %ge3A_39 = arith.cmpi sge, %mul3A_38, %ge3A : i32
      %sub3A = arith.constant 1 : i32
      %sub3A_40 = arith.subi %mul3A_38, %sub3A : i32
      %mul3A_41 = arith.constant 3 : i32
      %mul3A_42 = arith.muli %sub3A_40, %mul3A_41 : i32
      %add3A_43 = arith.constant 0 : i32
      %add3A_44 = arith.addi %mul3A_42, %add3A_43 : i32
      %lt3A_45 = arith.cmpi slt, %add3A_44, %select_n3A : i32
      %and3A = arith.andi %ge3A_39, %lt3A_45 : i1
      %convert_element_type3A = arith.extui %and3A : i1 to i32
      %cond3A = arith.constant 0 : i32
      %cond3A_46 = arith.cmpi ne, %convert_element_type3A, %cond3A : i32
      scf.if %cond3A_46 {
        %dma_wait3A = arith.constant 0 : i32
        %dma_wait3A_228 = tpu.memref_slice %arg9[%dma_wait3A] : memref<384xi32, #tpu.memory_space<vmem>> -> memref<128xi32, #tpu.memory_space<vmem>>
        %dma_wait3A_229 = arith.constant 0 : i32
        %dma_wait3A_230 = arith.constant 0 : i32
        %dma_wait3A_231 = tpu.memref_slice %arg13[%dma_wait3A_229, %dma_wait3A_230] : memref<10000x128xf32, #tpu.memory_space<vmem_shared>> -> memref<10000x128xf32, #tpu.memory_space<vmem_shared>>
        tpu.wait_indirect_dma semaphore(%arg17 : memref<!tpu.dma_semaphore, #tpu.memory_space<semaphore_mem>>) src(%arg10 : memref<128x128xf32, #tpu.memory_space<vmem>>) dst(%dma_wait3A_231 : memref<10000x128xf32, #tpu.memory_space<vmem_shared>>)
      } else {
      }
      %mul3A_47 = arith.constant 3 : i32
      %mul3A_48 = arith.muli %mul3A_38, %mul3A_47 : i32
      %add3A_49 = arith.constant 0 : i32
      %add3A_50 = arith.addi %mul3A_48, %add3A_49 : i32
      %lt3A_51 = arith.cmpi slt, %add3A_50, %select_n3A : i32
      %convert_element_type3A_52 = arith.extui %lt3A_51 : i1 to i32
      %cond3A_53 = arith.constant 0 : i32
      %cond3A_54 = arith.cmpi ne, %convert_element_type3A_52, %cond3A_53 : i32
      scf.if %cond3A_54 {
        %dma_start3A = arith.constant 0 : i32
        %dma_start3A_228 = tpu.memref_slice %arg6[%dma_start3A] : memref<384xi32, #tpu.memory_space<vmem>> -> memref<128xi32, #tpu.memory_space<vmem>>
        %dma_start3A_229 = arith.constant 0 : i32
        %dma_start3A_230 = arith.constant 0 : i32
        %dma_start3A_231 = tpu.memref_slice %arg2[%dma_start3A_229, %dma_start3A_230] : memref<10000x128xf32, #tpu.memory_space<hbm>> -> memref<10000x128xf32, #tpu.memory_space<hbm>>
        tpu.enqueue_indirect_dma source(%dma_start3A_231 : memref<10000x128xf32, #tpu.memory_space<hbm>>) target(%arg10 : memref<128x128xf32, #tpu.memory_space<vmem>>) offsets(%dma_start3A_228 : memref<128xi32, #tpu.memory_space<vmem>>) semaphore(%arg14 : memref<!tpu.dma_semaphore, #tpu.memory_space<semaphore_mem>>)
      } else {
      }
      %ge3A_55 = arith.constant 1 : i32
      %ge3A_56 = arith.cmpi sge, %mul3A_38, %ge3A_55 : i32
      %sub3A_57 = arith.constant 1 : i32
      %sub3A_58 = arith.subi %mul3A_38, %sub3A_57 : i32
      %mul3A_59 = arith.constant 3 : i32
      %mul3A_60 = arith.muli %sub3A_58, %mul3A_59 : i32
      %add3A_61 = arith.constant 1 : i32
      %add3A_62 = arith.addi %mul3A_60, %add3A_61 : i32
      %lt3A_63 = arith.cmpi slt, %add3A_62, %select_n3A : i32
      %and3A_64 = arith.andi %ge3A_56, %lt3A_63 : i1
      %convert_element_type3A_65 = arith.extui %and3A_64 : i1 to i32
      %cond3A_66 = arith.constant 0 : i32
      %cond3A_67 = arith.cmpi ne, %convert_element_type3A_65, %cond3A_66 : i32
      scf.if %cond3A_67 {
        %dma_wait3A = arith.constant 128 : i32
        %dma_wait3A_228 = tpu.memref_slice %arg9[%dma_wait3A] : memref<384xi32, #tpu.memory_space<vmem>> -> memref<128xi32, #tpu.memory_space<vmem>>
        %dma_wait3A_229 = arith.constant 0 : i32
        %dma_wait3A_230 = arith.constant 0 : i32
        %dma_wait3A_231 = tpu.memref_slice %arg13[%dma_wait3A_229, %dma_wait3A_230] : memref<10000x128xf32, #tpu.memory_space<vmem_shared>> -> memref<10000x128xf32, #tpu.memory_space<vmem_shared>>
        tpu.wait_indirect_dma semaphore(%arg18 : memref<!tpu.dma_semaphore, #tpu.memory_space<semaphore_mem>>) src(%arg11 : memref<128x128xf32, #tpu.memory_space<vmem>>) dst(%dma_wait3A_231 : memref<10000x128xf32, #tpu.memory_space<vmem_shared>>)
      } else {
      }
      %mul3A_68 = arith.constant 3 : i32
      %mul3A_69 = arith.muli %mul3A_38, %mul3A_68 : i32
      %add3A_70 = arith.constant 1 : i32
      %add3A_71 = arith.addi %mul3A_69, %add3A_70 : i32
      %lt3A_72 = arith.cmpi slt, %add3A_71, %select_n3A : i32
      %convert_element_type3A_73 = arith.extui %lt3A_72 : i1 to i32
      %cond3A_74 = arith.constant 0 : i32
      %cond3A_75 = arith.cmpi ne, %convert_element_type3A_73, %cond3A_74 : i32
      scf.if %cond3A_75 {
        %dma_start3A = arith.constant 128 : i32
        %dma_start3A_228 = tpu.memref_slice %arg6[%dma_start3A] : memref<384xi32, #tpu.memory_space<vmem>> -> memref<128xi32, #tpu.memory_space<vmem>>
        %dma_start3A_229 = arith.constant 0 : i32
        %dma_start3A_230 = arith.constant 0 : i32
        %dma_start3A_231 = tpu.memref_slice %arg2[%dma_start3A_229, %dma_start3A_230] : memref<10000x128xf32, #tpu.memory_space<hbm>> -> memref<10000x128xf32, #tpu.memory_space<hbm>>
        tpu.enqueue_indirect_dma source(%dma_start3A_231 : memref<10000x128xf32, #tpu.memory_space<hbm>>) target(%arg11 : memref<128x128xf32, #tpu.memory_space<vmem>>) offsets(%dma_start3A_228 : memref<128xi32, #tpu.memory_space<vmem>>) semaphore(%arg15 : memref<!tpu.dma_semaphore, #tpu.memory_space<semaphore_mem>>)
      } else {
      }
      %ge3A_76 = arith.constant 1 : i32
      %ge3A_77 = arith.cmpi sge, %mul3A_38, %ge3A_76 : i32
      %sub3A_78 = arith.constant 1 : i32
      %sub3A_79 = arith.subi %mul3A_38, %sub3A_78 : i32
      %mul3A_80 = arith.constant 3 : i32
      %mul3A_81 = arith.muli %sub3A_79, %mul3A_80 : i32
      %add3A_82 = arith.constant 2 : i32
      %add3A_83 = arith.addi %mul3A_81, %add3A_82 : i32
      %lt3A_84 = arith.cmpi slt, %add3A_83, %select_n3A : i32
      %and3A_85 = arith.andi %ge3A_77, %lt3A_84 : i1
      %convert_element_type3A_86 = arith.extui %and3A_85 : i1 to i32
      %cond3A_87 = arith.constant 0 : i32
      %cond3A_88 = arith.cmpi ne, %convert_element_type3A_86, %cond3A_87 : i32
      scf.if %cond3A_88 {
        %dma_wait3A = arith.constant 256 : i32
        %dma_wait3A_228 = tpu.memref_slice %arg9[%dma_wait3A] : memref<384xi32, #tpu.memory_space<vmem>> -> memref<128xi32, #tpu.memory_space<vmem>>
        %dma_wait3A_229 = arith.constant 0 : i32
        %dma_wait3A_230 = arith.constant 0 : i32
        %dma_wait3A_231 = tpu.memref_slice %arg13[%dma_wait3A_229, %dma_wait3A_230] : memref<10000x128xf32, #tpu.memory_space<vmem_shared>> -> memref<10000x128xf32, #tpu.memory_space<vmem_shared>>
        tpu.wait_indirect_dma semaphore(%arg19 : memref<!tpu.dma_semaphore, #tpu.memory_space<semaphore_mem>>) src(%arg12 : memref<128x128xf32, #tpu.memory_space<vmem>>) dst(%dma_wait3A_231 : memref<10000x128xf32, #tpu.memory_space<vmem_shared>>)
      } else {
      }
      %mul3A_89 = arith.constant 3 : i32
      %mul3A_90 = arith.muli %mul3A_38, %mul3A_89 : i32
      %add3A_91 = arith.constant 2 : i32
      %add3A_92 = arith.addi %mul3A_90, %add3A_91 : i32
      %lt3A_93 = arith.cmpi slt, %add3A_92, %select_n3A : i32
      %convert_element_type3A_94 = arith.extui %lt3A_93 : i1 to i32
      %cond3A_95 = arith.constant 0 : i32
      %cond3A_96 = arith.cmpi ne, %convert_element_type3A_94, %cond3A_95 : i32
      scf.if %cond3A_96 {
        %dma_start3A = arith.constant 256 : i32
        %dma_start3A_228 = tpu.memref_slice %arg6[%dma_start3A] : memref<384xi32, #tpu.memory_space<vmem>> -> memref<128xi32, #tpu.memory_space<vmem>>
        %dma_start3A_229 = arith.constant 0 : i32
        %dma_start3A_230 = arith.constant 0 : i32
        %dma_start3A_231 = tpu.memref_slice %arg2[%dma_start3A_229, %dma_start3A_230] : memref<10000x128xf32, #tpu.memory_space<hbm>> -> memref<10000x128xf32, #tpu.memory_space<hbm>>
        tpu.enqueue_indirect_dma source(%dma_start3A_231 : memref<10000x128xf32, #tpu.memory_space<hbm>>) target(%arg12 : memref<128x128xf32, #tpu.memory_space<vmem>>) offsets(%dma_start3A_228 : memref<128xi32, #tpu.memory_space<vmem>>) semaphore(%arg16 : memref<!tpu.dma_semaphore, #tpu.memory_space<semaphore_mem>>)
      } else {
      }
      %add3A_97 = arith.constant 1 : i32
      %add3A_98 = arith.addi %mul3A_38, %add3A_97 : i32
      %mul3A_99 = arith.constant 3 : i32
      %mul3A_100 = arith.muli %add3A_98, %mul3A_99 : i32
      %lt3A_101 = arith.cmpi slt, %mul3A_100, %select_n3A : i32
      %convert_element_type3A_102 = arith.extui %lt3A_101 : i1 to i32
      %cond3A_103 = arith.constant 0 : i32
      %cond3A_104 = arith.cmpi ne, %convert_element_type3A_102, %cond3A_103 : i32
      scf.if %cond3A_104 {
        %add3A_228 = arith.constant 1 : i32
        %add3A_229 = arith.addi %mul3A_38, %add3A_228 : i32
        %mul3A_230 = arith.constant 3 : i32
        %mul3A_231 = arith.muli %add3A_229, %mul3A_230 : i32
        %add3A_232 = arith.addi %add3A_16, %mul3A_231 : i32
        %mul3A_233 = arith.constant 128 : i32
        %mul3A_234 = arith.muli %add3A_232, %mul3A_233 : i32
        "tpu.region"() ({
          %run_scoped3A = tpu.sem_alloc : memref<!tpu.dma_semaphore, #tpu.memory_space<semaphore_mem>>
          %dma_start3A = tpu.memref_slice %arg3[%mul3A_234] : memref<320384xi32, #tpu.memory_space<hbm>> -> memref<384xi32, #tpu.memory_space<hbm>>
          %dma_start3A_235 = tpu.memref_slice %arg3[%mul3A_234] : memref<320384xi32, #tpu.memory_space<hbm>> -> memref<384xi32, #tpu.memory_space<hbm>>
          tpu.enqueue_dma source(%dma_start3A_235 : memref<384xi32, #tpu.memory_space<hbm>>) target(%arg7 : memref<384xi32, #tpu.memory_space<vmem>>) target_semaphore(%run_scoped3A : memref<!tpu.dma_semaphore, #tpu.memory_space<semaphore_mem>>)
          %dma_wait3A = tpu.memref_slice %arg3[%mul3A_234] : memref<320384xi32, #tpu.memory_space<hbm>> -> memref<384xi32, #tpu.memory_space<hbm>>
          %dma_wait3A_236 = tpu.memref_slice %arg3[%mul3A_234] : memref<320384xi32, #tpu.memory_space<hbm>> -> memref<384xi32, #tpu.memory_space<hbm>>
          tpu.wait_dma2 semaphore(%run_scoped3A : memref<!tpu.dma_semaphore, #tpu.memory_space<semaphore_mem>>) src(%dma_wait3A_236 : memref<384xi32, #tpu.memory_space<hbm>>) dst(%arg7 : memref<384xi32, #tpu.memory_space<vmem>>)
          tpu.yield
        }) : () -> ()
        "tpu.region"() ({
          %run_scoped3A = tpu.sem_alloc : memref<!tpu.dma_semaphore, #tpu.memory_space<semaphore_mem>>
          %dma_start3A = tpu.memref_slice %arg4[%mul3A_234] : memref<320384xi32, #tpu.memory_space<hbm>> -> memref<384xi32, #tpu.memory_space<hbm>>
          %dma_start3A_235 = tpu.memref_slice %arg4[%mul3A_234] : memref<320384xi32, #tpu.memory_space<hbm>> -> memref<384xi32, #tpu.memory_space<hbm>>
          tpu.enqueue_dma source(%dma_start3A_235 : memref<384xi32, #tpu.memory_space<hbm>>) target(%arg9 : memref<384xi32, #tpu.memory_space<vmem>>) target_semaphore(%run_scoped3A : memref<!tpu.dma_semaphore, #tpu.memory_space<semaphore_mem>>)
          %dma_wait3A = tpu.memref_slice %arg4[%mul3A_234] : memref<320384xi32, #tpu.memory_space<hbm>> -> memref<384xi32, #tpu.memory_space<hbm>>
          %dma_wait3A_236 = tpu.memref_slice %arg4[%mul3A_234] : memref<320384xi32, #tpu.memory_space<hbm>> -> memref<384xi32, #tpu.memory_space<hbm>>
          tpu.wait_dma2 semaphore(%run_scoped3A : memref<!tpu.dma_semaphore, #tpu.memory_space<semaphore_mem>>) src(%dma_wait3A_236 : memref<384xi32, #tpu.memory_space<hbm>>) dst(%arg9 : memref<384xi32, #tpu.memory_space<vmem>>)
          tpu.yield
        }) : () -> ()
      } else {
      }
      %mul3A_105 = arith.constant 3 : i32
      %mul3A_106 = arith.muli %mul3A_38, %mul3A_105 : i32
      %add3A_107 = arith.constant 0 : i32
      %add3A_108 = arith.addi %mul3A_106, %add3A_107 : i32
      %lt3A_109 = arith.cmpi slt, %add3A_108, %select_n3A : i32
      %convert_element_type3A_110 = arith.extui %lt3A_109 : i1 to i32
      %cond3A_111 = arith.constant 0 : i32
      %cond3A_112 = arith.cmpi ne, %convert_element_type3A_110, %cond3A_111 : i32
      scf.if %cond3A_112 {
        %dma_wait3A = arith.constant 0 : i32
        %dma_wait3A_228 = tpu.memref_slice %arg6[%dma_wait3A] : memref<384xi32, #tpu.memory_space<vmem>> -> memref<128xi32, #tpu.memory_space<vmem>>
        %dma_wait3A_229 = arith.constant 0 : i32
        %dma_wait3A_230 = arith.constant 0 : i32
        %dma_wait3A_231 = tpu.memref_slice %arg2[%dma_wait3A_229, %dma_wait3A_230] : memref<10000x128xf32, #tpu.memory_space<hbm>> -> memref<10000x128xf32, #tpu.memory_space<hbm>>
        tpu.wait_indirect_dma semaphore(%arg14 : memref<!tpu.dma_semaphore, #tpu.memory_space<semaphore_mem>>) src(%dma_wait3A_231 : memref<10000x128xf32, #tpu.memory_space<hbm>>) dst(%arg10 : memref<128x128xf32, #tpu.memory_space<vmem>>)
        %dma_start3A = arith.constant 0 : i32
        %dma_start3A_232 = tpu.memref_slice %arg8[%dma_start3A] : memref<384xi32, #tpu.memory_space<vmem>> -> memref<128xi32, #tpu.memory_space<vmem>>
        %dma_start3A_233 = arith.constant 0 : i32
        %dma_start3A_234 = arith.constant 0 : i32
        %dma_start3A_235 = tpu.memref_slice %arg13[%dma_start3A_233, %dma_start3A_234] : memref<10000x128xf32, #tpu.memory_space<vmem_shared>> -> memref<10000x128xf32, #tpu.memory_space<vmem_shared>>
        tpu.enqueue_indirect_dma source(%arg10 : memref<128x128xf32, #tpu.memory_space<vmem>>) target(%dma_start3A_235 : memref<10000x128xf32, #tpu.memory_space<vmem_shared>>) offsets(%dma_start3A_232 : memref<128xi32, #tpu.memory_space<vmem>>) semaphore(%arg17 : memref<!tpu.dma_semaphore, #tpu.memory_space<semaphore_mem>>) {add = true}
      } else {
      }
      %mul3A_113 = arith.constant 3 : i32
      %mul3A_114 = arith.muli %mul3A_38, %mul3A_113 : i32
      %add3A_115 = arith.constant 1 : i32
      %add3A_116 = arith.addi %mul3A_114, %add3A_115 : i32
      %lt3A_117 = arith.cmpi slt, %add3A_116, %select_n3A : i32
      %convert_element_type3A_118 = arith.extui %lt3A_117 : i1 to i32
      %cond3A_119 = arith.constant 0 : i32
      %cond3A_120 = arith.cmpi ne, %convert_element_type3A_118, %cond3A_119 : i32
      scf.if %cond3A_120 {
        %dma_wait3A = arith.constant 128 : i32
        %dma_wait3A_228 = tpu.memref_slice %arg6[%dma_wait3A] : memref<384xi32, #tpu.memory_space<vmem>> -> memref<128xi32, #tpu.memory_space<vmem>>
        %dma_wait3A_229 = arith.constant 0 : i32
        %dma_wait3A_230 = arith.constant 0 : i32
        %dma_wait3A_231 = tpu.memref_slice %arg2[%dma_wait3A_229, %dma_wait3A_230] : memref<10000x128xf32, #tpu.memory_space<hbm>> -> memref<10000x128xf32, #tpu.memory_space<hbm>>
        tpu.wait_indirect_dma semaphore(%arg15 : memref<!tpu.dma_semaphore, #tpu.memory_space<semaphore_mem>>) src(%dma_wait3A_231 : memref<10000x128xf32, #tpu.memory_space<hbm>>) dst(%arg11 : memref<128x128xf32, #tpu.memory_space<vmem>>)
        %dma_start3A = arith.constant 128 : i32
        %dma_start3A_232 = tpu.memref_slice %arg8[%dma_start3A] : memref<384xi32, #tpu.memory_space<vmem>> -> memref<128xi32, #tpu.memory_space<vmem>>
        %dma_start3A_233 = arith.constant 0 : i32
        %dma_start3A_234 = arith.constant 0 : i32
        %dma_start3A_235 = tpu.memref_slice %arg13[%dma_start3A_233, %dma_start3A_234] : memref<10000x128xf32, #tpu.memory_space<vmem_shared>> -> memref<10000x128xf32, #tpu.memory_space<vmem_shared>>
        tpu.enqueue_indirect_dma source(%arg11 : memref<128x128xf32, #tpu.memory_space<vmem>>) target(%dma_start3A_235 : memref<10000x128xf32, #tpu.memory_space<vmem_shared>>) offsets(%dma_start3A_232 : memref<128xi32, #tpu.memory_space<vmem>>) semaphore(%arg18 : memref<!tpu.dma_semaphore, #tpu.memory_space<semaphore_mem>>) {add = true}
      } else {
      }
      %mul3A_121 = arith.constant 3 : i32
      %mul3A_122 = arith.muli %mul3A_38, %mul3A_121 : i32
      %add3A_123 = arith.constant 2 : i32
      %add3A_124 = arith.addi %mul3A_122, %add3A_123 : i32
      %lt3A_125 = arith.cmpi slt, %add3A_124, %select_n3A : i32
      %convert_element_type3A_126 = arith.extui %lt3A_125 : i1 to i32
      %cond3A_127 = arith.constant 0 : i32
      %cond3A_128 = arith.cmpi ne, %convert_element_type3A_126, %cond3A_127 : i32
      scf.if %cond3A_128 {
        %dma_wait3A = arith.constant 256 : i32
        %dma_wait3A_228 = tpu.memref_slice %arg6[%dma_wait3A] : memref<384xi32, #tpu.memory_space<vmem>> -> memref<128xi32, #tpu.memory_space<vmem>>
        %dma_wait3A_229 = arith.constant 0 : i32
        %dma_wait3A_230 = arith.constant 0 : i32
        %dma_wait3A_231 = tpu.memref_slice %arg2[%dma_wait3A_229, %dma_wait3A_230] : memref<10000x128xf32, #tpu.memory_space<hbm>> -> memref<10000x128xf32, #tpu.memory_space<hbm>>
        tpu.wait_indirect_dma semaphore(%arg16 : memref<!tpu.dma_semaphore, #tpu.memory_space<semaphore_mem>>) src(%dma_wait3A_231 : memref<10000x128xf32, #tpu.memory_space<hbm>>) dst(%arg12 : memref<128x128xf32, #tpu.memory_space<vmem>>)
        %dma_start3A = arith.constant 256 : i32
        %dma_start3A_232 = tpu.memref_slice %arg8[%dma_start3A] : memref<384xi32, #tpu.memory_space<vmem>> -> memref<128xi32, #tpu.memory_space<vmem>>
        %dma_start3A_233 = arith.constant 0 : i32
        %dma_start3A_234 = arith.constant 0 : i32
        %dma_start3A_235 = tpu.memref_slice %arg13[%dma_start3A_233, %dma_start3A_234] : memref<10000x128xf32, #tpu.memory_space<vmem_shared>> -> memref<10000x128xf32, #tpu.memory_space<vmem_shared>>
        tpu.enqueue_indirect_dma source(%arg12 : memref<128x128xf32, #tpu.memory_space<vmem>>) target(%dma_start3A_235 : memref<10000x128xf32, #tpu.memory_space<vmem_shared>>) offsets(%dma_start3A_232 : memref<128xi32, #tpu.memory_space<vmem>>) semaphore(%arg19 : memref<!tpu.dma_semaphore, #tpu.memory_space<semaphore_mem>>) {add = true}
      } else {
      }
      %mul3A_129 = arith.constant 2 : i32
      %mul3A_130 = arith.muli %mul3A_129, %scan3A_36 : i32
      %add3A_131 = arith.constant 1 : i32
      %add3A_132 = arith.addi %mul3A_130, %add3A_131 : i32
      %ge3A_133 = arith.constant 1 : i32
      %ge3A_134 = arith.cmpi sge, %add3A_132, %ge3A_133 : i32
      %sub3A_135 = arith.constant 1 : i32
      %sub3A_136 = arith.subi %add3A_132, %sub3A_135 : i32
      %mul3A_137 = arith.constant 3 : i32
      %mul3A_138 = arith.muli %sub3A_136, %mul3A_137 : i32
      %add3A_139 = arith.constant 0 : i32
      %add3A_140 = arith.addi %mul3A_138, %add3A_139 : i32
      %lt3A_141 = arith.cmpi slt, %add3A_140, %select_n3A : i32
      %and3A_142 = arith.andi %ge3A_134, %lt3A_141 : i1
      %convert_element_type3A_143 = arith.extui %and3A_142 : i1 to i32
      %cond3A_144 = arith.constant 0 : i32
      %cond3A_145 = arith.cmpi ne, %convert_element_type3A_143, %cond3A_144 : i32
      scf.if %cond3A_145 {
        %dma_wait3A = arith.constant 0 : i32
        %dma_wait3A_228 = tpu.memref_slice %arg8[%dma_wait3A] : memref<384xi32, #tpu.memory_space<vmem>> -> memref<128xi32, #tpu.memory_space<vmem>>
        %dma_wait3A_229 = arith.constant 0 : i32
        %dma_wait3A_230 = arith.constant 0 : i32
        %dma_wait3A_231 = tpu.memref_slice %arg13[%dma_wait3A_229, %dma_wait3A_230] : memref<10000x128xf32, #tpu.memory_space<vmem_shared>> -> memref<10000x128xf32, #tpu.memory_space<vmem_shared>>
        tpu.wait_indirect_dma semaphore(%arg17 : memref<!tpu.dma_semaphore, #tpu.memory_space<semaphore_mem>>) src(%arg10 : memref<128x128xf32, #tpu.memory_space<vmem>>) dst(%dma_wait3A_231 : memref<10000x128xf32, #tpu.memory_space<vmem_shared>>)
      } else {
      }
      %mul3A_146 = arith.constant 3 : i32
      %mul3A_147 = arith.muli %add3A_132, %mul3A_146 : i32
      %add3A_148 = arith.constant 0 : i32
      %add3A_149 = arith.addi %mul3A_147, %add3A_148 : i32
      %lt3A_150 = arith.cmpi slt, %add3A_149, %select_n3A : i32
      %convert_element_type3A_151 = arith.extui %lt3A_150 : i1 to i32
      %cond3A_152 = arith.constant 0 : i32
      %cond3A_153 = arith.cmpi ne, %convert_element_type3A_151, %cond3A_152 : i32
      scf.if %cond3A_153 {
        %dma_start3A = arith.constant 0 : i32
        %dma_start3A_228 = tpu.memref_slice %arg7[%dma_start3A] : memref<384xi32, #tpu.memory_space<vmem>> -> memref<128xi32, #tpu.memory_space<vmem>>
        %dma_start3A_229 = arith.constant 0 : i32
        %dma_start3A_230 = arith.constant 0 : i32
        %dma_start3A_231 = tpu.memref_slice %arg2[%dma_start3A_229, %dma_start3A_230] : memref<10000x128xf32, #tpu.memory_space<hbm>> -> memref<10000x128xf32, #tpu.memory_space<hbm>>
        tpu.enqueue_indirect_dma source(%dma_start3A_231 : memref<10000x128xf32, #tpu.memory_space<hbm>>) target(%arg10 : memref<128x128xf32, #tpu.memory_space<vmem>>) offsets(%dma_start3A_228 : memref<128xi32, #tpu.memory_space<vmem>>) semaphore(%arg14 : memref<!tpu.dma_semaphore, #tpu.memory_space<semaphore_mem>>)
      } else {
      }
      %ge3A_154 = arith.constant 1 : i32
      %ge3A_155 = arith.cmpi sge, %add3A_132, %ge3A_154 : i32
      %sub3A_156 = arith.constant 1 : i32
      %sub3A_157 = arith.subi %add3A_132, %sub3A_156 : i32
      %mul3A_158 = arith.constant 3 : i32
      %mul3A_159 = arith.muli %sub3A_157, %mul3A_158 : i32
      %add3A_160 = arith.constant 1 : i32
      %add3A_161 = arith.addi %mul3A_159, %add3A_160 : i32
      %lt3A_162 = arith.cmpi slt, %add3A_161, %select_n3A : i32
      %and3A_163 = arith.andi %ge3A_155, %lt3A_162 : i1
      %convert_element_type3A_164 = arith.extui %and3A_163 : i1 to i32
      %cond3A_165 = arith.constant 0 : i32
      %cond3A_166 = arith.cmpi ne, %convert_element_type3A_164, %cond3A_165 : i32
      scf.if %cond3A_166 {
        %dma_wait3A = arith.constant 128 : i32
        %dma_wait3A_228 = tpu.memref_slice %arg8[%dma_wait3A] : memref<384xi32, #tpu.memory_space<vmem>> -> memref<128xi32, #tpu.memory_space<vmem>>
        %dma_wait3A_229 = arith.constant 0 : i32
        %dma_wait3A_230 = arith.constant 0 : i32
        %dma_wait3A_231 = tpu.memref_slice %arg13[%dma_wait3A_229, %dma_wait3A_230] : memref<10000x128xf32, #tpu.memory_space<vmem_shared>> -> memref<10000x128xf32, #tpu.memory_space<vmem_shared>>
        tpu.wait_indirect_dma semaphore(%arg18 : memref<!tpu.dma_semaphore, #tpu.memory_space<semaphore_mem>>) src(%arg11 : memref<128x128xf32, #tpu.memory_space<vmem>>) dst(%dma_wait3A_231 : memref<10000x128xf32, #tpu.memory_space<vmem_shared>>)
      } else {
      }
      %mul3A_167 = arith.constant 3 : i32
      %mul3A_168 = arith.muli %add3A_132, %mul3A_167 : i32
      %add3A_169 = arith.constant 1 : i32
      %add3A_170 = arith.addi %mul3A_168, %add3A_169 : i32
      %lt3A_171 = arith.cmpi slt, %add3A_170, %select_n3A : i32
      %convert_element_type3A_172 = arith.extui %lt3A_171 : i1 to i32
      %cond3A_173 = arith.constant 0 : i32
      %cond3A_174 = arith.cmpi ne, %convert_element_type3A_172, %cond3A_173 : i32
      scf.if %cond3A_174 {
        %dma_start3A = arith.constant 128 : i32
        %dma_start3A_228 = tpu.memref_slice %arg7[%dma_start3A] : memref<384xi32, #tpu.memory_space<vmem>> -> memref<128xi32, #tpu.memory_space<vmem>>
        %dma_start3A_229 = arith.constant 0 : i32
        %dma_start3A_230 = arith.constant 0 : i32
        %dma_start3A_231 = tpu.memref_slice %arg2[%dma_start3A_229, %dma_start3A_230] : memref<10000x128xf32, #tpu.memory_space<hbm>> -> memref<10000x128xf32, #tpu.memory_space<hbm>>
        tpu.enqueue_indirect_dma source(%dma_start3A_231 : memref<10000x128xf32, #tpu.memory_space<hbm>>) target(%arg11 : memref<128x128xf32, #tpu.memory_space<vmem>>) offsets(%dma_start3A_228 : memref<128xi32, #tpu.memory_space<vmem>>) semaphore(%arg15 : memref<!tpu.dma_semaphore, #tpu.memory_space<semaphore_mem>>)
      } else {
      }
      %ge3A_175 = arith.constant 1 : i32
      %ge3A_176 = arith.cmpi sge, %add3A_132, %ge3A_175 : i32
      %sub3A_177 = arith.constant 1 : i32
      %sub3A_178 = arith.subi %add3A_132, %sub3A_177 : i32
      %mul3A_179 = arith.constant 3 : i32
      %mul3A_180 = arith.muli %sub3A_178, %mul3A_179 : i32
      %add3A_181 = arith.constant 2 : i32
      %add3A_182 = arith.addi %mul3A_180, %add3A_181 : i32
      %lt3A_183 = arith.cmpi slt, %add3A_182, %select_n3A : i32
      %and3A_184 = arith.andi %ge3A_176, %lt3A_183 : i1
      %convert_element_type3A_185 = arith.extui %and3A_184 : i1 to i32
      %cond3A_186 = arith.constant 0 : i32
      %cond3A_187 = arith.cmpi ne, %convert_element_type3A_185, %cond3A_186 : i32
      scf.if %cond3A_187 {
        %dma_wait3A = arith.constant 256 : i32
        %dma_wait3A_228 = tpu.memref_slice %arg8[%dma_wait3A] : memref<384xi32, #tpu.memory_space<vmem>> -> memref<128xi32, #tpu.memory_space<vmem>>
        %dma_wait3A_229 = arith.constant 0 : i32
        %dma_wait3A_230 = arith.constant 0 : i32
        %dma_wait3A_231 = tpu.memref_slice %arg13[%dma_wait3A_229, %dma_wait3A_230] : memref<10000x128xf32, #tpu.memory_space<vmem_shared>> -> memref<10000x128xf32, #tpu.memory_space<vmem_shared>>
        tpu.wait_indirect_dma semaphore(%arg19 : memref<!tpu.dma_semaphore, #tpu.memory_space<semaphore_mem>>) src(%arg12 : memref<128x128xf32, #tpu.memory_space<vmem>>) dst(%dma_wait3A_231 : memref<10000x128xf32, #tpu.memory_space<vmem_shared>>)
      } else {
      }
      %mul3A_188 = arith.constant 3 : i32
      %mul3A_189 = arith.muli %add3A_132, %mul3A_188 : i32
      %add3A_190 = arith.constant 2 : i32
      %add3A_191 = arith.addi %mul3A_189, %add3A_190 : i32
      %lt3A_192 = arith.cmpi slt, %add3A_191, %select_n3A : i32
      %convert_element_type3A_193 = arith.extui %lt3A_192 : i1 to i32
      %cond3A_194 = arith.constant 0 : i32
      %cond3A_195 = arith.cmpi ne, %convert_element_type3A_193, %cond3A_194 : i32
      scf.if %cond3A_195 {
        %dma_start3A = arith.constant 256 : i32
        %dma_start3A_228 = tpu.memref_slice %arg7[%dma_start3A] : memref<384xi32, #tpu.memory_space<vmem>> -> memref<128xi32, #tpu.memory_space<vmem>>
        %dma_start3A_229 = arith.constant 0 : i32
        %dma_start3A_230 = arith.constant 0 : i32
        %dma_start3A_231 = tpu.memref_slice %arg2[%dma_start3A_229, %dma_start3A_230] : memref<10000x128xf32, #tpu.memory_space<hbm>> -> memref<10000x128xf32, #tpu.memory_space<hbm>>
        tpu.enqueue_indirect_dma source(%dma_start3A_231 : memref<10000x128xf32, #tpu.memory_space<hbm>>) target(%arg12 : memref<128x128xf32, #tpu.memory_space<vmem>>) offsets(%dma_start3A_228 : memref<128xi32, #tpu.memory_space<vmem>>) semaphore(%arg16 : memref<!tpu.dma_semaphore, #tpu.memory_space<semaphore_mem>>)
      } else {
      }
      %add3A_196 = arith.constant 1 : i32
      %add3A_197 = arith.addi %add3A_132, %add3A_196 : i32
      %mul3A_198 = arith.constant 3 : i32
      %mul3A_199 = arith.muli %add3A_197, %mul3A_198 : i32
      %lt3A_200 = arith.cmpi slt, %mul3A_199, %select_n3A : i32
      %convert_element_type3A_201 = arith.extui %lt3A_200 : i1 to i32
      %cond3A_202 = arith.constant 0 : i32
      %cond3A_203 = arith.cmpi ne, %convert_element_type3A_201, %cond3A_202 : i32
      scf.if %cond3A_203 {
        %add3A_228 = arith.constant 1 : i32
        %add3A_229 = arith.addi %add3A_132, %add3A_228 : i32
        %mul3A_230 = arith.constant 3 : i32
        %mul3A_231 = arith.muli %add3A_229, %mul3A_230 : i32
        %add3A_232 = arith.addi %add3A_16, %mul3A_231 : i32
        %mul3A_233 = arith.constant 128 : i32
        %mul3A_234 = arith.muli %add3A_232, %mul3A_233 : i32
        "tpu.region"() ({
          %run_scoped3A = tpu.sem_alloc : memref<!tpu.dma_semaphore, #tpu.memory_space<semaphore_mem>>
          %dma_start3A = tpu.memref_slice %arg3[%mul3A_234] : memref<320384xi32, #tpu.memory_space<hbm>> -> memref<384xi32, #tpu.memory_space<hbm>>
          %dma_start3A_235 = tpu.memref_slice %arg3[%mul3A_234] : memref<320384xi32, #tpu.memory_space<hbm>> -> memref<384xi32, #tpu.memory_space<hbm>>
          tpu.enqueue_dma source(%dma_start3A_235 : memref<384xi32, #tpu.memory_space<hbm>>) target(%arg6 : memref<384xi32, #tpu.memory_space<vmem>>) target_semaphore(%run_scoped3A : memref<!tpu.dma_semaphore, #tpu.memory_space<semaphore_mem>>)
          %dma_wait3A = tpu.memref_slice %arg3[%mul3A_234] : memref<320384xi32, #tpu.memory_space<hbm>> -> memref<384xi32, #tpu.memory_space<hbm>>
          %dma_wait3A_236 = tpu.memref_slice %arg3[%mul3A_234] : memref<320384xi32, #tpu.memory_space<hbm>> -> memref<384xi32, #tpu.memory_space<hbm>>
          tpu.wait_dma2 semaphore(%run_scoped3A : memref<!tpu.dma_semaphore, #tpu.memory_space<semaphore_mem>>) src(%dma_wait3A_236 : memref<384xi32, #tpu.memory_space<hbm>>) dst(%arg6 : memref<384xi32, #tpu.memory_space<vmem>>)
          tpu.yield
        }) : () -> ()
        "tpu.region"() ({
          %run_scoped3A = tpu.sem_alloc : memref<!tpu.dma_semaphore, #tpu.memory_space<semaphore_mem>>
          %dma_start3A = tpu.memref_slice %arg4[%mul3A_234] : memref<320384xi32, #tpu.memory_space<hbm>> -> memref<384xi32, #tpu.memory_space<hbm>>
          %dma_start3A_235 = tpu.memref_slice %arg4[%mul3A_234] : memref<320384xi32, #tpu.memory_space<hbm>> -> memref<384xi32, #tpu.memory_space<hbm>>
          tpu.enqueue_dma source(%dma_start3A_235 : memref<384xi32, #tpu.memory_space<hbm>>) target(%arg8 : memref<384xi32, #tpu.memory_space<vmem>>) target_semaphore(%run_scoped3A : memref<!tpu.dma_semaphore, #tpu.memory_space<semaphore_mem>>)
          %dma_wait3A = tpu.memref_slice %arg4[%mul3A_234] : memref<320384xi32, #tpu.memory_space<hbm>> -> memref<384xi32, #tpu.memory_space<hbm>>
          %dma_wait3A_236 = tpu.memref_slice %arg4[%mul3A_234] : memref<320384xi32, #tpu.memory_space<hbm>> -> memref<384xi32, #tpu.memory_space<hbm>>
          tpu.wait_dma2 semaphore(%run_scoped3A : memref<!tpu.dma_semaphore, #tpu.memory_space<semaphore_mem>>) src(%dma_wait3A_236 : memref<384xi32, #tpu.memory_space<hbm>>) dst(%arg8 : memref<384xi32, #tpu.memory_space<vmem>>)
          tpu.yield
        }) : () -> ()
      } else {
      }
      %mul3A_204 = arith.constant 3 : i32
      %mul3A_205 = arith.muli %add3A_132, %mul3A_204 : i32
      %add3A_206 = arith.constant 0 : i32
      %add3A_207 = arith.addi %mul3A_205, %add3A_206 : i32
      %lt3A_208 = arith.cmpi slt, %add3A_207, %select_n3A : i32
      %convert_element_type3A_209 = arith.extui %lt3A_208 : i1 to i32
      %cond3A_210 = arith.constant 0 : i32
      %cond3A_211 = arith.cmpi ne, %convert_element_type3A_209, %cond3A_210 : i32
      scf.if %cond3A_211 {
        %dma_wait3A = arith.constant 0 : i32
        %dma_wait3A_228 = tpu.memref_slice %arg7[%dma_wait3A] : memref<384xi32, #tpu.memory_space<vmem>> -> memref<128xi32, #tpu.memory_space<vmem>>
        %dma_wait3A_229 = arith.constant 0 : i32
        %dma_wait3A_230 = arith.constant 0 : i32
        %dma_wait3A_231 = tpu.memref_slice %arg2[%dma_wait3A_229, %dma_wait3A_230] : memref<10000x128xf32, #tpu.memory_space<hbm>> -> memref<10000x128xf32, #tpu.memory_space<hbm>>
        tpu.wait_indirect_dma semaphore(%arg14 : memref<!tpu.dma_semaphore, #tpu.memory_space<semaphore_mem>>) src(%dma_wait3A_231 : memref<10000x128xf32, #tpu.memory_space<hbm>>) dst(%arg10 : memref<128x128xf32, #tpu.memory_space<vmem>>)
        %dma_start3A = arith.constant 0 : i32
        %dma_start3A_232 = tpu.memref_slice %arg9[%dma_start3A] : memref<384xi32, #tpu.memory_space<vmem>> -> memref<128xi32, #tpu.memory_space<vmem>>
        %dma_start3A_233 = arith.constant 0 : i32
        %dma_start3A_234 = arith.constant 0 : i32
        %dma_start3A_235 = tpu.memref_slice %arg13[%dma_start3A_233, %dma_start3A_234] : memref<10000x128xf32, #tpu.memory_space<vmem_shared>> -> memref<10000x128xf32, #tpu.memory_space<vmem_shared>>
        tpu.enqueue_indirect_dma source(%arg10 : memref<128x128xf32, #tpu.memory_space<vmem>>) target(%dma_start3A_235 : memref<10000x128xf32, #tpu.memory_space<vmem_shared>>) offsets(%dma_start3A_232 : memref<128xi32, #tpu.memory_space<vmem>>) semaphore(%arg17 : memref<!tpu.dma_semaphore, #tpu.memory_space<semaphore_mem>>) {add = true}
      } else {
      }
      %mul3A_212 = arith.constant 3 : i32
      %mul3A_213 = arith.muli %add3A_132, %mul3A_212 : i32
      %add3A_214 = arith.constant 1 : i32
      %add3A_215 = arith.addi %mul3A_213, %add3A_214 : i32
      %lt3A_216 = arith.cmpi slt, %add3A_215, %select_n3A : i32
      %convert_element_type3A_217 = arith.extui %lt3A_216 : i1 to i32
      %cond3A_218 = arith.constant 0 : i32
      %cond3A_219 = arith.cmpi ne, %convert_element_type3A_217, %cond3A_218 : i32
      scf.if %cond3A_219 {
        %dma_wait3A = arith.constant 128 : i32
        %dma_wait3A_228 = tpu.memref_slice %arg7[%dma_wait3A] : memref<384xi32, #tpu.memory_space<vmem>> -> memref<128xi32, #tpu.memory_space<vmem>>
        %dma_wait3A_229 = arith.constant 0 : i32
        %dma_wait3A_230 = arith.constant 0 : i32
        %dma_wait3A_231 = tpu.memref_slice %arg2[%dma_wait3A_229, %dma_wait3A_230] : memref<10000x128xf32, #tpu.memory_space<hbm>> -> memref<10000x128xf32, #tpu.memory_space<hbm>>
        tpu.wait_indirect_dma semaphore(%arg15 : memref<!tpu.dma_semaphore, #tpu.memory_space<semaphore_mem>>) src(%dma_wait3A_231 : memref<10000x128xf32, #tpu.memory_space<hbm>>) dst(%arg11 : memref<128x128xf32, #tpu.memory_space<vmem>>)
        %dma_start3A = arith.constant 128 : i32
        %dma_start3A_232 = tpu.memref_slice %arg9[%dma_start3A] : memref<384xi32, #tpu.memory_space<vmem>> -> memref<128xi32, #tpu.memory_space<vmem>>
        %dma_start3A_233 = arith.constant 0 : i32
        %dma_start3A_234 = arith.constant 0 : i32
        %dma_start3A_235 = tpu.memref_slice %arg13[%dma_start3A_233, %dma_start3A_234] : memref<10000x128xf32, #tpu.memory_space<vmem_shared>> -> memref<10000x128xf32, #tpu.memory_space<vmem_shared>>
        tpu.enqueue_indirect_dma source(%arg11 : memref<128x128xf32, #tpu.memory_space<vmem>>) target(%dma_start3A_235 : memref<10000x128xf32, #tpu.memory_space<vmem_shared>>) offsets(%dma_start3A_232 : memref<128xi32, #tpu.memory_space<vmem>>) semaphore(%arg18 : memref<!tpu.dma_semaphore, #tpu.memory_space<semaphore_mem>>) {add = true}
      } else {
      }
      %mul3A_220 = arith.constant 3 : i32
      %mul3A_221 = arith.muli %add3A_132, %mul3A_220 : i32
      %add3A_222 = arith.constant 2 : i32
      %add3A_223 = arith.addi %mul3A_221, %add3A_222 : i32
      %lt3A_224 = arith.cmpi slt, %add3A_223, %select_n3A : i32
      %convert_element_type3A_225 = arith.extui %lt3A_224 : i1 to i32
      %cond3A_226 = arith.constant 0 : i32
      %cond3A_227 = arith.cmpi ne, %convert_element_type3A_225, %cond3A_226 : i32
      scf.if %cond3A_227 {
        %dma_wait3A = arith.constant 256 : i32
        %dma_wait3A_228 = tpu.memref_slice %arg7[%dma_wait3A] : memref<384xi32, #tpu.memory_space<vmem>> -> memref<128xi32, #tpu.memory_space<vmem>>
        %dma_wait3A_229 = arith.constant 0 : i32
        %dma_wait3A_230 = arith.constant 0 : i32
        %dma_wait3A_231 = tpu.memref_slice %arg2[%dma_wait3A_229, %dma_wait3A_230] : memref<10000x128xf32, #tpu.memory_space<hbm>> -> memref<10000x128xf32, #tpu.memory_space<hbm>>
        tpu.wait_indirect_dma semaphore(%arg16 : memref<!tpu.dma_semaphore, #tpu.memory_space<semaphore_mem>>) src(%dma_wait3A_231 : memref<10000x128xf32, #tpu.memory_space<hbm>>) dst(%arg12 : memref<128x128xf32, #tpu.memory_space<vmem>>)
        %dma_start3A = arith.constant 256 : i32
        %dma_start3A_232 = tpu.memref_slice %arg9[%dma_start3A] : memref<384xi32, #tpu.memory_space<vmem>> -> memref<128xi32, #tpu.memory_space<vmem>>
        %dma_start3A_233 = arith.constant 0 : i32
        %dma_start3A_234 = arith.constant 0 : i32
        %dma_start3A_235 = tpu.memref_slice %arg13[%dma_start3A_233, %dma_start3A_234] : memref<10000x128xf32, #tpu.memory_space<vmem_shared>> -> memref<10000x128xf32, #tpu.memory_space<vmem_shared>>
        tpu.enqueue_indirect_dma source(%arg12 : memref<128x128xf32, #tpu.memory_space<vmem>>) target(%dma_start3A_235 : memref<10000x128xf32, #tpu.memory_space<vmem_shared>>) offsets(%dma_start3A_232 : memref<128xi32, #tpu.memory_space<vmem>>) semaphore(%arg19 : memref<!tpu.dma_semaphore, #tpu.memory_space<semaphore_mem>>) {add = true}
      } else {
      }
    }
    %scan3A_28 = arith.constant 14 : i32
    %barrier3A_29 = arith.constant 0 : index
    tpu.barrier barrier_id(%barrier3A_29)
    %scan3A_30 = arith.constant 0 : i32
    %scan3A_31 = arith.constant 0 : i32
    %scan3A_32 = arith.constant 2 : i32
    %scan3A_33 = arith.addi %scan3A_31, %scan3A_32 : i32
    %scan3A_34 = arith.constant 1 : i32
    scf.for %scan3A_36 = %scan3A_31 to %scan3A_33 step %scan3A_34  : i32 {
      %mul3A_37 = arith.constant 16 : i32
      %mul3A_38 = arith.muli %scan3A_36, %mul3A_37 : i32
      %add3A_39 = arith.addi %arg1, %mul3A_38 : i32
      %lt3A_40 = arith.constant 25 : i32
      %lt3A_41 = arith.cmpi slt, %add3A_39, %lt3A_40 : i32
      %convert_element_type3A = arith.extui %lt3A_41 : i1 to i32
      %cond3A = arith.constant 0 : i32
      %cond3A_42 = arith.cmpi ne, %convert_element_type3A, %cond3A : i32
      scf.if %cond3A_42 {
        %mul3A_43 = arith.constant 400 : i32
        %mul3A_44 = arith.muli %add3A_39, %mul3A_43 : i32
        "tpu.region"() ({
          %run_scoped3A = tpu.sem_alloc : memref<!tpu.dma_semaphore, #tpu.memory_space<semaphore_mem>>
          %dma_start3A = arith.constant 0 : i32
          %dma_start3A_45 = tpu.memref_slice %arg5[%arg0, %mul3A_44, %dma_start3A] : memref<2x10000x128xf32, #tpu.memory_space<hbm>> -> memref<1x400x128xf32, #tpu.memory_space<hbm>>
          %dma_start3A_46 = tpu.memref_squeeze %dma_start3A_45 : memref<1x400x128xf32, #tpu.memory_space<hbm>> -> memref<400x128xf32, #tpu.memory_space<hbm>>
          %dma_start3A_47 = arith.constant 0 : i32
          %dma_start3A_48 = tpu.memref_slice %arg13[%mul3A_44, %dma_start3A_47] : memref<10000x128xf32, #tpu.memory_space<vmem_shared>> -> memref<400x128xf32, #tpu.memory_space<vmem_shared>>
          tpu.enqueue_dma source(%dma_start3A_48 : memref<400x128xf32, #tpu.memory_space<vmem_shared>>) target(%dma_start3A_46 : memref<400x128xf32, #tpu.memory_space<hbm>>) target_semaphore(%run_scoped3A : memref<!tpu.dma_semaphore, #tpu.memory_space<semaphore_mem>>)
          %dma_wait3A = arith.constant 0 : i32
          %dma_wait3A_49 = tpu.memref_slice %arg5[%arg0, %mul3A_44, %dma_wait3A] : memref<2x10000x128xf32, #tpu.memory_space<hbm>> -> memref<1x400x128xf32, #tpu.memory_space<hbm>>
          %dma_wait3A_50 = tpu.memref_squeeze %dma_wait3A_49 : memref<1x400x128xf32, #tpu.memory_space<hbm>> -> memref<400x128xf32, #tpu.memory_space<hbm>>
          %dma_wait3A_51 = arith.constant 0 : i32
          %dma_wait3A_52 = tpu.memref_slice %arg13[%mul3A_44, %dma_wait3A_51] : memref<10000x128xf32, #tpu.memory_space<vmem_shared>> -> memref<400x128xf32, #tpu.memory_space<vmem_shared>>
          tpu.wait_dma2 semaphore(%run_scoped3A : memref<!tpu.dma_semaphore, #tpu.memory_space<semaphore_mem>>) src(%dma_wait3A_52 : memref<400x128xf32, #tpu.memory_space<vmem_shared>>) dst(%dma_wait3A_50 : memref<400x128xf32, #tpu.memory_space<hbm>>)
          tpu.yield
        }) : () -> ()
      } else {
      }
    }
    %scan3A_35 = arith.constant 2 : i32
    return
  }
}

module attributes {stable_mosaic.version = 14 : i64} {
  func.func @_mlp_stats_body(%arg0: i32, %arg1: memref<1000x128xf32, #tpu.memory_space<vmem>>, %arg2: memref<1000x128xf32, #tpu.memory_space<vmem>>, %arg3: memref<1000x128xf32, #tpu.memory_space<vmem>>, %arg4: memref<1x128xf32, #tpu.memory_space<vmem>>, %arg5: memref<128x128xf32, #tpu.memory_space<vmem>>, %arg6: memref<1x128xf32, #tpu.memory_space<vmem>>, %arg7: memref<128x128xf32, #tpu.memory_space<vmem>>, %arg8: memref<1x128xf32, #tpu.memory_space<vmem>>, %arg9: memref<1000x128xf32, #tpu.memory_space<vmem>>, %arg10: memref<2x128xf32, #tpu.memory_space<vmem>>) attributes {dimension_semantics = [#tpu.dimension_semantics<arbitrary>], iteration_bounds = array<i64: 10>, scalar_prefetch = 0 : i64, scratch_operands = 0 : i64, tpu.core_type = #tpu.core_type<tc>, window_params = [{transform_indices = @transform_0, window_bounds = array<i64: 1000, 128>}, {transform_indices = @transform_1, window_bounds = array<i64: 1000, 128>}, {transform_indices = @transform_2, window_bounds = array<i64: 1000, 128>}, {pipeline_mode = #tpu.pipeline_mode<synchronous>, transform_indices = @transform_3, window_bounds = array<i64: 1, 128>}, {pipeline_mode = #tpu.pipeline_mode<synchronous>, transform_indices = @transform_4, window_bounds = array<i64: 128, 128>}, {pipeline_mode = #tpu.pipeline_mode<synchronous>, transform_indices = @transform_5, window_bounds = array<i64: 1, 128>}, {pipeline_mode = #tpu.pipeline_mode<synchronous>, transform_indices = @transform_6, window_bounds = array<i64: 128, 128>}, {pipeline_mode = #tpu.pipeline_mode<synchronous>, transform_indices = @transform_7, window_bounds = array<i64: 1, 128>}, {transform_indices = @transform_8, window_bounds = array<i64: 1000, 128>}, {pipeline_mode = #tpu.pipeline_mode<synchronous>, transform_indices = @transform_9, window_bounds = array<i64: 2, 128>}]} {
    %get3A = arith.constant 0 : index
    %get3A_0 = arith.constant 0 : index
    %get3A_1 = vector.load %arg1[%get3A, %get3A_0] : memref<1000x128xf32, #tpu.memory_space<vmem>>, vector<1000x128xf32>
    %get3A_2 = arith.constant 0 : index
    %get3A_3 = arith.constant 0 : index
    %get3A_4 = vector.load %arg4[%get3A_2, %get3A_3] : memref<1x128xf32, #tpu.memory_space<vmem>>, vector<1x128xf32>
    %mul3A = vector.broadcast %get3A_4 : vector<1x128xf32> to vector<1000x128xf32>
    %mul3A_5 = arith.mulf %get3A_1, %mul3A : vector<1000x128xf32>
    %get3A_6 = arith.constant 0 : index
    %get3A_7 = arith.constant 0 : index
    %get3A_8 = vector.load %arg2[%get3A_6, %get3A_7] : memref<1000x128xf32, #tpu.memory_space<vmem>>, vector<1000x128xf32>
    %add3A = arith.addf %mul3A_5, %get3A_8 : vector<1000x128xf32>
    %get3A_9 = arith.constant 0 : index
    %get3A_10 = arith.constant 0 : index
    %get3A_11 = vector.load %arg3[%get3A_9, %get3A_10] : memref<1000x128xf32, #tpu.memory_space<vmem>>, vector<1000x128xf32>
    %add3A_12 = arith.addf %add3A, %get3A_11 : vector<1000x128xf32>
    %get3A_13 = arith.constant 0 : index
    %get3A_14 = arith.constant 0 : index
    %get3A_15 = vector.load %arg5[%get3A_13, %get3A_14] : memref<128x128xf32, #tpu.memory_space<vmem>>, vector<128x128xf32>
    %dot_general3A = arith.constant dense<0.000000e+00> : vector<1000x128xf32>
    %dot_general3A_16 = tpu.matmul %add3A_12, %get3A_15, %dot_general3A {dimension_numbers = #tpu.dot_dimension_numbers<[1], [0], [0], [1], [0, 0, 1, 1], [], []>, transpose_lhs_hint = false} : vector<1000x128xf32>, vector<128x128xf32>, vector<1000x128xf32> -> vector<1000x128xf32>
    %get3A_17 = arith.constant 0 : index
    %get3A_18 = arith.constant 0 : index
    %get3A_19 = vector.load %arg6[%get3A_17, %get3A_18] : memref<1x128xf32, #tpu.memory_space<vmem>>, vector<1x128xf32>
    %add3A_20 = vector.broadcast %get3A_19 : vector<1x128xf32> to vector<1000x128xf32>
    %add3A_21 = arith.addf %dot_general3A_16, %add3A_20 : vector<1000x128xf32>
    %max3A = arith.constant 0.000000e+00 : f32
    %max3A_22 = vector.broadcast %max3A : f32 to vector<1000x128xf32>
    %max3A_23 = arith.maximumf %add3A_21, %max3A_22 : vector<1000x128xf32>
    %get3A_24 = arith.constant 0 : index
    %get3A_25 = arith.constant 0 : index
    %get3A_26 = vector.load %arg7[%get3A_24, %get3A_25] : memref<128x128xf32, #tpu.memory_space<vmem>>, vector<128x128xf32>
    %dot_general3A_27 = arith.constant dense<0.000000e+00> : vector<1000x128xf32>
    %dot_general3A_28 = tpu.matmul %max3A_23, %get3A_26, %dot_general3A_27 {dimension_numbers = #tpu.dot_dimension_numbers<[1], [0], [0], [1], [0, 0, 1, 1], [], []>, transpose_lhs_hint = false} : vector<1000x128xf32>, vector<128x128xf32>, vector<1000x128xf32> -> vector<1000x128xf32>
    %get3A_29 = arith.constant 0 : index
    %get3A_30 = arith.constant 0 : index
    %get3A_31 = vector.load %arg8[%get3A_29, %get3A_30] : memref<1x128xf32, #tpu.memory_space<vmem>>, vector<1x128xf32>
    %add3A_32 = vector.broadcast %get3A_31 : vector<1x128xf32> to vector<1000x128xf32>
    %add3A_33 = arith.addf %dot_general3A_28, %add3A_32 : vector<1000x128xf32>
    %swap3A = arith.constant 0 : index
    %swap3A_34 = arith.constant 0 : index
    %swap3A_35 = vector.load %arg9[%swap3A, %swap3A_34] : memref<1000x128xf32, #tpu.memory_space<vmem>>, vector<1000x128xf32>
    tpu.vector_store %arg9[%swap3A, %swap3A_34], %add3A_33 {strides = array<i32>} : memref<1000x128xf32, #tpu.memory_space<vmem>>, vector<1000x128xf32>,
    %reduce_sum3A = arith.constant dense<0.000000e+00> : vector<128xf32>
    %reduce_sum3A_36 = vector.multi_reduction <add>, %add3A_33, %reduce_sum3A [0] : vector<1000x128xf32> to vector<128xf32>
    %broadcast_in_dim3A = vector.shape_cast %reduce_sum3A_36 : vector<128xf32> to vector<1x128xf32>
    %mul3A_37 = arith.mulf %add3A_33, %add3A_33 : vector<1000x128xf32>
    %reduce_sum3A_38 = arith.constant dense<0.000000e+00> : vector<128xf32>
    %reduce_sum3A_39 = vector.multi_reduction <add>, %mul3A_37, %reduce_sum3A_38 [0] : vector<1000x128xf32> to vector<128xf32>
    %broadcast_in_dim3A_40 = vector.shape_cast %reduce_sum3A_39 : vector<128xf32> to vector<1x128xf32>
    %concatenate3A = tpu.concatenate %broadcast_in_dim3A, %broadcast_in_dim3A_40 in 0 : vector<1x128xf32>, vector<1x128xf32> -> vector<2x128xf32>
    %eq3A = arith.constant 0 : i32
    %eq3A_41 = arith.cmpi eq, %arg0, %eq3A : i32
    %convert_element_type3A = arith.extui %eq3A_41 : i1 to i32
    %cond3A = arith.constant 0 : i32
    %cond3A_42 = arith.cmpi ne, %convert_element_type3A, %cond3A : i32
    scf.if %cond3A_42 {
      %swap3A_47 = arith.constant 0 : index
      %swap3A_48 = arith.constant 0 : index
      %swap3A_49 = vector.load %arg10[%swap3A_47, %swap3A_48] : memref<2x128xf32, #tpu.memory_space<vmem>>, vector<2x128xf32>
      tpu.vector_store %arg10[%swap3A_47, %swap3A_48], %concatenate3A {strides = array<i32>} : memref<2x128xf32, #tpu.memory_space<vmem>>, vector<2x128xf32>,
    } else {
    }
    %ne3A = arith.constant 0 : i32
    %ne3A_43 = arith.cmpi ne, %arg0, %ne3A : i32
    %convert_element_type3A_44 = arith.extui %ne3A_43 : i1 to i32
    %cond3A_45 = arith.constant 0 : i32
    %cond3A_46 = arith.cmpi ne, %convert_element_type3A_44, %cond3A_45 : i32
    scf.if %cond3A_46 {
      %get3A_47 = arith.constant 0 : index
      %get3A_48 = arith.constant 0 : index
      %get3A_49 = vector.load %arg10[%get3A_47, %get3A_48] : memref<2x128xf32, #tpu.memory_space<vmem>>, vector<2x128xf32>
      %add3A_50 = arith.addf %get3A_49, %concatenate3A : vector<2x128xf32>
      %swap3A_51 = arith.constant 0 : index
      %swap3A_52 = arith.constant 0 : index
      %swap3A_53 = vector.load %arg10[%swap3A_51, %swap3A_52] : memref<2x128xf32, #tpu.memory_space<vmem>>, vector<2x128xf32>
      tpu.vector_store %arg10[%swap3A_51, %swap3A_52], %add3A_50 {strides = array<i32>} : memref<2x128xf32, #tpu.memory_space<vmem>>, vector<2x128xf32>,
    } else {
    }
    return
  }
  func.func @transform_0(%arg0: i32) -> (i32, i32) {
    %c0_i32 = arith.constant 0 : i32
    %c0_i32_0 = arith.constant 0 : i32
    return %arg0, %c0_i32 : i32, i32
  }
  func.func @transform_1(%arg0: i32) -> (i32, i32) {
    %c0_i32 = arith.constant 0 : i32
    %c0_i32_0 = arith.constant 0 : i32
    return %arg0, %c0_i32 : i32, i32
  }
  func.func @transform_2(%arg0: i32) -> (i32, i32) {
    %c0_i32 = arith.constant 0 : i32
    %c0_i32_0 = arith.constant 0 : i32
    return %arg0, %c0_i32 : i32, i32
  }
  func.func @transform_3(%arg0: i32) -> (i32, i32) {
    %c0_i32 = arith.constant 0 : i32
    %c0_i32_0 = arith.constant 0 : i32
    %c0_i32_1 = arith.constant 0 : i32
    return %c0_i32, %c0_i32_0 : i32, i32
  }
  func.func @transform_4(%arg0: i32) -> (i32, i32) {
    %c0_i32 = arith.constant 0 : i32
    %c0_i32_0 = arith.constant 0 : i32
    %c0_i32_1 = arith.constant 0 : i32
    return %c0_i32, %c0_i32_0 : i32, i32
  }
  func.func @transform_5(%arg0: i32) -> (i32, i32) {
    %c0_i32 = arith.constant 0 : i32
    %c0_i32_0 = arith.constant 0 : i32
    %c0_i32_1 = arith.constant 0 : i32
    return %c0_i32, %c0_i32_0 : i32, i32
  }
  func.func @transform_6(%arg0: i32) -> (i32, i32) {
    %c0_i32 = arith.constant 0 : i32
    %c0_i32_0 = arith.constant 0 : i32
    %c0_i32_1 = arith.constant 0 : i32
    return %c0_i32, %c0_i32_0 : i32, i32
  }
  func.func @transform_7(%arg0: i32) -> (i32, i32) {
    %c0_i32 = arith.constant 0 : i32
    %c0_i32_0 = arith.constant 0 : i32
    %c0_i32_1 = arith.constant 0 : i32
    return %c0_i32, %c0_i32_0 : i32, i32
  }
  func.func @transform_8(%arg0: i32) -> (i32, i32) {
    %c0_i32 = arith.constant 0 : i32
    %c0_i32_0 = arith.constant 0 : i32
    return %arg0, %c0_i32 : i32, i32
  }
  func.func @transform_9(%arg0: i32) -> (i32, i32) {
    %c0_i32 = arith.constant 0 : i32
    %c0_i32_0 = arith.constant 0 : i32
    %c0_i32_1 = arith.constant 0 : i32
    return %c0_i32, %c0_i32_0 : i32, i32
  }
}

module attributes {stable_mosaic.version = 14 : i64} {
  func.func @_bn_body(%arg0: i32, %arg1: memref<1000x128xf32, #tpu.memory_space<vmem>>, %arg2: memref<2x128xf32, #tpu.memory_space<vmem>>, %arg3: memref<1x128xf32, #tpu.memory_space<vmem>>, %arg4: memref<1x128xf32, #tpu.memory_space<vmem>>, %arg5: memref<1000x128xf32, #tpu.memory_space<vmem>>) attributes {dimension_semantics = [#tpu.dimension_semantics<arbitrary>], iteration_bounds = array<i64: 10>, scalar_prefetch = 0 : i64, scratch_operands = 0 : i64, tpu.core_type = #tpu.core_type<tc>, window_params = [{transform_indices = @transform_0, window_bounds = array<i64: 1000, 128>}, {pipeline_mode = #tpu.pipeline_mode<synchronous>, transform_indices = @transform_1, window_bounds = array<i64: 2, 128>}, {pipeline_mode = #tpu.pipeline_mode<synchronous>, transform_indices = @transform_2, window_bounds = array<i64: 1, 128>}, {pipeline_mode = #tpu.pipeline_mode<synchronous>, transform_indices = @transform_3, window_bounds = array<i64: 1, 128>}, {transform_indices = @transform_4, window_bounds = array<i64: 1000, 128>}]} {
    %get3A = arith.constant 0 : index
    %get3A_0 = arith.constant 0 : index
    %get3A_1 = vector.load %arg2[%get3A, %get3A_0] : memref<2x128xf32, #tpu.memory_space<vmem>>, vector<1x128xf32>
    %mul3A = arith.constant 9.99999974E-5 : f32
    %mul3A_2 = vector.broadcast %mul3A : f32 to vector<1x128xf32>
    %mul3A_3 = arith.mulf %get3A_1, %mul3A_2 : vector<1x128xf32>
    %get3A_4 = arith.constant 1 : index
    %get3A_5 = arith.constant 0 : index
    %get3A_6 = vector.load %arg2[%get3A_4, %get3A_5] : memref<2x128xf32, #tpu.memory_space<vmem>>, vector<1x128xf32>
    %mul3A_7 = arith.constant 9.99999974E-5 : f32
    %mul3A_8 = vector.broadcast %mul3A_7 : f32 to vector<1x128xf32>
    %mul3A_9 = arith.mulf %get3A_6, %mul3A_8 : vector<1x128xf32>
    %mul3A_10 = arith.mulf %mul3A_3, %mul3A_3 : vector<1x128xf32>
    %sub3A = arith.subf %mul3A_9, %mul3A_10 : vector<1x128xf32>
    %add3A = arith.constant 9.99999974E-6 : f32
    %add3A_11 = vector.broadcast %add3A : f32 to vector<1x128xf32>
    %add3A_12 = arith.addf %sub3A, %add3A_11 : vector<1x128xf32>
    %rsqrt3A = math.rsqrt %add3A_12 : vector<1x128xf32>
    %get3A_13 = arith.constant 0 : index
    %get3A_14 = arith.constant 0 : index
    %get3A_15 = vector.load %arg1[%get3A_13, %get3A_14] : memref<1000x128xf32, #tpu.memory_space<vmem>>, vector<1000x128xf32>
    %sub3A_16 = vector.broadcast %mul3A_3 : vector<1x128xf32> to vector<1000x128xf32>
    %sub3A_17 = arith.subf %get3A_15, %sub3A_16 : vector<1000x128xf32>
    %mul3A_18 = vector.broadcast %rsqrt3A : vector<1x128xf32> to vector<1000x128xf32>
    %mul3A_19 = arith.mulf %sub3A_17, %mul3A_18 : vector<1000x128xf32>
    %get3A_20 = arith.constant 0 : index
    %get3A_21 = arith.constant 0 : index
    %get3A_22 = vector.load %arg3[%get3A_20, %get3A_21] : memref<1x128xf32, #tpu.memory_space<vmem>>, vector<1x128xf32>
    %mul3A_23 = vector.broadcast %get3A_22 : vector<1x128xf32> to vector<1000x128xf32>
    %mul3A_24 = arith.mulf %mul3A_19, %mul3A_23 : vector<1000x128xf32>
    %get3A_25 = arith.constant 0 : index
    %get3A_26 = arith.constant 0 : index
    %get3A_27 = vector.load %arg4[%get3A_25, %get3A_26] : memref<1x128xf32, #tpu.memory_space<vmem>>, vector<1x128xf32>
    %add3A_28 = vector.broadcast %get3A_27 : vector<1x128xf32> to vector<1000x128xf32>
    %add3A_29 = arith.addf %mul3A_24, %add3A_28 : vector<1000x128xf32>
    %max3A = arith.constant 0.000000e+00 : f32
    %max3A_30 = vector.broadcast %max3A : f32 to vector<1000x128xf32>
    %max3A_31 = arith.maximumf %add3A_29, %max3A_30 : vector<1000x128xf32>
    %swap3A = arith.constant 0 : index
    %swap3A_32 = arith.constant 0 : index
    %swap3A_33 = vector.load %arg5[%swap3A, %swap3A_32] : memref<1000x128xf32, #tpu.memory_space<vmem>>, vector<1000x128xf32>
    tpu.vector_store %arg5[%swap3A, %swap3A_32], %max3A_31 {strides = array<i32>} : memref<1000x128xf32, #tpu.memory_space<vmem>>, vector<1000x128xf32>,
    return
  }
  func.func @transform_0(%arg0: i32) -> (i32, i32) {
    %c0_i32 = arith.constant 0 : i32
    %c0_i32_0 = arith.constant 0 : i32
    return %arg0, %c0_i32 : i32, i32
  }
  func.func @transform_1(%arg0: i32) -> (i32, i32) {
    %c0_i32 = arith.constant 0 : i32
    %c0_i32_0 = arith.constant 0 : i32
    %c0_i32_1 = arith.constant 0 : i32
    return %c0_i32, %c0_i32_0 : i32, i32
  }
  func.func @transform_2(%arg0: i32) -> (i32, i32) {
    %c0_i32 = arith.constant 0 : i32
    %c0_i32_0 = arith.constant 0 : i32
    %c0_i32_1 = arith.constant 0 : i32
    return %c0_i32, %c0_i32_0 : i32, i32
  }
  func.func @transform_3(%arg0: i32) -> (i32, i32) {
    %c0_i32 = arith.constant 0 : i32
    %c0_i32_0 = arith.constant 0 : i32
    %c0_i32_1 = arith.constant 0 : i32
    return %c0_i32, %c0_i32_0 : i32, i32
  }
  func.func @transform_4(%arg0: i32) -> (i32, i32) {
    %c0_i32 = arith.constant 0 : i32
    %c0_i32_0 = arith.constant 0 : i32
    return %arg0, %c0_i32 : i32, i32
  }
}

module attributes {stable_mosaic.version = 14 : i64} {
  func.func @_bn_pool_body(%arg0: i32, %arg1: memref<1000x128xf32, #tpu.memory_space<vmem>>, %arg2: memref<2x128xf32, #tpu.memory_space<vmem>>, %arg3: memref<1x128xf32, #tpu.memory_space<vmem>>, %arg4: memref<1x128xf32, #tpu.memory_space<vmem>>, %arg5: memref<1x1x1000xi32, #tpu.memory_space<vmem>>, %arg6: memref<64x128xf32, #tpu.memory_space<vmem>>, %arg7: memref<64x128xf32, #tpu.memory_space<vmem>>, %arg8: memref<64x128xf32, #tpu.memory_space<vmem>>) attributes {dimension_semantics = [#tpu.dimension_semantics<arbitrary>], iteration_bounds = array<i64: 10>, scalar_prefetch = 0 : i64, scratch_operands = 2 : i64, tpu.core_type = #tpu.core_type<tc>, window_params = [{transform_indices = @transform_0, window_bounds = array<i64: 1000, 128>}, {pipeline_mode = #tpu.pipeline_mode<synchronous>, transform_indices = @transform_1, window_bounds = array<i64: 2, 128>}, {pipeline_mode = #tpu.pipeline_mode<synchronous>, transform_indices = @transform_2, window_bounds = array<i64: 1, 128>}, {pipeline_mode = #tpu.pipeline_mode<synchronous>, transform_indices = @transform_3, window_bounds = array<i64: 1, 128>}, {transform_indices = @transform_4, window_bounds = array<i64: 1, 1, 1000>}, {pipeline_mode = #tpu.pipeline_mode<synchronous>, transform_indices = @transform_5, window_bounds = array<i64: 64, 128>}]} {
    %get3A = arith.constant 0 : index
    %get3A_0 = arith.constant 0 : index
    %get3A_1 = vector.load %arg2[%get3A, %get3A_0] : memref<2x128xf32, #tpu.memory_space<vmem>>, vector<1x128xf32>
    %mul3A = arith.constant 9.99999974E-5 : f32
    %mul3A_2 = vector.broadcast %mul3A : f32 to vector<1x128xf32>
    %mul3A_3 = arith.mulf %get3A_1, %mul3A_2 : vector<1x128xf32>
    %get3A_4 = arith.constant 1 : index
    %get3A_5 = arith.constant 0 : index
    %get3A_6 = vector.load %arg2[%get3A_4, %get3A_5] : memref<2x128xf32, #tpu.memory_space<vmem>>, vector<1x128xf32>
    %mul3A_7 = arith.constant 9.99999974E-5 : f32
    %mul3A_8 = vector.broadcast %mul3A_7 : f32 to vector<1x128xf32>
    %mul3A_9 = arith.mulf %get3A_6, %mul3A_8 : vector<1x128xf32>
    %mul3A_10 = arith.mulf %mul3A_3, %mul3A_3 : vector<1x128xf32>
    %sub3A = arith.subf %mul3A_9, %mul3A_10 : vector<1x128xf32>
    %add3A = arith.constant 9.99999974E-6 : f32
    %add3A_11 = vector.broadcast %add3A : f32 to vector<1x128xf32>
    %add3A_12 = arith.addf %sub3A, %add3A_11 : vector<1x128xf32>
    %rsqrt3A = math.rsqrt %add3A_12 : vector<1x128xf32>
    %get3A_13 = arith.constant 0 : index
    %get3A_14 = arith.constant 0 : index
    %get3A_15 = vector.load %arg1[%get3A_13, %get3A_14] : memref<1000x128xf32, #tpu.memory_space<vmem>>, vector<1000x128xf32>
    %sub3A_16 = vector.broadcast %mul3A_3 : vector<1x128xf32> to vector<1000x128xf32>
    %sub3A_17 = arith.subf %get3A_15, %sub3A_16 : vector<1000x128xf32>
    %mul3A_18 = vector.broadcast %rsqrt3A : vector<1x128xf32> to vector<1000x128xf32>
    %mul3A_19 = arith.mulf %sub3A_17, %mul3A_18 : vector<1000x128xf32>
    %get3A_20 = arith.constant 0 : index
    %get3A_21 = arith.constant 0 : index
    %get3A_22 = vector.load %arg3[%get3A_20, %get3A_21] : memref<1x128xf32, #tpu.memory_space<vmem>>, vector<1x128xf32>
    %mul3A_23 = vector.broadcast %get3A_22 : vector<1x128xf32> to vector<1000x128xf32>
    %mul3A_24 = arith.mulf %mul3A_19, %mul3A_23 : vector<1000x128xf32>
    %get3A_25 = arith.constant 0 : index
    %get3A_26 = arith.constant 0 : index
    %get3A_27 = vector.load %arg4[%get3A_25, %get3A_26] : memref<1x128xf32, #tpu.memory_space<vmem>>, vector<1x128xf32>
    %add3A_28 = vector.broadcast %get3A_27 : vector<1x128xf32> to vector<1000x128xf32>
    %add3A_29 = arith.addf %mul3A_24, %add3A_28 : vector<1000x128xf32>
    %max3A = arith.constant 0.000000e+00 : f32
    %max3A_30 = vector.broadcast %max3A : f32 to vector<1000x128xf32>
    %max3A_31 = arith.maximumf %add3A_29, %max3A_30 : vector<1000x128xf32>
    %get3A_32 = arith.constant 0 : index
    %get3A_33 = arith.constant 0 : index
    %get3A_34 = arith.constant 0 : index
    %get3A_35 = vector.load %arg5[%get3A_32, %get3A_33, %get3A_34] : memref<1x1x1000xi32, #tpu.memory_space<vmem>>, vector<1x1x1000xi32>
    %squeeze3A = vector.shape_cast %get3A_35 : vector<1x1x1000xi32> to vector<1x1000xi32>
    %iota3A = tpu.iota {dimensions = array<i32: 0>} : vector<64x1000xi32>
    %eq3A = vector.broadcast %squeeze3A : vector<1x1000xi32> to vector<64x1000xi32>
    %eq3A_36 = arith.cmpi eq, %eq3A, %iota3A : vector<64x1000xi32>
    %convert_element_type3A = arith.extui %eq3A_36 : vector<64x1000xi1> to vector<64x1000xi32>
    %convert_element_type3A_37 = arith.sitofp %convert_element_type3A : vector<64x1000xi32> to vector<64x1000xf32>
    %dot_general3A = arith.constant dense<0.000000e+00> : vector<64x128xf32>
    %dot_general3A_38 = tpu.matmul %convert_element_type3A_37, %max3A_31, %dot_general3A {dimension_numbers = #tpu.dot_dimension_numbers<[1], [0], [0], [1], [0, 0, 1, 1], [], []>, transpose_lhs_hint = false} : vector<64x1000xf32>, vector<1000x128xf32>, vector<64x128xf32> -> vector<64x128xf32>
    %reduce_sum3A = arith.constant dense<0.000000e+00> : vector<64xf32>
    %reduce_sum3A_39 = vector.multi_reduction <add>, %convert_element_type3A_37, %reduce_sum3A [1] : vector<64x1000xf32> to vector<64xf32>
    %broadcast_in_dim3A = vector.shape_cast %reduce_sum3A_39 : vector<64xf32> to vector<64x1xf32>
    %broadcast_in_dim3A_40 = vector.shape_cast %broadcast_in_dim3A : vector<64x1xf32> to vector<64x1xf32>
    %broadcast_in_dim3A_41 = vector.broadcast %broadcast_in_dim3A_40 : vector<64x1xf32> to vector<64x128xf32>
    %eq3A_42 = arith.constant 0 : i32
    %eq3A_43 = arith.cmpi eq, %arg0, %eq3A_42 : i32
    %convert_element_type3A_44 = arith.extui %eq3A_43 : i1 to i32
    %cond3A = arith.constant 0 : i32
    %cond3A_45 = arith.cmpi ne, %convert_element_type3A_44, %cond3A : i32
    scf.if %cond3A_45 {
      %swap3A_61 = arith.constant 0 : index
      %swap3A_62 = arith.constant 0 : index
      %swap3A_63 = vector.load %arg7[%swap3A_61, %swap3A_62] : memref<64x128xf32, #tpu.memory_space<vmem>>, vector<64x128xf32>
      tpu.vector_store %arg7[%swap3A_61, %swap3A_62], %dot_general3A_38 {strides = array<i32>} : memref<64x128xf32, #tpu.memory_space<vmem>>, vector<64x128xf32>,
      %swap3A_64 = arith.constant 0 : index
      %swap3A_65 = arith.constant 0 : index
      %swap3A_66 = vector.load %arg8[%swap3A_64, %swap3A_65] : memref<64x128xf32, #tpu.memory_space<vmem>>, vector<64x128xf32>
      tpu.vector_store %arg8[%swap3A_64, %swap3A_65], %broadcast_in_dim3A_41 {strides = array<i32>} : memref<64x128xf32, #tpu.memory_space<vmem>>, vector<64x128xf32>,
    } else {
    }
    %ne3A = arith.constant 0 : i32
    %ne3A_46 = arith.cmpi ne, %arg0, %ne3A : i32
    %convert_element_type3A_47 = arith.extui %ne3A_46 : i1 to i32
    %cond3A_48 = arith.constant 0 : i32
    %cond3A_49 = arith.cmpi ne, %convert_element_type3A_47, %cond3A_48 : i32
    scf.if %cond3A_49 {
      %get3A_61 = arith.constant 0 : index
      %get3A_62 = arith.constant 0 : index
      %get3A_63 = vector.load %arg7[%get3A_61, %get3A_62] : memref<64x128xf32, #tpu.memory_space<vmem>>, vector<64x128xf32>
      %add3A_64 = arith.addf %get3A_63, %dot_general3A_38 : vector<64x128xf32>
      %swap3A_65 = arith.constant 0 : index
      %swap3A_66 = arith.constant 0 : index
      %swap3A_67 = vector.load %arg7[%swap3A_65, %swap3A_66] : memref<64x128xf32, #tpu.memory_space<vmem>>, vector<64x128xf32>
      tpu.vector_store %arg7[%swap3A_65, %swap3A_66], %add3A_64 {strides = array<i32>} : memref<64x128xf32, #tpu.memory_space<vmem>>, vector<64x128xf32>,
      %get3A_68 = arith.constant 0 : index
      %get3A_69 = arith.constant 0 : index
      %get3A_70 = vector.load %arg8[%get3A_68, %get3A_69] : memref<64x128xf32, #tpu.memory_space<vmem>>, vector<64x128xf32>
      %add3A_71 = arith.addf %get3A_70, %broadcast_in_dim3A_41 : vector<64x128xf32>
      %swap3A_72 = arith.constant 0 : index
      %swap3A_73 = arith.constant 0 : index
      %swap3A_74 = vector.load %arg8[%swap3A_72, %swap3A_73] : memref<64x128xf32, #tpu.memory_space<vmem>>, vector<64x128xf32>
      tpu.vector_store %arg8[%swap3A_72, %swap3A_73], %add3A_71 {strides = array<i32>} : memref<64x128xf32, #tpu.memory_space<vmem>>, vector<64x128xf32>,
    } else {
    }
    %get3A_50 = arith.constant 0 : index
    %get3A_51 = arith.constant 0 : index
    %get3A_52 = vector.load %arg7[%get3A_50, %get3A_51] : memref<64x128xf32, #tpu.memory_space<vmem>>, vector<64x128xf32>
    %get3A_53 = arith.constant 0 : index
    %get3A_54 = arith.constant 0 : index
    %get3A_55 = vector.load %arg8[%get3A_53, %get3A_54] : memref<64x128xf32, #tpu.memory_space<vmem>>, vector<64x128xf32>
    %max3A_56 = arith.constant 1.000000e+00 : f32
    %max3A_57 = vector.broadcast %max3A_56 : f32 to vector<64x128xf32>
    %max3A_58 = arith.maximumf %get3A_55, %max3A_57 : vector<64x128xf32>
    %div3A = arith.divf %get3A_52, %max3A_58 : vector<64x128xf32>
    %swap3A = arith.constant 0 : index
    %swap3A_59 = arith.constant 0 : index
    %swap3A_60 = vector.load %arg6[%swap3A, %swap3A_59] : memref<64x128xf32, #tpu.memory_space<vmem>>, vector<64x128xf32>
    tpu.vector_store %arg6[%swap3A, %swap3A_59], %div3A {strides = array<i32>} : memref<64x128xf32, #tpu.memory_space<vmem>>, vector<64x128xf32>,
    return
  }
  func.func @transform_0(%arg0: i32) -> (i32, i32) {
    %c0_i32 = arith.constant 0 : i32
    %c0_i32_0 = arith.constant 0 : i32
    return %arg0, %c0_i32 : i32, i32
  }
  func.func @transform_1(%arg0: i32) -> (i32, i32) {
    %c0_i32 = arith.constant 0 : i32
    %c0_i32_0 = arith.constant 0 : i32
    %c0_i32_1 = arith.constant 0 : i32
    return %c0_i32, %c0_i32_0 : i32, i32
  }
  func.func @transform_2(%arg0: i32) -> (i32, i32) {
    %c0_i32 = arith.constant 0 : i32
    %c0_i32_0 = arith.constant 0 : i32
    %c0_i32_1 = arith.constant 0 : i32
    return %c0_i32, %c0_i32_0 : i32, i32
  }
  func.func @transform_3(%arg0: i32) -> (i32, i32) {
    %c0_i32 = arith.constant 0 : i32
    %c0_i32_0 = arith.constant 0 : i32
    %c0_i32_1 = arith.constant 0 : i32
    return %c0_i32, %c0_i32_0 : i32, i32
  }
  func.func @transform_4(%arg0: i32) -> (i32, i32, i32) {
    %c0_i32 = arith.constant 0 : i32
    %c0_i32_0 = arith.constant 0 : i32
    %c0_i32_1 = arith.constant 0 : i32
    return %arg0, %c0_i32, %c0_i32_0 : i32, i32, i32
  }
  func.func @transform_5(%arg0: i32) -> (i32, i32) {
    %c0_i32 = arith.constant 0 : i32
    %c0_i32_0 = arith.constant 0 : i32
    %c0_i32_1 = arith.constant 0 : i32
    return %c0_i32, %c0_i32_0 : i32, i32
  }
}

</mosaic_0001>

<sc_bundles>
// kernel: kernel.11.cloned.1.call-start
scs
__scs_entry_jumppad:
0x0: {  	(pc) =	sbr.rel $0x88, $3  }
0x1: {  	(tag) =	ssettag $0x0;
	lr =	simm.s32 $0x1  }
0x2: {  	[smem:$0x3F97] =	sst lr;
	_ =	strace $0xD0000000  }
0x3: {  	_ = 	snop  }
0x4: {  	_ = 	snop  }
0x5: {  	_ = 	snop  }
0x6: {  	_ = 	snop  }
0x7: {  	_ = 	snop  }
__scs_overlays_trampoline_lowered:
0x8: {  	[smem:$0x3FA6] =	sst s0  }
0x9: {  	[smem:$0x3FA7] =	sst s1  }
0xa: {  	[smem:$0x3FA8] =	sst s2  }
0xb: {  	[smem:$0x3FA9] =	sst s3  }
0xc: {  	[smem:$0x3FAA] =	sst s4  }
0xd: {  	[smem:$0x3FAB] =	sst s5  }
0xe: {  	[smem:$0x3FAC] =	sst s6  }
0xf: {  	[smem:$0x3FAD] =	sst s7  }
0x10: {  	[smem:$0x3FAE] =	sst s8  }
0x11: {  	[smem:$0x3FAF] =	sst s9;
	s0 =	simm.s32 @!p0 $0x0  }
0x12: {  	s1 =	sld [smem:$0x3F95];
	s0 =	simm.s32 @p0 $0x1  }
0x13: {  	[smem:$0x3FB0] =	sst s0;
	s0 =	simm.s32 @!p1 $0x0  }
0x14: {  	s2 =	sld [smem:$0x3F94];
	s0 =	simm.s32 @p1 $0x1  }
0x15: {  	[smem:$0x3FB1] =	sst s0;
	s0 =	simm.s32 @!p2 $0x0  }
0x16: {  	s3 =	sld [smem:$0x3FDB];
	s0 =	simm.s32 @p2 $0x1  }
0x17: {  	s4 =	simm.s32 $0x1BF5;
	[smem:$0x3FB3] =	sst s0  }
0x18: {  	s0 =	sld [smem:$0x3F96];
	_ =	swait.ge [sflag:s4], $0x0  }
0x19: {  	s7 =	sld [smem:$0x3F97]  }
0x1a: {  	s8 =	sadd.s32 $0xFFFFE003, lr  }
0x1b: {  	s9 =	sadd.s32 $0xFFFFFEF7, lr;
	s5 =	simm.s32 $0xFFFFFFFF;
	p2 =	slt.u32 s8, $0xFFFFF086  }
0x1c: {  	p1 =	slt.u32 s9, $0xF7A;
	s5 =	simm.s32 @!p2 $0x0  }
0x1d: {  	s5 =	simm.s32 @p1 $0x1;
	p0 =	seq.s32 s7, s2  }
0x1e: {  	s7 =	smul.u32 @!p0 $0xF7A, s2;
	p2 =	seq.s32 @!p0 s5, $0x0  }
0x1f: {  	s9 =	smul.u32 $0xF7A, s1;
	s8 =	simm.s32 @!p0 $0x1BF5;
	p2 =	por !p2, p0  }
0x20: {  	[sflag:s8] =	ssyncset.s32 @!p0 $0xFFFFF086;
	s6 =	sadd.s32 @!p0 s3, s7;
	s7 =	simm.s32 @!p0 $0x108  }
0x21: {  	s3 =	sadd.s32 s3, s9;
	s6 =	sadd.s32 @!p0 $0x88, s6;
	s7 =	simm.s32 @p2 $0x1082  }
0x22: {  	[simem:s7], [sflag:s8] =	dma.local @!p0 [hbm:s6], $0xF7A  }
0x23: {  	s9 =	sor.u32 $0xD0000000, s2;
	s6 =	simm.s32 $0x108;
	_ =	swait.ge @!p0 [sflag:s8], $0x0  }
0x24: {  	s3 =	sadd.s32 $0x88, s3;
	s6 =	simm.s32 @!p1 $0x1082;
	[sflag:s4] =	ssyncset.s32 $0xFFFFF086  }
0x25: {  	[simem:s6], [sflag:s4] =	dma.local [hbm:s3], $0xF7A  }
0x26: {  	[smem:$0x3F97] =	sst s1;
	(tag) =	ssettag s2;
	_ =	strace s9  }
0x27: {  	s1 =	sld [smem:$0x3FA7]  }
0x28: {  	s2 =	sld [smem:$0x3FA8]  }
0x29: {  	s4 =	sld [smem:$0x3FAA]  }
0x2a: {  	p0 =	seq.s32 s5, $0x0;
	s5 =	sld [smem:$0x3FAB]  }
0x2b: {  	s6 =	sld [smem:$0x3FAC]  }
0x2c: {  	s7 =	sld [smem:$0x3FAD]  }
0x2d: {  	s3 =	simm.s32 $0x108;
	s8 =	sld [smem:$0x3FAE]  }
0x2e: {  	s3 =	simm.s32 @!p0 $0x1082;
	s9 =	sld [smem:$0x3FAF]  }
0x2f: {  	lr =	sadd.s32 s0, s3;
	s0 =	sld [smem:$0x3FA6]  }
0x30: {  	s3 =	sld [smem:$0x3FA9]  }
0x31: {  	[smem:$0x3FB2] =	sst s10  }
0x32: {  	s10 =	sld [smem:$0x3FB0];
	_ =	sdelay $0x3  }
0x33: {  	p0 =	seq.s32 s10, $0x1;
	s10 =	sld [smem:$0x3FB2];
	_ =	sdelay $0x3  }
0x34: {  	[smem:$0x3FB2] =	sst s10  }
0x35: {  	s10 =	sld [smem:$0x3FB1];
	_ =	sdelay $0x3  }
0x36: {  	p1 =	seq.s32 s10, $0x1;
	s10 =	sld [smem:$0x3FB2];
	_ =	sdelay $0x3  }
0x37: {  	[smem:$0x3FB2] =	sst s10  }
0x38: {  	s10 =	sld [smem:$0x3FB3]  }
0x39: {  	_ = 	snop;
	(pc) =	sbr.ind lr, $3  }
0x3a: {  	_ = 	snop  }
0x3b: {  	_ = 	snop  }
0x3c: {  	p2 =	seq.s32 s10, $0x1;
	s10 =	sld [smem:$0x3FB2]  }
0x3d: {  	_ =	shalt  }
0x3e: {  	_ =	shalt  }
0x3f: {  	_ =	shalt  }
0x40: {  	_ =	shalt  }
0x41: {  	_ =	shalt  }
0x42: {  	_ =	shalt  }
0x43: {  	_ =	shalt  }
0x44: {  	_ =	shalt  }
0x45: {  	_ =	shalt  }
0x46: {  	_ =	shalt  }
0x47: {  	_ =	shalt  }
0x48: {  	_ =	shalt  }
0x49: {  	_ =	shalt  }
0x4a: {  	_ =	shalt  }
0x4b: {  	_ =	shalt  }
0x4c: {  	_ =	shalt  }
0x4d: {  	_ =	shalt  }
0x4e: {  	_ =	shalt  }
0x4f: {  	_ =	shalt  }
0x50: {  	_ =	shalt  }
0x51: {  	_ =	shalt  }
0x52: {  	_ =	shalt  }
0x53: {  	_ =	shalt  }
0x54: {  	_ =	shalt  }
0x55: {  	_ =	shalt  }
0x56: {  	_ =	shalt  }
0x57: {  	_ =	shalt  }
0x58: {  	_ =	shalt  }
0x59: {  	_ =	shalt  }
0x5a: {  	_ =	shalt  }
0x5b: {  	_ =	shalt  }
0x5c: {  	_ =	shalt  }
0x5d: {  	_ =	shalt  }
0x5e: {  	_ =	shalt  }
0x5f: {  	_ =	shalt  }
0x60: {  	_ =	shalt  }
0x61: {  	_ =	shalt  }
0x62: {  	_ =	shalt  }
0x63: {  	_ =	shalt  }
0x64: {  	_ =	shalt  }
0x65: {  	_ =	shalt  }
0x66: {  	_ =	shalt  }
0x67: {  	_ =	shalt  }
0x68: {  	_ =	shalt  }
0x69: {  	_ =	shalt  }
0x6a: {  	_ =	shalt  }
0x6b: {  	_ =	shalt  }
0x6c: {  	_ =	shalt  }
0x6d: {  	_ =	shalt  }
0x6e: {  	_ =	shalt  }
0x6f: {  	_ =	shalt  }
0x70: {  	_ =	shalt  }
0x71: {  	_ =	shalt  }
0x72: {  	_ =	shalt  }
0x73: {  	_ =	shalt  }
0x74: {  	_ =	shalt  }
0x75: {  	_ =	shalt  }
0x76: {  	_ =	shalt  }
0x77: {  	_ =	shalt  }
0x78: {  	_ =	shalt  }
0x79: {  	_ =	shalt  }
0x7a: {  	_ =	shalt  }
0x7b: {  	_ =	shalt  }
0x7c: {  	_ =	shalt  }
0x7d: {  	_ =	shalt  }
0x7e: {  	_ =	shalt  }
0x7f: {  	_ =	shalt  }
0x80: {  	_ =	shalt  }
0x81: {  	_ =	shalt  }
0x82: {  	_ =	shalt  }
0x83: {  	_ =	shalt  }
0x84: {  	_ =	shalt  }
0x85: {  	_ =	shalt  }
0x86: {  	_ =	shalt  }
0x87: {  	_ =	shalt  }
.Lfunc_end0:
.L_simem_size_0:
called_computation_lowered:
.L_overlay_start_0:
0x88: {  	s2 =	sld [smem:$0x3FD9]  }
0x89: {  	s3 =	sld [smem:$0x3FFE];
	_ =	sdelay $0x1  }
0x8a: {  	s1 =	srdreg.scid  }
0x8b: {  	s0 =	sand.u32 $0x1, s1  }
0x8c: {  	s17 =	sshll.u32 s0, $0xA;
	s2 =	sadd.s32 s3, s2  }
0x8d: {  	s2 =	sadd.s32 s2, s17  }
0x8e: {  	[smem:$0x3FBE] =	sst s2  }
0x8f: {  	_ = 	snop  }
0x90: {  	s2 =	sld [smem:$0x3FC9];
	(tm) =	ssettm $0x1  }
0x91: {  	s18 =	sld [smem:$0x3FFB];
	_ =	sdelay $0x3  }
0x92: {  	_ =	strace s18  }
0x93: {  	s3 =	sld [smem:$0x3FFC];
	_ =	sdelay $0x3  }
0x94: {  	_ =	strace s3  }
0x95: {  	s3 =	sld [smem:$0x3FFD];
	_ =	sdelay $0x3  }
0x96: {  	_ =	strace s3  }
0x97: {  	_ =	strace $0x8FFFFFFF  }
0x98: {  	s19 =	sld [smem:$0x3FDB];
	_ =	sdelay $0x1  }
0x99: {  	s4 =	simm.s32 $_scs_section_size  }
0x9a: {  	s5 =	simm.s32 $_size__tile_overlayer_lowered;
	s6 =	simm.s32 $_tile_overlayer_lowered  }
0x9b: {  	s22 =	simm.s32 $0x1BFF;
	s21 =	sshll.u32 s6, $0x1;
	s3 =	sadd.s32 s4, s19  }
0x9c: {  	s7 =	simm.s32 $0x0;
	s20 =	sshll.u32 s5, $0x1;
	s5 =	sadd.s32 s21, s3  }
0x9d: {  	[timem:s7], [sflag:s22] =	dma.local [hbm:s5], s20  }
0x9e: {  	_ =	swait.ge [sflag:s22], s20  }
0x9f: {  	s4 =	ssub.s32 $0x0, s20;
	[sflag:s22] =	ssyncset.done $0x0  }
0xa0: {  	[sflag:s22] =	ssyncadd.s32 s4;
	_ =	sdelay $0x1  }
0xa1: {  	s23 =	simm.s32 $0x1B8B  }
0xa2: {  	_ =	swait.ge [sflag:s23], $0x1  }
0xa3: {  	[sflag:s23] =	ssyncset.done $0x0  }
0xa4: {  	s25 =	simm.s32 $0x1B8E;
	s24 =	sld [smem:$0x3FFE];
	[sflag:s23] =	ssyncadd.s32 $0xFFFFFFFF  }
0xa5: {  	s26 =	simm.s32 $execute0_lowered;
	[smem:$0x3FD2] =	sst s25  }
0xa6: {  	s5 =	sshll.u32 s26, $0x1;
	_ =	strace $0x80000046;
	[dreg:$0x1] =	wrdreg $0xFFFFFFFF  }
0xa7: {  	s28 =	simm.s32 $_size_execute0_lowered;
	s3 =	sadd.s32 s3, s5;
	[dreg:$0x0] =	wrdreg $0x0  }
0xa8: {  	s5 =	sshll.u32 s28, $0x1;
	[dreg:$0x2] =	wrdreg s3  }
0xa9: {  	[dreg:$0x3] =	wrdreg s5  }
0xaa: {  	[dreg:$0x4] =	wrdreg $0xC0  }
0xab: {  	_ =	task [dreg:s7], $0x5FFFF  }
0xac: {  	[dreg:$0x1] =	wrdreg $0xFFFFFFFF  }
0xad: {  	[dreg:$0x0] =	wrdreg $0x60  }
0xae: {  	[dreg:$0x2] =	wrdreg s2  }
0xaf: {  	[dreg:$0x3] =	wrdreg s24  }
0xb0: {  	[dreg:$0x4] =	wrdreg $0xC6000  }
0xb1: {  	[dreg:$0x5] =	wrdreg $0x9  }
0xb2: {  	_ =	task.clear_ibuf [dreg:s7], $0x6FFFF;
	_ =	strace $0x90000046  }
0xb3: {  	s29 =	simm.s32 $0x9;
	_ =	strace $0x80000048  }
0xb4: {  	_ =	swait.ge [sflag:s29], $0x1  }
0xb5: {  	[sflag:s29] =	ssyncadd.s32 $0xFFFFFFFF  }
0xb6: {  	_ =	strace $0x90000048  }
0xb7: {  	_ =	sfence  }
0xb8: {  	s30 =	sld [smem:$0x0];
	_ =	sdelay $0x2  }
0xb9: {  	s31 =	sshll.u32 s1, $0xD;
	s1 =	sshrl.u32 s1, $0x2  }
0xba: {  	s3 =	sand.u32 $0x4000, s31;
	s1 =	sadd.s32 s1, s30  }
0xbb: {  	s0 =	sor.u32 s3, s0;
	s1 =	sshll.u32 s1, $0x11  }
0xbc: {  	s0 =	sor.u32 s1, s0  }
0xbd: {  	s0 =	sadd.s32 $0x8F2B, s0  }
0xbe: {  	[sflag:s0] =	ssyncadd.remote.s32 $0x1  }
0xbf: {  	_ =	sfence.sel $0xFFFF  }
0xc0: {  	[dreg:$0x0] =	wrdreg $0xFFFFFFFF;
	(pc) =	sbr.abs _section_cstart, $3  }
0xc1: {  	[dreg:$0x1] =	wrdreg $0xFFFFFFFF  }
0xc2: {  	_ =	task.clear_ibuf [dreg:s7], $0x2FFFF;
	_ =	strace $0x9FFFFFFF  }
0xc3: {  	(tm) =	ssettm $0x7FFFFFFF  }
tec
execute0_lowered:
.L_overlay_start_1:
0x0: {  	(tag) =	ssettag $0x1  }
0x1: {  	s1 =	rddreg [dreg:$0x0]  }
0x2: {  	s5 =	rddreg [dreg:$0x1]  }
0x3: {  	s2 =	rddreg [dreg:$0x2];
	s3 =	simm.s32 $0x0;
	s0 =	srdreg.scid  }
0x4: {  	s11 =	stileid.u32;
	[smem:$0x7FF] =	sst s3;
	s4 =	sadd.s32 $0x4400, s5  }
0x5: {  	s6 =	sand.u32 $0x1, s0;
	s0 =	sadd.s32 $0xE200, s5;
	s8 =	sadd.s32 $0x18000, s5  }
0x6: {  	s23 =	sshll.u32 s11, $0x1;
	p0 =	slt.u32 s11, $0x2;
	s5 =	simm.s32 $0x4F  }
0x7: {  	s12 =	sadd.s32 $0x138000, s2;
	s17 =	sshll.u32 s11, $0xE;
	s20 =	sor.u32 $0x10, s11  }
0x8: {  	s16 =	smul.u32 $0x9C, s11;
	s19 =	sor.u32 $0x40, s11;
	_ =	strace $0x80000047  }
0x9: {  	s7 =	ssub.s32 $0x2, s6;
	s10 =	sor.u32 s6, s23;
	s31 =	smul.u32 $0x138800, s6  }
0xa: {  	s5 =	simm.s32 @!p0 $0x4E;
	[dreg:$0xc] =	wrdreg s12;
	s6 =	smul.u32 $0x4E, s6  }
0xb: {  	s18 =	sshll.u32 s20, $0xE;
	s14 =	sshll.u32 s19, $0xE;
	s23 =	smul.u32 $0x32000, s11  }
0xc: {  	p1 =	slt.u32 s19, $0x4E;
	s19 =	simm.s32 $0x7;
	s9 =	sshrl.u32 s7, $0x1  }
0xd: {  	s24 =	smul.u32 $0x4E, s10;
	s15 =	smin.u32 s10, $0x4;
	s25 =	sadd.s32 $0xFFFFFFFF, s5  }
0xe: {  	s26 =	sadd.s32 $0xFFFFFFFE, s5;
	s28 =	sadd.s32 $0xFFFFFFFC, s5;
	[dreg:$0x4] =	wrdreg s25  }
0xf: {  	s30 =	sadd.s32 $0xFFFFFFFB, s5;
	s10 =	sadd.s32 s17, s2;
	[dreg:$0x5] =	wrdreg s26  }
0x10: {  	s17 =	smul.u32 $0xC800, s11;
	s14 =	sadd.s32 s14, s2;
	[dreg:$0x8] =	wrdreg s28  }
0x11: {  	p0 =	sne.s32 @!p1 s11, $0xE;
	s7 =	ssub.s32 s7, s9;
	[dreg:$0x9] =	wrdreg s30  }
0x12: {  	s21 =	sadd.s32 $0x80000, s10;
	s13 =	sadd.s32 $0xC0000, s10;
	s6 =	sadd.s32 s6, s16  }
0x13: {  	s25 =	smul.u32 $0xC800, s20;
	p0 =	por p0, p1;
	s9 =	sadd.s32 s15, s24  }
0x14: {  	s7 =	smax.u32 s7, $0x1;
	[dreg:$0x11] =	wrdreg s21;
	s22 =	sadd.s32 s31, s17  }
0x15: {  	s6 =	sadd.s32 s15, s6;
	s17 =	sshrl.u32 s23, $0x2;
	s9 =	sshll.u32 s9, $0x4  }
0x16: {  	[dreg:$0xf] =	wrdreg s7;
	s7 =	sadd.s32 s18, s2;
	s24 =	sshrl.u32 s22, $0x3  }
0x17: {  	s6 =	sshll.u32 s6, $0x4;
	s21 =	sadd.s32 s17, s2;
	s17 =	simm.s32 $0x600  }
0x18: {  	s29 =	sadd.s32 s4, s9;
	s9 =	sadd.s32 s0, s9;
	[dreg:$0x10] =	wrdreg s7  }
0x19: {  	s15 =	sadd.s32 s8, s24;
	s18 =	sadd.s32 s6, s4;
	s28 =	sadd.s32 s6, s0  }
0x1a: {  	s6 =	sadd.s32 $0x30, s6;
	s21 =	sshrl.u32 s21, $0x3;
	[dreg:$0xd] =	wrdreg s29  }
0x1b: {  	[dreg:$0xe] =	wrdreg s9;
	s9 =	sadd.s32 s31, s25;
	s26 =	sadd.s32 $0x60, s18  }
0x1c: {  	s29 =	smul.u32 $0x32000, s20;
	s30 =	sadd.s32 $0x60, s28;
	s0 =	sadd.s32 s6, s0  }
0x1d: {  	s4 =	sadd.s32 s6, s4;
	[dreg:$0x7] =	wrdreg s0;
	s0 =	simm.s32 @!p1 $0x0  }
0x1e: {  	s18 =	simm.s32 $0x8;
	[dreg:$0xa] =	wrdreg s26;
	s0 =	simm.s32 @p1 $0x1  }
0x1f: {  	s9 =	sshrl.u32 s9, $0x3;
	[smem:$0x7FB] =	sst s0;
	s0 =	simm.s32 @!p0 $0x0  }
0x20: {  	[dreg:$0xb] =	wrdreg s30;
	s0 =	simm.s32 @p0 $0x1;
	p0 =	sgt.u32 s20, $0x18  }
0x21: {  	s31 =	sshrl.u32 s29, $0x2;
	[smem:$0x7FC] =	sst s0;
	s0 =	simm.s32 @!p0 $0x0  }
0x22: {  	[dreg:$0x6] =	wrdreg s4;
	s4 =	sadd.s32 s31, s2;
	s0 =	simm.s32 @p0 $0x1  }
0x23: {  	v0 =	vimm.f32 $0.0e+00;
	s16 =	sadd.s32 s8, s9;
	s22 =	sshrl.u32 @!p0 s4, $0x3;
	[smem:$0x7FD] =	sst s0  }
.LBB2_1:
0x24: {  	s0 =	simm.s32 $0x0;
	s4 =	simm.s32 $0x200  }
.LBB2_2:
0x25: {  	p0 =	sne.s32 s4, $0xFE00;
	[tilespmem:s0+$0x670] =	vst v0  }
0x26: {  	[tilespmem:s0+$0x600] =	vst v0  }
0x27: {  	[tilespmem:s0+$0x610] =	vst v0  }
.Ltmp0:
0x28: {  	[tilespmem:s0+$0x620] =	vst v0;
	(pc) =	sbr.rel @p0 .LBB2_2-.Ltmp0, $4  }
0x29: {  	[tilespmem:s0+$0x630] =	vst v0  }
0x2a: {  	[tilespmem:s0+$0x640] =	vst v0  }
0x2b: {  	[tilespmem:s0+$0x650] =	vst v0  }
0x2c: {  	[tilespmem:s0+$0x660] =	vst v0;
	s0 =	sshra.s32 s4, $0x2;
	s4 =	sadd.s32 $0x200, s4  }
0x2d: {  	[tilespmem:s0+$0x670] =	vst v0  }
0x2e: {  	[tilespmem:s0+$0x600] =	vst v0  }
0x2f: {  	[tilespmem:s0+$0x610] =	vst v0  }
0x30: {  	[tilespmem:s0+$0x620] =	vst v0  }
0x31: {  	[tilespmem:s0+$0x630] =	vst v0  }
0x32: {  	[tilespmem:s0+$0x640] =	vst v0  }
0x33: {  	[tilespmem:s0+$0x650] =	vst v0  }
0x34: {  	[tilespmem:s0+$0x660] =	vst v0  }
0x35: {  	[spmem:s10] =	stream.linear.scatter [tilespmem:s17], [sflag:$0x8], $0x4000, $0x38;
	[tilespmem:$0x1FE80] =	vst v63  }
0x36: {  	_ =	swait.ge [sflag:s18], $0x4000  }
0x37: {  	[sflag:s18] =	ssyncset.done $0x0  }
0x38: {  	s9 =	rddreg [dreg:$0x10];
	[sflag:s18] =	ssyncadd.s32 $0xFFFFC000  }
0x39: {  	[spmem:s9] =	stream.linear.scatter [tilespmem:s17], [sflag:$0x8], $0x4000, $0x38;
	[tilespmem:$0x1FE80] =	vst v63  }
0x3a: {  	_ =	swait.ge [sflag:s18], $0x4000  }
0x3b: {  	[sflag:s18] =	ssyncset.done $0x0  }
0x3c: {  	s11 =	rddreg [dreg:$0x11];
	[sflag:s18] =	ssyncadd.s32 $0xFFFFC000  }
0x3d: {  	[spmem:s11] =	stream.linear.scatter [tilespmem:s17], [sflag:$0x8], $0x4000, $0x38;
	[tilespmem:$0x1FE80] =	vst v63  }
0x3e: {  	_ =	swait.ge [sflag:s18], $0x4000  }
0x3f: {  	[sflag:s18] =	ssyncset.done $0x0  }
0x40: {  	[sflag:s18] =	ssyncadd.s32 $0xFFFFC000  }
0x41: {  	[spmem:s13] =	stream.linear.scatter [tilespmem:s17], [sflag:$0x8], $0x4000, $0x38;
	[tilespmem:$0x1FE80] =	vst v63  }
0x42: {  	_ =	swait.ge [sflag:s18], $0x4000  }
0x43: {  	s12 =	sld [smem:$0x7FB];
	_ =	sdelay $0x2  }
0x44: {  	[sflag:s18] =	ssyncset.done $0x0;
	p0 =	seq.s32 s12, $0x1  }
0x45: {  	[sflag:s18] =	ssyncadd.s32 $0xFFFFC000;
	s0 =	simm.s32 @p0 $0x600  }
0x46: {  	[spmem:s14] =	stream.linear.scatter @p0 [tilespmem:s0], [sflag:$0x8], $0x4000, $0x38;
	[tilespmem:$0x1FE80] =	vst v63  }
0x47: {  	s0 =	simm.s32 @p0 $0x8  }
0x48: {  	_ =	swait.ge @p0 [sflag:s0], $0x4000  }
0x49: {  	s20 =	sld [smem:$0x7FC];
	_ =	sdelay $0x1  }
0x4a: {  	[sflag:s0] =	ssyncset.done @p0 $0x0  }
0x4b: {  	[sflag:s0] =	ssyncadd.s32 @p0 $0xFFFFC000;
	p0 =	seq.s32 s20, $0x1  }
0x4c: {  	s4 =	rddreg [dreg:$0xc];
	s0 =	simm.s32 @!p0 $0x600  }
0x4d: {  	[spmem:s4] =	stream.linear.scatter @!p0 [tilespmem:s0], [sflag:$0x7], $0x800, $0x38;
	[tilespmem:$0x1FE80] =	vst v63  }
0x4e: {  	s0 =	simm.s32 @!p0 $0x7  }
0x4f: {  	_ =	swait.ge @!p0 [sflag:s0], $0x800  }
0x50: {  	[sflag:s0] =	ssyncset.done @!p0 $0x0  }
0x51: {  	[sflag:s0] =	ssyncadd.s32 @!p0 $0xFFFFF800  }
0x52: {  	[bflag:$0x0] =	sbarrier.arrive $0xFFFF  }
0x53: {  	s23 =	simm.s32 $0x0;
	s24 =	rddreg [dreg:$0xd]  }
0x54: {  	[tilespmem:s23], [sflag:$0x7] =	stream.linear.gather [hbm4b:s24+s23], $0x180, $0x38;
	[tilespmem:$0x1FE80] =	vst v63  }
0x55: {  	_ =	swait.ge [sflag:s19], $0x180  }
0x56: {  	[sflag:s19] =	ssyncset.done $0x0  }
0x57: {  	s6 =	simm.s32 $0x300;
	s25 =	rddreg [dreg:$0xe];
	[sflag:s19] =	ssyncadd.s32 $0xFFFFFE80  }
0x58: {  	[tilespmem:s6], [sflag:$0x7] =	stream.linear.gather [hbm4b:s25+s23], $0x180, $0x38;
	[tilespmem:$0x1FE80] =	vst v63  }
0x59: {  	p5 =	por $0x1, $0x1;
	_ =	swait.ge [sflag:s19], $0x180  }
0x5a: {  	p1 =	por p5, p5;
	[sflag:s19] =	ssyncset.done $0x0  }
0x5b: {  	s0 =	simm.s32 @!p1 $0x4;
	[sflag:s19] =	ssyncadd.s32 $0xFFFFFE80  }
0x5c: {  	p2 =	sle.u32 s5, $0x0;
	_ =	swait.ge @!p1 [sflag:s0], $0x4000  }
0x5d: {  	s7 =	simm.s32 @!p2 $0x600;
	s4 =	simm.s32 @!p2 $0x80;
	[sflag:s0] =	ssyncset.done @!p1 $0x0  }
0x5e: {  	s6 =	simm.s32 @!p2 $0x0;
	[sflag:s0] =	ssyncadd.s32 @!p1 $0xFFFFC000;
	s0 =	simm.s32 @!p1 $0x5  }
0x5f: {  	[tilespmem:s7], [sflag:$0x1] =	stream.indirect.gather @!p2 [hbm4b:s1+s4], $0x80, s6, s4, $0xb8;
	[tilespmem:$0x1FE80] =	vst v63  }
0x60: {  	_ =	swait.ge @!p1 [sflag:s0], $0x4000  }
0x61: {  	s26 =	rddreg [dreg:$0x4];
	[sflag:s0] =	ssyncset.done @!p1 $0x0  }
0x62: {  	[sflag:s0] =	ssyncadd.s32 @!p1 $0xFFFFC000;
	p3 =	sle.u32 s26, $0x0  }
0x63: {  	s0 =	simm.s32 @!p1 $0x6;
	s6 =	simm.s32 @!p3 $0x80;
	s8 =	simm.s32 @!p3 $0x4600  }
0x64: {  	[tilespmem:s8], [sflag:$0x2] =	stream.indirect.gather @!p3 [hbm4b:s1+s6], $0x80, s6, s6, $0xb8;
	[tilespmem:$0x1FE80] =	vst v63  }
0x65: {  	_ =	swait.ge @!p1 [sflag:s0], $0x4000  }
0x66: {  	s9 =	rddreg [dreg:$0x5];
	[sflag:s0] =	ssyncset.done @!p1 $0x0  }
0x67: {  	p0 =	sle.u32 s9, $0x0;
	[sflag:s0] =	ssyncadd.s32 @!p1 $0xFFFFC000  }
0x68: {  	p1 =	sle.u32 s5, $0x3;
	s0 =	rddreg [dreg:$0x6];
	s9 =	simm.s32 @!p0 $0x80  }
0x69: {  	s20 =	simm.s32 @!p0 $0x100;
	s23 =	simm.s32 @!p0 $0x8600;
	s24 =	simm.s32 @!p1 $0x0  }
0x6a: {  	[tilespmem:s23], [sflag:$0x3] =	stream.indirect.gather @!p0 [hbm4b:s1+s9], $0x80, s20, s9, $0xb8;
	[tilespmem:$0x1FE80] =	vst v63  }
0x6b: {  	s0 =	sadd.s32 @!p1 $0x0, s0;
	s25 =	simm.s32 @!p1 $0x7;
	s20 =	simm.s32 @!p1 $0x180  }
0x6c: {  	[tilespmem:s20], [sflag:$0x7] =	stream.linear.gather @!p1 [hbm4b:s0+s24], $0x180, $0x38;
	[tilespmem:$0x1FE80] =	vst v63  }
0x6d: {  	_ =	swait.ge @!p1 [sflag:s25], $0x180  }
0x6e: {  	s26 =	rddreg [dreg:$0x7];
	[sflag:s25] =	ssyncset.done @!p1 $0x0  }
0x6f: {  	s0 =	simm.s32 @!p1 $0x480;
	[sflag:s25] =	ssyncadd.s32 @!p1 $0xFFFFFE80;
	s26 =	sadd.s32 @!p1 $0x0, s26  }
0x70: {  	[tilespmem:s0], [sflag:$0x7] =	stream.linear.gather @!p1 [hbm4b:s26+s24], $0x180, $0x38;
	[tilespmem:$0x1FE80] =	vst v63  }
0x71: {  	_ =	swait.ge @!p1 [sflag:s25], $0x180  }
0x72: {  	[sflag:s25] =	ssyncset.done @!p1 $0x0  }
0x73: {  	s24 =	simm.s32 @!p2 $0x1;
	[sflag:s25] =	ssyncadd.s32 @!p1 $0xFFFFFE80  }
0x74: {  	_ =	swait.ge @!p2 [sflag:s24], $0x4000  }
0x75: {  	[sflag:s24] =	ssyncset.done @!p2 $0x0  }
0x76: {  	s25 =	simm.s32 @!p2 $0x300;
	[sflag:s24] =	ssyncadd.s32 @!p2 $0xFFFFC000;
	s24 =	simm.s32 @!p3 $0x2  }
0x77: {  	[spmem:s2] =	stream.indirect.scatter.add.f32 @!p2 [tilespmem:s7], [sflag:$0x4], $0x80, s25, s4, $0xb8;
	[tilespmem:$0x1FE80] =	vst v63  }
0x78: {  	_ =	swait.ge @!p3 [sflag:s24], $0x4000  }
0x79: {  	[sflag:s24] =	ssyncset.done @!p3 $0x0  }
0x7a: {  	s4 =	simm.s32 @!p3 $0x380;
	s7 =	simm.s32 @!p0 $0x3;
	[sflag:s24] =	ssyncadd.s32 @!p3 $0xFFFFC000  }
0x7b: {  	[spmem:s2] =	stream.indirect.scatter.add.f32 @!p3 [tilespmem:s8], [sflag:$0x5], $0x80, s4, s6, $0xb8;
	[tilespmem:$0x1FE80] =	vst v63  }
0x7c: {  	_ =	swait.ge @!p0 [sflag:s7], $0x4000  }
0x7d: {  	[sflag:s7] =	ssyncset.done @!p0 $0x0  }
0x7e: {  	s4 =	simm.s32 @!p0 $0x400;
	s6 =	simm.s32 @!p2 $0x4;
	[sflag:s7] =	ssyncadd.s32 @!p0 $0xFFFFC000  }
0x7f: {  	[spmem:s2] =	stream.indirect.scatter.add.f32 @!p0 [tilespmem:s23], [sflag:$0x6], $0x80, s4, s9, $0xb8;
	[tilespmem:$0x1FE80] =	vst v63  }
0x80: {  	_ =	swait.ge @!p2 [sflag:s6], $0x4000  }
0x81: {  	s7 =	simm.s32 @!p1 $0x600;
	[sflag:s6] =	ssyncset.done @!p2 $0x0  }
0x82: {  	s4 =	simm.s32 @!p1 $0x80;
	[sflag:s6] =	ssyncadd.s32 @!p2 $0xFFFFC000;
	s6 =	simm.s32 @!p3 $0x5  }
0x83: {  	[tilespmem:s7], [sflag:$0x1] =	stream.indirect.gather @!p1 [hbm4b:s1+s4], $0x80, s20, s4, $0xb8;
	[tilespmem:$0x1FE80] =	vst v63  }
0x84: {  	_ =	swait.ge @!p3 [sflag:s6], $0x4000  }
0x85: {  	s28 =	rddreg [dreg:$0x8];
	[sflag:s6] =	ssyncset.done @!p3 $0x0  }
0x86: {  	[sflag:s6] =	ssyncadd.s32 @!p3 $0xFFFFC000;
	p3 =	sle.u32 s28, $0x0;
	s6 =	simm.s32 @!p0 $0x6  }
0x87: {  	s8 =	simm.s32 @!p3 $0x80;
	s9 =	simm.s32 @!p3 $0x200;
	s20 =	simm.s32 @!p3 $0x4600  }
0x88: {  	[tilespmem:s20], [sflag:$0x2] =	stream.indirect.gather @!p3 [hbm4b:s1+s8], $0x80, s9, s8, $0xb8;
	[tilespmem:$0x1FE80] =	vst v63  }
0x89: {  	_ =	swait.ge @!p0 [sflag:s6], $0x4000  }
0x8a: {  	p4 =	sle.u32 s5, $0x6;
	s29 =	rddreg [dreg:$0x9];
	[sflag:s6] =	ssyncset.done @!p0 $0x0  }
0x8b: {  	s23 =	rddreg [dreg:$0xa];
	[sflag:s6] =	ssyncadd.s32 @!p0 $0xFFFFC000;
	p2 =	sle.u32 s29, $0x0  }
0x8c: {  	s30 =	simm.s32 @!p2 $0x80;
	s6 =	simm.s32 @!p2 $0x280;
	s31 =	simm.s32 @!p2 $0x8600  }
0x8d: {  	[tilespmem:s31], [sflag:$0x3] =	stream.indirect.gather @!p2 [hbm4b:s1+s30], $0x80, s6, s30, $0xb8;
	[tilespmem:$0x1FE80] =	vst v63  }
0x8e: {  	s9 =	sadd.s32 @!p4 $0x0, s23;
	s23 =	simm.s32 @!p4 $0x7;
	s6 =	simm.s32 @!p4 $0x0  }
0x8f: {  	[tilespmem:s6], [sflag:$0x7] =	stream.linear.gather @!p4 [hbm4b:s9+s6], $0x180, $0x38;
	[tilespmem:$0x1FE80] =	vst v63  }
0x90: {  	_ =	swait.ge @!p4 [sflag:s23], $0x180  }
0x91: {  	s9 =	rddreg [dreg:$0xb];
	[sflag:s23] =	ssyncset.done @!p4 $0x0  }
0x92: {  	s24 =	simm.s32 @!p4 $0x300;
	[sflag:s23] =	ssyncadd.s32 @!p4 $0xFFFFFE80;
	s9 =	sadd.s32 @!p4 $0x0, s9  }
0x93: {  	[tilespmem:s24], [sflag:$0x7] =	stream.linear.gather @!p4 [hbm4b:s9+s6], $0x180, $0x38;
	[tilespmem:$0x1FE80] =	vst v63  }
0x94: {  	_ =	swait.ge @!p4 [sflag:s23], $0x180  }
0x95: {  	[sflag:s23] =	ssyncset.done @!p4 $0x0  }
0x96: {  	s6 =	simm.s32 @!p1 $0x1;
	[sflag:s23] =	ssyncadd.s32 @!p4 $0xFFFFFE80  }
0x97: {  	_ =	swait.ge @!p1 [sflag:s6], $0x4000  }
0x98: {  	[sflag:s6] =	ssyncset.done @!p1 $0x0  }
0x99: {  	[sflag:s6] =	ssyncadd.s32 @!p1 $0xFFFFC000  }
0x9a: {  	[spmem:s2] =	stream.indirect.scatter.add.f32 @!p1 [tilespmem:s7], [sflag:$0x4], $0x80, s0, s4, $0xb8;
	[tilespmem:$0x1FE80] =	vst v63  }
0x9b: {  	s0 =	simm.s32 @!p3 $0x2  }
0x9c: {  	_ =	swait.ge @!p3 [sflag:s0], $0x4000  }
0x9d: {  	p6 =	por $0x0, $0x0;
	s26 =	simm.s32 $0xC0;
	[sflag:s0] =	ssyncset.done @!p3 $0x0  }
0x9e: {  	s25 =	simm.s32 $0x6;
	s4 =	simm.s32 @!p3 $0x500;
	[sflag:s0] =	ssyncadd.s32 @!p3 $0xFFFFC000  }
0x9f: {  	[spmem:s2] =	stream.indirect.scatter.add.f32 @!p3 [tilespmem:s20], [sflag:$0x5], $0x80, s4, s8, $0xb8;
	[tilespmem:$0x1FE80] =	vst v63  }
0xa0: {  	s24 =	simm.s32 $0x6;
	s9 =	simm.s32 @!p2 $0x580;
	s4 =	simm.s32 @!p2 $0x3  }
0xa1: {  	s23 =	simm.s32 $0x60;
	p3 =	por p6, p6;
	_ =	swait.ge @!p2 [sflag:s4], $0x4000  }
.LBB2_4:
0xa2: {  	[sflag:s4] =	ssyncset.done @!p2 $0x0  }
0xa3: {  	s6 =	simm.s32 @!p3 $0x4;
	[sflag:s4] =	ssyncadd.s32 @!p2 $0xFFFFC000  }
0xa4: {  	[spmem:s2] =	stream.indirect.scatter.add.f32 @!p2 [tilespmem:s31], [sflag:$0x6], $0x80, s9, s30, $0xb8;
	[tilespmem:$0x1FE80] =	vst v63  }
0xa5: {  	p6 =	sge.u32 s24, s5;
	_ =	swait.ge @!p3 [sflag:s6], $0x4000  }
0xa6: {  	s0 =	simm.s32 @!p6 $0x80;
	s7 =	simm.s32 @!p6 $0x0;
	[sflag:s6] =	ssyncset.done @!p3 $0x0  }
0xa7: {  	s4 =	simm.s32 @!p6 $0x600;
	[sflag:s6] =	ssyncadd.s32 @!p3 $0xFFFFC000;
	s6 =	simm.s32 @!p3 $0x5  }
0xa8: {  	[tilespmem:s4], [sflag:$0x1] =	stream.indirect.gather @!p6 [hbm4b:s1+s0], $0x80, s7, s0, $0xb8;
	[tilespmem:$0x1FE80] =	vst v63  }
0xa9: {  	_ =	swait.ge @!p3 [sflag:s6], $0x4000  }
0xaa: {  	[sflag:s6] =	ssyncset.done @!p3 $0x0;
	s8 =	rddreg [dreg:$0x4]  }
0xab: {  	[sflag:s6] =	ssyncadd.s32 @!p3 $0xFFFFC000;
	p1 =	sge.u32 s24, s8;
	s6 =	simm.s32 @!p3 $0x6  }
0xac: {  	s8 =	sadd.s32 $0x3, s24;
	s20 =	simm.s32 @!p1 $0x80;
	s30 =	simm.s32 @!p1 $0x4600  }
0xad: {  	[tilespmem:s30], [sflag:$0x2] =	stream.indirect.gather @!p1 [hbm4b:s1+s20], $0x80, s20, s20, $0xb8;
	[tilespmem:$0x1FE80] =	vst v63  }
0xae: {  	p5 =	sge.u32 s8, s5;
	_ =	swait.ge @!p3 [sflag:s6], $0x4000  }
0xaf: {  	s11 =	simm.s32 @!p5 $0x0;
	s9 =	rddreg [dreg:$0x5];
	[sflag:s6] =	ssyncset.done @!p3 $0x0  }
0xb0: {  	s8 =	rddreg [dreg:$0x6];
	p2 =	sge.u32 s24, s9;
	[sflag:s6] =	ssyncadd.s32 @!p3 $0xFFFFC000  }
0xb1: {  	s7 =	simm.s32 @!p2 $0x80;
	s9 =	simm.s32 @!p2 $0x100;
	s31 =	simm.s32 @!p2 $0x8600  }
0xb2: {  	[tilespmem:s31], [sflag:$0x3] =	stream.indirect.gather @!p2 [hbm4b:s1+s7], $0x80, s9, s7, $0xb8;
	[tilespmem:$0x1FE80] =	vst v63  }
0xb3: {  	s6 =	simm.s32 @!p5 $0x180;
	s8 =	sadd.s32 @!p5 s23, s8;
	s9 =	simm.s32 @!p5 $0x7  }
0xb4: {  	[tilespmem:s6], [sflag:$0x7] =	stream.linear.gather @!p5 [hbm4b:s8+s11], $0x180, $0x38;
	[tilespmem:$0x1FE80] =	vst v63  }
0xb5: {  	_ =	swait.ge @!p5 [sflag:s9], $0x180  }
0xb6: {  	s8 =	rddreg [dreg:$0x7];
	[sflag:s9] =	ssyncset.done @!p5 $0x0  }
0xb7: {  	s29 =	simm.s32 @!p5 $0x480;
	[sflag:s9] =	ssyncadd.s32 @!p5 $0xFFFFFE80;
	s8 =	sadd.s32 @!p5 s23, s8  }
0xb8: {  	[tilespmem:s29], [sflag:$0x7] =	stream.linear.gather @!p5 [hbm4b:s8+s11], $0x180, $0x38;
	[tilespmem:$0x1FE80] =	vst v63  }
0xb9: {  	_ =	swait.ge @!p5 [sflag:s9], $0x180  }
0xba: {  	[sflag:s9] =	ssyncset.done @!p5 $0x0  }
0xbb: {  	s8 =	simm.s32 @!p6 $0x1;
	[sflag:s9] =	ssyncadd.s32 @!p5 $0xFFFFFE80  }
0xbc: {  	_ =	swait.ge @!p6 [sflag:s8], $0x4000  }
0xbd: {  	[sflag:s8] =	ssyncset.done @!p6 $0x0  }
0xbe: {  	s9 =	simm.s32 @!p6 $0x300;
	[sflag:s8] =	ssyncadd.s32 @!p6 $0xFFFFC000;
	s8 =	simm.s32 @!p1 $0x2  }
0xbf: {  	[spmem:s2] =	stream.indirect.scatter.add.f32 @!p6 [tilespmem:s4], [sflag:$0x4], $0x80, s9, s0, $0xb8;
	[tilespmem:$0x1FE80] =	vst v63  }
0xc0: {  	_ =	swait.ge @!p1 [sflag:s8], $0x4000  }
0xc1: {  	[sflag:s8] =	ssyncset.done @!p1 $0x0  }
0xc2: {  	s0 =	simm.s32 @!p1 $0x380;
	s4 =	simm.s32 @!p2 $0x3;
	[sflag:s8] =	ssyncadd.s32 @!p1 $0xFFFFC000  }
0xc3: {  	[spmem:s2] =	stream.indirect.scatter.add.f32 @!p1 [tilespmem:s30], [sflag:$0x5], $0x80, s0, s20, $0xb8;
	[tilespmem:$0x1FE80] =	vst v63  }
0xc4: {  	_ =	swait.ge @!p2 [sflag:s4], $0x4000  }
0xc5: {  	[sflag:s4] =	ssyncset.done @!p2 $0x0  }
0xc6: {  	s8 =	simm.s32 @!p6 $0x4;
	s0 =	simm.s32 @!p2 $0x400;
	[sflag:s4] =	ssyncadd.s32 @!p2 $0xFFFFC000  }
0xc7: {  	[spmem:s2] =	stream.indirect.scatter.add.f32 @!p2 [tilespmem:s31], [sflag:$0x6], $0x80, s0, s7, $0xb8;
	[tilespmem:$0x1FE80] =	vst v63  }
0xc8: {  	_ =	swait.ge @!p6 [sflag:s8], $0x4000  }
0xc9: {  	s20 =	simm.s32 @!p5 $0x80;
	[sflag:s8] =	ssyncset.done @!p6 $0x0  }
0xca: {  	s4 =	simm.s32 @!p5 $0x600;
	s0 =	simm.s32 @!p1 $0x5;
	[sflag:s8] =	ssyncadd.s32 @!p6 $0xFFFFC000  }
0xcb: {  	[tilespmem:s4], [sflag:$0x1] =	stream.indirect.gather @!p5 [hbm4b:s1+s20], $0x80, s6, s20, $0xb8;
	[tilespmem:$0x1FE80] =	vst v63  }
0xcc: {  	_ =	swait.ge @!p1 [sflag:s0], $0x4000  }
0xcd: {  	[sflag:s0] =	ssyncset.done @!p1 $0x0;
	s11 =	rddreg [dreg:$0x8]  }
0xce: {  	[sflag:s0] =	ssyncadd.s32 @!p1 $0xFFFFC000;
	p1 =	sge.u32 s24, s11;
	s0 =	simm.s32 @!p2 $0x6  }
0xcf: {  	s6 =	simm.s32 @!p1 $0x80;
	s8 =	simm.s32 @!p1 $0x200;
	s7 =	simm.s32 @!p1 $0x4600  }
0xd0: {  	[tilespmem:s7], [sflag:$0x2] =	stream.indirect.gather @!p1 [hbm4b:s1+s6], $0x80, s8, s6, $0xb8;
	[tilespmem:$0x1FE80] =	vst v63  }
0xd1: {  	s24 =	sadd.s32 $0x6, s24;
	_ =	swait.ge @!p2 [sflag:s0], $0x4000  }
0xd2: {  	p6 =	sge.u32 s24, s5;
	s12 =	rddreg [dreg:$0x9];
	[sflag:s0] =	ssyncset.done @!p2 $0x0  }
0xd3: {  	s9 =	rddreg [dreg:$0xa];
	[sflag:s0] =	ssyncadd.s32 @!p2 $0xFFFFC000;
	p2 =	sge.u32 s25, s12  }
0xd4: {  	s30 =	simm.s32 @!p2 $0x80;
	s0 =	simm.s32 @!p2 $0x280;
	s31 =	simm.s32 @!p2 $0x8600  }
0xd5: {  	[tilespmem:s31], [sflag:$0x3] =	stream.indirect.gather @!p2 [hbm4b:s1+s30], $0x80, s0, s30, $0xb8;
	[tilespmem:$0x1FE80] =	vst v63  }
0xd6: {  	s8 =	simm.s32 @!p6 $0x0;
	s11 =	simm.s32 @!p6 $0x7;
	s0 =	sadd.s32 @!p6 s23, s9  }
0xd7: {  	[tilespmem:s8], [sflag:$0x7] =	stream.linear.gather @!p6 [hbm4b:s0+s8], $0x180, $0x38;
	[tilespmem:$0x1FE80] =	vst v63  }
0xd8: {  	_ =	swait.ge @!p6 [sflag:s11], $0x180  }
0xd9: {  	s12 =	rddreg [dreg:$0xb];
	[sflag:s11] =	ssyncset.done @!p6 $0x0  }
0xda: {  	s0 =	simm.s32 @!p6 $0x300;
	[sflag:s11] =	ssyncadd.s32 @!p6 $0xFFFFFE80;
	s12 =	sadd.s32 @!p6 s23, s12  }
0xdb: {  	[tilespmem:s0], [sflag:$0x7] =	stream.linear.gather @!p6 [hbm4b:s12+s8], $0x180, $0x38;
	[tilespmem:$0x1FE80] =	vst v63  }
0xdc: {  	_ =	swait.ge @!p6 [sflag:s11], $0x180  }
0xdd: {  	[sflag:s11] =	ssyncset.done @!p6 $0x0  }
0xde: {  	s12 =	simm.s32 @!p5 $0x1;
	[sflag:s11] =	ssyncadd.s32 @!p6 $0xFFFFFE80  }
0xdf: {  	p0 =	seq.s32 s26, $0x0;
	_ =	swait.ge @!p5 [sflag:s12], $0x4000  }
0xe0: {  	s28 =	smov.u32 s26;
	s26 =	sadd.s32 $0x60, s26;
	[sflag:s12] =	ssyncset.done @!p5 $0x0  }
0xe1: {  	p4 =	sne.s32 s26, $0x540;
	s11 =	simm.s32 @!p1 $0x2;
	[sflag:s12] =	ssyncadd.s32 @!p5 $0xFFFFC000  }
0xe2: {  	[spmem:s2] =	stream.indirect.scatter.add.f32 @!p5 [tilespmem:s4], [sflag:$0x4], $0x80, s29, s20, $0xb8;
	[tilespmem:$0x1FE80] =	vst v63  }
.Ltmp1:
0xe3: {  	_ =	swait.ge @!p1 [sflag:s11], $0x4000;
	(pc) =	sbr.rel @p4 .LBB2_4-.Ltmp1, $4  }
0xe4: {  	p3 =	por p0, p0;
	s25 =	smov.u32 s24;
	[sflag:s11] =	ssyncset.done @!p1 $0x0  }
0xe5: {  	s12 =	simm.s32 @!p1 $0x500;
	s4 =	simm.s32 @!p2 $0x3;
	[sflag:s11] =	ssyncadd.s32 @!p1 $0xFFFFC000  }
0xe6: {  	[spmem:s2] =	stream.indirect.scatter.add.f32 @!p1 [tilespmem:s7], [sflag:$0x5], $0x80, s12, s6, $0xb8;
	[tilespmem:$0x1FE80] =	vst v63  }
0xe7: {  	s9 =	simm.s32 @!p2 $0x580;
	s23 =	smov.u32 s28;
	_ =	swait.ge @!p2 [sflag:s4], $0x4000  }
0xe8: {  	[sflag:s4] =	ssyncset.done @!p2 $0x0  }
0xe9: {  	s6 =	simm.s32 @!p3 $0x4;
	[sflag:s4] =	ssyncadd.s32 @!p2 $0xFFFFC000  }
0xea: {  	[spmem:s2] =	stream.indirect.scatter.add.f32 @!p2 [tilespmem:s31], [sflag:$0x6], $0x80, s9, s30, $0xb8;
	[tilespmem:$0x1FE80] =	vst v63  }
0xeb: {  	_ =	swait.ge @!p3 [sflag:s6], $0x4000  }
0xec: {  	s7 =	simm.s32 @!p6 $0x80;
	[sflag:s6] =	ssyncset.done @!p3 $0x0  }
0xed: {  	s4 =	simm.s32 @!p3 $0x5;
	[sflag:s6] =	ssyncadd.s32 @!p3 $0xFFFFC000;
	s6 =	simm.s32 @!p6 $0x600  }
0xee: {  	[tilespmem:s6], [sflag:$0x1] =	stream.indirect.gather @!p6 [hbm4b:s1+s7], $0x80, s8, s7, $0xb8;
	[tilespmem:$0x1FE80] =	vst v63  }
0xef: {  	_ =	swait.ge @!p3 [sflag:s4], $0x4000  }
0xf0: {  	s12 =	rddreg [dreg:$0x4];
	[sflag:s4] =	ssyncset.done @!p3 $0x0  }
0xf1: {  	[sflag:s4] =	ssyncadd.s32 @!p3 $0xFFFFC000;
	p2 =	sge.u32 s24, s12;
	s4 =	simm.s32 @!p3 $0x6  }
0xf2: {  	s12 =	sadd.s32 $0x3, s24;
	s8 =	simm.s32 @!p2 $0x80;
	s9 =	simm.s32 @!p2 $0x4600  }
0xf3: {  	[tilespmem:s9], [sflag:$0x2] =	stream.indirect.gather @!p2 [hbm4b:s1+s8], $0x80, s8, s8, $0xb8;
	[tilespmem:$0x1FE80] =	vst v63  }
0xf4: {  	p1 =	sge.u32 s12, s5;
	_ =	swait.ge @!p3 [sflag:s4], $0x4000  }
0xf5: {  	s28 =	simm.s32 @!p1 $0x0;
	s11 =	rddreg [dreg:$0x5];
	[sflag:s4] =	ssyncset.done @!p3 $0x0  }
0xf6: {  	p0 =	sge.u32 s24, s11;
	s11 =	rddreg [dreg:$0x6];
	[sflag:s4] =	ssyncadd.s32 @!p3 $0xFFFFC000  }
0xf7: {  	s12 =	simm.s32 @!p0 $0x80;
	s20 =	simm.s32 @!p0 $0x100;
	s26 =	simm.s32 @!p0 $0x8600  }
0xf8: {  	[tilespmem:s26], [sflag:$0x3] =	stream.indirect.gather @!p0 [hbm4b:s1+s12], $0x80, s20, s12, $0xb8;
	[tilespmem:$0x1FE80] =	vst v63  }
0xf9: {  	s4 =	sadd.s32 @!p1 s23, s11;
	s11 =	simm.s32 @!p1 $0x7;
	s20 =	simm.s32 @!p1 $0x180  }
0xfa: {  	[tilespmem:s20], [sflag:$0x7] =	stream.linear.gather @!p1 [hbm4b:s4+s28], $0x180, $0x38;
	[tilespmem:$0x1FE80] =	vst v63  }
0xfb: {  	_ =	swait.ge @!p1 [sflag:s11], $0x180  }
0xfc: {  	s29 =	rddreg [dreg:$0x7];
	[sflag:s11] =	ssyncset.done @!p1 $0x0  }
0xfd: {  	s4 =	simm.s32 @!p1 $0x480;
	[sflag:s11] =	ssyncadd.s32 @!p1 $0xFFFFFE80;
	s29 =	sadd.s32 @!p1 s23, s29  }
0xfe: {  	[tilespmem:s4], [sflag:$0x7] =	stream.linear.gather @!p1 [hbm4b:s29+s28], $0x180, $0x38;
	[tilespmem:$0x1FE80] =	vst v63  }
0xff: {  	_ =	swait.ge @!p1 [sflag:s11], $0x180  }
0x100: {  	[sflag:s11] =	ssyncset.done @!p1 $0x0  }
0x101: {  	s28 =	simm.s32 @!p6 $0x1;
	[sflag:s11] =	ssyncadd.s32 @!p1 $0xFFFFFE80  }
0x102: {  	_ =	swait.ge @!p6 [sflag:s28], $0x4000  }
0x103: {  	[sflag:s28] =	ssyncset.done @!p6 $0x0  }
0x104: {  	s11 =	simm.s32 @!p2 $0x2;
	[sflag:s28] =	ssyncadd.s32 @!p6 $0xFFFFC000  }
0x105: {  	[spmem:s2] =	stream.indirect.scatter.add.f32 @!p6 [tilespmem:s6], [sflag:$0x4], $0x80, s0, s7, $0xb8;
	[tilespmem:$0x1FE80] =	vst v63  }
0x106: {  	_ =	swait.ge @!p2 [sflag:s11], $0x4000  }
0x107: {  	[sflag:s11] =	ssyncset.done @!p2 $0x0  }
0x108: {  	s0 =	simm.s32 @!p2 $0x380;
	s6 =	simm.s32 @!p0 $0x3;
	[sflag:s11] =	ssyncadd.s32 @!p2 $0xFFFFC000  }
0x109: {  	[spmem:s2] =	stream.indirect.scatter.add.f32 @!p2 [tilespmem:s9], [sflag:$0x5], $0x80, s0, s8, $0xb8;
	[tilespmem:$0x1FE80] =	vst v63  }
0x10a: {  	_ =	swait.ge @!p0 [sflag:s6], $0x4000  }
0x10b: {  	[sflag:s6] =	ssyncset.done @!p0 $0x0  }
0x10c: {  	s0 =	simm.s32 @!p0 $0x400;
	[sflag:s6] =	ssyncadd.s32 @!p0 $0xFFFFC000;
	s6 =	simm.s32 @!p6 $0x4  }
0x10d: {  	[spmem:s2] =	stream.indirect.scatter.add.f32 @!p0 [tilespmem:s26], [sflag:$0x6], $0x80, s0, s12, $0xb8;
	[tilespmem:$0x1FE80] =	vst v63  }
0x10e: {  	_ =	swait.ge @!p6 [sflag:s6], $0x4000  }
0x10f: {  	s7 =	simm.s32 @!p1 $0x600;
	[sflag:s6] =	ssyncset.done @!p6 $0x0  }
0x110: {  	s0 =	simm.s32 @!p1 $0x80;
	[sflag:s6] =	ssyncadd.s32 @!p6 $0xFFFFC000;
	s6 =	simm.s32 @!p2 $0x5  }
0x111: {  	[tilespmem:s7], [sflag:$0x1] =	stream.indirect.gather @!p1 [hbm4b:s1+s0], $0x80, s20, s0, $0xb8;
	[tilespmem:$0x1FE80] =	vst v63  }
0x112: {  	_ =	swait.ge @!p2 [sflag:s6], $0x4000  }
0x113: {  	s20 =	rddreg [dreg:$0x8];
	[sflag:s6] =	ssyncset.done @!p2 $0x0  }
0x114: {  	[sflag:s6] =	ssyncadd.s32 @!p2 $0xFFFFC000;
	p2 =	sge.u32 s24, s20;
	s6 =	simm.s32 @!p0 $0x6  }
0x115: {  	s8 =	simm.s32 @!p2 $0x80;
	s9 =	simm.s32 @!p2 $0x200;
	s11 =	simm.s32 @!p2 $0x4600  }
0x116: {  	[tilespmem:s11], [sflag:$0x2] =	stream.indirect.gather @!p2 [hbm4b:s1+s8], $0x80, s9, s8, $0xb8;
	[tilespmem:$0x1FE80] =	vst v63  }
0x117: {  	s28 =	sadd.s32 $0x6, s24;
	_ =	swait.ge @!p0 [sflag:s6], $0x4000  }
0x118: {  	p3 =	sge.u32 s28, s5;
	s26 =	rddreg [dreg:$0x9];
	[sflag:s6] =	ssyncset.done @!p0 $0x0  }
0x119: {  	s12 =	rddreg [dreg:$0xa];
	[sflag:s6] =	ssyncadd.s32 @!p0 $0xFFFFC000;
	p0 =	sge.u32 s25, s26  }
0x11a: {  	s6 =	simm.s32 @!p0 $0x80;
	s9 =	simm.s32 @!p0 $0x280;
	s20 =	simm.s32 @!p0 $0x8600  }
0x11b: {  	[tilespmem:s20], [sflag:$0x3] =	stream.indirect.gather @!p0 [hbm4b:s1+s6], $0x80, s9, s6, $0xb8;
	[tilespmem:$0x1FE80] =	vst v63  }
0x11c: {  	s24 =	simm.s32 @!p3 $0x7;
	s12 =	sadd.s32 @!p3 s23, s12;
	s9 =	simm.s32 @!p3 $0x0  }
0x11d: {  	[tilespmem:s9], [sflag:$0x7] =	stream.linear.gather @!p3 [hbm4b:s12+s9], $0x180, $0x38;
	[tilespmem:$0x1FE80] =	vst v63  }
0x11e: {  	_ =	swait.ge @!p3 [sflag:s24], $0x180  }
0x11f: {  	s12 =	rddreg [dreg:$0xb];
	[sflag:s24] =	ssyncset.done @!p3 $0x0  }
0x120: {  	s25 =	simm.s32 @!p3 $0x300;
	[sflag:s24] =	ssyncadd.s32 @!p3 $0xFFFFFE80;
	s12 =	sadd.s32 @!p3 s23, s12  }
0x121: {  	[tilespmem:s25], [sflag:$0x7] =	stream.linear.gather @!p3 [hbm4b:s12+s9], $0x180, $0x38;
	[tilespmem:$0x1FE80] =	vst v63  }
0x122: {  	_ =	swait.ge @!p3 [sflag:s24], $0x180  }
0x123: {  	[sflag:s24] =	ssyncset.done @!p3 $0x0  }
0x124: {  	s9 =	simm.s32 @!p1 $0x1;
	[sflag:s24] =	ssyncadd.s32 @!p3 $0xFFFFFE80  }
0x125: {  	_ =	swait.ge @!p1 [sflag:s9], $0x4000  }
0x126: {  	[sflag:s9] =	ssyncset.done @!p1 $0x0  }
0x127: {  	[sflag:s9] =	ssyncadd.s32 @!p1 $0xFFFFC000;
	s9 =	simm.s32 @!p2 $0x2  }
0x128: {  	[spmem:s2] =	stream.indirect.scatter.add.f32 @!p1 [tilespmem:s7], [sflag:$0x4], $0x80, s4, s0, $0xb8;
	[tilespmem:$0x1FE80] =	vst v63  }
0x129: {  	_ =	swait.ge @!p2 [sflag:s9], $0x4000  }
0x12a: {  	[sflag:s9] =	ssyncset.done @!p2 $0x0  }
0x12b: {  	s0 =	simm.s32 @!p2 $0x500;
	s4 =	simm.s32 @!p0 $0x3;
	[sflag:s9] =	ssyncadd.s32 @!p2 $0xFFFFC000  }
0x12c: {  	[spmem:s2] =	stream.indirect.scatter.add.f32 @!p2 [tilespmem:s11], [sflag:$0x5], $0x80, s0, s8, $0xb8;
	[tilespmem:$0x1FE80] =	vst v63  }
0x12d: {  	_ =	swait.ge @!p0 [sflag:s4], $0x4000  }
0x12e: {  	[sflag:s4] =	ssyncset.done @!p0 $0x0  }
0x12f: {  	s29 =	stileid.u32;
	s0 =	simm.s32 @!p0 $0x580;
	[sflag:s4] =	ssyncadd.s32 @!p0 $0xFFFFC000  }
0x130: {  	[spmem:s2] =	stream.indirect.scatter.add.f32 @!p0 [tilespmem:s20], [sflag:$0x6], $0x80, s0, s6, $0xb8;
	[tilespmem:$0x1FE80] =	vst v63  }
0x131: {  	s0 =	sshll.u32 s29, $0x6  }
0x132: {  	[bflag:$0x0] =	sbarrier.arrive $0xFFFF;
	s0 =	sor.u32 $0x1C07, s0  }
0x133: {  	[hbm:s15], [sflag:s0] =	dma.local [spmem:s21], $0x1900  }
0x134: {  	_ =	swait.ge [sflag:s19], $0x1900  }
0x135: {  	s30 =	sld [smem:$0x7FD];
	_ =	sdelay $0x1  }
0x136: {  	[sflag:s19] =	ssyncset.done $0x0  }
0x137: {  	[sflag:s19] =	ssyncadd.s32 $0xFFFFE700;
	p1 =	seq.s32 s30, $0x1  }
0x138: {  	[hbm:s16], [sflag:s0] =	dma.local @!p1 [spmem:s22], $0x1900  }
0x139: {  	s0 =	simm.s32 @!p1 $0x7  }
0x13a: {  	_ =	swait.ge @!p1 [sflag:s0], $0x1900  }
0x13b: {  	s3 =	sadd.s32 $0x1, s3;
	s31 =	rddreg [dreg:$0xf]  }
0x13c: {  	p0 =	sne.s32 s3, s31  }
.Ltmp2:
0x13d: {  	_ = 	snop;
	(pc) =	sbr.rel @p0 .LBB2_1-.Ltmp2, $3  }
0x13e: {  	_ =	sdelay $0x1  }
0x13f: {  	[sflag:s0] =	ssyncset.done @!p1 $0x0  }
0x140: {  	[sflag:s0] =	ssyncadd.s32 @!p1 $0xFFFFE700  }
0x141: {  	_ =	sfence.sel $0x180000  }
0x142: {  	[bflag:$0x0] =	sbarrier.arrive $0xFFFF  }
0x143: {  	_ =	strace $0x90000047  }
0x144: {  	s0 =	stileid.u32;
	[bflag:$0x2] =	sbarrier.arrive $0xFFFF  }
0x145: {  	p0 =	sne.s32 s0, $0x0;
	s0 =	rddreg [dreg:$0x3]  }
0x146: {  	s0 =	sadd.s32 @!p0 $0x100000, s0  }
0x147: {  	[sflag:s0] =	ssyncadd.tile.s32 @!p0 $0x1;
	_ =	shalt  }
.Lfunc_end2:
_tile_overlayer_lowered:
.L_overlay_start_2:
0x148: {  	(tag) =	ssettag $0x2  }
0x149: {  	s0 =	rddreg [dreg:$0x0];
	s2 =	stileid.u32  }
0x14a: {  	s1 =	rddreg [dreg:$0x1];
	p0 =	sne.s32 s2, $0x0  }
0x14b: {  	s3 =	rddreg [dreg:$0x2];
	[bflag:$0x3] =	sbarrier.arrive $0xFFFF;
	s2 =	simm.s32 @!p0 $0x1C07  }
0x14c: {  	[timem:s3], [sflag:s2] =	dma.local @!p0 [hbm:s0], s1  }
0x14d: {  	s0 =	simm.s32 @!p0 $0x7  }
0x14e: {  	_ =	swait.ge @!p0 [sflag:s0], s1  }
0x14f: {  	s1 =	ssub.s32 @!p0 $0x0, s1;
	[sflag:s0] =	ssyncset.done @!p0 $0x0  }
0x150: {  	[sflag:s0] =	ssyncadd.s32 @!p0 s1  }
0x151: {  	[bflag:$0x3] =	sbarrier.arrive $0xFFFF  }
0x152: {  	_ =	shalt  }

// kernel: kernel.14.cloned.1.call-start
scs
__scs_entry_jumppad:
0x0: {  	(pc) =	sbr.rel $0x88, $3  }
0x1: {  	(tag) =	ssettag $0x0;
	lr =	simm.s32 $0x1  }
0x2: {  	[smem:$0x3F97] =	sst lr;
	_ =	strace $0xD0000000  }
0x3: {  	_ = 	snop  }
0x4: {  	_ = 	snop  }
0x5: {  	_ = 	snop  }
0x6: {  	_ = 	snop  }
0x7: {  	_ = 	snop  }
__scs_overlays_trampoline_lowered:
0x8: {  	[smem:$0x3FA6] =	sst s0  }
0x9: {  	[smem:$0x3FA7] =	sst s1  }
0xa: {  	[smem:$0x3FA8] =	sst s2  }
0xb: {  	[smem:$0x3FA9] =	sst s3  }
0xc: {  	[smem:$0x3FAA] =	sst s4  }
0xd: {  	[smem:$0x3FAB] =	sst s5  }
0xe: {  	[smem:$0x3FAC] =	sst s6  }
0xf: {  	[smem:$0x3FAD] =	sst s7  }
0x10: {  	[smem:$0x3FAE] =	sst s8  }
0x11: {  	[smem:$0x3FAF] =	sst s9;
	s0 =	simm.s32 @!p0 $0x0  }
0x12: {  	s1 =	sld [smem:$0x3F95];
	s0 =	simm.s32 @p0 $0x1  }
0x13: {  	[smem:$0x3FB0] =	sst s0;
	s0 =	simm.s32 @!p1 $0x0  }
0x14: {  	s2 =	sld [smem:$0x3F94];
	s0 =	simm.s32 @p1 $0x1  }
0x15: {  	[smem:$0x3FB1] =	sst s0;
	s0 =	simm.s32 @!p2 $0x0  }
0x16: {  	s3 =	sld [smem:$0x3FDB];
	s0 =	simm.s32 @p2 $0x1  }
0x17: {  	s4 =	simm.s32 $0x1BF5;
	[smem:$0x3FB3] =	sst s0  }
0x18: {  	s0 =	sld [smem:$0x3F96];
	_ =	swait.ge [sflag:s4], $0x0  }
0x19: {  	s7 =	sld [smem:$0x3F97]  }
0x1a: {  	s8 =	sadd.s32 $0xFFFFE003, lr  }
0x1b: {  	s9 =	sadd.s32 $0xFFFFFEF7, lr;
	s5 =	simm.s32 $0xFFFFFFFF;
	p2 =	slt.u32 s8, $0xFFFFF086  }
0x1c: {  	p1 =	slt.u32 s9, $0xF7A;
	s5 =	simm.s32 @!p2 $0x0  }
0x1d: {  	s5 =	simm.s32 @p1 $0x1;
	p0 =	seq.s32 s7, s2  }
0x1e: {  	s7 =	smul.u32 @!p0 $0xF7A, s2;
	p2 =	seq.s32 @!p0 s5, $0x0  }
0x1f: {  	s9 =	smul.u32 $0xF7A, s1;
	s8 =	simm.s32 @!p0 $0x1BF5;
	p2 =	por !p2, p0  }
0x20: {  	[sflag:s8] =	ssyncset.s32 @!p0 $0xFFFFF086;
	s6 =	sadd.s32 @!p0 s3, s7;
	s7 =	simm.s32 @!p0 $0x108  }
0x21: {  	s3 =	sadd.s32 s3, s9;
	s6 =	sadd.s32 @!p0 $0x88, s6;
	s7 =	simm.s32 @p2 $0x1082  }
0x22: {  	[simem:s7], [sflag:s8] =	dma.local @!p0 [hbm:s6], $0xF7A  }
0x23: {  	s9 =	sor.u32 $0xD0000000, s2;
	s6 =	simm.s32 $0x108;
	_ =	swait.ge @!p0 [sflag:s8], $0x0  }
0x24: {  	s3 =	sadd.s32 $0x88, s3;
	s6 =	simm.s32 @!p1 $0x1082;
	[sflag:s4] =	ssyncset.s32 $0xFFFFF086  }
0x25: {  	[simem:s6], [sflag:s4] =	dma.local [hbm:s3], $0xF7A  }
0x26: {  	[smem:$0x3F97] =	sst s1;
	(tag) =	ssettag s2;
	_ =	strace s9  }
0x27: {  	s1 =	sld [smem:$0x3FA7]  }
0x28: {  	s2 =	sld [smem:$0x3FA8]  }
0x29: {  	s4 =	sld [smem:$0x3FAA]  }
0x2a: {  	p0 =	seq.s32 s5, $0x0;
	s5 =	sld [smem:$0x3FAB]  }
0x2b: {  	s6 =	sld [smem:$0x3FAC]  }
0x2c: {  	s7 =	sld [smem:$0x3FAD]  }
0x2d: {  	s3 =	simm.s32 $0x108;
	s8 =	sld [smem:$0x3FAE]  }
0x2e: {  	s3 =	simm.s32 @!p0 $0x1082;
	s9 =	sld [smem:$0x3FAF]  }
0x2f: {  	lr =	sadd.s32 s0, s3;
	s0 =	sld [smem:$0x3FA6]  }
0x30: {  	s3 =	sld [smem:$0x3FA9]  }
0x31: {  	[smem:$0x3FB2] =	sst s10  }
0x32: {  	s10 =	sld [smem:$0x3FB0];
	_ =	sdelay $0x3  }
0x33: {  	p0 =	seq.s32 s10, $0x1;
	s10 =	sld [smem:$0x3FB2];
	_ =	sdelay $0x3  }
0x34: {  	[smem:$0x3FB2] =	sst s10  }
0x35: {  	s10 =	sld [smem:$0x3FB1];
	_ =	sdelay $0x3  }
0x36: {  	p1 =	seq.s32 s10, $0x1;
	s10 =	sld [smem:$0x3FB2];
	_ =	sdelay $0x3  }
0x37: {  	[smem:$0x3FB2] =	sst s10  }
0x38: {  	s10 =	sld [smem:$0x3FB3]  }
0x39: {  	_ = 	snop;
	(pc) =	sbr.ind lr, $3  }
0x3a: {  	_ = 	snop  }
0x3b: {  	_ = 	snop  }
0x3c: {  	p2 =	seq.s32 s10, $0x1;
	s10 =	sld [smem:$0x3FB2]  }
0x3d: {  	_ =	shalt  }
0x3e: {  	_ =	shalt  }
0x3f: {  	_ =	shalt  }
0x40: {  	_ =	shalt  }
0x41: {  	_ =	shalt  }
0x42: {  	_ =	shalt  }
0x43: {  	_ =	shalt  }
0x44: {  	_ =	shalt  }
0x45: {  	_ =	shalt  }
0x46: {  	_ =	shalt  }
0x47: {  	_ =	shalt  }
0x48: {  	_ =	shalt  }
0x49: {  	_ =	shalt  }
0x4a: {  	_ =	shalt  }
0x4b: {  	_ =	shalt  }
0x4c: {  	_ =	shalt  }
0x4d: {  	_ =	shalt  }
0x4e: {  	_ =	shalt  }
0x4f: {  	_ =	shalt  }
0x50: {  	_ =	shalt  }
0x51: {  	_ =	shalt  }
0x52: {  	_ =	shalt  }
0x53: {  	_ =	shalt  }
0x54: {  	_ =	shalt  }
0x55: {  	_ =	shalt  }
0x56: {  	_ =	shalt  }
0x57: {  	_ =	shalt  }
0x58: {  	_ =	shalt  }
0x59: {  	_ =	shalt  }
0x5a: {  	_ =	shalt  }
0x5b: {  	_ =	shalt  }
0x5c: {  	_ =	shalt  }
0x5d: {  	_ =	shalt  }
0x5e: {  	_ =	shalt  }
0x5f: {  	_ =	shalt  }
0x60: {  	_ =	shalt  }
0x61: {  	_ =	shalt  }
0x62: {  	_ =	shalt  }
0x63: {  	_ =	shalt  }
0x64: {  	_ =	shalt  }
0x65: {  	_ =	shalt  }
0x66: {  	_ =	shalt  }
0x67: {  	_ =	shalt  }
0x68: {  	_ =	shalt  }
0x69: {  	_ =	shalt  }
0x6a: {  	_ =	shalt  }
0x6b: {  	_ =	shalt  }
0x6c: {  	_ =	shalt  }
0x6d: {  	_ =	shalt  }
0x6e: {  	_ =	shalt  }
0x6f: {  	_ =	shalt  }
0x70: {  	_ =	shalt  }
0x71: {  	_ =	shalt  }
0x72: {  	_ =	shalt  }
0x73: {  	_ =	shalt  }
0x74: {  	_ =	shalt  }
0x75: {  	_ =	shalt  }
0x76: {  	_ =	shalt  }
0x77: {  	_ =	shalt  }
0x78: {  	_ =	shalt  }
0x79: {  	_ =	shalt  }
0x7a: {  	_ =	shalt  }
0x7b: {  	_ =	shalt  }
0x7c: {  	_ =	shalt  }
0x7d: {  	_ =	shalt  }
0x7e: {  	_ =	shalt  }
0x7f: {  	_ =	shalt  }
0x80: {  	_ =	shalt  }
0x81: {  	_ =	shalt  }
0x82: {  	_ =	shalt  }
0x83: {  	_ =	shalt  }
0x84: {  	_ =	shalt  }
0x85: {  	_ =	shalt  }
0x86: {  	_ =	shalt  }
0x87: {  	_ =	shalt  }
.Lfunc_end0:
.L_simem_size_0:
called_computation.1_lowered:
.L_overlay_start_0:
0x88: {  	s2 =	sld [smem:$0x3FD9]  }
0x89: {  	s3 =	sld [smem:$0x3FFE];
	_ =	sdelay $0x1  }
0x8a: {  	s1 =	srdreg.scid  }
0x8b: {  	s0 =	sand.u32 $0x1, s1  }
0x8c: {  	s16 =	sshll.u32 s0, $0xA;
	s2 =	sadd.s32 s3, s2  }
0x8d: {  	s2 =	sadd.s32 s2, s16  }
0x8e: {  	[smem:$0x3FBE] =	sst s2  }
0x8f: {  	_ = 	snop  }
0x90: {  	(tm) =	ssettm $0x1  }
0x91: {  	s17 =	sld [smem:$0x3FFB];
	_ =	sdelay $0x3  }
0x92: {  	_ =	strace s17  }
0x93: {  	s2 =	sld [smem:$0x3FFC];
	_ =	sdelay $0x3  }
0x94: {  	_ =	strace s2  }
0x95: {  	s2 =	sld [smem:$0x3FFD];
	_ =	sdelay $0x3  }
0x96: {  	_ =	strace s2  }
0x97: {  	_ =	strace $0x8FFFFFFF  }
0x98: {  	s18 =	sld [smem:$0x3FDB];
	_ =	sdelay $0x1  }
0x99: {  	s19 =	simm.s32 $_scs_section_size  }
0x9a: {  	s4 =	simm.s32 $_size__tile_overlayer_lowered;
	s5 =	simm.s32 $_tile_overlayer_lowered  }
0x9b: {  	s22 =	simm.s32 $0x1BFF;
	s21 =	sshll.u32 s5, $0x1;
	s2 =	sadd.s32 s19, s18  }
0x9c: {  	s6 =	simm.s32 $0x0;
	s20 =	sshll.u32 s4, $0x1;
	s4 =	sadd.s32 s21, s2  }
0x9d: {  	[timem:s6], [sflag:s22] =	dma.local [hbm:s4], s20  }
0x9e: {  	_ =	swait.ge [sflag:s22], s20  }
0x9f: {  	s3 =	ssub.s32 $0x0, s20;
	[sflag:s22] =	ssyncset.done $0x0  }
0xa0: {  	[sflag:s22] =	ssyncadd.s32 s3;
	_ =	sdelay $0x1  }
0xa1: {  	s23 =	simm.s32 $0x1B8B  }
0xa2: {  	_ =	swait.ge [sflag:s23], $0x1  }
0xa3: {  	[sflag:s23] =	ssyncset.done $0x0  }
0xa4: {  	s25 =	simm.s32 $0x1B8E;
	s24 =	sld [smem:$0x3FFE];
	[sflag:s23] =	ssyncadd.s32 $0xFFFFFFFF  }
0xa5: {  	s26 =	simm.s32 $execute0_lowered;
	[smem:$0x3FD2] =	sst s25  }
0xa6: {  	s4 =	sshll.u32 s26, $0x1;
	_ =	strace $0x80000049;
	[dreg:$0x1] =	wrdreg $0xFFFFFFFF  }
0xa7: {  	s28 =	simm.s32 $_size_execute0_lowered;
	s2 =	sadd.s32 s2, s4;
	[dreg:$0x0] =	wrdreg $0x0  }
0xa8: {  	s4 =	sshll.u32 s28, $0x1;
	[dreg:$0x2] =	wrdreg s2  }
0xa9: {  	[dreg:$0x3] =	wrdreg s4  }
0xaa: {  	[dreg:$0x4] =	wrdreg $0xC0  }
0xab: {  	_ =	task [dreg:s6], $0x5FFFF  }
0xac: {  	[dreg:$0x1] =	wrdreg $0xFFFFFFFF  }
0xad: {  	[dreg:$0x0] =	wrdreg $0x60  }
0xae: {  	[dreg:$0x2] =	wrdreg s24  }
0xaf: {  	[dreg:$0x3] =	wrdreg $0xC6000  }
0xb0: {  	[dreg:$0x4] =	wrdreg $0x9  }
0xb1: {  	_ =	task.clear_ibuf [dreg:s6], $0x5FFFF;
	_ =	strace $0x90000049  }
0xb2: {  	s29 =	simm.s32 $0x9;
	_ =	strace $0x8000004B  }
0xb3: {  	_ =	swait.ge [sflag:s29], $0x1  }
0xb4: {  	[sflag:s29] =	ssyncadd.s32 $0xFFFFFFFF  }
0xb5: {  	_ =	strace $0x9000004B  }
0xb6: {  	_ =	sfence  }
0xb7: {  	s30 =	sld [smem:$0x0];
	_ =	sdelay $0x2  }
0xb8: {  	s31 =	sshll.u32 s1, $0xD;
	s1 =	sshrl.u32 s1, $0x2  }
0xb9: {  	s3 =	sand.u32 $0x4000, s31;
	s1 =	sadd.s32 s1, s30  }
0xba: {  	s0 =	sor.u32 s3, s0;
	s1 =	sshll.u32 s1, $0x11  }
0xbb: {  	s0 =	sor.u32 s1, s0  }
0xbc: {  	s0 =	sadd.s32 $0x8F2B, s0  }
0xbd: {  	[sflag:s0] =	ssyncadd.remote.s32 $0x1  }
0xbe: {  	_ =	sfence.sel $0xFFFF  }
0xbf: {  	[dreg:$0x0] =	wrdreg $0xFFFFFFFF;
	(pc) =	sbr.abs _section_cstart, $3  }
0xc0: {  	[dreg:$0x1] =	wrdreg $0xFFFFFFFF  }
0xc1: {  	_ =	task.clear_ibuf [dreg:s6], $0x2FFFF;
	_ =	strace $0x9FFFFFFF  }
0xc2: {  	(tm) =	ssettm $0x7FFFFFFF  }
0xc3: {  	_ =	shalt  }
tec
execute0_lowered:
.L_overlay_start_1:
0x0: {  	(tag) =	ssettag $0x1  }
0x1: {  	s5 =	rddreg [dreg:$0x0]  }
0x2: {  	s1 =	rddreg [dreg:$0x1]  }
0x3: {  	s2 =	simm.s32 $0x0;
	s0 =	srdreg.scid;
	s11 =	stileid.u32  }
0x4: {  	[smem:$0x7FF] =	sst s2;
	s4 =	sadd.s32 $0x18000, s5;
	s3 =	sadd.s32 $0x4400, s5  }
0x5: {  	s6 =	sand.u32 $0x1, s0;
	s0 =	sadd.s32 $0xE200, s5;
	s8 =	sadd.s32 $0x66600, s5  }
0x6: {  	s23 =	sshll.u32 s11, $0x1;
	p0 =	slt.u32 s11, $0x2;
	s5 =	simm.s32 $0x4F  }
0x7: {  	s12 =	sadd.s32 $0x138000, s1;
	s17 =	sshll.u32 s11, $0xE;
	s20 =	sor.u32 $0x10, s11  }
0x8: {  	s16 =	smul.u32 $0x9C, s11;
	s19 =	sor.u32 $0x40, s11;
	_ =	strace $0x8000004A  }
0x9: {  	s7 =	ssub.s32 $0x2, s6;
	s10 =	sor.u32 s6, s23;
	s31 =	smul.u32 $0x138800, s6  }
0xa: {  	s5 =	simm.s32 @!p0 $0x4E;
	[dreg:$0xb] =	wrdreg s12;
	s6 =	smul.u32 $0x4E, s6  }
0xb: {  	s18 =	sshll.u32 s20, $0xE;
	s14 =	sshll.u32 s19, $0xE;
	s23 =	smul.u32 $0x32000, s11  }
0xc: {  	p1 =	slt.u32 s19, $0x4E;
	s19 =	simm.s32 $0x7;
	s9 =	sshrl.u32 s7, $0x1  }
0xd: {  	s24 =	smul.u32 $0x4E, s10;
	s15 =	smin.u32 s10, $0x4;
	s25 =	sadd.s32 $0xFFFFFFFF, s5  }
0xe: {  	s26 =	sadd.s32 $0xFFFFFFFE, s5;
	s28 =	sadd.s32 $0xFFFFFFFC, s5;
	[dreg:$0x3] =	wrdreg s25  }
0xf: {  	s30 =	sadd.s32 $0xFFFFFFFB, s5;
	s10 =	sadd.s32 s17, s1;
	[dreg:$0x4] =	wrdreg s26  }
0x10: {  	s17 =	smul.u32 $0xC800, s11;
	s14 =	sadd.s32 s14, s1;
	[dreg:$0x7] =	wrdreg s28  }
0x11: {  	p0 =	sne.s32 @!p1 s11, $0xE;
	s7 =	ssub.s32 s7, s9;
	[dreg:$0x8] =	wrdreg s30  }
0x12: {  	s21 =	sadd.s32 $0x80000, s10;
	s13 =	sadd.s32 $0xC0000, s10;
	s6 =	sadd.s32 s6, s16  }
0x13: {  	s25 =	smul.u32 $0xC800, s20;
	p0 =	por p0, p1;
	s9 =	sadd.s32 s15, s24  }
0x14: {  	s7 =	smax.u32 s7, $0x1;
	[dreg:$0x10] =	wrdreg s21;
	s22 =	sadd.s32 s31, s17  }
0x15: {  	s6 =	sadd.s32 s15, s6;
	s17 =	sshrl.u32 s23, $0x2;
	s9 =	sshll.u32 s9, $0x4  }
0x16: {  	[dreg:$0xe] =	wrdreg s7;
	s7 =	sadd.s32 s18, s1;
	s24 =	sshrl.u32 s22, $0x3  }
0x17: {  	s6 =	sshll.u32 s6, $0x4;
	s21 =	sadd.s32 s17, s1;
	s17 =	simm.s32 $0x600  }
0x18: {  	s29 =	sadd.s32 s3, s9;
	s9 =	sadd.s32 s0, s9;
	[dreg:$0xf] =	wrdreg s7  }
0x19: {  	s15 =	sadd.s32 s8, s24;
	s18 =	sadd.s32 s6, s3;
	s28 =	sadd.s32 s6, s0  }
0x1a: {  	s6 =	sadd.s32 $0x30, s6;
	s21 =	sshrl.u32 s21, $0x3;
	[dreg:$0xc] =	wrdreg s29  }
0x1b: {  	[dreg:$0xd] =	wrdreg s9;
	s9 =	sadd.s32 s31, s25;
	s26 =	sadd.s32 $0x60, s18  }
0x1c: {  	s29 =	smul.u32 $0x32000, s20;
	s30 =	sadd.s32 $0x60, s28;
	s0 =	sadd.s32 s6, s0  }
0x1d: {  	s3 =	sadd.s32 s6, s3;
	[dreg:$0x6] =	wrdreg s0;
	s0 =	simm.s32 @!p1 $0x0  }
0x1e: {  	s18 =	simm.s32 $0x8;
	[dreg:$0x9] =	wrdreg s26;
	s0 =	simm.s32 @p1 $0x1  }
0x1f: {  	s9 =	sshrl.u32 s9, $0x3;
	[smem:$0x7FB] =	sst s0;
	s0 =	simm.s32 @!p0 $0x0  }
0x20: {  	[dreg:$0xa] =	wrdreg s30;
	s0 =	simm.s32 @p0 $0x1;
	p0 =	sgt.u32 s20, $0x18  }
0x21: {  	s31 =	sshrl.u32 s29, $0x2;
	[smem:$0x7FC] =	sst s0;
	s0 =	simm.s32 @!p0 $0x0  }
0x22: {  	[dreg:$0x5] =	wrdreg s3;
	s3 =	sadd.s32 s31, s1;
	s0 =	simm.s32 @p0 $0x1  }
0x23: {  	v0 =	vimm.f32 $0.0e+00;
	s16 =	sadd.s32 s8, s9;
	s22 =	sshrl.u32 @!p0 s3, $0x3;
	[smem:$0x7FD] =	sst s0  }
.LBB2_1:
0x24: {  	s0 =	simm.s32 $0x0;
	s3 =	simm.s32 $0x200  }
.LBB2_2:
0x25: {  	p0 =	sne.s32 s3, $0xFE00;
	[tilespmem:s0+$0x670] =	vst v0  }
0x26: {  	[tilespmem:s0+$0x600] =	vst v0  }
0x27: {  	[tilespmem:s0+$0x610] =	vst v0  }
.Ltmp0:
0x28: {  	[tilespmem:s0+$0x620] =	vst v0;
	(pc) =	sbr.rel @p0 .LBB2_2-.Ltmp0, $4  }
0x29: {  	[tilespmem:s0+$0x630] =	vst v0  }
0x2a: {  	[tilespmem:s0+$0x640] =	vst v0  }
0x2b: {  	[tilespmem:s0+$0x650] =	vst v0  }
0x2c: {  	[tilespmem:s0+$0x660] =	vst v0;
	s0 =	sshra.s32 s3, $0x2;
	s3 =	sadd.s32 $0x200, s3  }
0x2d: {  	[tilespmem:s0+$0x670] =	vst v0  }
0x2e: {  	[tilespmem:s0+$0x600] =	vst v0  }
0x2f: {  	[tilespmem:s0+$0x610] =	vst v0  }
0x30: {  	[tilespmem:s0+$0x620] =	vst v0  }
0x31: {  	[tilespmem:s0+$0x630] =	vst v0  }
0x32: {  	[tilespmem:s0+$0x640] =	vst v0  }
0x33: {  	[tilespmem:s0+$0x650] =	vst v0  }
0x34: {  	[tilespmem:s0+$0x660] =	vst v0  }
0x35: {  	[spmem:s10] =	stream.linear.scatter [tilespmem:s17], [sflag:$0x8], $0x4000, $0x38;
	[tilespmem:$0x1FE80] =	vst v63  }
0x36: {  	_ =	swait.ge [sflag:s18], $0x4000  }
0x37: {  	[sflag:s18] =	ssyncset.done $0x0  }
0x38: {  	s9 =	rddreg [dreg:$0xf];
	[sflag:s18] =	ssyncadd.s32 $0xFFFFC000  }
0x39: {  	[spmem:s9] =	stream.linear.scatter [tilespmem:s17], [sflag:$0x8], $0x4000, $0x38;
	[tilespmem:$0x1FE80] =	vst v63  }
0x3a: {  	_ =	swait.ge [sflag:s18], $0x4000  }
0x3b: {  	[sflag:s18] =	ssyncset.done $0x0  }
0x3c: {  	s11 =	rddreg [dreg:$0x10];
	[sflag:s18] =	ssyncadd.s32 $0xFFFFC000  }
0x3d: {  	[spmem:s11] =	stream.linear.scatter [tilespmem:s17], [sflag:$0x8], $0x4000, $0x38;
	[tilespmem:$0x1FE80] =	vst v63  }
0x3e: {  	_ =	swait.ge [sflag:s18], $0x4000  }
0x3f: {  	[sflag:s18] =	ssyncset.done $0x0  }
0x40: {  	[sflag:s18] =	ssyncadd.s32 $0xFFFFC000  }
0x41: {  	[spmem:s13] =	stream.linear.scatter [tilespmem:s17], [sflag:$0x8], $0x4000, $0x38;
	[tilespmem:$0x1FE80] =	vst v63  }
0x42: {  	_ =	swait.ge [sflag:s18], $0x4000  }
0x43: {  	s12 =	sld [smem:$0x7FB];
	_ =	sdelay $0x2  }
0x44: {  	[sflag:s18] =	ssyncset.done $0x0;
	p0 =	seq.s32 s12, $0x1  }
0x45: {  	[sflag:s18] =	ssyncadd.s32 $0xFFFFC000;
	s0 =	simm.s32 @p0 $0x600  }
0x46: {  	[spmem:s14] =	stream.linear.scatter @p0 [tilespmem:s0], [sflag:$0x8], $0x4000, $0x38;
	[tilespmem:$0x1FE80] =	vst v63  }
0x47: {  	s0 =	simm.s32 @p0 $0x8  }
0x48: {  	_ =	swait.ge @p0 [sflag:s0], $0x4000  }
0x49: {  	s20 =	sld [smem:$0x7FC];
	_ =	sdelay $0x1  }
0x4a: {  	[sflag:s0] =	ssyncset.done @p0 $0x0  }
0x4b: {  	[sflag:s0] =	ssyncadd.s32 @p0 $0xFFFFC000;
	p0 =	seq.s32 s20, $0x1  }
0x4c: {  	s3 =	rddreg [dreg:$0xb];
	s0 =	simm.s32 @!p0 $0x600  }
0x4d: {  	[spmem:s3] =	stream.linear.scatter @!p0 [tilespmem:s0], [sflag:$0x7], $0x800, $0x38;
	[tilespmem:$0x1FE80] =	vst v63  }
0x4e: {  	s0 =	simm.s32 @!p0 $0x7  }
0x4f: {  	_ =	swait.ge @!p0 [sflag:s0], $0x800  }
0x50: {  	[sflag:s0] =	ssyncset.done @!p0 $0x0  }
0x51: {  	[sflag:s0] =	ssyncadd.s32 @!p0 $0xFFFFF800  }
0x52: {  	[bflag:$0x0] =	sbarrier.arrive $0xFFFF  }
0x53: {  	s23 =	simm.s32 $0x0;
	s24 =	rddreg [dreg:$0xc]  }
0x54: {  	[tilespmem:s23], [sflag:$0x7] =	stream.linear.gather [hbm4b:s24+s23], $0x180, $0x38;
	[tilespmem:$0x1FE80] =	vst v63  }
0x55: {  	_ =	swait.ge [sflag:s19], $0x180  }
0x56: {  	[sflag:s19] =	ssyncset.done $0x0  }
0x57: {  	s6 =	simm.s32 $0x300;
	s25 =	rddreg [dreg:$0xd];
	[sflag:s19] =	ssyncadd.s32 $0xFFFFFE80  }
0x58: {  	[tilespmem:s6], [sflag:$0x7] =	stream.linear.gather [hbm4b:s25+s23], $0x180, $0x38;
	[tilespmem:$0x1FE80] =	vst v63  }
0x59: {  	p5 =	por $0x1, $0x1;
	_ =	swait.ge [sflag:s19], $0x180  }
0x5a: {  	p1 =	por p5, p5;
	[sflag:s19] =	ssyncset.done $0x0  }
0x5b: {  	s0 =	simm.s32 @!p1 $0x4;
	[sflag:s19] =	ssyncadd.s32 $0xFFFFFE80  }
0x5c: {  	p2 =	sle.u32 s5, $0x0;
	_ =	swait.ge @!p1 [sflag:s0], $0x4000  }
0x5d: {  	s7 =	simm.s32 @!p2 $0x600;
	s3 =	simm.s32 @!p2 $0x80;
	[sflag:s0] =	ssyncset.done @!p1 $0x0  }
0x5e: {  	s6 =	simm.s32 @!p2 $0x0;
	[sflag:s0] =	ssyncadd.s32 @!p1 $0xFFFFC000;
	s0 =	simm.s32 @!p1 $0x5  }
0x5f: {  	[tilespmem:s7], [sflag:$0x1] =	stream.indirect.gather @!p2 [hbm4b:s4+s3], $0x80, s6, s3, $0xb8;
	[tilespmem:$0x1FE80] =	vst v63  }
0x60: {  	_ =	swait.ge @!p1 [sflag:s0], $0x4000  }
0x61: {  	s26 =	rddreg [dreg:$0x3];
	[sflag:s0] =	ssyncset.done @!p1 $0x0  }
0x62: {  	[sflag:s0] =	ssyncadd.s32 @!p1 $0xFFFFC000;
	p3 =	sle.u32 s26, $0x0  }
0x63: {  	s0 =	simm.s32 @!p1 $0x6;
	s6 =	simm.s32 @!p3 $0x80;
	s8 =	simm.s32 @!p3 $0x4600  }
0x64: {  	[tilespmem:s8], [sflag:$0x2] =	stream.indirect.gather @!p3 [hbm4b:s4+s6], $0x80, s6, s6, $0xb8;
	[tilespmem:$0x1FE80] =	vst v63  }
0x65: {  	_ =	swait.ge @!p1 [sflag:s0], $0x4000  }
0x66: {  	s9 =	rddreg [dreg:$0x4];
	[sflag:s0] =	ssyncset.done @!p1 $0x0  }
0x67: {  	p0 =	sle.u32 s9, $0x0;
	[sflag:s0] =	ssyncadd.s32 @!p1 $0xFFFFC000  }
0x68: {  	p1 =	sle.u32 s5, $0x3;
	s0 =	rddreg [dreg:$0x5];
	s9 =	simm.s32 @!p0 $0x80  }
0x69: {  	s20 =	simm.s32 @!p0 $0x100;
	s23 =	simm.s32 @!p0 $0x8600;
	s24 =	simm.s32 @!p1 $0x0  }
0x6a: {  	[tilespmem:s23], [sflag:$0x3] =	stream.indirect.gather @!p0 [hbm4b:s4+s9], $0x80, s20, s9, $0xb8;
	[tilespmem:$0x1FE80] =	vst v63  }
0x6b: {  	s0 =	sadd.s32 @!p1 $0x0, s0;
	s25 =	simm.s32 @!p1 $0x7;
	s20 =	simm.s32 @!p1 $0x180  }
0x6c: {  	[tilespmem:s20], [sflag:$0x7] =	stream.linear.gather @!p1 [hbm4b:s0+s24], $0x180, $0x38;
	[tilespmem:$0x1FE80] =	vst v63  }
0x6d: {  	_ =	swait.ge @!p1 [sflag:s25], $0x180  }
0x6e: {  	s26 =	rddreg [dreg:$0x6];
	[sflag:s25] =	ssyncset.done @!p1 $0x0  }
0x6f: {  	s0 =	simm.s32 @!p1 $0x480;
	[sflag:s25] =	ssyncadd.s32 @!p1 $0xFFFFFE80;
	s26 =	sadd.s32 @!p1 $0x0, s26  }
0x70: {  	[tilespmem:s0], [sflag:$0x7] =	stream.linear.gather @!p1 [hbm4b:s26+s24], $0x180, $0x38;
	[tilespmem:$0x1FE80] =	vst v63  }
0x71: {  	_ =	swait.ge @!p1 [sflag:s25], $0x180  }
0x72: {  	[sflag:s25] =	ssyncset.done @!p1 $0x0  }
0x73: {  	s24 =	simm.s32 @!p2 $0x1;
	[sflag:s25] =	ssyncadd.s32 @!p1 $0xFFFFFE80  }
0x74: {  	_ =	swait.ge @!p2 [sflag:s24], $0x4000  }
0x75: {  	[sflag:s24] =	ssyncset.done @!p2 $0x0  }
0x76: {  	s25 =	simm.s32 @!p2 $0x300;
	[sflag:s24] =	ssyncadd.s32 @!p2 $0xFFFFC000;
	s24 =	simm.s32 @!p3 $0x2  }
0x77: {  	[spmem:s1] =	stream.indirect.scatter.add.f32 @!p2 [tilespmem:s7], [sflag:$0x4], $0x80, s25, s3, $0xb8;
	[tilespmem:$0x1FE80] =	vst v63  }
0x78: {  	_ =	swait.ge @!p3 [sflag:s24], $0x4000  }
0x79: {  	[sflag:s24] =	ssyncset.done @!p3 $0x0  }
0x7a: {  	s3 =	simm.s32 @!p3 $0x380;
	s7 =	simm.s32 @!p0 $0x3;
	[sflag:s24] =	ssyncadd.s32 @!p3 $0xFFFFC000  }
0x7b: {  	[spmem:s1] =	stream.indirect.scatter.add.f32 @!p3 [tilespmem:s8], [sflag:$0x5], $0x80, s3, s6, $0xb8;
	[tilespmem:$0x1FE80] =	vst v63  }
0x7c: {  	_ =	swait.ge @!p0 [sflag:s7], $0x4000  }
0x7d: {  	[sflag:s7] =	ssyncset.done @!p0 $0x0  }
0x7e: {  	s3 =	simm.s32 @!p0 $0x400;
	s6 =	simm.s32 @!p2 $0x4;
	[sflag:s7] =	ssyncadd.s32 @!p0 $0xFFFFC000  }
0x7f: {  	[spmem:s1] =	stream.indirect.scatter.add.f32 @!p0 [tilespmem:s23], [sflag:$0x6], $0x80, s3, s9, $0xb8;
	[tilespmem:$0x1FE80] =	vst v63  }
0x80: {  	_ =	swait.ge @!p2 [sflag:s6], $0x4000  }
0x81: {  	s7 =	simm.s32 @!p1 $0x600;
	[sflag:s6] =	ssyncset.done @!p2 $0x0  }
0x82: {  	s3 =	simm.s32 @!p1 $0x80;
	[sflag:s6] =	ssyncadd.s32 @!p2 $0xFFFFC000;
	s6 =	simm.s32 @!p3 $0x5  }
0x83: {  	[tilespmem:s7], [sflag:$0x1] =	stream.indirect.gather @!p1 [hbm4b:s4+s3], $0x80, s20, s3, $0xb8;
	[tilespmem:$0x1FE80] =	vst v63  }
0x84: {  	_ =	swait.ge @!p3 [sflag:s6], $0x4000  }
0x85: {  	s28 =	rddreg [dreg:$0x7];
	[sflag:s6] =	ssyncset.done @!p3 $0x0  }
0x86: {  	[sflag:s6] =	ssyncadd.s32 @!p3 $0xFFFFC000;
	p3 =	sle.u32 s28, $0x0;
	s6 =	simm.s32 @!p0 $0x6  }
0x87: {  	s8 =	simm.s32 @!p3 $0x80;
	s9 =	simm.s32 @!p3 $0x200;
	s20 =	simm.s32 @!p3 $0x4600  }
0x88: {  	[tilespmem:s20], [sflag:$0x2] =	stream.indirect.gather @!p3 [hbm4b:s4+s8], $0x80, s9, s8, $0xb8;
	[tilespmem:$0x1FE80] =	vst v63  }
0x89: {  	_ =	swait.ge @!p0 [sflag:s6], $0x4000  }
0x8a: {  	p4 =	sle.u32 s5, $0x6;
	s29 =	rddreg [dreg:$0x8];
	[sflag:s6] =	ssyncset.done @!p0 $0x0  }
0x8b: {  	s23 =	rddreg [dreg:$0x9];
	[sflag:s6] =	ssyncadd.s32 @!p0 $0xFFFFC000;
	p2 =	sle.u32 s29, $0x0  }
0x8c: {  	s30 =	simm.s32 @!p2 $0x80;
	s6 =	simm.s32 @!p2 $0x280;
	s31 =	simm.s32 @!p2 $0x8600  }
0x8d: {  	[tilespmem:s31], [sflag:$0x3] =	stream.indirect.gather @!p2 [hbm4b:s4+s30], $0x80, s6, s30, $0xb8;
	[tilespmem:$0x1FE80] =	vst v63  }
0x8e: {  	s9 =	sadd.s32 @!p4 $0x0, s23;
	s23 =	simm.s32 @!p4 $0x7;
	s6 =	simm.s32 @!p4 $0x0  }
0x8f: {  	[tilespmem:s6], [sflag:$0x7] =	stream.linear.gather @!p4 [hbm4b:s9+s6], $0x180, $0x38;
	[tilespmem:$0x1FE80] =	vst v63  }
0x90: {  	_ =	swait.ge @!p4 [sflag:s23], $0x180  }
0x91: {  	s9 =	rddreg [dreg:$0xa];
	[sflag:s23] =	ssyncset.done @!p4 $0x0  }
0x92: {  	s24 =	simm.s32 @!p4 $0x300;
	[sflag:s23] =	ssyncadd.s32 @!p4 $0xFFFFFE80;
	s9 =	sadd.s32 @!p4 $0x0, s9  }
0x93: {  	[tilespmem:s24], [sflag:$0x7] =	stream.linear.gather @!p4 [hbm4b:s9+s6], $0x180, $0x38;
	[tilespmem:$0x1FE80] =	vst v63  }
0x94: {  	_ =	swait.ge @!p4 [sflag:s23], $0x180  }
0x95: {  	[sflag:s23] =	ssyncset.done @!p4 $0x0  }
0x96: {  	s6 =	simm.s32 @!p1 $0x1;
	[sflag:s23] =	ssyncadd.s32 @!p4 $0xFFFFFE80  }
0x97: {  	_ =	swait.ge @!p1 [sflag:s6], $0x4000  }
0x98: {  	[sflag:s6] =	ssyncset.done @!p1 $0x0  }
0x99: {  	[sflag:s6] =	ssyncadd.s32 @!p1 $0xFFFFC000  }
0x9a: {  	[spmem:s1] =	stream.indirect.scatter.add.f32 @!p1 [tilespmem:s7], [sflag:$0x4], $0x80, s0, s3, $0xb8;
	[tilespmem:$0x1FE80] =	vst v63  }
0x9b: {  	s0 =	simm.s32 @!p3 $0x2  }
0x9c: {  	_ =	swait.ge @!p3 [sflag:s0], $0x4000  }
0x9d: {  	p6 =	por $0x0, $0x0;
	s26 =	simm.s32 $0xC0;
	[sflag:s0] =	ssyncset.done @!p3 $0x0  }
0x9e: {  	s25 =	simm.s32 $0x6;
	s3 =	simm.s32 @!p3 $0x500;
	[sflag:s0] =	ssyncadd.s32 @!p3 $0xFFFFC000  }
0x9f: {  	[spmem:s1] =	stream.indirect.scatter.add.f32 @!p3 [tilespmem:s20], [sflag:$0x5], $0x80, s3, s8, $0xb8;
	[tilespmem:$0x1FE80] =	vst v63  }
0xa0: {  	s24 =	simm.s32 $0x6;
	s9 =	simm.s32 @!p2 $0x580;
	s3 =	simm.s32 @!p2 $0x3  }
0xa1: {  	s23 =	simm.s32 $0x60;
	p3 =	por p6, p6;
	_ =	swait.ge @!p2 [sflag:s3], $0x4000  }
.LBB2_4:
0xa2: {  	[sflag:s3] =	ssyncset.done @!p2 $0x0  }
0xa3: {  	s6 =	simm.s32 @!p3 $0x4;
	[sflag:s3] =	ssyncadd.s32 @!p2 $0xFFFFC000  }
0xa4: {  	[spmem:s1] =	stream.indirect.scatter.add.f32 @!p2 [tilespmem:s31], [sflag:$0x6], $0x80, s9, s30, $0xb8;
	[tilespmem:$0x1FE80] =	vst v63  }
0xa5: {  	p6 =	sge.u32 s24, s5;
	_ =	swait.ge @!p3 [sflag:s6], $0x4000  }
0xa6: {  	s0 =	simm.s32 @!p6 $0x80;
	s7 =	simm.s32 @!p6 $0x0;
	[sflag:s6] =	ssyncset.done @!p3 $0x0  }
0xa7: {  	s3 =	simm.s32 @!p6 $0x600;
	[sflag:s6] =	ssyncadd.s32 @!p3 $0xFFFFC000;
	s6 =	simm.s32 @!p3 $0x5  }
0xa8: {  	[tilespmem:s3], [sflag:$0x1] =	stream.indirect.gather @!p6 [hbm4b:s4+s0], $0x80, s7, s0, $0xb8;
	[tilespmem:$0x1FE80] =	vst v63  }
0xa9: {  	_ =	swait.ge @!p3 [sflag:s6], $0x4000  }
0xaa: {  	[sflag:s6] =	ssyncset.done @!p3 $0x0;
	s8 =	rddreg [dreg:$0x3]  }
0xab: {  	[sflag:s6] =	ssyncadd.s32 @!p3 $0xFFFFC000;
	p1 =	sge.u32 s24, s8;
	s6 =	simm.s32 @!p3 $0x6  }
0xac: {  	s8 =	sadd.s32 $0x3, s24;
	s20 =	simm.s32 @!p1 $0x80;
	s30 =	simm.s32 @!p1 $0x4600  }
0xad: {  	[tilespmem:s30], [sflag:$0x2] =	stream.indirect.gather @!p1 [hbm4b:s4+s20], $0x80, s20, s20, $0xb8;
	[tilespmem:$0x1FE80] =	vst v63  }
0xae: {  	p5 =	sge.u32 s8, s5;
	_ =	swait.ge @!p3 [sflag:s6], $0x4000  }
0xaf: {  	s11 =	simm.s32 @!p5 $0x0;
	s9 =	rddreg [dreg:$0x4];
	[sflag:s6] =	ssyncset.done @!p3 $0x0  }
0xb0: {  	s8 =	rddreg [dreg:$0x5];
	p2 =	sge.u32 s24, s9;
	[sflag:s6] =	ssyncadd.s32 @!p3 $0xFFFFC000  }
0xb1: {  	s7 =	simm.s32 @!p2 $0x80;
	s9 =	simm.s32 @!p2 $0x100;
	s31 =	simm.s32 @!p2 $0x8600  }
0xb2: {  	[tilespmem:s31], [sflag:$0x3] =	stream.indirect.gather @!p2 [hbm4b:s4+s7], $0x80, s9, s7, $0xb8;
	[tilespmem:$0x1FE80] =	vst v63  }
0xb3: {  	s6 =	simm.s32 @!p5 $0x180;
	s8 =	sadd.s32 @!p5 s23, s8;
	s9 =	simm.s32 @!p5 $0x7  }
0xb4: {  	[tilespmem:s6], [sflag:$0x7] =	stream.linear.gather @!p5 [hbm4b:s8+s11], $0x180, $0x38;
	[tilespmem:$0x1FE80] =	vst v63  }
0xb5: {  	_ =	swait.ge @!p5 [sflag:s9], $0x180  }
0xb6: {  	s8 =	rddreg [dreg:$0x6];
	[sflag:s9] =	ssyncset.done @!p5 $0x0  }
0xb7: {  	s29 =	simm.s32 @!p5 $0x480;
	[sflag:s9] =	ssyncadd.s32 @!p5 $0xFFFFFE80;
	s8 =	sadd.s32 @!p5 s23, s8  }
0xb8: {  	[tilespmem:s29], [sflag:$0x7] =	stream.linear.gather @!p5 [hbm4b:s8+s11], $0x180, $0x38;
	[tilespmem:$0x1FE80] =	vst v63  }
0xb9: {  	_ =	swait.ge @!p5 [sflag:s9], $0x180  }
0xba: {  	[sflag:s9] =	ssyncset.done @!p5 $0x0  }
0xbb: {  	s8 =	simm.s32 @!p6 $0x1;
	[sflag:s9] =	ssyncadd.s32 @!p5 $0xFFFFFE80  }
0xbc: {  	_ =	swait.ge @!p6 [sflag:s8], $0x4000  }
0xbd: {  	[sflag:s8] =	ssyncset.done @!p6 $0x0  }
0xbe: {  	s9 =	simm.s32 @!p6 $0x300;
	[sflag:s8] =	ssyncadd.s32 @!p6 $0xFFFFC000;
	s8 =	simm.s32 @!p1 $0x2  }
0xbf: {  	[spmem:s1] =	stream.indirect.scatter.add.f32 @!p6 [tilespmem:s3], [sflag:$0x4], $0x80, s9, s0, $0xb8;
	[tilespmem:$0x1FE80] =	vst v63  }
0xc0: {  	_ =	swait.ge @!p1 [sflag:s8], $0x4000  }
0xc1: {  	[sflag:s8] =	ssyncset.done @!p1 $0x0  }
0xc2: {  	s0 =	simm.s32 @!p1 $0x380;
	s3 =	simm.s32 @!p2 $0x3;
	[sflag:s8] =	ssyncadd.s32 @!p1 $0xFFFFC000  }
0xc3: {  	[spmem:s1] =	stream.indirect.scatter.add.f32 @!p1 [tilespmem:s30], [sflag:$0x5], $0x80, s0, s20, $0xb8;
	[tilespmem:$0x1FE80] =	vst v63  }
0xc4: {  	_ =	swait.ge @!p2 [sflag:s3], $0x4000  }
0xc5: {  	[sflag:s3] =	ssyncset.done @!p2 $0x0  }
0xc6: {  	s8 =	simm.s32 @!p6 $0x4;
	s0 =	simm.s32 @!p2 $0x400;
	[sflag:s3] =	ssyncadd.s32 @!p2 $0xFFFFC000  }
0xc7: {  	[spmem:s1] =	stream.indirect.scatter.add.f32 @!p2 [tilespmem:s31], [sflag:$0x6], $0x80, s0, s7, $0xb8;
	[tilespmem:$0x1FE80] =	vst v63  }
0xc8: {  	_ =	swait.ge @!p6 [sflag:s8], $0x4000  }
0xc9: {  	s20 =	simm.s32 @!p5 $0x80;
	[sflag:s8] =	ssyncset.done @!p6 $0x0  }
0xca: {  	s3 =	simm.s32 @!p5 $0x600;
	s0 =	simm.s32 @!p1 $0x5;
	[sflag:s8] =	ssyncadd.s32 @!p6 $0xFFFFC000  }
0xcb: {  	[tilespmem:s3], [sflag:$0x1] =	stream.indirect.gather @!p5 [hbm4b:s4+s20], $0x80, s6, s20, $0xb8;
	[tilespmem:$0x1FE80] =	vst v63  }
0xcc: {  	_ =	swait.ge @!p1 [sflag:s0], $0x4000  }
0xcd: {  	[sflag:s0] =	ssyncset.done @!p1 $0x0;
	s11 =	rddreg [dreg:$0x7]  }
0xce: {  	[sflag:s0] =	ssyncadd.s32 @!p1 $0xFFFFC000;
	p1 =	sge.u32 s24, s11;
	s0 =	simm.s32 @!p2 $0x6  }
0xcf: {  	s6 =	simm.s32 @!p1 $0x80;
	s8 =	simm.s32 @!p1 $0x200;
	s7 =	simm.s32 @!p1 $0x4600  }
0xd0: {  	[tilespmem:s7], [sflag:$0x2] =	stream.indirect.gather @!p1 [hbm4b:s4+s6], $0x80, s8, s6, $0xb8;
	[tilespmem:$0x1FE80] =	vst v63  }
0xd1: {  	s24 =	sadd.s32 $0x6, s24;
	_ =	swait.ge @!p2 [sflag:s0], $0x4000  }
0xd2: {  	p6 =	sge.u32 s24, s5;
	s12 =	rddreg [dreg:$0x8];
	[sflag:s0] =	ssyncset.done @!p2 $0x0  }
0xd3: {  	s9 =	rddreg [dreg:$0x9];
	[sflag:s0] =	ssyncadd.s32 @!p2 $0xFFFFC000;
	p2 =	sge.u32 s25, s12  }
0xd4: {  	s30 =	simm.s32 @!p2 $0x80;
	s0 =	simm.s32 @!p2 $0x280;
	s31 =	simm.s32 @!p2 $0x8600  }
0xd5: {  	[tilespmem:s31], [sflag:$0x3] =	stream.indirect.gather @!p2 [hbm4b:s4+s30], $0x80, s0, s30, $0xb8;
	[tilespmem:$0x1FE80] =	vst v63  }
0xd6: {  	s8 =	simm.s32 @!p6 $0x0;
	s11 =	simm.s32 @!p6 $0x7;
	s0 =	sadd.s32 @!p6 s23, s9  }
0xd7: {  	[tilespmem:s8], [sflag:$0x7] =	stream.linear.gather @!p6 [hbm4b:s0+s8], $0x180, $0x38;
	[tilespmem:$0x1FE80] =	vst v63  }
0xd8: {  	_ =	swait.ge @!p6 [sflag:s11], $0x180  }
0xd9: {  	s12 =	rddreg [dreg:$0xa];
	[sflag:s11] =	ssyncset.done @!p6 $0x0  }
0xda: {  	s0 =	simm.s32 @!p6 $0x300;
	[sflag:s11] =	ssyncadd.s32 @!p6 $0xFFFFFE80;
	s12 =	sadd.s32 @!p6 s23, s12  }
0xdb: {  	[tilespmem:s0], [sflag:$0x7] =	stream.linear.gather @!p6 [hbm4b:s12+s8], $0x180, $0x38;
	[tilespmem:$0x1FE80] =	vst v63  }
0xdc: {  	_ =	swait.ge @!p6 [sflag:s11], $0x180  }
0xdd: {  	[sflag:s11] =	ssyncset.done @!p6 $0x0  }
0xde: {  	s12 =	simm.s32 @!p5 $0x1;
	[sflag:s11] =	ssyncadd.s32 @!p6 $0xFFFFFE80  }
0xdf: {  	p0 =	seq.s32 s26, $0x0;
	_ =	swait.ge @!p5 [sflag:s12], $0x4000  }
0xe0: {  	s28 =	smov.u32 s26;
	s26 =	sadd.s32 $0x60, s26;
	[sflag:s12] =	ssyncset.done @!p5 $0x0  }
0xe1: {  	p4 =	sne.s32 s26, $0x540;
	s11 =	simm.s32 @!p1 $0x2;
	[sflag:s12] =	ssyncadd.s32 @!p5 $0xFFFFC000  }
0xe2: {  	[spmem:s1] =	stream.indirect.scatter.add.f32 @!p5 [tilespmem:s3], [sflag:$0x4], $0x80, s29, s20, $0xb8;
	[tilespmem:$0x1FE80] =	vst v63  }
.Ltmp1:
0xe3: {  	_ =	swait.ge @!p1 [sflag:s11], $0x4000;
	(pc) =	sbr.rel @p4 .LBB2_4-.Ltmp1, $4  }
0xe4: {  	p3 =	por p0, p0;
	s25 =	smov.u32 s24;
	[sflag:s11] =	ssyncset.done @!p1 $0x0  }
0xe5: {  	s12 =	simm.s32 @!p1 $0x500;
	s3 =	simm.s32 @!p2 $0x3;
	[sflag:s11] =	ssyncadd.s32 @!p1 $0xFFFFC000  }
0xe6: {  	[spmem:s1] =	stream.indirect.scatter.add.f32 @!p1 [tilespmem:s7], [sflag:$0x5], $0x80, s12, s6, $0xb8;
	[tilespmem:$0x1FE80] =	vst v63  }
0xe7: {  	s9 =	simm.s32 @!p2 $0x580;
	s23 =	smov.u32 s28;
	_ =	swait.ge @!p2 [sflag:s3], $0x4000  }
0xe8: {  	[sflag:s3] =	ssyncset.done @!p2 $0x0  }
0xe9: {  	s6 =	simm.s32 @!p3 $0x4;
	[sflag:s3] =	ssyncadd.s32 @!p2 $0xFFFFC000  }
0xea: {  	[spmem:s1] =	stream.indirect.scatter.add.f32 @!p2 [tilespmem:s31], [sflag:$0x6], $0x80, s9, s30, $0xb8;
	[tilespmem:$0x1FE80] =	vst v63  }
0xeb: {  	_ =	swait.ge @!p3 [sflag:s6], $0x4000  }
0xec: {  	s7 =	simm.s32 @!p6 $0x80;
	[sflag:s6] =	ssyncset.done @!p3 $0x0  }
0xed: {  	s3 =	simm.s32 @!p3 $0x5;
	[sflag:s6] =	ssyncadd.s32 @!p3 $0xFFFFC000;
	s6 =	simm.s32 @!p6 $0x600  }
0xee: {  	[tilespmem:s6], [sflag:$0x1] =	stream.indirect.gather @!p6 [hbm4b:s4+s7], $0x80, s8, s7, $0xb8;
	[tilespmem:$0x1FE80] =	vst v63  }
0xef: {  	_ =	swait.ge @!p3 [sflag:s3], $0x4000  }
0xf0: {  	s12 =	rddreg [dreg:$0x3];
	[sflag:s3] =	ssyncset.done @!p3 $0x0  }
0xf1: {  	[sflag:s3] =	ssyncadd.s32 @!p3 $0xFFFFC000;
	p2 =	sge.u32 s24, s12;
	s3 =	simm.s32 @!p3 $0x6  }
0xf2: {  	s12 =	sadd.s32 $0x3, s24;
	s8 =	simm.s32 @!p2 $0x80;
	s9 =	simm.s32 @!p2 $0x4600  }
0xf3: {  	[tilespmem:s9], [sflag:$0x2] =	stream.indirect.gather @!p2 [hbm4b:s4+s8], $0x80, s8, s8, $0xb8;
	[tilespmem:$0x1FE80] =	vst v63  }
0xf4: {  	p1 =	sge.u32 s12, s5;
	_ =	swait.ge @!p3 [sflag:s3], $0x4000  }
0xf5: {  	s28 =	simm.s32 @!p1 $0x0;
	s11 =	rddreg [dreg:$0x4];
	[sflag:s3] =	ssyncset.done @!p3 $0x0  }
0xf6: {  	p0 =	sge.u32 s24, s11;
	s11 =	rddreg [dreg:$0x5];
	[sflag:s3] =	ssyncadd.s32 @!p3 $0xFFFFC000  }
0xf7: {  	s12 =	simm.s32 @!p0 $0x80;
	s20 =	simm.s32 @!p0 $0x100;
	s26 =	simm.s32 @!p0 $0x8600  }
0xf8: {  	[tilespmem:s26], [sflag:$0x3] =	stream.indirect.gather @!p0 [hbm4b:s4+s12], $0x80, s20, s12, $0xb8;
	[tilespmem:$0x1FE80] =	vst v63  }
0xf9: {  	s3 =	sadd.s32 @!p1 s23, s11;
	s11 =	simm.s32 @!p1 $0x7;
	s20 =	simm.s32 @!p1 $0x180  }
0xfa: {  	[tilespmem:s20], [sflag:$0x7] =	stream.linear.gather @!p1 [hbm4b:s3+s28], $0x180, $0x38;
	[tilespmem:$0x1FE80] =	vst v63  }
0xfb: {  	_ =	swait.ge @!p1 [sflag:s11], $0x180  }
0xfc: {  	s29 =	rddreg [dreg:$0x6];
	[sflag:s11] =	ssyncset.done @!p1 $0x0  }
0xfd: {  	s3 =	simm.s32 @!p1 $0x480;
	[sflag:s11] =	ssyncadd.s32 @!p1 $0xFFFFFE80;
	s29 =	sadd.s32 @!p1 s23, s29  }
0xfe: {  	[tilespmem:s3], [sflag:$0x7] =	stream.linear.gather @!p1 [hbm4b:s29+s28], $0x180, $0x38;
	[tilespmem:$0x1FE80] =	vst v63  }
0xff: {  	_ =	swait.ge @!p1 [sflag:s11], $0x180  }
0x100: {  	[sflag:s11] =	ssyncset.done @!p1 $0x0  }
0x101: {  	s28 =	simm.s32 @!p6 $0x1;
	[sflag:s11] =	ssyncadd.s32 @!p1 $0xFFFFFE80  }
0x102: {  	_ =	swait.ge @!p6 [sflag:s28], $0x4000  }
0x103: {  	[sflag:s28] =	ssyncset.done @!p6 $0x0  }
0x104: {  	s11 =	simm.s32 @!p2 $0x2;
	[sflag:s28] =	ssyncadd.s32 @!p6 $0xFFFFC000  }
0x105: {  	[spmem:s1] =	stream.indirect.scatter.add.f32 @!p6 [tilespmem:s6], [sflag:$0x4], $0x80, s0, s7, $0xb8;
	[tilespmem:$0x1FE80] =	vst v63  }
0x106: {  	_ =	swait.ge @!p2 [sflag:s11], $0x4000  }
0x107: {  	[sflag:s11] =	ssyncset.done @!p2 $0x0  }
0x108: {  	s0 =	simm.s32 @!p2 $0x380;
	s6 =	simm.s32 @!p0 $0x3;
	[sflag:s11] =	ssyncadd.s32 @!p2 $0xFFFFC000  }
0x109: {  	[spmem:s1] =	stream.indirect.scatter.add.f32 @!p2 [tilespmem:s9], [sflag:$0x5], $0x80, s0, s8, $0xb8;
	[tilespmem:$0x1FE80] =	vst v63  }
0x10a: {  	_ =	swait.ge @!p0 [sflag:s6], $0x4000  }
0x10b: {  	[sflag:s6] =	ssyncset.done @!p0 $0x0  }
0x10c: {  	s0 =	simm.s32 @!p0 $0x400;
	[sflag:s6] =	ssyncadd.s32 @!p0 $0xFFFFC000;
	s6 =	simm.s32 @!p6 $0x4  }
0x10d: {  	[spmem:s1] =	stream.indirect.scatter.add.f32 @!p0 [tilespmem:s26], [sflag:$0x6], $0x80, s0, s12, $0xb8;
	[tilespmem:$0x1FE80] =	vst v63  }
0x10e: {  	_ =	swait.ge @!p6 [sflag:s6], $0x4000  }
0x10f: {  	s7 =	simm.s32 @!p1 $0x600;
	[sflag:s6] =	ssyncset.done @!p6 $0x0  }
0x110: {  	s0 =	simm.s32 @!p1 $0x80;
	[sflag:s6] =	ssyncadd.s32 @!p6 $0xFFFFC000;
	s6 =	simm.s32 @!p2 $0x5  }
0x111: {  	[tilespmem:s7], [sflag:$0x1] =	stream.indirect.gather @!p1 [hbm4b:s4+s0], $0x80, s20, s0, $0xb8;
	[tilespmem:$0x1FE80] =	vst v63  }
0x112: {  	_ =	swait.ge @!p2 [sflag:s6], $0x4000  }
0x113: {  	s20 =	rddreg [dreg:$0x7];
	[sflag:s6] =	ssyncset.done @!p2 $0x0  }
0x114: {  	[sflag:s6] =	ssyncadd.s32 @!p2 $0xFFFFC000;
	p2 =	sge.u32 s24, s20;
	s6 =	simm.s32 @!p0 $0x6  }
0x115: {  	s8 =	simm.s32 @!p2 $0x80;
	s9 =	simm.s32 @!p2 $0x200;
	s11 =	simm.s32 @!p2 $0x4600  }
0x116: {  	[tilespmem:s11], [sflag:$0x2] =	stream.indirect.gather @!p2 [hbm4b:s4+s8], $0x80, s9, s8, $0xb8;
	[tilespmem:$0x1FE80] =	vst v63  }
0x117: {  	s28 =	sadd.s32 $0x6, s24;
	_ =	swait.ge @!p0 [sflag:s6], $0x4000  }
0x118: {  	p3 =	sge.u32 s28, s5;
	s26 =	rddreg [dreg:$0x8];
	[sflag:s6] =	ssyncset.done @!p0 $0x0  }
0x119: {  	s12 =	rddreg [dreg:$0x9];
	[sflag:s6] =	ssyncadd.s32 @!p0 $0xFFFFC000;
	p0 =	sge.u32 s25, s26  }
0x11a: {  	s6 =	simm.s32 @!p0 $0x80;
	s9 =	simm.s32 @!p0 $0x280;
	s20 =	simm.s32 @!p0 $0x8600  }
0x11b: {  	[tilespmem:s20], [sflag:$0x3] =	stream.indirect.gather @!p0 [hbm4b:s4+s6], $0x80, s9, s6, $0xb8;
	[tilespmem:$0x1FE80] =	vst v63  }
0x11c: {  	s24 =	simm.s32 @!p3 $0x7;
	s12 =	sadd.s32 @!p3 s23, s12;
	s9 =	simm.s32 @!p3 $0x0  }
0x11d: {  	[tilespmem:s9], [sflag:$0x7] =	stream.linear.gather @!p3 [hbm4b:s12+s9], $0x180, $0x38;
	[tilespmem:$0x1FE80] =	vst v63  }
0x11e: {  	_ =	swait.ge @!p3 [sflag:s24], $0x180  }
0x11f: {  	s12 =	rddreg [dreg:$0xa];
	[sflag:s24] =	ssyncset.done @!p3 $0x0  }
0x120: {  	s25 =	simm.s32 @!p3 $0x300;
	[sflag:s24] =	ssyncadd.s32 @!p3 $0xFFFFFE80;
	s12 =	sadd.s32 @!p3 s23, s12  }
0x121: {  	[tilespmem:s25], [sflag:$0x7] =	stream.linear.gather @!p3 [hbm4b:s12+s9], $0x180, $0x38;
	[tilespmem:$0x1FE80] =	vst v63  }
0x122: {  	_ =	swait.ge @!p3 [sflag:s24], $0x180  }
0x123: {  	[sflag:s24] =	ssyncset.done @!p3 $0x0  }
0x124: {  	s9 =	simm.s32 @!p1 $0x1;
	[sflag:s24] =	ssyncadd.s32 @!p3 $0xFFFFFE80  }
0x125: {  	_ =	swait.ge @!p1 [sflag:s9], $0x4000  }
0x126: {  	[sflag:s9] =	ssyncset.done @!p1 $0x0  }
0x127: {  	[sflag:s9] =	ssyncadd.s32 @!p1 $0xFFFFC000;
	s9 =	simm.s32 @!p2 $0x2  }
0x128: {  	[spmem:s1] =	stream.indirect.scatter.add.f32 @!p1 [tilespmem:s7], [sflag:$0x4], $0x80, s3, s0, $0xb8;
	[tilespmem:$0x1FE80] =	vst v63  }
0x129: {  	_ =	swait.ge @!p2 [sflag:s9], $0x4000  }
0x12a: {  	[sflag:s9] =	ssyncset.done @!p2 $0x0  }
0x12b: {  	s0 =	simm.s32 @!p2 $0x500;
	s3 =	simm.s32 @!p0 $0x3;
	[sflag:s9] =	ssyncadd.s32 @!p2 $0xFFFFC000  }
0x12c: {  	[spmem:s1] =	stream.indirect.scatter.add.f32 @!p2 [tilespmem:s11], [sflag:$0x5], $0x80, s0, s8, $0xb8;
	[tilespmem:$0x1FE80] =	vst v63  }
0x12d: {  	_ =	swait.ge @!p0 [sflag:s3], $0x4000  }
0x12e: {  	[sflag:s3] =	ssyncset.done @!p0 $0x0  }
0x12f: {  	s29 =	stileid.u32;
	s0 =	simm.s32 @!p0 $0x580;
	[sflag:s3] =	ssyncadd.s32 @!p0 $0xFFFFC000  }
0x130: {  	[spmem:s1] =	stream.indirect.scatter.add.f32 @!p0 [tilespmem:s20], [sflag:$0x6], $0x80, s0, s6, $0xb8;
	[tilespmem:$0x1FE80] =	vst v63  }
0x131: {  	s0 =	sshll.u32 s29, $0x6  }
0x132: {  	[bflag:$0x0] =	sbarrier.arrive $0xFFFF;
	s0 =	sor.u32 $0x1C07, s0  }
0x133: {  	[hbm:s15], [sflag:s0] =	dma.local [spmem:s21], $0x1900  }
0x134: {  	_ =	swait.ge [sflag:s19], $0x1900  }
0x135: {  	s30 =	sld [smem:$0x7FD];
	_ =	sdelay $0x1  }
0x136: {  	[sflag:s19] =	ssyncset.done $0x0  }
0x137: {  	[sflag:s19] =	ssyncadd.s32 $0xFFFFE700;
	p1 =	seq.s32 s30, $0x1  }
0x138: {  	[hbm:s16], [sflag:s0] =	dma.local @!p1 [spmem:s22], $0x1900  }
0x139: {  	s0 =	simm.s32 @!p1 $0x7  }
0x13a: {  	_ =	swait.ge @!p1 [sflag:s0], $0x1900  }
0x13b: {  	s2 =	sadd.s32 $0x1, s2;
	s31 =	rddreg [dreg:$0xe]  }
0x13c: {  	p0 =	sne.s32 s2, s31  }
.Ltmp2:
0x13d: {  	_ = 	snop;
	(pc) =	sbr.rel @p0 .LBB2_1-.Ltmp2, $3  }
0x13e: {  	_ =	sdelay $0x1  }
0x13f: {  	[sflag:s0] =	ssyncset.done @!p1 $0x0  }
0x140: {  	[sflag:s0] =	ssyncadd.s32 @!p1 $0xFFFFE700  }
0x141: {  	_ =	sfence.sel $0x180000  }
0x142: {  	[bflag:$0x0] =	sbarrier.arrive $0xFFFF  }
0x143: {  	_ =	strace $0x9000004A  }
0x144: {  	s0 =	stileid.u32;
	[bflag:$0x2] =	sbarrier.arrive $0xFFFF  }
0x145: {  	p0 =	sne.s32 s0, $0x0;
	s0 =	rddreg [dreg:$0x2]  }
0x146: {  	s0 =	sadd.s32 @!p0 $0x100000, s0  }
0x147: {  	[sflag:s0] =	ssyncadd.tile.s32 @!p0 $0x1;
	_ =	shalt  }
.Lfunc_end2:
_tile_overlayer_lowered:
.L_overlay_start_2:
0x148: {  	(tag) =	ssettag $0x2  }
0x149: {  	s0 =	rddreg [dreg:$0x0];
	s2 =	stileid.u32  }
0x14a: {  	s1 =	rddreg [dreg:$0x1];
	p0 =	sne.s32 s2, $0x0  }
0x14b: {  	s3 =	rddreg [dreg:$0x2];
	[bflag:$0x3] =	sbarrier.arrive $0xFFFF;
	s2 =	simm.s32 @!p0 $0x1C07  }
0x14c: {  	[timem:s3], [sflag:s2] =	dma.local @!p0 [hbm:s0], s1  }
0x14d: {  	s0 =	simm.s32 @!p0 $0x7  }
0x14e: {  	_ =	swait.ge @!p0 [sflag:s0], s1  }
0x14f: {  	s1 =	ssub.s32 @!p0 $0x0, s1;
	[sflag:s0] =	ssyncset.done @!p0 $0x0  }
0x150: {  	[sflag:s0] =	ssyncadd.s32 @!p0 s1  }
0x151: {  	[bflag:$0x3] =	sbarrier.arrive $0xFFFF  }
0x152: {  	_ =	shalt  }

// kernel: kernel.17.cloned.1.call-start
scs
__scs_entry_jumppad:
0x0: {  	(pc) =	sbr.rel $0x88, $3  }
0x1: {  	(tag) =	ssettag $0x0;
	lr =	simm.s32 $0x1  }
0x2: {  	[smem:$0x3F97] =	sst lr;
	_ =	strace $0xD0000000  }
0x3: {  	_ = 	snop  }
0x4: {  	_ = 	snop  }
0x5: {  	_ = 	snop  }
0x6: {  	_ = 	snop  }
0x7: {  	_ = 	snop  }
__scs_overlays_trampoline_lowered:
0x8: {  	[smem:$0x3FA6] =	sst s0  }
0x9: {  	[smem:$0x3FA7] =	sst s1  }
0xa: {  	[smem:$0x3FA8] =	sst s2  }
0xb: {  	[smem:$0x3FA9] =	sst s3  }
0xc: {  	[smem:$0x3FAA] =	sst s4  }
0xd: {  	[smem:$0x3FAB] =	sst s5  }
0xe: {  	[smem:$0x3FAC] =	sst s6  }
0xf: {  	[smem:$0x3FAD] =	sst s7  }
0x10: {  	[smem:$0x3FAE] =	sst s8  }
0x11: {  	[smem:$0x3FAF] =	sst s9;
	s0 =	simm.s32 @!p0 $0x0  }
0x12: {  	s1 =	sld [smem:$0x3F95];
	s0 =	simm.s32 @p0 $0x1  }
0x13: {  	[smem:$0x3FB0] =	sst s0;
	s0 =	simm.s32 @!p1 $0x0  }
0x14: {  	s2 =	sld [smem:$0x3F94];
	s0 =	simm.s32 @p1 $0x1  }
0x15: {  	[smem:$0x3FB1] =	sst s0;
	s0 =	simm.s32 @!p2 $0x0  }
0x16: {  	s3 =	sld [smem:$0x3FDB];
	s0 =	simm.s32 @p2 $0x1  }
0x17: {  	s4 =	simm.s32 $0x1BF5;
	[smem:$0x3FB3] =	sst s0  }
0x18: {  	s0 =	sld [smem:$0x3F96];
	_ =	swait.ge [sflag:s4], $0x0  }
0x19: {  	s7 =	sld [smem:$0x3F97]  }
0x1a: {  	s8 =	sadd.s32 $0xFFFFE003, lr  }
0x1b: {  	s9 =	sadd.s32 $0xFFFFFEF7, lr;
	s5 =	simm.s32 $0xFFFFFFFF;
	p2 =	slt.u32 s8, $0xFFFFF086  }
0x1c: {  	p1 =	slt.u32 s9, $0xF7A;
	s5 =	simm.s32 @!p2 $0x0  }
0x1d: {  	s5 =	simm.s32 @p1 $0x1;
	p0 =	seq.s32 s7, s2  }
0x1e: {  	s7 =	smul.u32 @!p0 $0xF7A, s2;
	p2 =	seq.s32 @!p0 s5, $0x0  }
0x1f: {  	s9 =	smul.u32 $0xF7A, s1;
	s8 =	simm.s32 @!p0 $0x1BF5;
	p2 =	por !p2, p0  }
0x20: {  	[sflag:s8] =	ssyncset.s32 @!p0 $0xFFFFF086;
	s6 =	sadd.s32 @!p0 s3, s7;
	s7 =	simm.s32 @!p0 $0x108  }
0x21: {  	s3 =	sadd.s32 s3, s9;
	s6 =	sadd.s32 @!p0 $0x88, s6;
	s7 =	simm.s32 @p2 $0x1082  }
0x22: {  	[simem:s7], [sflag:s8] =	dma.local @!p0 [hbm:s6], $0xF7A  }
0x23: {  	s9 =	sor.u32 $0xD0000000, s2;
	s6 =	simm.s32 $0x108;
	_ =	swait.ge @!p0 [sflag:s8], $0x0  }
0x24: {  	s3 =	sadd.s32 $0x88, s3;
	s6 =	simm.s32 @!p1 $0x1082;
	[sflag:s4] =	ssyncset.s32 $0xFFFFF086  }
0x25: {  	[simem:s6], [sflag:s4] =	dma.local [hbm:s3], $0xF7A  }
0x26: {  	[smem:$0x3F97] =	sst s1;
	(tag) =	ssettag s2;
	_ =	strace s9  }
0x27: {  	s1 =	sld [smem:$0x3FA7]  }
0x28: {  	s2 =	sld [smem:$0x3FA8]  }
0x29: {  	s4 =	sld [smem:$0x3FAA]  }
0x2a: {  	p0 =	seq.s32 s5, $0x0;
	s5 =	sld [smem:$0x3FAB]  }
0x2b: {  	s6 =	sld [smem:$0x3FAC]  }
0x2c: {  	s7 =	sld [smem:$0x3FAD]  }
0x2d: {  	s3 =	simm.s32 $0x108;
	s8 =	sld [smem:$0x3FAE]  }
0x2e: {  	s3 =	simm.s32 @!p0 $0x1082;
	s9 =	sld [smem:$0x3FAF]  }
0x2f: {  	lr =	sadd.s32 s0, s3;
	s0 =	sld [smem:$0x3FA6]  }
0x30: {  	s3 =	sld [smem:$0x3FA9]  }
0x31: {  	[smem:$0x3FB2] =	sst s10  }
0x32: {  	s10 =	sld [smem:$0x3FB0];
	_ =	sdelay $0x3  }
0x33: {  	p0 =	seq.s32 s10, $0x1;
	s10 =	sld [smem:$0x3FB2];
	_ =	sdelay $0x3  }
0x34: {  	[smem:$0x3FB2] =	sst s10  }
0x35: {  	s10 =	sld [smem:$0x3FB1];
	_ =	sdelay $0x3  }
0x36: {  	p1 =	seq.s32 s10, $0x1;
	s10 =	sld [smem:$0x3FB2];
	_ =	sdelay $0x3  }
0x37: {  	[smem:$0x3FB2] =	sst s10  }
0x38: {  	s10 =	sld [smem:$0x3FB3]  }
0x39: {  	_ = 	snop;
	(pc) =	sbr.ind lr, $3  }
0x3a: {  	_ = 	snop  }
0x3b: {  	_ = 	snop  }
0x3c: {  	p2 =	seq.s32 s10, $0x1;
	s10 =	sld [smem:$0x3FB2]  }
0x3d: {  	_ =	shalt  }
0x3e: {  	_ =	shalt  }
0x3f: {  	_ =	shalt  }
0x40: {  	_ =	shalt  }
0x41: {  	_ =	shalt  }
0x42: {  	_ =	shalt  }
0x43: {  	_ =	shalt  }
0x44: {  	_ =	shalt  }
0x45: {  	_ =	shalt  }
0x46: {  	_ =	shalt  }
0x47: {  	_ =	shalt  }
0x48: {  	_ =	shalt  }
0x49: {  	_ =	shalt  }
0x4a: {  	_ =	shalt  }
0x4b: {  	_ =	shalt  }
0x4c: {  	_ =	shalt  }
0x4d: {  	_ =	shalt  }
0x4e: {  	_ =	shalt  }
0x4f: {  	_ =	shalt  }
0x50: {  	_ =	shalt  }
0x51: {  	_ =	shalt  }
0x52: {  	_ =	shalt  }
0x53: {  	_ =	shalt  }
0x54: {  	_ =	shalt  }
0x55: {  	_ =	shalt  }
0x56: {  	_ =	shalt  }
0x57: {  	_ =	shalt  }
0x58: {  	_ =	shalt  }
0x59: {  	_ =	shalt  }
0x5a: {  	_ =	shalt  }
0x5b: {  	_ =	shalt  }
0x5c: {  	_ =	shalt  }
0x5d: {  	_ =	shalt  }
0x5e: {  	_ =	shalt  }
0x5f: {  	_ =	shalt  }
0x60: {  	_ =	shalt  }
0x61: {  	_ =	shalt  }
0x62: {  	_ =	shalt  }
0x63: {  	_ =	shalt  }
0x64: {  	_ =	shalt  }
0x65: {  	_ =	shalt  }
0x66: {  	_ =	shalt  }
0x67: {  	_ =	shalt  }
0x68: {  	_ =	shalt  }
0x69: {  	_ =	shalt  }
0x6a: {  	_ =	shalt  }
0x6b: {  	_ =	shalt  }
0x6c: {  	_ =	shalt  }
0x6d: {  	_ =	shalt  }
0x6e: {  	_ =	shalt  }
0x6f: {  	_ =	shalt  }
0x70: {  	_ =	shalt  }
0x71: {  	_ =	shalt  }
0x72: {  	_ =	shalt  }
0x73: {  	_ =	shalt  }
0x74: {  	_ =	shalt  }
0x75: {  	_ =	shalt  }
0x76: {  	_ =	shalt  }
0x77: {  	_ =	shalt  }
0x78: {  	_ =	shalt  }
0x79: {  	_ =	shalt  }
0x7a: {  	_ =	shalt  }
0x7b: {  	_ =	shalt  }
0x7c: {  	_ =	shalt  }
0x7d: {  	_ =	shalt  }
0x7e: {  	_ =	shalt  }
0x7f: {  	_ =	shalt  }
0x80: {  	_ =	shalt  }
0x81: {  	_ =	shalt  }
0x82: {  	_ =	shalt  }
0x83: {  	_ =	shalt  }
0x84: {  	_ =	shalt  }
0x85: {  	_ =	shalt  }
0x86: {  	_ =	shalt  }
0x87: {  	_ =	shalt  }
.Lfunc_end0:
.L_simem_size_0:
called_computation.2_lowered:
.L_overlay_start_0:
0x88: {  	s2 =	sld [smem:$0x3FD9]  }
0x89: {  	s3 =	sld [smem:$0x3FFE];
	_ =	sdelay $0x1  }
0x8a: {  	s1 =	srdreg.scid  }
0x8b: {  	s0 =	sand.u32 $0x1, s1  }
0x8c: {  	s16 =	sshll.u32 s0, $0xA;
	s2 =	sadd.s32 s3, s2  }
0x8d: {  	s2 =	sadd.s32 s2, s16  }
0x8e: {  	[smem:$0x3FBE] =	sst s2  }
0x8f: {  	_ = 	snop  }
0x90: {  	(tm) =	ssettm $0x1  }
0x91: {  	s17 =	sld [smem:$0x3FFB];
	_ =	sdelay $0x3  }
0x92: {  	_ =	strace s17  }
0x93: {  	s2 =	sld [smem:$0x3FFC];
	_ =	sdelay $0x3  }
0x94: {  	_ =	strace s2  }
0x95: {  	s2 =	sld [smem:$0x3FFD];
	_ =	sdelay $0x3  }
0x96: {  	_ =	strace s2  }
0x97: {  	_ =	strace $0x8FFFFFFF  }
0x98: {  	s18 =	sld [smem:$0x3FDB];
	_ =	sdelay $0x1  }
0x99: {  	s19 =	simm.s32 $_scs_section_size  }
0x9a: {  	s4 =	simm.s32 $_size__tile_overlayer_lowered;
	s5 =	simm.s32 $_tile_overlayer_lowered  }
0x9b: {  	s22 =	simm.s32 $0x1BFF;
	s21 =	sshll.u32 s5, $0x1;
	s2 =	sadd.s32 s19, s18  }
0x9c: {  	s6 =	simm.s32 $0x0;
	s20 =	sshll.u32 s4, $0x1;
	s4 =	sadd.s32 s21, s2  }
0x9d: {  	[timem:s6], [sflag:s22] =	dma.local [hbm:s4], s20  }
0x9e: {  	_ =	swait.ge [sflag:s22], s20  }
0x9f: {  	s3 =	ssub.s32 $0x0, s20;
	[sflag:s22] =	ssyncset.done $0x0  }
0xa0: {  	[sflag:s22] =	ssyncadd.s32 s3;
	_ =	sdelay $0x1  }
0xa1: {  	s23 =	simm.s32 $0x1B8B  }
0xa2: {  	_ =	swait.ge [sflag:s23], $0x1  }
0xa3: {  	[sflag:s23] =	ssyncset.done $0x0  }
0xa4: {  	s25 =	simm.s32 $0x1B8E;
	s24 =	sld [smem:$0x3FFE];
	[sflag:s23] =	ssyncadd.s32 $0xFFFFFFFF  }
0xa5: {  	s26 =	simm.s32 $execute0_lowered;
	[smem:$0x3FD2] =	sst s25  }
0xa6: {  	s4 =	sshll.u32 s26, $0x1;
	_ =	strace $0x8000004C;
	[dreg:$0x1] =	wrdreg $0xFFFFFFFF  }
0xa7: {  	s28 =	simm.s32 $_size_execute0_lowered;
	s2 =	sadd.s32 s2, s4;
	[dreg:$0x0] =	wrdreg $0x0  }
0xa8: {  	s4 =	sshll.u32 s28, $0x1;
	[dreg:$0x2] =	wrdreg s2  }
0xa9: {  	[dreg:$0x3] =	wrdreg s4  }
0xaa: {  	[dreg:$0x4] =	wrdreg $0xC0  }
0xab: {  	_ =	task [dreg:s6], $0x5FFFF  }
0xac: {  	[dreg:$0x1] =	wrdreg $0xFFFFFFFF  }
0xad: {  	[dreg:$0x0] =	wrdreg $0x60  }
0xae: {  	[dreg:$0x2] =	wrdreg s24  }
0xaf: {  	[dreg:$0x3] =	wrdreg $0xC6000  }
0xb0: {  	[dreg:$0x4] =	wrdreg $0x9  }
0xb1: {  	_ =	task.clear_ibuf [dreg:s6], $0x5FFFF;
	_ =	strace $0x9000004C  }
0xb2: {  	s29 =	simm.s32 $0x9;
	_ =	strace $0x8000004E  }
0xb3: {  	_ =	swait.ge [sflag:s29], $0x1  }
0xb4: {  	[sflag:s29] =	ssyncadd.s32 $0xFFFFFFFF  }
0xb5: {  	_ =	strace $0x9000004E  }
0xb6: {  	_ =	sfence  }
0xb7: {  	s30 =	sld [smem:$0x0];
	_ =	sdelay $0x2  }
0xb8: {  	s31 =	sshll.u32 s1, $0xD;
	s1 =	sshrl.u32 s1, $0x2  }
0xb9: {  	s3 =	sand.u32 $0x4000, s31;
	s1 =	sadd.s32 s1, s30  }
0xba: {  	s0 =	sor.u32 s3, s0;
	s1 =	sshll.u32 s1, $0x11  }
0xbb: {  	s0 =	sor.u32 s1, s0  }
0xbc: {  	s0 =	sadd.s32 $0x8F2B, s0  }
0xbd: {  	[sflag:s0] =	ssyncadd.remote.s32 $0x1  }
0xbe: {  	_ =	sfence.sel $0xFFFF  }
0xbf: {  	[dreg:$0x0] =	wrdreg $0xFFFFFFFF;
	(pc) =	sbr.abs _section_cstart, $3  }
0xc0: {  	[dreg:$0x1] =	wrdreg $0xFFFFFFFF  }
0xc1: {  	_ =	task.clear_ibuf [dreg:s6], $0x2FFFF;
	_ =	strace $0x9FFFFFFF  }
0xc2: {  	(tm) =	ssettm $0x7FFFFFFF  }
0xc3: {  	_ =	shalt  }
tec
execute0_lowered:
.L_overlay_start_1:
0x0: {  	(tag) =	ssettag $0x1  }
0x1: {  	s5 =	rddreg [dreg:$0x0]  }
0x2: {  	s1 =	rddreg [dreg:$0x1]  }
0x3: {  	s2 =	simm.s32 $0x0;
	s0 =	srdreg.scid;
	s11 =	stileid.u32  }
0x4: {  	[smem:$0x7FF] =	sst s2;
	s4 =	sadd.s32 $0x18000, s5;
	s3 =	sadd.s32 $0x4400, s5  }
0x5: {  	s6 =	sand.u32 $0x1, s0;
	s0 =	sadd.s32 $0xE200, s5;
	s8 =	sadd.s32 $0x3F200, s5  }
0x6: {  	s23 =	sshll.u32 s11, $0x1;
	p0 =	slt.u32 s11, $0x2;
	s5 =	simm.s32 $0x4F  }
0x7: {  	s12 =	sadd.s32 $0x138000, s1;
	s17 =	sshll.u32 s11, $0xE;
	s20 =	sor.u32 $0x10, s11  }
0x8: {  	s16 =	smul.u32 $0x9C, s11;
	s19 =	sor.u32 $0x40, s11;
	_ =	strace $0x8000004D  }
0x9: {  	s7 =	ssub.s32 $0x2, s6;
	s10 =	sor.u32 s6, s23;
	s31 =	smul.u32 $0x138800, s6  }
0xa: {  	s5 =	simm.s32 @!p0 $0x4E;
	[dreg:$0xb] =	wrdreg s12;
	s6 =	smul.u32 $0x4E, s6  }
0xb: {  	s18 =	sshll.u32 s20, $0xE;
	s14 =	sshll.u32 s19, $0xE;
	s23 =	smul.u32 $0x32000, s11  }
0xc: {  	p1 =	slt.u32 s19, $0x4E;
	s19 =	simm.s32 $0x7;
	s9 =	sshrl.u32 s7, $0x1  }
0xd: {  	s24 =	smul.u32 $0x4E, s10;
	s15 =	smin.u32 s10, $0x4;
	s25 =	sadd.s32 $0xFFFFFFFF, s5  }
0xe: {  	s26 =	sadd.s32 $0xFFFFFFFE, s5;
	s28 =	sadd.s32 $0xFFFFFFFC, s5;
	[dreg:$0x3] =	wrdreg s25  }
0xf: {  	s30 =	sadd.s32 $0xFFFFFFFB, s5;
	s10 =	sadd.s32 s17, s1;
	[dreg:$0x4] =	wrdreg s26  }
0x10: {  	s17 =	smul.u32 $0xC800, s11;
	s14 =	sadd.s32 s14, s1;
	[dreg:$0x7] =	wrdreg s28  }
0x11: {  	p0 =	sne.s32 @!p1 s11, $0xE;
	s7 =	ssub.s32 s7, s9;
	[dreg:$0x8] =	wrdreg s30  }
0x12: {  	s21 =	sadd.s32 $0x80000, s10;
	s13 =	sadd.s32 $0xC0000, s10;
	s6 =	sadd.s32 s6, s16  }
0x13: {  	s25 =	smul.u32 $0xC800, s20;
	p0 =	por p0, p1;
	s9 =	sadd.s32 s15, s24  }
0x14: {  	s7 =	smax.u32 s7, $0x1;
	[dreg:$0x10] =	wrdreg s21;
	s22 =	sadd.s32 s31, s17  }
0x15: {  	s6 =	sadd.s32 s15, s6;
	s17 =	sshrl.u32 s23, $0x2;
	s9 =	sshll.u32 s9, $0x4  }
0x16: {  	[dreg:$0xe] =	wrdreg s7;
	s7 =	sadd.s32 s18, s1;
	s24 =	sshrl.u32 s22, $0x3  }
0x17: {  	s6 =	sshll.u32 s6, $0x4;
	s21 =	sadd.s32 s17, s1;
	s17 =	simm.s32 $0x600  }
0x18: {  	s29 =	sadd.s32 s3, s9;
	s9 =	sadd.s32 s0, s9;
	[dreg:$0xf] =	wrdreg s7  }
0x19: {  	s15 =	sadd.s32 s8, s24;
	s18 =	sadd.s32 s6, s3;
	s28 =	sadd.s32 s6, s0  }
0x1a: {  	s6 =	sadd.s32 $0x30, s6;
	s21 =	sshrl.u32 s21, $0x3;
	[dreg:$0xc] =	wrdreg s29  }
0x1b: {  	[dreg:$0xd] =	wrdreg s9;
	s9 =	sadd.s32 s31, s25;
	s26 =	sadd.s32 $0x60, s18  }
0x1c: {  	s29 =	smul.u32 $0x32000, s20;
	s30 =	sadd.s32 $0x60, s28;
	s0 =	sadd.s32 s6, s0  }
0x1d: {  	s3 =	sadd.s32 s6, s3;
	[dreg:$0x6] =	wrdreg s0;
	s0 =	simm.s32 @!p1 $0x0  }
0x1e: {  	s18 =	simm.s32 $0x8;
	[dreg:$0x9] =	wrdreg s26;
	s0 =	simm.s32 @p1 $0x1  }
0x1f: {  	s9 =	sshrl.u32 s9, $0x3;
	[smem:$0x7FB] =	sst s0;
	s0 =	simm.s32 @!p0 $0x0  }
0x20: {  	[dreg:$0xa] =	wrdreg s30;
	s0 =	simm.s32 @p0 $0x1;
	p0 =	sgt.u32 s20, $0x18  }
0x21: {  	s31 =	sshrl.u32 s29, $0x2;
	[smem:$0x7FC] =	sst s0;
	s0 =	simm.s32 @!p0 $0x0  }
0x22: {  	[dreg:$0x5] =	wrdreg s3;
	s3 =	sadd.s32 s31, s1;
	s0 =	simm.s32 @p0 $0x1  }
0x23: {  	v0 =	vimm.f32 $0.0e+00;
	s16 =	sadd.s32 s8, s9;
	s22 =	sshrl.u32 @!p0 s3, $0x3;
	[smem:$0x7FD] =	sst s0  }
.LBB2_1:
0x24: {  	s0 =	simm.s32 $0x0;
	s3 =	simm.s32 $0x200  }
.LBB2_2:
0x25: {  	p0 =	sne.s32 s3, $0xFE00;
	[tilespmem:s0+$0x670] =	vst v0  }
0x26: {  	[tilespmem:s0+$0x600] =	vst v0  }
0x27: {  	[tilespmem:s0+$0x610] =	vst v0  }
.Ltmp0:
0x28: {  	[tilespmem:s0+$0x620] =	vst v0;
	(pc) =	sbr.rel @p0 .LBB2_2-.Ltmp0, $4  }
0x29: {  	[tilespmem:s0+$0x630] =	vst v0  }
0x2a: {  	[tilespmem:s0+$0x640] =	vst v0  }
0x2b: {  	[tilespmem:s0+$0x650] =	vst v0  }
0x2c: {  	[tilespmem:s0+$0x660] =	vst v0;
	s0 =	sshra.s32 s3, $0x2;
	s3 =	sadd.s32 $0x200, s3  }
0x2d: {  	[tilespmem:s0+$0x670] =	vst v0  }
0x2e: {  	[tilespmem:s0+$0x600] =	vst v0  }
0x2f: {  	[tilespmem:s0+$0x610] =	vst v0  }
0x30: {  	[tilespmem:s0+$0x620] =	vst v0  }
0x31: {  	[tilespmem:s0+$0x630] =	vst v0  }
0x32: {  	[tilespmem:s0+$0x640] =	vst v0  }
0x33: {  	[tilespmem:s0+$0x650] =	vst v0  }
0x34: {  	[tilespmem:s0+$0x660] =	vst v0  }
0x35: {  	[spmem:s10] =	stream.linear.scatter [tilespmem:s17], [sflag:$0x8], $0x4000, $0x38;
	[tilespmem:$0x1FE80] =	vst v63  }
0x36: {  	_ =	swait.ge [sflag:s18], $0x4000  }
0x37: {  	[sflag:s18] =	ssyncset.done $0x0  }
0x38: {  	s9 =	rddreg [dreg:$0xf];
	[sflag:s18] =	ssyncadd.s32 $0xFFFFC000  }
0x39: {  	[spmem:s9] =	stream.linear.scatter [tilespmem:s17], [sflag:$0x8], $0x4000, $0x38;
	[tilespmem:$0x1FE80] =	vst v63  }
0x3a: {  	_ =	swait.ge [sflag:s18], $0x4000  }
0x3b: {  	[sflag:s18] =	ssyncset.done $0x0  }
0x3c: {  	s11 =	rddreg [dreg:$0x10];
	[sflag:s18] =	ssyncadd.s32 $0xFFFFC000  }
0x3d: {  	[spmem:s11] =	stream.linear.scatter [tilespmem:s17], [sflag:$0x8], $0x4000, $0x38;
	[tilespmem:$0x1FE80] =	vst v63  }
0x3e: {  	_ =	swait.ge [sflag:s18], $0x4000  }
0x3f: {  	[sflag:s18] =	ssyncset.done $0x0  }
0x40: {  	[sflag:s18] =	ssyncadd.s32 $0xFFFFC000  }
0x41: {  	[spmem:s13] =	stream.linear.scatter [tilespmem:s17], [sflag:$0x8], $0x4000, $0x38;
	[tilespmem:$0x1FE80] =	vst v63  }
0x42: {  	_ =	swait.ge [sflag:s18], $0x4000  }
0x43: {  	s12 =	sld [smem:$0x7FB];
	_ =	sdelay $0x2  }
0x44: {  	[sflag:s18] =	ssyncset.done $0x0;
	p0 =	seq.s32 s12, $0x1  }
0x45: {  	[sflag:s18] =	ssyncadd.s32 $0xFFFFC000;
	s0 =	simm.s32 @p0 $0x600  }
0x46: {  	[spmem:s14] =	stream.linear.scatter @p0 [tilespmem:s0], [sflag:$0x8], $0x4000, $0x38;
	[tilespmem:$0x1FE80] =	vst v63  }
0x47: {  	s0 =	simm.s32 @p0 $0x8  }
0x48: {  	_ =	swait.ge @p0 [sflag:s0], $0x4000  }
0x49: {  	s20 =	sld [smem:$0x7FC];
	_ =	sdelay $0x1  }
0x4a: {  	[sflag:s0] =	ssyncset.done @p0 $0x0  }
0x4b: {  	[sflag:s0] =	ssyncadd.s32 @p0 $0xFFFFC000;
	p0 =	seq.s32 s20, $0x1  }
0x4c: {  	s3 =	rddreg [dreg:$0xb];
	s0 =	simm.s32 @!p0 $0x600  }
0x4d: {  	[spmem:s3] =	stream.linear.scatter @!p0 [tilespmem:s0], [sflag:$0x7], $0x800, $0x38;
	[tilespmem:$0x1FE80] =	vst v63  }
0x4e: {  	s0 =	simm.s32 @!p0 $0x7  }
0x4f: {  	_ =	swait.ge @!p0 [sflag:s0], $0x800  }
0x50: {  	[sflag:s0] =	ssyncset.done @!p0 $0x0  }
0x51: {  	[sflag:s0] =	ssyncadd.s32 @!p0 $0xFFFFF800  }
0x52: {  	[bflag:$0x0] =	sbarrier.arrive $0xFFFF  }
0x53: {  	s23 =	simm.s32 $0x0;
	s24 =	rddreg [dreg:$0xc]  }
0x54: {  	[tilespmem:s23], [sflag:$0x7] =	stream.linear.gather [hbm4b:s24+s23], $0x180, $0x38;
	[tilespmem:$0x1FE80] =	vst v63  }
0x55: {  	_ =	swait.ge [sflag:s19], $0x180  }
0x56: {  	[sflag:s19] =	ssyncset.done $0x0  }
0x57: {  	s6 =	simm.s32 $0x300;
	s25 =	rddreg [dreg:$0xd];
	[sflag:s19] =	ssyncadd.s32 $0xFFFFFE80  }
0x58: {  	[tilespmem:s6], [sflag:$0x7] =	stream.linear.gather [hbm4b:s25+s23], $0x180, $0x38;
	[tilespmem:$0x1FE80] =	vst v63  }
0x59: {  	p5 =	por $0x1, $0x1;
	_ =	swait.ge [sflag:s19], $0x180  }
0x5a: {  	p1 =	por p5, p5;
	[sflag:s19] =	ssyncset.done $0x0  }
0x5b: {  	s0 =	simm.s32 @!p1 $0x4;
	[sflag:s19] =	ssyncadd.s32 $0xFFFFFE80  }
0x5c: {  	p2 =	sle.u32 s5, $0x0;
	_ =	swait.ge @!p1 [sflag:s0], $0x4000  }
0x5d: {  	s7 =	simm.s32 @!p2 $0x600;
	s3 =	simm.s32 @!p2 $0x80;
	[sflag:s0] =	ssyncset.done @!p1 $0x0  }
0x5e: {  	s6 =	simm.s32 @!p2 $0x0;
	[sflag:s0] =	ssyncadd.s32 @!p1 $0xFFFFC000;
	s0 =	simm.s32 @!p1 $0x5  }
0x5f: {  	[tilespmem:s7], [sflag:$0x1] =	stream.indirect.gather @!p2 [hbm4b:s4+s3], $0x80, s6, s3, $0xb8;
	[tilespmem:$0x1FE80] =	vst v63  }
0x60: {  	_ =	swait.ge @!p1 [sflag:s0], $0x4000  }
0x61: {  	s26 =	rddreg [dreg:$0x3];
	[sflag:s0] =	ssyncset.done @!p1 $0x0  }
0x62: {  	[sflag:s0] =	ssyncadd.s32 @!p1 $0xFFFFC000;
	p3 =	sle.u32 s26, $0x0  }
0x63: {  	s0 =	simm.s32 @!p1 $0x6;
	s6 =	simm.s32 @!p3 $0x80;
	s8 =	simm.s32 @!p3 $0x4600  }
0x64: {  	[tilespmem:s8], [sflag:$0x2] =	stream.indirect.gather @!p3 [hbm4b:s4+s6], $0x80, s6, s6, $0xb8;
	[tilespmem:$0x1FE80] =	vst v63  }
0x65: {  	_ =	swait.ge @!p1 [sflag:s0], $0x4000  }
0x66: {  	s9 =	rddreg [dreg:$0x4];
	[sflag:s0] =	ssyncset.done @!p1 $0x0  }
0x67: {  	p0 =	sle.u32 s9, $0x0;
	[sflag:s0] =	ssyncadd.s32 @!p1 $0xFFFFC000  }
0x68: {  	p1 =	sle.u32 s5, $0x3;
	s0 =	rddreg [dreg:$0x5];
	s9 =	simm.s32 @!p0 $0x80  }
0x69: {  	s20 =	simm.s32 @!p0 $0x100;
	s23 =	simm.s32 @!p0 $0x8600;
	s24 =	simm.s32 @!p1 $0x0  }
0x6a: {  	[tilespmem:s23], [sflag:$0x3] =	stream.indirect.gather @!p0 [hbm4b:s4+s9], $0x80, s20, s9, $0xb8;
	[tilespmem:$0x1FE80] =	vst v63  }
0x6b: {  	s0 =	sadd.s32 @!p1 $0x0, s0;
	s25 =	simm.s32 @!p1 $0x7;
	s20 =	simm.s32 @!p1 $0x180  }
0x6c: {  	[tilespmem:s20], [sflag:$0x7] =	stream.linear.gather @!p1 [hbm4b:s0+s24], $0x180, $0x38;
	[tilespmem:$0x1FE80] =	vst v63  }
0x6d: {  	_ =	swait.ge @!p1 [sflag:s25], $0x180  }
0x6e: {  	s26 =	rddreg [dreg:$0x6];
	[sflag:s25] =	ssyncset.done @!p1 $0x0  }
0x6f: {  	s0 =	simm.s32 @!p1 $0x480;
	[sflag:s25] =	ssyncadd.s32 @!p1 $0xFFFFFE80;
	s26 =	sadd.s32 @!p1 $0x0, s26  }
0x70: {  	[tilespmem:s0], [sflag:$0x7] =	stream.linear.gather @!p1 [hbm4b:s26+s24], $0x180, $0x38;
	[tilespmem:$0x1FE80] =	vst v63  }
0x71: {  	_ =	swait.ge @!p1 [sflag:s25], $0x180  }
0x72: {  	[sflag:s25] =	ssyncset.done @!p1 $0x0  }
0x73: {  	s24 =	simm.s32 @!p2 $0x1;
	[sflag:s25] =	ssyncadd.s32 @!p1 $0xFFFFFE80  }
0x74: {  	_ =	swait.ge @!p2 [sflag:s24], $0x4000  }
0x75: {  	[sflag:s24] =	ssyncset.done @!p2 $0x0  }
0x76: {  	s25 =	simm.s32 @!p2 $0x300;
	[sflag:s24] =	ssyncadd.s32 @!p2 $0xFFFFC000;
	s24 =	simm.s32 @!p3 $0x2  }
0x77: {  	[spmem:s1] =	stream.indirect.scatter.add.f32 @!p2 [tilespmem:s7], [sflag:$0x4], $0x80, s25, s3, $0xb8;
	[tilespmem:$0x1FE80] =	vst v63  }
0x78: {  	_ =	swait.ge @!p3 [sflag:s24], $0x4000  }
0x79: {  	[sflag:s24] =	ssyncset.done @!p3 $0x0  }
0x7a: {  	s3 =	simm.s32 @!p3 $0x380;
	s7 =	simm.s32 @!p0 $0x3;
	[sflag:s24] =	ssyncadd.s32 @!p3 $0xFFFFC000  }
0x7b: {  	[spmem:s1] =	stream.indirect.scatter.add.f32 @!p3 [tilespmem:s8], [sflag:$0x5], $0x80, s3, s6, $0xb8;
	[tilespmem:$0x1FE80] =	vst v63  }
0x7c: {  	_ =	swait.ge @!p0 [sflag:s7], $0x4000  }
0x7d: {  	[sflag:s7] =	ssyncset.done @!p0 $0x0  }
0x7e: {  	s3 =	simm.s32 @!p0 $0x400;
	s6 =	simm.s32 @!p2 $0x4;
	[sflag:s7] =	ssyncadd.s32 @!p0 $0xFFFFC000  }
0x7f: {  	[spmem:s1] =	stream.indirect.scatter.add.f32 @!p0 [tilespmem:s23], [sflag:$0x6], $0x80, s3, s9, $0xb8;
	[tilespmem:$0x1FE80] =	vst v63  }
0x80: {  	_ =	swait.ge @!p2 [sflag:s6], $0x4000  }
0x81: {  	s7 =	simm.s32 @!p1 $0x600;
	[sflag:s6] =	ssyncset.done @!p2 $0x0  }
0x82: {  	s3 =	simm.s32 @!p1 $0x80;
	[sflag:s6] =	ssyncadd.s32 @!p2 $0xFFFFC000;
	s6 =	simm.s32 @!p3 $0x5  }
0x83: {  	[tilespmem:s7], [sflag:$0x1] =	stream.indirect.gather @!p1 [hbm4b:s4+s3], $0x80, s20, s3, $0xb8;
	[tilespmem:$0x1FE80] =	vst v63  }
0x84: {  	_ =	swait.ge @!p3 [sflag:s6], $0x4000  }
0x85: {  	s28 =	rddreg [dreg:$0x7];
	[sflag:s6] =	ssyncset.done @!p3 $0x0  }
0x86: {  	[sflag:s6] =	ssyncadd.s32 @!p3 $0xFFFFC000;
	p3 =	sle.u32 s28, $0x0;
	s6 =	simm.s32 @!p0 $0x6  }
0x87: {  	s8 =	simm.s32 @!p3 $0x80;
	s9 =	simm.s32 @!p3 $0x200;
	s20 =	simm.s32 @!p3 $0x4600  }
0x88: {  	[tilespmem:s20], [sflag:$0x2] =	stream.indirect.gather @!p3 [hbm4b:s4+s8], $0x80, s9, s8, $0xb8;
	[tilespmem:$0x1FE80] =	vst v63  }
0x89: {  	_ =	swait.ge @!p0 [sflag:s6], $0x4000  }
0x8a: {  	p4 =	sle.u32 s5, $0x6;
	s29 =	rddreg [dreg:$0x8];
	[sflag:s6] =	ssyncset.done @!p0 $0x0  }
0x8b: {  	s23 =	rddreg [dreg:$0x9];
	[sflag:s6] =	ssyncadd.s32 @!p0 $0xFFFFC000;
	p2 =	sle.u32 s29, $0x0  }
0x8c: {  	s30 =	simm.s32 @!p2 $0x80;
	s6 =	simm.s32 @!p2 $0x280;
	s31 =	simm.s32 @!p2 $0x8600  }
0x8d: {  	[tilespmem:s31], [sflag:$0x3] =	stream.indirect.gather @!p2 [hbm4b:s4+s30], $0x80, s6, s30, $0xb8;
	[tilespmem:$0x1FE80] =	vst v63  }
0x8e: {  	s9 =	sadd.s32 @!p4 $0x0, s23;
	s23 =	simm.s32 @!p4 $0x7;
	s6 =	simm.s32 @!p4 $0x0  }
0x8f: {  	[tilespmem:s6], [sflag:$0x7] =	stream.linear.gather @!p4 [hbm4b:s9+s6], $0x180, $0x38;
	[tilespmem:$0x1FE80] =	vst v63  }
0x90: {  	_ =	swait.ge @!p4 [sflag:s23], $0x180  }
0x91: {  	s9 =	rddreg [dreg:$0xa];
	[sflag:s23] =	ssyncset.done @!p4 $0x0  }
0x92: {  	s24 =	simm.s32 @!p4 $0x300;
	[sflag:s23] =	ssyncadd.s32 @!p4 $0xFFFFFE80;
	s9 =	sadd.s32 @!p4 $0x0, s9  }
0x93: {  	[tilespmem:s24], [sflag:$0x7] =	stream.linear.gather @!p4 [hbm4b:s9+s6], $0x180, $0x38;
	[tilespmem:$0x1FE80] =	vst v63  }
0x94: {  	_ =	swait.ge @!p4 [sflag:s23], $0x180  }
0x95: {  	[sflag:s23] =	ssyncset.done @!p4 $0x0  }
0x96: {  	s6 =	simm.s32 @!p1 $0x1;
	[sflag:s23] =	ssyncadd.s32 @!p4 $0xFFFFFE80  }
0x97: {  	_ =	swait.ge @!p1 [sflag:s6], $0x4000  }
0x98: {  	[sflag:s6] =	ssyncset.done @!p1 $0x0  }
0x99: {  	[sflag:s6] =	ssyncadd.s32 @!p1 $0xFFFFC000  }
0x9a: {  	[spmem:s1] =	stream.indirect.scatter.add.f32 @!p1 [tilespmem:s7], [sflag:$0x4], $0x80, s0, s3, $0xb8;
	[tilespmem:$0x1FE80] =	vst v63  }
0x9b: {  	s0 =	simm.s32 @!p3 $0x2  }
0x9c: {  	_ =	swait.ge @!p3 [sflag:s0], $0x4000  }
0x9d: {  	p6 =	por $0x0, $0x0;
	s26 =	simm.s32 $0xC0;
	[sflag:s0] =	ssyncset.done @!p3 $0x0  }
0x9e: {  	s25 =	simm.s32 $0x6;
	s3 =	simm.s32 @!p3 $0x500;
	[sflag:s0] =	ssyncadd.s32 @!p3 $0xFFFFC000  }
0x9f: {  	[spmem:s1] =	stream.indirect.scatter.add.f32 @!p3 [tilespmem:s20], [sflag:$0x5], $0x80, s3, s8, $0xb8;
	[tilespmem:$0x1FE80] =	vst v63  }
0xa0: {  	s24 =	simm.s32 $0x6;
	s9 =	simm.s32 @!p2 $0x580;
	s3 =	simm.s32 @!p2 $0x3  }
0xa1: {  	s23 =	simm.s32 $0x60;
	p3 =	por p6, p6;
	_ =	swait.ge @!p2 [sflag:s3], $0x4000  }
.LBB2_4:
0xa2: {  	[sflag:s3] =	ssyncset.done @!p2 $0x0  }
0xa3: {  	s6 =	simm.s32 @!p3 $0x4;
	[sflag:s3] =	ssyncadd.s32 @!p2 $0xFFFFC000  }
0xa4: {  	[spmem:s1] =	stream.indirect.scatter.add.f32 @!p2 [tilespmem:s31], [sflag:$0x6], $0x80, s9, s30, $0xb8;
	[tilespmem:$0x1FE80] =	vst v63  }
0xa5: {  	p6 =	sge.u32 s24, s5;
	_ =	swait.ge @!p3 [sflag:s6], $0x4000  }
0xa6: {  	s0 =	simm.s32 @!p6 $0x80;
	s7 =	simm.s32 @!p6 $0x0;
	[sflag:s6] =	ssyncset.done @!p3 $0x0  }
0xa7: {  	s3 =	simm.s32 @!p6 $0x600;
	[sflag:s6] =	ssyncadd.s32 @!p3 $0xFFFFC000;
	s6 =	simm.s32 @!p3 $0x5  }
0xa8: {  	[tilespmem:s3], [sflag:$0x1] =	stream.indirect.gather @!p6 [hbm4b:s4+s0], $0x80, s7, s0, $0xb8;
	[tilespmem:$0x1FE80] =	vst v63  }
0xa9: {  	_ =	swait.ge @!p3 [sflag:s6], $0x4000  }
0xaa: {  	[sflag:s6] =	ssyncset.done @!p3 $0x0;
	s8 =	rddreg [dreg:$0x3]  }
0xab: {  	[sflag:s6] =	ssyncadd.s32 @!p3 $0xFFFFC000;
	p1 =	sge.u32 s24, s8;
	s6 =	simm.s32 @!p3 $0x6  }
0xac: {  	s8 =	sadd.s32 $0x3, s24;
	s20 =	simm.s32 @!p1 $0x80;
	s30 =	simm.s32 @!p1 $0x4600  }
0xad: {  	[tilespmem:s30], [sflag:$0x2] =	stream.indirect.gather @!p1 [hbm4b:s4+s20], $0x80, s20, s20, $0xb8;
	[tilespmem:$0x1FE80] =	vst v63  }
0xae: {  	p5 =	sge.u32 s8, s5;
	_ =	swait.ge @!p3 [sflag:s6], $0x4000  }
0xaf: {  	s11 =	simm.s32 @!p5 $0x0;
	s9 =	rddreg [dreg:$0x4];
	[sflag:s6] =	ssyncset.done @!p3 $0x0  }
0xb0: {  	s8 =	rddreg [dreg:$0x5];
	p2 =	sge.u32 s24, s9;
	[sflag:s6] =	ssyncadd.s32 @!p3 $0xFFFFC000  }
0xb1: {  	s7 =	simm.s32 @!p2 $0x80;
	s9 =	simm.s32 @!p2 $0x100;
	s31 =	simm.s32 @!p2 $0x8600  }
0xb2: {  	[tilespmem:s31], [sflag:$0x3] =	stream.indirect.gather @!p2 [hbm4b:s4+s7], $0x80, s9, s7, $0xb8;
	[tilespmem:$0x1FE80] =	vst v63  }
0xb3: {  	s6 =	simm.s32 @!p5 $0x180;
	s8 =	sadd.s32 @!p5 s23, s8;
	s9 =	simm.s32 @!p5 $0x7  }
0xb4: {  	[tilespmem:s6], [sflag:$0x7] =	stream.linear.gather @!p5 [hbm4b:s8+s11], $0x180, $0x38;
	[tilespmem:$0x1FE80] =	vst v63  }
0xb5: {  	_ =	swait.ge @!p5 [sflag:s9], $0x180  }
0xb6: {  	s8 =	rddreg [dreg:$0x6];
	[sflag:s9] =	ssyncset.done @!p5 $0x0  }
0xb7: {  	s29 =	simm.s32 @!p5 $0x480;
	[sflag:s9] =	ssyncadd.s32 @!p5 $0xFFFFFE80;
	s8 =	sadd.s32 @!p5 s23, s8  }
0xb8: {  	[tilespmem:s29], [sflag:$0x7] =	stream.linear.gather @!p5 [hbm4b:s8+s11], $0x180, $0x38;
	[tilespmem:$0x1FE80] =	vst v63  }
0xb9: {  	_ =	swait.ge @!p5 [sflag:s9], $0x180  }
0xba: {  	[sflag:s9] =	ssyncset.done @!p5 $0x0  }
0xbb: {  	s8 =	simm.s32 @!p6 $0x1;
	[sflag:s9] =	ssyncadd.s32 @!p5 $0xFFFFFE80  }
0xbc: {  	_ =	swait.ge @!p6 [sflag:s8], $0x4000  }
0xbd: {  	[sflag:s8] =	ssyncset.done @!p6 $0x0  }
0xbe: {  	s9 =	simm.s32 @!p6 $0x300;
	[sflag:s8] =	ssyncadd.s32 @!p6 $0xFFFFC000;
	s8 =	simm.s32 @!p1 $0x2  }
0xbf: {  	[spmem:s1] =	stream.indirect.scatter.add.f32 @!p6 [tilespmem:s3], [sflag:$0x4], $0x80, s9, s0, $0xb8;
	[tilespmem:$0x1FE80] =	vst v63  }
0xc0: {  	_ =	swait.ge @!p1 [sflag:s8], $0x4000  }
0xc1: {  	[sflag:s8] =	ssyncset.done @!p1 $0x0  }
0xc2: {  	s0 =	simm.s32 @!p1 $0x380;
	s3 =	simm.s32 @!p2 $0x3;
	[sflag:s8] =	ssyncadd.s32 @!p1 $0xFFFFC000  }
0xc3: {  	[spmem:s1] =	stream.indirect.scatter.add.f32 @!p1 [tilespmem:s30], [sflag:$0x5], $0x80, s0, s20, $0xb8;
	[tilespmem:$0x1FE80] =	vst v63  }
0xc4: {  	_ =	swait.ge @!p2 [sflag:s3], $0x4000  }
0xc5: {  	[sflag:s3] =	ssyncset.done @!p2 $0x0  }
0xc6: {  	s8 =	simm.s32 @!p6 $0x4;
	s0 =	simm.s32 @!p2 $0x400;
	[sflag:s3] =	ssyncadd.s32 @!p2 $0xFFFFC000  }
0xc7: {  	[spmem:s1] =	stream.indirect.scatter.add.f32 @!p2 [tilespmem:s31], [sflag:$0x6], $0x80, s0, s7, $0xb8;
	[tilespmem:$0x1FE80] =	vst v63  }
0xc8: {  	_ =	swait.ge @!p6 [sflag:s8], $0x4000  }
0xc9: {  	s20 =	simm.s32 @!p5 $0x80;
	[sflag:s8] =	ssyncset.done @!p6 $0x0  }
0xca: {  	s3 =	simm.s32 @!p5 $0x600;
	s0 =	simm.s32 @!p1 $0x5;
	[sflag:s8] =	ssyncadd.s32 @!p6 $0xFFFFC000  }
0xcb: {  	[tilespmem:s3], [sflag:$0x1] =	stream.indirect.gather @!p5 [hbm4b:s4+s20], $0x80, s6, s20, $0xb8;
	[tilespmem:$0x1FE80] =	vst v63  }
0xcc: {  	_ =	swait.ge @!p1 [sflag:s0], $0x4000  }
0xcd: {  	[sflag:s0] =	ssyncset.done @!p1 $0x0;
	s11 =	rddreg [dreg:$0x7]  }
0xce: {  	[sflag:s0] =	ssyncadd.s32 @!p1 $0xFFFFC000;
	p1 =	sge.u32 s24, s11;
	s0 =	simm.s32 @!p2 $0x6  }
0xcf: {  	s6 =	simm.s32 @!p1 $0x80;
	s8 =	simm.s32 @!p1 $0x200;
	s7 =	simm.s32 @!p1 $0x4600  }
0xd0: {  	[tilespmem:s7], [sflag:$0x2] =	stream.indirect.gather @!p1 [hbm4b:s4+s6], $0x80, s8, s6, $0xb8;
	[tilespmem:$0x1FE80] =	vst v63  }
0xd1: {  	s24 =	sadd.s32 $0x6, s24;
	_ =	swait.ge @!p2 [sflag:s0], $0x4000  }
0xd2: {  	p6 =	sge.u32 s24, s5;
	s12 =	rddreg [dreg:$0x8];
	[sflag:s0] =	ssyncset.done @!p2 $0x0  }
0xd3: {  	s9 =	rddreg [dreg:$0x9];
	[sflag:s0] =	ssyncadd.s32 @!p2 $0xFFFFC000;
	p2 =	sge.u32 s25, s12  }
0xd4: {  	s30 =	simm.s32 @!p2 $0x80;
	s0 =	simm.s32 @!p2 $0x280;
	s31 =	simm.s32 @!p2 $0x8600  }
0xd5: {  	[tilespmem:s31], [sflag:$0x3] =	stream.indirect.gather @!p2 [hbm4b:s4+s30], $0x80, s0, s30, $0xb8;
	[tilespmem:$0x1FE80] =	vst v63  }
0xd6: {  	s8 =	simm.s32 @!p6 $0x0;
	s11 =	simm.s32 @!p6 $0x7;
	s0 =	sadd.s32 @!p6 s23, s9  }
0xd7: {  	[tilespmem:s8], [sflag:$0x7] =	stream.linear.gather @!p6 [hbm4b:s0+s8], $0x180, $0x38;
	[tilespmem:$0x1FE80] =	vst v63  }
0xd8: {  	_ =	swait.ge @!p6 [sflag:s11], $0x180  }
0xd9: {  	s12 =	rddreg [dreg:$0xa];
	[sflag:s11] =	ssyncset.done @!p6 $0x0  }
0xda: {  	s0 =	simm.s32 @!p6 $0x300;
	[sflag:s11] =	ssyncadd.s32 @!p6 $0xFFFFFE80;
	s12 =	sadd.s32 @!p6 s23, s12  }
0xdb: {  	[tilespmem:s0], [sflag:$0x7] =	stream.linear.gather @!p6 [hbm4b:s12+s8], $0x180, $0x38;
	[tilespmem:$0x1FE80] =	vst v63  }
0xdc: {  	_ =	swait.ge @!p6 [sflag:s11], $0x180  }
0xdd: {  	[sflag:s11] =	ssyncset.done @!p6 $0x0  }
0xde: {  	s12 =	simm.s32 @!p5 $0x1;
	[sflag:s11] =	ssyncadd.s32 @!p6 $0xFFFFFE80  }
0xdf: {  	p0 =	seq.s32 s26, $0x0;
	_ =	swait.ge @!p5 [sflag:s12], $0x4000  }
0xe0: {  	s28 =	smov.u32 s26;
	s26 =	sadd.s32 $0x60, s26;
	[sflag:s12] =	ssyncset.done @!p5 $0x0  }
0xe1: {  	p4 =	sne.s32 s26, $0x540;
	s11 =	simm.s32 @!p1 $0x2;
	[sflag:s12] =	ssyncadd.s32 @!p5 $0xFFFFC000  }
0xe2: {  	[spmem:s1] =	stream.indirect.scatter.add.f32 @!p5 [tilespmem:s3], [sflag:$0x4], $0x80, s29, s20, $0xb8;
	[tilespmem:$0x1FE80] =	vst v63  }
.Ltmp1:
0xe3: {  	_ =	swait.ge @!p1 [sflag:s11], $0x4000;
	(pc) =	sbr.rel @p4 .LBB2_4-.Ltmp1, $4  }
0xe4: {  	p3 =	por p0, p0;
	s25 =	smov.u32 s24;
	[sflag:s11] =	ssyncset.done @!p1 $0x0  }
0xe5: {  	s12 =	simm.s32 @!p1 $0x500;
	s3 =	simm.s32 @!p2 $0x3;
	[sflag:s11] =	ssyncadd.s32 @!p1 $0xFFFFC000  }
0xe6: {  	[spmem:s1] =	stream.indirect.scatter.add.f32 @!p1 [tilespmem:s7], [sflag:$0x5], $0x80, s12, s6, $0xb8;
	[tilespmem:$0x1FE80] =	vst v63  }
0xe7: {  	s9 =	simm.s32 @!p2 $0x580;
	s23 =	smov.u32 s28;
	_ =	swait.ge @!p2 [sflag:s3], $0x4000  }
0xe8: {  	[sflag:s3] =	ssyncset.done @!p2 $0x0  }
0xe9: {  	s6 =	simm.s32 @!p3 $0x4;
	[sflag:s3] =	ssyncadd.s32 @!p2 $0xFFFFC000  }
0xea: {  	[spmem:s1] =	stream.indirect.scatter.add.f32 @!p2 [tilespmem:s31], [sflag:$0x6], $0x80, s9, s30, $0xb8;
	[tilespmem:$0x1FE80] =	vst v63  }
0xeb: {  	_ =	swait.ge @!p3 [sflag:s6], $0x4000  }
0xec: {  	s7 =	simm.s32 @!p6 $0x80;
	[sflag:s6] =	ssyncset.done @!p3 $0x0  }
0xed: {  	s3 =	simm.s32 @!p3 $0x5;
	[sflag:s6] =	ssyncadd.s32 @!p3 $0xFFFFC000;
	s6 =	simm.s32 @!p6 $0x600  }
0xee: {  	[tilespmem:s6], [sflag:$0x1] =	stream.indirect.gather @!p6 [hbm4b:s4+s7], $0x80, s8, s7, $0xb8;
	[tilespmem:$0x1FE80] =	vst v63  }
0xef: {  	_ =	swait.ge @!p3 [sflag:s3], $0x4000  }
0xf0: {  	s12 =	rddreg [dreg:$0x3];
	[sflag:s3] =	ssyncset.done @!p3 $0x0  }
0xf1: {  	[sflag:s3] =	ssyncadd.s32 @!p3 $0xFFFFC000;
	p2 =	sge.u32 s24, s12;
	s3 =	simm.s32 @!p3 $0x6  }
0xf2: {  	s12 =	sadd.s32 $0x3, s24;
	s8 =	simm.s32 @!p2 $0x80;
	s9 =	simm.s32 @!p2 $0x4600  }
0xf3: {  	[tilespmem:s9], [sflag:$0x2] =	stream.indirect.gather @!p2 [hbm4b:s4+s8], $0x80, s8, s8, $0xb8;
	[tilespmem:$0x1FE80] =	vst v63  }
0xf4: {  	p1 =	sge.u32 s12, s5;
	_ =	swait.ge @!p3 [sflag:s3], $0x4000  }
0xf5: {  	s28 =	simm.s32 @!p1 $0x0;
	s11 =	rddreg [dreg:$0x4];
	[sflag:s3] =	ssyncset.done @!p3 $0x0  }
0xf6: {  	p0 =	sge.u32 s24, s11;
	s11 =	rddreg [dreg:$0x5];
	[sflag:s3] =	ssyncadd.s32 @!p3 $0xFFFFC000  }
0xf7: {  	s12 =	simm.s32 @!p0 $0x80;
	s20 =	simm.s32 @!p0 $0x100;
	s26 =	simm.s32 @!p0 $0x8600  }
0xf8: {  	[tilespmem:s26], [sflag:$0x3] =	stream.indirect.gather @!p0 [hbm4b:s4+s12], $0x80, s20, s12, $0xb8;
	[tilespmem:$0x1FE80] =	vst v63  }
0xf9: {  	s3 =	sadd.s32 @!p1 s23, s11;
	s11 =	simm.s32 @!p1 $0x7;
	s20 =	simm.s32 @!p1 $0x180  }
0xfa: {  	[tilespmem:s20], [sflag:$0x7] =	stream.linear.gather @!p1 [hbm4b:s3+s28], $0x180, $0x38;
	[tilespmem:$0x1FE80] =	vst v63  }
0xfb: {  	_ =	swait.ge @!p1 [sflag:s11], $0x180  }
0xfc: {  	s29 =	rddreg [dreg:$0x6];
	[sflag:s11] =	ssyncset.done @!p1 $0x0  }
0xfd: {  	s3 =	simm.s32 @!p1 $0x480;
	[sflag:s11] =	ssyncadd.s32 @!p1 $0xFFFFFE80;
	s29 =	sadd.s32 @!p1 s23, s29  }
0xfe: {  	[tilespmem:s3], [sflag:$0x7] =	stream.linear.gather @!p1 [hbm4b:s29+s28], $0x180, $0x38;
	[tilespmem:$0x1FE80] =	vst v63  }
0xff: {  	_ =	swait.ge @!p1 [sflag:s11], $0x180  }
0x100: {  	[sflag:s11] =	ssyncset.done @!p1 $0x0  }
0x101: {  	s28 =	simm.s32 @!p6 $0x1;
	[sflag:s11] =	ssyncadd.s32 @!p1 $0xFFFFFE80  }
0x102: {  	_ =	swait.ge @!p6 [sflag:s28], $0x4000  }
0x103: {  	[sflag:s28] =	ssyncset.done @!p6 $0x0  }
0x104: {  	s11 =	simm.s32 @!p2 $0x2;
	[sflag:s28] =	ssyncadd.s32 @!p6 $0xFFFFC000  }
0x105: {  	[spmem:s1] =	stream.indirect.scatter.add.f32 @!p6 [tilespmem:s6], [sflag:$0x4], $0x80, s0, s7, $0xb8;
	[tilespmem:$0x1FE80] =	vst v63  }
0x106: {  	_ =	swait.ge @!p2 [sflag:s11], $0x4000  }
0x107: {  	[sflag:s11] =	ssyncset.done @!p2 $0x0  }
0x108: {  	s0 =	simm.s32 @!p2 $0x380;
	s6 =	simm.s32 @!p0 $0x3;
	[sflag:s11] =	ssyncadd.s32 @!p2 $0xFFFFC000  }
0x109: {  	[spmem:s1] =	stream.indirect.scatter.add.f32 @!p2 [tilespmem:s9], [sflag:$0x5], $0x80, s0, s8, $0xb8;
	[tilespmem:$0x1FE80] =	vst v63  }
0x10a: {  	_ =	swait.ge @!p0 [sflag:s6], $0x4000  }
0x10b: {  	[sflag:s6] =	ssyncset.done @!p0 $0x0  }
0x10c: {  	s0 =	simm.s32 @!p0 $0x400;
	[sflag:s6] =	ssyncadd.s32 @!p0 $0xFFFFC000;
	s6 =	simm.s32 @!p6 $0x4  }
0x10d: {  	[spmem:s1] =	stream.indirect.scatter.add.f32 @!p0 [tilespmem:s26], [sflag:$0x6], $0x80, s0, s12, $0xb8;
	[tilespmem:$0x1FE80] =	vst v63  }
0x10e: {  	_ =	swait.ge @!p6 [sflag:s6], $0x4000  }
0x10f: {  	s7 =	simm.s32 @!p1 $0x600;
	[sflag:s6] =	ssyncset.done @!p6 $0x0  }
0x110: {  	s0 =	simm.s32 @!p1 $0x80;
	[sflag:s6] =	ssyncadd.s32 @!p6 $0xFFFFC000;
	s6 =	simm.s32 @!p2 $0x5  }
0x111: {  	[tilespmem:s7], [sflag:$0x1] =	stream.indirect.gather @!p1 [hbm4b:s4+s0], $0x80, s20, s0, $0xb8;
	[tilespmem:$0x1FE80] =	vst v63  }
0x112: {  	_ =	swait.ge @!p2 [sflag:s6], $0x4000  }
0x113: {  	s20 =	rddreg [dreg:$0x7];
	[sflag:s6] =	ssyncset.done @!p2 $0x0  }
0x114: {  	[sflag:s6] =	ssyncadd.s32 @!p2 $0xFFFFC000;
	p2 =	sge.u32 s24, s20;
	s6 =	simm.s32 @!p0 $0x6  }
0x115: {  	s8 =	simm.s32 @!p2 $0x80;
	s9 =	simm.s32 @!p2 $0x200;
	s11 =	simm.s32 @!p2 $0x4600  }
0x116: {  	[tilespmem:s11], [sflag:$0x2] =	stream.indirect.gather @!p2 [hbm4b:s4+s8], $0x80, s9, s8, $0xb8;
	[tilespmem:$0x1FE80] =	vst v63  }
0x117: {  	s28 =	sadd.s32 $0x6, s24;
	_ =	swait.ge @!p0 [sflag:s6], $0x4000  }
0x118: {  	p3 =	sge.u32 s28, s5;
	s26 =	rddreg [dreg:$0x8];
	[sflag:s6] =	ssyncset.done @!p0 $0x0  }
0x119: {  	s12 =	rddreg [dreg:$0x9];
	[sflag:s6] =	ssyncadd.s32 @!p0 $0xFFFFC000;
	p0 =	sge.u32 s25, s26  }
0x11a: {  	s6 =	simm.s32 @!p0 $0x80;
	s9 =	simm.s32 @!p0 $0x280;
	s20 =	simm.s32 @!p0 $0x8600  }
0x11b: {  	[tilespmem:s20], [sflag:$0x3] =	stream.indirect.gather @!p0 [hbm4b:s4+s6], $0x80, s9, s6, $0xb8;
	[tilespmem:$0x1FE80] =	vst v63  }
0x11c: {  	s24 =	simm.s32 @!p3 $0x7;
	s12 =	sadd.s32 @!p3 s23, s12;
	s9 =	simm.s32 @!p3 $0x0  }
0x11d: {  	[tilespmem:s9], [sflag:$0x7] =	stream.linear.gather @!p3 [hbm4b:s12+s9], $0x180, $0x38;
	[tilespmem:$0x1FE80] =	vst v63  }
0x11e: {  	_ =	swait.ge @!p3 [sflag:s24], $0x180  }
0x11f: {  	s12 =	rddreg [dreg:$0xa];
	[sflag:s24] =	ssyncset.done @!p3 $0x0  }
0x120: {  	s25 =	simm.s32 @!p3 $0x300;
	[sflag:s24] =	ssyncadd.s32 @!p3 $0xFFFFFE80;
	s12 =	sadd.s32 @!p3 s23, s12  }
0x121: {  	[tilespmem:s25], [sflag:$0x7] =	stream.linear.gather @!p3 [hbm4b:s12+s9], $0x180, $0x38;
	[tilespmem:$0x1FE80] =	vst v63  }
0x122: {  	_ =	swait.ge @!p3 [sflag:s24], $0x180  }
0x123: {  	[sflag:s24] =	ssyncset.done @!p3 $0x0  }
0x124: {  	s9 =	simm.s32 @!p1 $0x1;
	[sflag:s24] =	ssyncadd.s32 @!p3 $0xFFFFFE80  }
0x125: {  	_ =	swait.ge @!p1 [sflag:s9], $0x4000  }
0x126: {  	[sflag:s9] =	ssyncset.done @!p1 $0x0  }
0x127: {  	[sflag:s9] =	ssyncadd.s32 @!p1 $0xFFFFC000;
	s9 =	simm.s32 @!p2 $0x2  }
0x128: {  	[spmem:s1] =	stream.indirect.scatter.add.f32 @!p1 [tilespmem:s7], [sflag:$0x4], $0x80, s3, s0, $0xb8;
	[tilespmem:$0x1FE80] =	vst v63  }
0x129: {  	_ =	swait.ge @!p2 [sflag:s9], $0x4000  }
0x12a: {  	[sflag:s9] =	ssyncset.done @!p2 $0x0  }
0x12b: {  	s0 =	simm.s32 @!p2 $0x500;
	s3 =	simm.s32 @!p0 $0x3;
	[sflag:s9] =	ssyncadd.s32 @!p2 $0xFFFFC000  }
0x12c: {  	[spmem:s1] =	stream.indirect.scatter.add.f32 @!p2 [tilespmem:s11], [sflag:$0x5], $0x80, s0, s8, $0xb8;
	[tilespmem:$0x1FE80] =	vst v63  }
0x12d: {  	_ =	swait.ge @!p0 [sflag:s3], $0x4000  }
0x12e: {  	[sflag:s3] =	ssyncset.done @!p0 $0x0  }
0x12f: {  	s29 =	stileid.u32;
	s0 =	simm.s32 @!p0 $0x580;
	[sflag:s3] =	ssyncadd.s32 @!p0 $0xFFFFC000  }
0x130: {  	[spmem:s1] =	stream.indirect.scatter.add.f32 @!p0 [tilespmem:s20], [sflag:$0x6], $0x80, s0, s6, $0xb8;
	[tilespmem:$0x1FE80] =	vst v63  }
0x131: {  	s0 =	sshll.u32 s29, $0x6  }
0x132: {  	[bflag:$0x0] =	sbarrier.arrive $0xFFFF;
	s0 =	sor.u32 $0x1C07, s0  }
0x133: {  	[hbm:s15], [sflag:s0] =	dma.local [spmem:s21], $0x1900  }
0x134: {  	_ =	swait.ge [sflag:s19], $0x1900  }
0x135: {  	s30 =	sld [smem:$0x7FD];
	_ =	sdelay $0x1  }
0x136: {  	[sflag:s19] =	ssyncset.done $0x0  }
0x137: {  	[sflag:s19] =	ssyncadd.s32 $0xFFFFE700;
	p1 =	seq.s32 s30, $0x1  }
0x138: {  	[hbm:s16], [sflag:s0] =	dma.local @!p1 [spmem:s22], $0x1900  }
0x139: {  	s0 =	simm.s32 @!p1 $0x7  }
0x13a: {  	_ =	swait.ge @!p1 [sflag:s0], $0x1900  }
0x13b: {  	s2 =	sadd.s32 $0x1, s2;
	s31 =	rddreg [dreg:$0xe]  }
0x13c: {  	p0 =	sne.s32 s2, s31  }
.Ltmp2:
0x13d: {  	_ = 	snop;
	(pc) =	sbr.rel @p0 .LBB2_1-.Ltmp2, $3  }
0x13e: {  	_ =	sdelay $0x1  }
0x13f: {  	[sflag:s0] =	ssyncset.done @!p1 $0x0  }
0x140: {  	[sflag:s0] =	ssyncadd.s32 @!p1 $0xFFFFE700  }
0x141: {  	_ =	sfence.sel $0x180000  }
0x142: {  	[bflag:$0x0] =	sbarrier.arrive $0xFFFF  }
0x143: {  	_ =	strace $0x9000004D  }
0x144: {  	s0 =	stileid.u32;
	[bflag:$0x2] =	sbarrier.arrive $0xFFFF  }
0x145: {  	p0 =	sne.s32 s0, $0x0;
	s0 =	rddreg [dreg:$0x2]  }
0x146: {  	s0 =	sadd.s32 @!p0 $0x100000, s0  }
0x147: {  	[sflag:s0] =	ssyncadd.tile.s32 @!p0 $0x1;
	_ =	shalt  }
.Lfunc_end2:
_tile_overlayer_lowered:
.L_overlay_start_2:
0x148: {  	(tag) =	ssettag $0x2  }
0x149: {  	s0 =	rddreg [dreg:$0x0];
	s2 =	stileid.u32  }
0x14a: {  	s1 =	rddreg [dreg:$0x1];
	p0 =	sne.s32 s2, $0x0  }
0x14b: {  	s3 =	rddreg [dreg:$0x2];
	[bflag:$0x3] =	sbarrier.arrive $0xFFFF;
	s2 =	simm.s32 @!p0 $0x1C07  }
0x14c: {  	[timem:s3], [sflag:s2] =	dma.local @!p0 [hbm:s0], s1  }
0x14d: {  	s0 =	simm.s32 @!p0 $0x7  }
0x14e: {  	_ =	swait.ge @!p0 [sflag:s0], s1  }
0x14f: {  	s1 =	ssub.s32 @!p0 $0x0, s1;
	[sflag:s0] =	ssyncset.done @!p0 $0x0  }
0x150: {  	[sflag:s0] =	ssyncadd.s32 @!p0 s1  }
0x151: {  	[bflag:$0x3] =	sbarrier.arrive $0xFFFF  }
0x152: {  	_ =	shalt  }

</sc_bundles>
